<compile_context>
chip_gen: v7x
topology: tpu7x:2x2x1
jax: 0.10.2.dev20260603
libtpu: 0.0.44.dev20260713+nightly
codegen_flags: <defaults>
</compile_context>

<pallas_src>
import functools

import jax
import jax.numpy as jnp
from jax import lax
from jax.experimental import pallas as pl
from jax.experimental.pallas import tpu as pltpu
from jax.experimental.pallas import tpu_sc as plsc

N_NODES = 10000
N_PAD = 10240
N_EDGES = 320000
D = 128
N_TILES = 16
EDGES_PER_TILE = N_EDGES // N_TILES
DCHUNK = 128
D_CHUNKS = 160
EDGES_PER_TILE_P = D_CHUNKS * DCHUNK
E_PAD = N_TILES * EDGES_PER_TILE_P
ACHUNK = 80
A_CHUNKS = EDGES_PER_TILE // ACHUNK
ROWS_PER_TILE = N_PAD // N_TILES


@functools.cache
def _sc_degrees_kernel():
    mesh = plsc.VectorSubcoreMesh(core_axis_name="c", subcore_axis_name="s")
    return pl.kernel(
        _sc_degrees,
        out_type=[jax.ShapeDtypeStruct((N_PAD,), jnp.float32)
                  for _ in range(4)],
        mesh=mesh,
        scratch_types=[
            [pltpu.VMEM((DCHUNK,), jnp.int32) for _ in range(8)],
            [pltpu.VMEM((DCHUNK,), jnp.int32) for _ in range(8)],
            pltpu.VMEM((DCHUNK,), jnp.float32),
            pltpu.VMEM((ROWS_PER_TILE,), jnp.float32),
            [pltpu.SemaphoreType.DMA for _ in range(8)],
            [pltpu.SemaphoreType.DMA for _ in range(4)],
            pltpu.VMEM_SHARED((N_PAD,), jnp.float32),
            pltpu.VMEM_SHARED((N_PAD,), jnp.float32),
        ],
    )


def _sc_degrees(s1, r1, s2, r2, ds1, dr1, ds2, dr2,
                sidx, ridx, ones_v, zero_v, isem, csem, dss, drs):
    cid = lax.axis_index("c")
    tid = lax.axis_index("s")
    for j in range(DCHUNK // 16):
        ones_v[pl.ds(j * 16, 16)] = jnp.ones((16,), jnp.float32)
    for j in range(ROWS_PER_TILE // 16):
        zero_v[pl.ds(j * 16, 16)] = jnp.zeros((16,), jnp.float32)
    row0 = tid * ROWS_PER_TILE
    pltpu.sync_copy(zero_v, dss.at[pl.ds(row0, ROWS_PER_TILE)])
    pltpu.sync_copy(zero_v, drs.at[pl.ds(row0, ROWS_PER_TILE)])
    NC = D_CHUNKS

    def run(s_hbm, r_hbm, ds_out, dr_out):
        ebase = tid * EDGES_PER_TILE_P
        plsc.subcore_barrier()

        def esl(c):
            return pl.ds(pl.multiple_of(ebase + c * DCHUNK, 8), DCHUNK)

        def wait_pair(b4, b8):
            pltpu.make_async_copy(ones_v, dss.at[sidx[b8]], csem[b4]).wait()
            pltpu.make_async_copy(ones_v, drs.at[ridx[b8]], csem[b4]).wait()

        pltpu.sync_copy(s_hbm.at[esl(0)], sidx[0])
        pltpu.sync_copy(r_hbm.at[esl(0)], ridx[0])
        pltpu.async_copy(s_hbm.at[esl(1)], sidx[1], isem[1])
        pltpu.async_copy(r_hbm.at[esl(1)], ridx[1], isem[1])
        pltpu.async_copy(s_hbm.at[esl(2)], sidx[2], isem[2])
        pltpu.async_copy(r_hbm.at[esl(2)], ridx[2], isem[2])

        def body(k, carry):
            for u in range(8):
                j = k * 8 + u
                b8, b4 = u, u % 4

                @pl.when(j >= 3)
                def _():
                    wait_pair((b4 + 1) % 4, (b8 + 5) % 8)

                pltpu.async_copy(ones_v, dss.at[sidx[b8]], csem[b4], add=True)
                pltpu.async_copy(ones_v, drs.at[ridx[b8]], csem[b4], add=True)

                @pl.when(j < NC - 3)
                def _():
                    b8t = (b8 + 3) % 8
                    pltpu.async_copy(s_hbm.at[esl(j + 3)], sidx[b8t],
                                     isem[b8t])
                    pltpu.async_copy(r_hbm.at[esl(j + 3)], ridx[b8t],
                                     isem[b8t])

                @pl.when(j < NC - 1)
                def _():
                    b8n = (b8 + 1) % 8
                    pltpu.make_async_copy(s_hbm.at[esl(0)], sidx[b8n],
                                          isem[b8n]).wait()
                    pltpu.make_async_copy(r_hbm.at[esl(0)], ridx[b8n],
                                          isem[b8n]).wait()
            return carry

        lax.fori_loop(0, NC // 8, body, 0)
        wait_pair(1, 5)
        wait_pair(2, 6)
        wait_pair(3, 7)
        plsc.subcore_barrier()
        sl = pl.ds(row0, ROWS_PER_TILE)
        pltpu.sync_copy(dss.at[sl], ds_out.at[sl])
        pltpu.sync_copy(drs.at[sl], dr_out.at[sl])

    @pl.when(cid == 0)
    def _():
        run(s1, r1, ds1, dr1)

    @pl.when(cid == 1)
    def _():
        run(s2, r2, ds2, dr2)


@functools.cache
def _sc_aggregate_kernel():
    mesh = plsc.VectorSubcoreMesh(core_axis_name="c", subcore_axis_name="s")
    return pl.kernel(
        _sc_aggregate,
        out_type=[jax.ShapeDtypeStruct((N_PAD, D), jnp.float32)
                  for _ in range(2)],
        mesh=mesh,
        scratch_types=[
            [pltpu.VMEM((ACHUNK,), jnp.int32) for _ in range(8)],
            [pltpu.VMEM((ACHUNK,), jnp.int32) for _ in range(8)],
            [pltpu.VMEM((ACHUNK, D), jnp.float32) for _ in range(4)],
            [pltpu.SemaphoreType.DMA for _ in range(8)],
            [pltpu.SemaphoreType.DMA for _ in range(4)],
            [pltpu.SemaphoreType.DMA for _ in range(4)],
            pltpu.VMEM_SHARED((N_PAD, D), jnp.float32),
        ],
    )


def _sc_aggregate(h1, h2, s1, r1, s2, r2, out1, out2,
                  sidx, ridx, rows, isem, gsem, csem, acc):
    cid = lax.axis_index("c")
    tid = lax.axis_index("s")
    row0 = tid * ROWS_PER_TILE
    rsl = pl.ds(row0, ROWS_PER_TILE)
    NC = A_CHUNKS

    def run(h_hbm, s_hbm, r_hbm, out_hbm):
        pltpu.sync_copy(h_hbm.at[rsl], acc.at[rsl])
        ebase = tid * EDGES_PER_TILE
        plsc.subcore_barrier()

        def esl(c):
            return pl.ds(pl.multiple_of(ebase + c * ACHUNK, 8), ACHUNK)

        HALF = ACHUNK // 2

        def issue_gather(b8, b4):
            pltpu.async_copy(h_hbm.at[sidx[b8].at[pl.ds(0, HALF)]],
                             rows[b4].at[pl.ds(0, HALF)], gsem[b4])
            pltpu.async_copy(h_hbm.at[sidx[b8].at[pl.ds(HALF, HALF)]],
                             rows[b4].at[pl.ds(HALF, HALF)], gsem[b4])

        def wait_gather(b):
            pltpu.make_async_copy(h_hbm.at[sidx[b].at[pl.ds(0, HALF)]],
                                  rows[b].at[pl.ds(0, HALF)], gsem[b]).wait()
            pltpu.make_async_copy(h_hbm.at[sidx[b].at[pl.ds(0, HALF)]],
                                  rows[b].at[pl.ds(0, HALF)], gsem[b]).wait()

        def wait_scatter(b, b8):
            pltpu.make_async_copy(rows[b], acc.at[ridx[b8]], csem[b]).wait()

        pltpu.sync_copy(s_hbm.at[esl(0)], sidx[0])
        pltpu.sync_copy(r_hbm.at[esl(0)], ridx[0])
        pltpu.sync_copy(s_hbm.at[esl(1)], sidx[1])
        pltpu.sync_copy(r_hbm.at[esl(1)], ridx[1])
        pltpu.async_copy(s_hbm.at[esl(2)], sidx[2], isem[2])
        pltpu.async_copy(r_hbm.at[esl(2)], ridx[2], isem[2])
        issue_gather(0, 0)
        issue_gather(1, 1)

        def step(j, b4, b8):
            wait_gather(b4)
            pltpu.async_copy(rows[b4], acc.at[ridx[b8]], csem[b4], add=True)

            @pl.when(j < NC - 2)
            def _():
                b4n, b8n = (b4 + 2) % 4, (b8 + 2) % 8
                pltpu.make_async_copy(s_hbm.at[esl(0)], sidx[b8n],
                                      isem[b8n]).wait()
                pltpu.make_async_copy(r_hbm.at[esl(0)], ridx[b8n],
                                      isem[b8n]).wait()

                @pl.when(j >= 2)
                def _():
                    wait_scatter(b4n, b8n)

                issue_gather(b8n, b4n)

            @pl.when(j < NC - 3)
            def _():
                b8t = (b8 + 3) % 8
                pltpu.async_copy(s_hbm.at[esl(j + 3)], sidx[b8t], isem[b8t])
                pltpu.async_copy(r_hbm.at[esl(j + 3)], ridx[b8t], isem[b8t])

        def body(k, carry):
            for u in range(8):
                step(k * 8 + u, u % 4, u)
            return carry

        lax.fori_loop(0, 31, body, 0)
        step(248, 0, 0)
        step(249, 1, 1)
        wait_scatter(2, 6)
        wait_scatter(3, 7)
        wait_scatter(0, 0)
        wait_scatter(1, 1)
        plsc.subcore_barrier()
        pltpu.sync_copy(acc.at[rsl], out_hbm.at[rsl])

    @pl.when(cid == 0)
    def _():
        run(h1, s1, r1, out1)

    @pl.when(cid == 1)
    def _():
        run(h2, s2, r2, out2)


_BM = 1000


def _mm_body(x_ref, w1_ref, b1_ref, w2_ref, b2_ref, d1_ref, d2_ref,
             h1_ref, h2_ref):
    xb = x_ref[...]
    s1 = lax.rsqrt(d1_ref[...] + 1.0)
    s2 = lax.rsqrt(d2_ref[...] + 1.0)
    h1_ref[...] = (jnp.dot(xb, w1_ref[...],
                           preferred_element_type=jnp.float32) + b1_ref[...]) * s1
    h2_ref[...] = (jnp.dot(xb, w2_ref[...],
                           preferred_element_type=jnp.float32) + b2_ref[...]) * s2


_tc_dense = pl.pallas_call(
    _mm_body,
    grid=(N_NODES // _BM,),
    in_specs=[
        pl.BlockSpec((_BM, D), lambda i: (i, 0)),
        pl.BlockSpec((D, D), lambda i: (0, 0)),
        pl.BlockSpec((1, D), lambda i: (0, 0)),
        pl.BlockSpec((D, D), lambda i: (0, 0)),
        pl.BlockSpec((1, D), lambda i: (0, 0)),
        pl.BlockSpec((_BM, 1), lambda i: (i, 0)),
        pl.BlockSpec((_BM, 1), lambda i: (i, 0)),
    ],
    out_specs=[
        pl.BlockSpec((_BM, D), lambda i: (i, 0)),
        pl.BlockSpec((_BM, D), lambda i: (i, 0)),
    ],
    out_shape=[jax.ShapeDtypeStruct((N_PAD, D), jnp.float32) for _ in range(2)],
)


def _final_body(a1_ref, a2_ref, d1_ref, d2_ref, w3a_ref, w3b_ref, b3_ref,
                out_ref):
    s1 = lax.rsqrt(d1_ref[...] + 1.0)
    s2 = lax.rsqrt(d2_ref[...] + 1.0)
    acc = jnp.dot(a1_ref[...] * s1, w3a_ref[...],
                  preferred_element_type=jnp.float32)
    acc += jnp.dot(a2_ref[...] * s2, w3b_ref[...],
                   preferred_element_type=jnp.float32)
    out_ref[...] = jnp.maximum(acc + b3_ref[...], 0.0)


_tc_final = pl.pallas_call(
    _final_body,
    grid=(N_NODES // _BM,),
    in_specs=[
        pl.BlockSpec((_BM, D), lambda i: (i, 0)),
        pl.BlockSpec((_BM, D), lambda i: (i, 0)),
        pl.BlockSpec((_BM, 1), lambda i: (i, 0)),
        pl.BlockSpec((_BM, 1), lambda i: (i, 0)),
        pl.BlockSpec((D, D), lambda i: (0, 0)),
        pl.BlockSpec((D, D), lambda i: (1, 0)),
        pl.BlockSpec((1, D), lambda i: (0, 0)),
    ],
    out_specs=pl.BlockSpec((_BM, D), lambda i: (i, 0)),
    out_shape=jax.ShapeDtypeStruct((N_NODES, D), jnp.float32),
)


def _pad_edges(e):
    e2 = e.reshape(N_TILES, EDGES_PER_TILE)
    e2 = jnp.pad(e2, ((0, 0), (0, EDGES_PER_TILE_P - EDGES_PER_TILE)),
                 constant_values=N_PAD - 1)
    return e2.reshape(E_PAD)


def kernel(x, senders, receivers, grid_senders, grid_receivers,
           W1, b1, W2, b2, W3, b3):
    sp = _pad_edges(senders)
    rp = _pad_edges(receivers)
    gsp = _pad_edges(grid_senders)
    grp = _pad_edges(grid_receivers)
    ds1, dr1, ds2, dr2 = _sc_degrees_kernel()(sp, rp, gsp, grp)
    h1, h2 = _tc_dense(x, W1, b1.reshape(1, D), W2, b2.reshape(1, D),
                       ds1.reshape(N_PAD, 1), ds2.reshape(N_PAD, 1))
    agg1, agg2 = _sc_aggregate_kernel()(h1, h2, senders, receivers,
                                        grid_senders, grid_receivers)
    return _tc_final(agg1, agg2, dr1.reshape(N_PAD, 1), dr2.reshape(N_PAD, 1),
                     W3, W3, b3.reshape(1, D))

# --- scband reference (transcript-rebuilt; emitter-appended) ---
"""Pipeline reference for scband-egnn-61856118997065 (READ-ONLY COPY).

The authoritative reference and input builder live on the scoring server;
editing this copy changes nothing except your own understanding.
"""

import jax, jax.numpy as jnp
import numpy as np

N_NODES = 10000
N_EDGES = 320000
D_FEAT = 128
OUT_DIM = 128


def _gcn(x, senders, receivers, W, b):
    # GraphConvolution with add_self_edges=True, symmetric_normalization=True
    N = x.shape[0]
    h = x @ W + b  # update_node_fn = Dense(out_dim)
    self_idx = jnp.arange(N, dtype=senders.dtype)
    s = jnp.concatenate([senders, self_idx], axis=0)
    r = jnp.concatenate([receivers, self_idx], axis=0)
    ones = jnp.ones(s.shape[0], dtype=jnp.float32)
    sender_deg = jax.ops.segment_sum(ones, s, N)
    receiver_deg = jax.ops.segment_sum(ones, r, N)
    h = h * jax.lax.rsqrt(jnp.maximum(sender_deg, 1.0))[:, None]
    h = jax.ops.segment_sum(h[s], r, N)
    h = h * jax.lax.rsqrt(jnp.maximum(receiver_deg, 1.0))[:, None]
    return h


def setup_inputs(seed: int = 0) -> dict:
    key = jax.random.key(seed)
    ks = jax.random.split(key, 11)
    x = jax.random.normal(ks[0], (N_NODES, D_FEAT), dtype=jnp.float32)
    senders = jax.random.randint(ks[1], (N_EDGES,), 0, N_NODES, dtype=jnp.int32)
    receivers = jax.random.randint(ks[2], (N_EDGES,), 0, N_NODES, dtype=jnp.int32)
    grid_senders = jax.random.randint(ks[3], (N_EDGES,), 0, N_NODES, dtype=jnp.int32)
    grid_receivers = jax.random.randint(ks[4], (N_EDGES,), 0, N_NODES, dtype=jnp.int32)
    W1 = jax.random.normal(ks[5], (D_FEAT, OUT_DIM), dtype=jnp.float32) * (1.0 / np.sqrt(D_FEAT))
    b1 = jnp.zeros((OUT_DIM,), dtype=jnp.float32)
    W2 = jax.random.normal(ks[6], (D_FEAT, OUT_DIM), dtype=jnp.float32) * (1.0 / np.sqrt(D_FEAT))
    b2 = jnp.zeros((OUT_DIM,), dtype=jnp.float32)
    W3 = jax.random.normal(ks[7], (2 * OUT_DIM, OUT_DIM), dtype=jnp.float32) * (1.0 / np.sqrt(2 * OUT_DIM))
    b3 = jnp.zeros((OUT_DIM,), dtype=jnp.float32)
    return {
        "x": x,
        "senders": senders,
        "receivers": receivers,
        "grid_senders": grid_senders,
        "grid_receivers": grid_receivers,
        "W1": W1, "b1": b1,
        "W2": W2, "b2": b2,
        "W3": W3, "b3": b3,
    }


def reference(x, senders, receivers, grid_senders, grid_receivers, W1, b1, W2, b2, W3, b3):
    h1 = _gcn(x, senders, receivers, W1, b1)
    h2 = _gcn(x, grid_senders, grid_receivers, W2, b2)
    h = jnp.concatenate([h1, h2], axis=-1)
    out = jax.nn.relu(h @ W3 + b3)
    return out

if __name__ == "__main__":
    import jax
    _d = setup_inputs()
    print(jax.jit(kernel)(*tuple(_d.values())))

</pallas_src>

<mosaic_0001>
#map = affine_map<(d0, d1) -> (0)>
module attributes {stable_mosaic.version = 14 : i64} {
  func.func @_sc_degrees(%arg0: i32, %arg1: i32, %arg2: memref<327680xi32, #tpu.memory_space<hbm>>, %arg3: memref<327680xi32, #tpu.memory_space<hbm>>, %arg4: memref<327680xi32, #tpu.memory_space<hbm>>, %arg5: memref<327680xi32, #tpu.memory_space<hbm>>, %arg6: memref<10240xf32, #tpu.memory_space<hbm>>, %arg7: memref<10240xf32, #tpu.memory_space<hbm>>, %arg8: memref<10240xf32, #tpu.memory_space<hbm>>, %arg9: memref<10240xf32, #tpu.memory_space<hbm>>, %arg10: memref<128xi32, #tpu.memory_space<vmem>>, %arg11: memref<128xi32, #tpu.memory_space<vmem>>, %arg12: memref<128xi32, #tpu.memory_space<vmem>>, %arg13: memref<128xi32, #tpu.memory_space<vmem>>, %arg14: memref<128xi32, #tpu.memory_space<vmem>>, %arg15: memref<128xi32, #tpu.memory_space<vmem>>, %arg16: memref<128xi32, #tpu.memory_space<vmem>>, %arg17: memref<128xi32, #tpu.memory_space<vmem>>, %arg18: memref<128xi32, #tpu.memory_space<vmem>>, %arg19: memref<128xi32, #tpu.memory_space<vmem>>, %arg20: memref<128xi32, #tpu.memory_space<vmem>>, %arg21: memref<128xi32, #tpu.memory_space<vmem>>, %arg22: memref<128xi32, #tpu.memory_space<vmem>>, %arg23: memref<128xi32, #tpu.memory_space<vmem>>, %arg24: memref<128xi32, #tpu.memory_space<vmem>>, %arg25: memref<128xi32, #tpu.memory_space<vmem>>, %arg26: memref<128xf32, #tpu.memory_space<vmem>>, %arg27: memref<640xf32, #tpu.memory_space<vmem>>, %arg28: memref<!tpu.dma_semaphore, #tpu.memory_space<semaphore_mem>>, %arg29: memref<!tpu.dma_semaphore, #tpu.memory_space<semaphore_mem>>, %arg30: memref<!tpu.dma_semaphore, #tpu.memory_space<semaphore_mem>>, %arg31: memref<!tpu.dma_semaphore, #tpu.memory_space<semaphore_mem>>, %arg32: memref<!tpu.dma_semaphore, #tpu.memory_space<semaphore_mem>>, %arg33: memref<!tpu.dma_semaphore, #tpu.memory_space<semaphore_mem>>, %arg34: memref<!tpu.dma_semaphore, #tpu.memory_space<semaphore_mem>>, %arg35: memref<!tpu.dma_semaphore, #tpu.memory_space<semaphore_mem>>, %arg36: memref<!tpu.dma_semaphore, #tpu.memory_space<semaphore_mem>>, %arg37: memref<!tpu.dma_semaphore, #tpu.memory_space<semaphore_mem>>, %arg38: memref<!tpu.dma_semaphore, #tpu.memory_space<semaphore_mem>>, %arg39: memref<!tpu.dma_semaphore, #tpu.memory_space<semaphore_mem>>, %arg40: memref<10240xf32, #tpu.memory_space<vmem_shared>>, %arg41: memref<10240xf32, #tpu.memory_space<vmem_shared>>) attributes {dimension_semantics = [#tpu.dimension_semantics<core_parallel>, #tpu.dimension_semantics<subcore_parallel>], iteration_bounds = array<i64: 2, 16>, scalar_prefetch = 0 : i64, scratch_operands = 32 : i64, tpu.core_type = #tpu.core_type<sc_vector_subcore>, window_params = [{transform_indices = #map}, {transform_indices = #map}, {transform_indices = #map}, {transform_indices = #map}, {transform_indices = #map}, {transform_indices = #map}, {transform_indices = #map}, {transform_indices = #map}]} {
    %broadcast_in_dim3A = arith.constant 1.000000e+00 : f32
    %broadcast_in_dim3A_0 = vector.broadcast %broadcast_in_dim3A : f32 to vector<16xf32>
    %swap3A = arith.constant 0 : index
    %swap3A_1 = tpu.vector_load %arg26[%swap3A] {strides = array<i32>} : memref<128xf32, #tpu.memory_space<vmem>>, vector<16xf32>,
    %swap3A_2 = vector.shape_cast %swap3A_1 : vector<16xf32> to vector<16xf32>
    %swap3A_3 = vector.shape_cast %broadcast_in_dim3A_0 : vector<16xf32> to vector<16xf32>
    tpu.vector_store %arg26[%swap3A], %swap3A_3 {strides = array<i32>} : memref<128xf32, #tpu.memory_space<vmem>>, vector<16xf32>,
    %broadcast_in_dim3A_4 = arith.constant 1.000000e+00 : f32
    %broadcast_in_dim3A_5 = vector.broadcast %broadcast_in_dim3A_4 : f32 to vector<16xf32>
    %swap3A_6 = arith.constant 16 : index
    %swap3A_7 = tpu.vector_load %arg26[%swap3A_6] {strides = array<i32>} : memref<128xf32, #tpu.memory_space<vmem>>, vector<16xf32>,
    %swap3A_8 = vector.shape_cast %swap3A_7 : vector<16xf32> to vector<16xf32>
    %swap3A_9 = vector.shape_cast %broadcast_in_dim3A_5 : vector<16xf32> to vector<16xf32>
    tpu.vector_store %arg26[%swap3A_6], %swap3A_9 {strides = array<i32>} : memref<128xf32, #tpu.memory_space<vmem>>, vector<16xf32>,
    %broadcast_in_dim3A_10 = arith.constant 1.000000e+00 : f32
    %broadcast_in_dim3A_11 = vector.broadcast %broadcast_in_dim3A_10 : f32 to vector<16xf32>
    %swap3A_12 = arith.constant 32 : index
    %swap3A_13 = tpu.vector_load %arg26[%swap3A_12] {strides = array<i32>} : memref<128xf32, #tpu.memory_space<vmem>>, vector<16xf32>,
    %swap3A_14 = vector.shape_cast %swap3A_13 : vector<16xf32> to vector<16xf32>
    %swap3A_15 = vector.shape_cast %broadcast_in_dim3A_11 : vector<16xf32> to vector<16xf32>
    tpu.vector_store %arg26[%swap3A_12], %swap3A_15 {strides = array<i32>} : memref<128xf32, #tpu.memory_space<vmem>>, vector<16xf32>,
    %broadcast_in_dim3A_16 = arith.constant 1.000000e+00 : f32
    %broadcast_in_dim3A_17 = vector.broadcast %broadcast_in_dim3A_16 : f32 to vector<16xf32>
    %swap3A_18 = arith.constant 48 : index
    %swap3A_19 = tpu.vector_load %arg26[%swap3A_18] {strides = array<i32>} : memref<128xf32, #tpu.memory_space<vmem>>, vector<16xf32>,
    %swap3A_20 = vector.shape_cast %swap3A_19 : vector<16xf32> to vector<16xf32>
    %swap3A_21 = vector.shape_cast %broadcast_in_dim3A_17 : vector<16xf32> to vector<16xf32>
    tpu.vector_store %arg26[%swap3A_18], %swap3A_21 {strides = array<i32>} : memref<128xf32, #tpu.memory_space<vmem>>, vector<16xf32>,
    %broadcast_in_dim3A_22 = arith.constant 1.000000e+00 : f32
    %broadcast_in_dim3A_23 = vector.broadcast %broadcast_in_dim3A_22 : f32 to vector<16xf32>
    %swap3A_24 = arith.constant 64 : index
    %swap3A_25 = tpu.vector_load %arg26[%swap3A_24] {strides = array<i32>} : memref<128xf32, #tpu.memory_space<vmem>>, vector<16xf32>,
    %swap3A_26 = vector.shape_cast %swap3A_25 : vector<16xf32> to vector<16xf32>
    %swap3A_27 = vector.shape_cast %broadcast_in_dim3A_23 : vector<16xf32> to vector<16xf32>
    tpu.vector_store %arg26[%swap3A_24], %swap3A_27 {strides = array<i32>} : memref<128xf32, #tpu.memory_space<vmem>>, vector<16xf32>,
    %broadcast_in_dim3A_28 = arith.constant 1.000000e+00 : f32
    %broadcast_in_dim3A_29 = vector.broadcast %broadcast_in_dim3A_28 : f32 to vector<16xf32>
    %swap3A_30 = arith.constant 80 : index
    %swap3A_31 = tpu.vector_load %arg26[%swap3A_30] {strides = array<i32>} : memref<128xf32, #tpu.memory_space<vmem>>, vector<16xf32>,
    %swap3A_32 = vector.shape_cast %swap3A_31 : vector<16xf32> to vector<16xf32>
    %swap3A_33 = vector.shape_cast %broadcast_in_dim3A_29 : vector<16xf32> to vector<16xf32>
    tpu.vector_store %arg26[%swap3A_30], %swap3A_33 {strides = array<i32>} : memref<128xf32, #tpu.memory_space<vmem>>, vector<16xf32>,
    %broadcast_in_dim3A_34 = arith.constant 1.000000e+00 : f32
    %broadcast_in_dim3A_35 = vector.broadcast %broadcast_in_dim3A_34 : f32 to vector<16xf32>
    %swap3A_36 = arith.constant 96 : index
    %swap3A_37 = tpu.vector_load %arg26[%swap3A_36] {strides = array<i32>} : memref<128xf32, #tpu.memory_space<vmem>>, vector<16xf32>,
    %swap3A_38 = vector.shape_cast %swap3A_37 : vector<16xf32> to vector<16xf32>
    %swap3A_39 = vector.shape_cast %broadcast_in_dim3A_35 : vector<16xf32> to vector<16xf32>
    tpu.vector_store %arg26[%swap3A_36], %swap3A_39 {strides = array<i32>} : memref<128xf32, #tpu.memory_space<vmem>>, vector<16xf32>,
    %broadcast_in_dim3A_40 = arith.constant 1.000000e+00 : f32
    %broadcast_in_dim3A_41 = vector.broadcast %broadcast_in_dim3A_40 : f32 to vector<16xf32>
    %swap3A_42 = arith.constant 112 : index
    %swap3A_43 = tpu.vector_load %arg26[%swap3A_42] {strides = array<i32>} : memref<128xf32, #tpu.memory_space<vmem>>, vector<16xf32>,
    %swap3A_44 = vector.shape_cast %swap3A_43 : vector<16xf32> to vector<16xf32>
    %swap3A_45 = vector.shape_cast %broadcast_in_dim3A_41 : vector<16xf32> to vector<16xf32>
    tpu.vector_store %arg26[%swap3A_42], %swap3A_45 {strides = array<i32>} : memref<128xf32, #tpu.memory_space<vmem>>, vector<16xf32>,
    %broadcast_in_dim3A_46 = arith.constant 0.000000e+00 : f32
    %broadcast_in_dim3A_47 = vector.broadcast %broadcast_in_dim3A_46 : f32 to vector<16xf32>
    %swap3A_48 = arith.constant 0 : index
    %swap3A_49 = tpu.vector_load %arg27[%swap3A_48] {strides = array<i32>} : memref<640xf32, #tpu.memory_space<vmem>>, vector<16xf32>,
    %swap3A_50 = vector.shape_cast %swap3A_49 : vector<16xf32> to vector<16xf32>
    %swap3A_51 = vector.shape_cast %broadcast_in_dim3A_47 : vector<16xf32> to vector<16xf32>
    tpu.vector_store %arg27[%swap3A_48], %swap3A_51 {strides = array<i32>} : memref<640xf32, #tpu.memory_space<vmem>>, vector<16xf32>,
    %broadcast_in_dim3A_52 = arith.constant 0.000000e+00 : f32
    %broadcast_in_dim3A_53 = vector.broadcast %broadcast_in_dim3A_52 : f32 to vector<16xf32>
    %swap3A_54 = arith.constant 16 : index
    %swap3A_55 = tpu.vector_load %arg27[%swap3A_54] {strides = array<i32>} : memref<640xf32, #tpu.memory_space<vmem>>, vector<16xf32>,
    %swap3A_56 = vector.shape_cast %swap3A_55 : vector<16xf32> to vector<16xf32>
    %swap3A_57 = vector.shape_cast %broadcast_in_dim3A_53 : vector<16xf32> to vector<16xf32>
    tpu.vector_store %arg27[%swap3A_54], %swap3A_57 {strides = array<i32>} : memref<640xf32, #tpu.memory_space<vmem>>, vector<16xf32>,
    %broadcast_in_dim3A_58 = arith.constant 0.000000e+00 : f32
    %broadcast_in_dim3A_59 = vector.broadcast %broadcast_in_dim3A_58 : f32 to vector<16xf32>
    %swap3A_60 = arith.constant 32 : index
    %swap3A_61 = tpu.vector_load %arg27[%swap3A_60] {strides = array<i32>} : memref<640xf32, #tpu.memory_space<vmem>>, vector<16xf32>,
    %swap3A_62 = vector.shape_cast %swap3A_61 : vector<16xf32> to vector<16xf32>
    %swap3A_63 = vector.shape_cast %broadcast_in_dim3A_59 : vector<16xf32> to vector<16xf32>
    tpu.vector_store %arg27[%swap3A_60], %swap3A_63 {strides = array<i32>} : memref<640xf32, #tpu.memory_space<vmem>>, vector<16xf32>,
    %broadcast_in_dim3A_64 = arith.constant 0.000000e+00 : f32
    %broadcast_in_dim3A_65 = vector.broadcast %broadcast_in_dim3A_64 : f32 to vector<16xf32>
    %swap3A_66 = arith.constant 48 : index
    %swap3A_67 = tpu.vector_load %arg27[%swap3A_66] {strides = array<i32>} : memref<640xf32, #tpu.memory_space<vmem>>, vector<16xf32>,
    %swap3A_68 = vector.shape_cast %swap3A_67 : vector<16xf32> to vector<16xf32>
    %swap3A_69 = vector.shape_cast %broadcast_in_dim3A_65 : vector<16xf32> to vector<16xf32>
    tpu.vector_store %arg27[%swap3A_66], %swap3A_69 {strides = array<i32>} : memref<640xf32, #tpu.memory_space<vmem>>, vector<16xf32>,
    %broadcast_in_dim3A_70 = arith.constant 0.000000e+00 : f32
    %broadcast_in_dim3A_71 = vector.broadcast %broadcast_in_dim3A_70 : f32 to vector<16xf32>
    %swap3A_72 = arith.constant 64 : index
    %swap3A_73 = tpu.vector_load %arg27[%swap3A_72] {strides = array<i32>} : memref<640xf32, #tpu.memory_space<vmem>>, vector<16xf32>,
    %swap3A_74 = vector.shape_cast %swap3A_73 : vector<16xf32> to vector<16xf32>
    %swap3A_75 = vector.shape_cast %broadcast_in_dim3A_71 : vector<16xf32> to vector<16xf32>
    tpu.vector_store %arg27[%swap3A_72], %swap3A_75 {strides = array<i32>} : memref<640xf32, #tpu.memory_space<vmem>>, vector<16xf32>,
    %broadcast_in_dim3A_76 = arith.constant 0.000000e+00 : f32
    %broadcast_in_dim3A_77 = vector.broadcast %broadcast_in_dim3A_76 : f32 to vector<16xf32>
    %swap3A_78 = arith.constant 80 : index
    %swap3A_79 = tpu.vector_load %arg27[%swap3A_78] {strides = array<i32>} : memref<640xf32, #tpu.memory_space<vmem>>, vector<16xf32>,
    %swap3A_80 = vector.shape_cast %swap3A_79 : vector<16xf32> to vector<16xf32>
    %swap3A_81 = vector.shape_cast %broadcast_in_dim3A_77 : vector<16xf32> to vector<16xf32>
    tpu.vector_store %arg27[%swap3A_78], %swap3A_81 {strides = array<i32>} : memref<640xf32, #tpu.memory_space<vmem>>, vector<16xf32>,
    %broadcast_in_dim3A_82 = arith.constant 0.000000e+00 : f32
    %broadcast_in_dim3A_83 = vector.broadcast %broadcast_in_dim3A_82 : f32 to vector<16xf32>
    %swap3A_84 = arith.constant 96 : index
    %swap3A_85 = tpu.vector_load %arg27[%swap3A_84] {strides = array<i32>} : memref<640xf32, #tpu.memory_space<vmem>>, vector<16xf32>,
    %swap3A_86 = vector.shape_cast %swap3A_85 : vector<16xf32> to vector<16xf32>
    %swap3A_87 = vector.shape_cast %broadcast_in_dim3A_83 : vector<16xf32> to vector<16xf32>
    tpu.vector_store %arg27[%swap3A_84], %swap3A_87 {strides = array<i32>} : memref<640xf32, #tpu.memory_space<vmem>>, vector<16xf32>,
    %broadcast_in_dim3A_88 = arith.constant 0.000000e+00 : f32
    %broadcast_in_dim3A_89 = vector.broadcast %broadcast_in_dim3A_88 : f32 to vector<16xf32>
    %swap3A_90 = arith.constant 112 : index
    %swap3A_91 = tpu.vector_load %arg27[%swap3A_90] {strides = array<i32>} : memref<640xf32, #tpu.memory_space<vmem>>, vector<16xf32>,
    %swap3A_92 = vector.shape_cast %swap3A_91 : vector<16xf32> to vector<16xf32>
    %swap3A_93 = vector.shape_cast %broadcast_in_dim3A_89 : vector<16xf32> to vector<16xf32>
    tpu.vector_store %arg27[%swap3A_90], %swap3A_93 {strides = array<i32>} : memref<640xf32, #tpu.memory_space<vmem>>, vector<16xf32>,
    %broadcast_in_dim3A_94 = arith.constant 0.000000e+00 : f32
    %broadcast_in_dim3A_95 = vector.broadcast %broadcast_in_dim3A_94 : f32 to vector<16xf32>
    %swap3A_96 = arith.constant 128 : index
    %swap3A_97 = tpu.vector_load %arg27[%swap3A_96] {strides = array<i32>} : memref<640xf32, #tpu.memory_space<vmem>>, vector<16xf32>,
    %swap3A_98 = vector.shape_cast %swap3A_97 : vector<16xf32> to vector<16xf32>
    %swap3A_99 = vector.shape_cast %broadcast_in_dim3A_95 : vector<16xf32> to vector<16xf32>
    tpu.vector_store %arg27[%swap3A_96], %swap3A_99 {strides = array<i32>} : memref<640xf32, #tpu.memory_space<vmem>>, vector<16xf32>,
    %broadcast_in_dim3A_100 = arith.constant 0.000000e+00 : f32
    %broadcast_in_dim3A_101 = vector.broadcast %broadcast_in_dim3A_100 : f32 to vector<16xf32>
    %swap3A_102 = arith.constant 144 : index
    %swap3A_103 = tpu.vector_load %arg27[%swap3A_102] {strides = array<i32>} : memref<640xf32, #tpu.memory_space<vmem>>, vector<16xf32>,
    %swap3A_104 = vector.shape_cast %swap3A_103 : vector<16xf32> to vector<16xf32>
    %swap3A_105 = vector.shape_cast %broadcast_in_dim3A_101 : vector<16xf32> to vector<16xf32>
    tpu.vector_store %arg27[%swap3A_102], %swap3A_105 {strides = array<i32>} : memref<640xf32, #tpu.memory_space<vmem>>, vector<16xf32>,
    %broadcast_in_dim3A_106 = arith.constant 0.000000e+00 : f32
    %broadcast_in_dim3A_107 = vector.broadcast %broadcast_in_dim3A_106 : f32 to vector<16xf32>
    %swap3A_108 = arith.constant 160 : index
    %swap3A_109 = tpu.vector_load %arg27[%swap3A_108] {strides = array<i32>} : memref<640xf32, #tpu.memory_space<vmem>>, vector<16xf32>,
    %swap3A_110 = vector.shape_cast %swap3A_109 : vector<16xf32> to vector<16xf32>
    %swap3A_111 = vector.shape_cast %broadcast_in_dim3A_107 : vector<16xf32> to vector<16xf32>
    tpu.vector_store %arg27[%swap3A_108], %swap3A_111 {strides = array<i32>} : memref<640xf32, #tpu.memory_space<vmem>>, vector<16xf32>,
    %broadcast_in_dim3A_112 = arith.constant 0.000000e+00 : f32
    %broadcast_in_dim3A_113 = vector.broadcast %broadcast_in_dim3A_112 : f32 to vector<16xf32>
    %swap3A_114 = arith.constant 176 : index
    %swap3A_115 = tpu.vector_load %arg27[%swap3A_114] {strides = array<i32>} : memref<640xf32, #tpu.memory_space<vmem>>, vector<16xf32>,
    %swap3A_116 = vector.shape_cast %swap3A_115 : vector<16xf32> to vector<16xf32>
    %swap3A_117 = vector.shape_cast %broadcast_in_dim3A_113 : vector<16xf32> to vector<16xf32>
    tpu.vector_store %arg27[%swap3A_114], %swap3A_117 {strides = array<i32>} : memref<640xf32, #tpu.memory_space<vmem>>, vector<16xf32>,
    %broadcast_in_dim3A_118 = arith.constant 0.000000e+00 : f32
    %broadcast_in_dim3A_119 = vector.broadcast %broadcast_in_dim3A_118 : f32 to vector<16xf32>
    %swap3A_120 = arith.constant 192 : index
    %swap3A_121 = tpu.vector_load %arg27[%swap3A_120] {strides = array<i32>} : memref<640xf32, #tpu.memory_space<vmem>>, vector<16xf32>,
    %swap3A_122 = vector.shape_cast %swap3A_121 : vector<16xf32> to vector<16xf32>
    %swap3A_123 = vector.shape_cast %broadcast_in_dim3A_119 : vector<16xf32> to vector<16xf32>
    tpu.vector_store %arg27[%swap3A_120], %swap3A_123 {strides = array<i32>} : memref<640xf32, #tpu.memory_space<vmem>>, vector<16xf32>,
    %broadcast_in_dim3A_124 = arith.constant 0.000000e+00 : f32
    %broadcast_in_dim3A_125 = vector.broadcast %broadcast_in_dim3A_124 : f32 to vector<16xf32>
    %swap3A_126 = arith.constant 208 : index
    %swap3A_127 = tpu.vector_load %arg27[%swap3A_126] {strides = array<i32>} : memref<640xf32, #tpu.memory_space<vmem>>, vector<16xf32>,
    %swap3A_128 = vector.shape_cast %swap3A_127 : vector<16xf32> to vector<16xf32>
    %swap3A_129 = vector.shape_cast %broadcast_in_dim3A_125 : vector<16xf32> to vector<16xf32>
    tpu.vector_store %arg27[%swap3A_126], %swap3A_129 {strides = array<i32>} : memref<640xf32, #tpu.memory_space<vmem>>, vector<16xf32>,
    %broadcast_in_dim3A_130 = arith.constant 0.000000e+00 : f32
    %broadcast_in_dim3A_131 = vector.broadcast %broadcast_in_dim3A_130 : f32 to vector<16xf32>
    %swap3A_132 = arith.constant 224 : index
    %swap3A_133 = tpu.vector_load %arg27[%swap3A_132] {strides = array<i32>} : memref<640xf32, #tpu.memory_space<vmem>>, vector<16xf32>,
    %swap3A_134 = vector.shape_cast %swap3A_133 : vector<16xf32> to vector<16xf32>
    %swap3A_135 = vector.shape_cast %broadcast_in_dim3A_131 : vector<16xf32> to vector<16xf32>
    tpu.vector_store %arg27[%swap3A_132], %swap3A_135 {strides = array<i32>} : memref<640xf32, #tpu.memory_space<vmem>>, vector<16xf32>,
    %broadcast_in_dim3A_136 = arith.constant 0.000000e+00 : f32
    %broadcast_in_dim3A_137 = vector.broadcast %broadcast_in_dim3A_136 : f32 to vector<16xf32>
    %swap3A_138 = arith.constant 240 : index
    %swap3A_139 = tpu.vector_load %arg27[%swap3A_138] {strides = array<i32>} : memref<640xf32, #tpu.memory_space<vmem>>, vector<16xf32>,
    %swap3A_140 = vector.shape_cast %swap3A_139 : vector<16xf32> to vector<16xf32>
    %swap3A_141 = vector.shape_cast %broadcast_in_dim3A_137 : vector<16xf32> to vector<16xf32>
    tpu.vector_store %arg27[%swap3A_138], %swap3A_141 {strides = array<i32>} : memref<640xf32, #tpu.memory_space<vmem>>, vector<16xf32>,
    %broadcast_in_dim3A_142 = arith.constant 0.000000e+00 : f32
    %broadcast_in_dim3A_143 = vector.broadcast %broadcast_in_dim3A_142 : f32 to vector<16xf32>
    %swap3A_144 = arith.constant 256 : index
    %swap3A_145 = tpu.vector_load %arg27[%swap3A_144] {strides = array<i32>} : memref<640xf32, #tpu.memory_space<vmem>>, vector<16xf32>,
    %swap3A_146 = vector.shape_cast %swap3A_145 : vector<16xf32> to vector<16xf32>
    %swap3A_147 = vector.shape_cast %broadcast_in_dim3A_143 : vector<16xf32> to vector<16xf32>
    tpu.vector_store %arg27[%swap3A_144], %swap3A_147 {strides = array<i32>} : memref<640xf32, #tpu.memory_space<vmem>>, vector<16xf32>,
    %broadcast_in_dim3A_148 = arith.constant 0.000000e+00 : f32
    %broadcast_in_dim3A_149 = vector.broadcast %broadcast_in_dim3A_148 : f32 to vector<16xf32>
    %swap3A_150 = arith.constant 272 : index
    %swap3A_151 = tpu.vector_load %arg27[%swap3A_150] {strides = array<i32>} : memref<640xf32, #tpu.memory_space<vmem>>, vector<16xf32>,
    %swap3A_152 = vector.shape_cast %swap3A_151 : vector<16xf32> to vector<16xf32>
    %swap3A_153 = vector.shape_cast %broadcast_in_dim3A_149 : vector<16xf32> to vector<16xf32>
    tpu.vector_store %arg27[%swap3A_150], %swap3A_153 {strides = array<i32>} : memref<640xf32, #tpu.memory_space<vmem>>, vector<16xf32>,
    %broadcast_in_dim3A_154 = arith.constant 0.000000e+00 : f32
    %broadcast_in_dim3A_155 = vector.broadcast %broadcast_in_dim3A_154 : f32 to vector<16xf32>
    %swap3A_156 = arith.constant 288 : index
    %swap3A_157 = tpu.vector_load %arg27[%swap3A_156] {strides = array<i32>} : memref<640xf32, #tpu.memory_space<vmem>>, vector<16xf32>,
    %swap3A_158 = vector.shape_cast %swap3A_157 : vector<16xf32> to vector<16xf32>
    %swap3A_159 = vector.shape_cast %broadcast_in_dim3A_155 : vector<16xf32> to vector<16xf32>
    tpu.vector_store %arg27[%swap3A_156], %swap3A_159 {strides = array<i32>} : memref<640xf32, #tpu.memory_space<vmem>>, vector<16xf32>,
    %broadcast_in_dim3A_160 = arith.constant 0.000000e+00 : f32
    %broadcast_in_dim3A_161 = vector.broadcast %broadcast_in_dim3A_160 : f32 to vector<16xf32>
    %swap3A_162 = arith.constant 304 : index
    %swap3A_163 = tpu.vector_load %arg27[%swap3A_162] {strides = array<i32>} : memref<640xf32, #tpu.memory_space<vmem>>, vector<16xf32>,
    %swap3A_164 = vector.shape_cast %swap3A_163 : vector<16xf32> to vector<16xf32>
    %swap3A_165 = vector.shape_cast %broadcast_in_dim3A_161 : vector<16xf32> to vector<16xf32>
    tpu.vector_store %arg27[%swap3A_162], %swap3A_165 {strides = array<i32>} : memref<640xf32, #tpu.memory_space<vmem>>, vector<16xf32>,
    %broadcast_in_dim3A_166 = arith.constant 0.000000e+00 : f32
    %broadcast_in_dim3A_167 = vector.broadcast %broadcast_in_dim3A_166 : f32 to vector<16xf32>
    %swap3A_168 = arith.constant 320 : index
    %swap3A_169 = tpu.vector_load %arg27[%swap3A_168] {strides = array<i32>} : memref<640xf32, #tpu.memory_space<vmem>>, vector<16xf32>,
    %swap3A_170 = vector.shape_cast %swap3A_169 : vector<16xf32> to vector<16xf32>
    %swap3A_171 = vector.shape_cast %broadcast_in_dim3A_167 : vector<16xf32> to vector<16xf32>
    tpu.vector_store %arg27[%swap3A_168], %swap3A_171 {strides = array<i32>} : memref<640xf32, #tpu.memory_space<vmem>>, vector<16xf32>,
    %broadcast_in_dim3A_172 = arith.constant 0.000000e+00 : f32
    %broadcast_in_dim3A_173 = vector.broadcast %broadcast_in_dim3A_172 : f32 to vector<16xf32>
    %swap3A_174 = arith.constant 336 : index
    %swap3A_175 = tpu.vector_load %arg27[%swap3A_174] {strides = array<i32>} : memref<640xf32, #tpu.memory_space<vmem>>, vector<16xf32>,
    %swap3A_176 = vector.shape_cast %swap3A_175 : vector<16xf32> to vector<16xf32>
    %swap3A_177 = vector.shape_cast %broadcast_in_dim3A_173 : vector<16xf32> to vector<16xf32>
    tpu.vector_store %arg27[%swap3A_174], %swap3A_177 {strides = array<i32>} : memref<640xf32, #tpu.memory_space<vmem>>, vector<16xf32>,
    %broadcast_in_dim3A_178 = arith.constant 0.000000e+00 : f32
    %broadcast_in_dim3A_179 = vector.broadcast %broadcast_in_dim3A_178 : f32 to vector<16xf32>
    %swap3A_180 = arith.constant 352 : index
    %swap3A_181 = tpu.vector_load %arg27[%swap3A_180] {strides = array<i32>} : memref<640xf32, #tpu.memory_space<vmem>>, vector<16xf32>,
    %swap3A_182 = vector.shape_cast %swap3A_181 : vector<16xf32> to vector<16xf32>
    %swap3A_183 = vector.shape_cast %broadcast_in_dim3A_179 : vector<16xf32> to vector<16xf32>
    tpu.vector_store %arg27[%swap3A_180], %swap3A_183 {strides = array<i32>} : memref<640xf32, #tpu.memory_space<vmem>>, vector<16xf32>,
    %broadcast_in_dim3A_184 = arith.constant 0.000000e+00 : f32
    %broadcast_in_dim3A_185 = vector.broadcast %broadcast_in_dim3A_184 : f32 to vector<16xf32>
    %swap3A_186 = arith.constant 368 : index
    %swap3A_187 = tpu.vector_load %arg27[%swap3A_186] {strides = array<i32>} : memref<640xf32, #tpu.memory_space<vmem>>, vector<16xf32>,
    %swap3A_188 = vector.shape_cast %swap3A_187 : vector<16xf32> to vector<16xf32>
    %swap3A_189 = vector.shape_cast %broadcast_in_dim3A_185 : vector<16xf32> to vector<16xf32>
    tpu.vector_store %arg27[%swap3A_186], %swap3A_189 {strides = array<i32>} : memref<640xf32, #tpu.memory_space<vmem>>, vector<16xf32>,
    %broadcast_in_dim3A_190 = arith.constant 0.000000e+00 : f32
    %broadcast_in_dim3A_191 = vector.broadcast %broadcast_in_dim3A_190 : f32 to vector<16xf32>
    %swap3A_192 = arith.constant 384 : index
    %swap3A_193 = tpu.vector_load %arg27[%swap3A_192] {strides = array<i32>} : memref<640xf32, #tpu.memory_space<vmem>>, vector<16xf32>,
    %swap3A_194 = vector.shape_cast %swap3A_193 : vector<16xf32> to vector<16xf32>
    %swap3A_195 = vector.shape_cast %broadcast_in_dim3A_191 : vector<16xf32> to vector<16xf32>
    tpu.vector_store %arg27[%swap3A_192], %swap3A_195 {strides = array<i32>} : memref<640xf32, #tpu.memory_space<vmem>>, vector<16xf32>,
    %broadcast_in_dim3A_196 = arith.constant 0.000000e+00 : f32
    %broadcast_in_dim3A_197 = vector.broadcast %broadcast_in_dim3A_196 : f32 to vector<16xf32>
    %swap3A_198 = arith.constant 400 : index
    %swap3A_199 = tpu.vector_load %arg27[%swap3A_198] {strides = array<i32>} : memref<640xf32, #tpu.memory_space<vmem>>, vector<16xf32>,
    %swap3A_200 = vector.shape_cast %swap3A_199 : vector<16xf32> to vector<16xf32>
    %swap3A_201 = vector.shape_cast %broadcast_in_dim3A_197 : vector<16xf32> to vector<16xf32>
    tpu.vector_store %arg27[%swap3A_198], %swap3A_201 {strides = array<i32>} : memref<640xf32, #tpu.memory_space<vmem>>, vector<16xf32>,
    %broadcast_in_dim3A_202 = arith.constant 0.000000e+00 : f32
    %broadcast_in_dim3A_203 = vector.broadcast %broadcast_in_dim3A_202 : f32 to vector<16xf32>
    %swap3A_204 = arith.constant 416 : index
    %swap3A_205 = tpu.vector_load %arg27[%swap3A_204] {strides = array<i32>} : memref<640xf32, #tpu.memory_space<vmem>>, vector<16xf32>,
    %swap3A_206 = vector.shape_cast %swap3A_205 : vector<16xf32> to vector<16xf32>
    %swap3A_207 = vector.shape_cast %broadcast_in_dim3A_203 : vector<16xf32> to vector<16xf32>
    tpu.vector_store %arg27[%swap3A_204], %swap3A_207 {strides = array<i32>} : memref<640xf32, #tpu.memory_space<vmem>>, vector<16xf32>,
    %broadcast_in_dim3A_208 = arith.constant 0.000000e+00 : f32
    %broadcast_in_dim3A_209 = vector.broadcast %broadcast_in_dim3A_208 : f32 to vector<16xf32>
    %swap3A_210 = arith.constant 432 : index
    %swap3A_211 = tpu.vector_load %arg27[%swap3A_210] {strides = array<i32>} : memref<640xf32, #tpu.memory_space<vmem>>, vector<16xf32>,
    %swap3A_212 = vector.shape_cast %swap3A_211 : vector<16xf32> to vector<16xf32>
    %swap3A_213 = vector.shape_cast %broadcast_in_dim3A_209 : vector<16xf32> to vector<16xf32>
    tpu.vector_store %arg27[%swap3A_210], %swap3A_213 {strides = array<i32>} : memref<640xf32, #tpu.memory_space<vmem>>, vector<16xf32>,
    %broadcast_in_dim3A_214 = arith.constant 0.000000e+00 : f32
    %broadcast_in_dim3A_215 = vector.broadcast %broadcast_in_dim3A_214 : f32 to vector<16xf32>
    %swap3A_216 = arith.constant 448 : index
    %swap3A_217 = tpu.vector_load %arg27[%swap3A_216] {strides = array<i32>} : memref<640xf32, #tpu.memory_space<vmem>>, vector<16xf32>,
    %swap3A_218 = vector.shape_cast %swap3A_217 : vector<16xf32> to vector<16xf32>
    %swap3A_219 = vector.shape_cast %broadcast_in_dim3A_215 : vector<16xf32> to vector<16xf32>
    tpu.vector_store %arg27[%swap3A_216], %swap3A_219 {strides = array<i32>} : memref<640xf32, #tpu.memory_space<vmem>>, vector<16xf32>,
    %broadcast_in_dim3A_220 = arith.constant 0.000000e+00 : f32
    %broadcast_in_dim3A_221 = vector.broadcast %broadcast_in_dim3A_220 : f32 to vector<16xf32>
    %swap3A_222 = arith.constant 464 : index
    %swap3A_223 = tpu.vector_load %arg27[%swap3A_222] {strides = array<i32>} : memref<640xf32, #tpu.memory_space<vmem>>, vector<16xf32>,
    %swap3A_224 = vector.shape_cast %swap3A_223 : vector<16xf32> to vector<16xf32>
    %swap3A_225 = vector.shape_cast %broadcast_in_dim3A_221 : vector<16xf32> to vector<16xf32>
    tpu.vector_store %arg27[%swap3A_222], %swap3A_225 {strides = array<i32>} : memref<640xf32, #tpu.memory_space<vmem>>, vector<16xf32>,
    %broadcast_in_dim3A_226 = arith.constant 0.000000e+00 : f32
    %broadcast_in_dim3A_227 = vector.broadcast %broadcast_in_dim3A_226 : f32 to vector<16xf32>
    %swap3A_228 = arith.constant 480 : index
    %swap3A_229 = tpu.vector_load %arg27[%swap3A_228] {strides = array<i32>} : memref<640xf32, #tpu.memory_space<vmem>>, vector<16xf32>,
    %swap3A_230 = vector.shape_cast %swap3A_229 : vector<16xf32> to vector<16xf32>
    %swap3A_231 = vector.shape_cast %broadcast_in_dim3A_227 : vector<16xf32> to vector<16xf32>
    tpu.vector_store %arg27[%swap3A_228], %swap3A_231 {strides = array<i32>} : memref<640xf32, #tpu.memory_space<vmem>>, vector<16xf32>,
    %broadcast_in_dim3A_232 = arith.constant 0.000000e+00 : f32
    %broadcast_in_dim3A_233 = vector.broadcast %broadcast_in_dim3A_232 : f32 to vector<16xf32>
    %swap3A_234 = arith.constant 496 : index
    %swap3A_235 = tpu.vector_load %arg27[%swap3A_234] {strides = array<i32>} : memref<640xf32, #tpu.memory_space<vmem>>, vector<16xf32>,
    %swap3A_236 = vector.shape_cast %swap3A_235 : vector<16xf32> to vector<16xf32>
    %swap3A_237 = vector.shape_cast %broadcast_in_dim3A_233 : vector<16xf32> to vector<16xf32>
    tpu.vector_store %arg27[%swap3A_234], %swap3A_237 {strides = array<i32>} : memref<640xf32, #tpu.memory_space<vmem>>, vector<16xf32>,
    %broadcast_in_dim3A_238 = arith.constant 0.000000e+00 : f32
    %broadcast_in_dim3A_239 = vector.broadcast %broadcast_in_dim3A_238 : f32 to vector<16xf32>
    %swap3A_240 = arith.constant 512 : index
    %swap3A_241 = tpu.vector_load %arg27[%swap3A_240] {strides = array<i32>} : memref<640xf32, #tpu.memory_space<vmem>>, vector<16xf32>,
    %swap3A_242 = vector.shape_cast %swap3A_241 : vector<16xf32> to vector<16xf32>
    %swap3A_243 = vector.shape_cast %broadcast_in_dim3A_239 : vector<16xf32> to vector<16xf32>
    tpu.vector_store %arg27[%swap3A_240], %swap3A_243 {strides = array<i32>} : memref<640xf32, #tpu.memory_space<vmem>>, vector<16xf32>,
    %broadcast_in_dim3A_244 = arith.constant 0.000000e+00 : f32
    %broadcast_in_dim3A_245 = vector.broadcast %broadcast_in_dim3A_244 : f32 to vector<16xf32>
    %swap3A_246 = arith.constant 528 : index
    %swap3A_247 = tpu.vector_load %arg27[%swap3A_246] {strides = array<i32>} : memref<640xf32, #tpu.memory_space<vmem>>, vector<16xf32>,
    %swap3A_248 = vector.shape_cast %swap3A_247 : vector<16xf32> to vector<16xf32>
    %swap3A_249 = vector.shape_cast %broadcast_in_dim3A_245 : vector<16xf32> to vector<16xf32>
    tpu.vector_store %arg27[%swap3A_246], %swap3A_249 {strides = array<i32>} : memref<640xf32, #tpu.memory_space<vmem>>, vector<16xf32>,
    %broadcast_in_dim3A_250 = arith.constant 0.000000e+00 : f32
    %broadcast_in_dim3A_251 = vector.broadcast %broadcast_in_dim3A_250 : f32 to vector<16xf32>
    %swap3A_252 = arith.constant 544 : index
    %swap3A_253 = tpu.vector_load %arg27[%swap3A_252] {strides = array<i32>} : memref<640xf32, #tpu.memory_space<vmem>>, vector<16xf32>,
    %swap3A_254 = vector.shape_cast %swap3A_253 : vector<16xf32> to vector<16xf32>
    %swap3A_255 = vector.shape_cast %broadcast_in_dim3A_251 : vector<16xf32> to vector<16xf32>
    tpu.vector_store %arg27[%swap3A_252], %swap3A_255 {strides = array<i32>} : memref<640xf32, #tpu.memory_space<vmem>>, vector<16xf32>,
    %broadcast_in_dim3A_256 = arith.constant 0.000000e+00 : f32
    %broadcast_in_dim3A_257 = vector.broadcast %broadcast_in_dim3A_256 : f32 to vector<16xf32>
    %swap3A_258 = arith.constant 560 : index
    %swap3A_259 = tpu.vector_load %arg27[%swap3A_258] {strides = array<i32>} : memref<640xf32, #tpu.memory_space<vmem>>, vector<16xf32>,
    %swap3A_260 = vector.shape_cast %swap3A_259 : vector<16xf32> to vector<16xf32>
    %swap3A_261 = vector.shape_cast %broadcast_in_dim3A_257 : vector<16xf32> to vector<16xf32>
    tpu.vector_store %arg27[%swap3A_258], %swap3A_261 {strides = array<i32>} : memref<640xf32, #tpu.memory_space<vmem>>, vector<16xf32>,
    %broadcast_in_dim3A_262 = arith.constant 0.000000e+00 : f32
    %broadcast_in_dim3A_263 = vector.broadcast %broadcast_in_dim3A_262 : f32 to vector<16xf32>
    %swap3A_264 = arith.constant 576 : index
    %swap3A_265 = tpu.vector_load %arg27[%swap3A_264] {strides = array<i32>} : memref<640xf32, #tpu.memory_space<vmem>>, vector<16xf32>,
    %swap3A_266 = vector.shape_cast %swap3A_265 : vector<16xf32> to vector<16xf32>
    %swap3A_267 = vector.shape_cast %broadcast_in_dim3A_263 : vector<16xf32> to vector<16xf32>
    tpu.vector_store %arg27[%swap3A_264], %swap3A_267 {strides = array<i32>} : memref<640xf32, #tpu.memory_space<vmem>>, vector<16xf32>,
    %broadcast_in_dim3A_268 = arith.constant 0.000000e+00 : f32
    %broadcast_in_dim3A_269 = vector.broadcast %broadcast_in_dim3A_268 : f32 to vector<16xf32>
    %swap3A_270 = arith.constant 592 : index
    %swap3A_271 = tpu.vector_load %arg27[%swap3A_270] {strides = array<i32>} : memref<640xf32, #tpu.memory_space<vmem>>, vector<16xf32>,
    %swap3A_272 = vector.shape_cast %swap3A_271 : vector<16xf32> to vector<16xf32>
    %swap3A_273 = vector.shape_cast %broadcast_in_dim3A_269 : vector<16xf32> to vector<16xf32>
    tpu.vector_store %arg27[%swap3A_270], %swap3A_273 {strides = array<i32>} : memref<640xf32, #tpu.memory_space<vmem>>, vector<16xf32>,
    %broadcast_in_dim3A_274 = arith.constant 0.000000e+00 : f32
    %broadcast_in_dim3A_275 = vector.broadcast %broadcast_in_dim3A_274 : f32 to vector<16xf32>
    %swap3A_276 = arith.constant 608 : index
    %swap3A_277 = tpu.vector_load %arg27[%swap3A_276] {strides = array<i32>} : memref<640xf32, #tpu.memory_space<vmem>>, vector<16xf32>,
    %swap3A_278 = vector.shape_cast %swap3A_277 : vector<16xf32> to vector<16xf32>
    %swap3A_279 = vector.shape_cast %broadcast_in_dim3A_275 : vector<16xf32> to vector<16xf32>
    tpu.vector_store %arg27[%swap3A_276], %swap3A_279 {strides = array<i32>} : memref<640xf32, #tpu.memory_space<vmem>>, vector<16xf32>,
    %broadcast_in_dim3A_280 = arith.constant 0.000000e+00 : f32
    %broadcast_in_dim3A_281 = vector.broadcast %broadcast_in_dim3A_280 : f32 to vector<16xf32>
    %swap3A_282 = arith.constant 624 : index
    %swap3A_283 = tpu.vector_load %arg27[%swap3A_282] {strides = array<i32>} : memref<640xf32, #tpu.memory_space<vmem>>, vector<16xf32>,
    %swap3A_284 = vector.shape_cast %swap3A_283 : vector<16xf32> to vector<16xf32>
    %swap3A_285 = vector.shape_cast %broadcast_in_dim3A_281 : vector<16xf32> to vector<16xf32>
    tpu.vector_store %arg27[%swap3A_282], %swap3A_285 {strides = array<i32>} : memref<640xf32, #tpu.memory_space<vmem>>, vector<16xf32>,
    %mul3A = arith.constant 640 : i32
    %mul3A_286 = arith.muli %arg1, %mul3A : i32
    "tpu.region"() ({
      %run_scoped3A = tpu.sem_alloc : memref<!tpu.dma_semaphore, #tpu.memory_space<semaphore_mem>>
      %dma_start3A = tpu.memref_slice %arg40[%mul3A_286] : memref<10240xf32, #tpu.memory_space<vmem_shared>> -> memref<640xf32, #tpu.memory_space<vmem_shared>>
      %dma_start3A_294 = tpu.memref_slice %arg40[%mul3A_286] : memref<10240xf32, #tpu.memory_space<vmem_shared>> -> memref<640xf32, #tpu.memory_space<vmem_shared>>
      tpu.enqueue_dma source(%arg27 : memref<640xf32, #tpu.memory_space<vmem>>) target(%dma_start3A_294 : memref<640xf32, #tpu.memory_space<vmem_shared>>) target_semaphore(%run_scoped3A : memref<!tpu.dma_semaphore, #tpu.memory_space<semaphore_mem>>)
      %dma_wait3A = tpu.memref_slice %arg40[%mul3A_286] : memref<10240xf32, #tpu.memory_space<vmem_shared>> -> memref<640xf32, #tpu.memory_space<vmem_shared>>
      %dma_wait3A_295 = tpu.memref_slice %arg40[%mul3A_286] : memref<10240xf32, #tpu.memory_space<vmem_shared>> -> memref<640xf32, #tpu.memory_space<vmem_shared>>
      tpu.wait_dma2 semaphore(%run_scoped3A : memref<!tpu.dma_semaphore, #tpu.memory_space<semaphore_mem>>) src(%arg27 : memref<640xf32, #tpu.memory_space<vmem>>) dst(%dma_wait3A_295 : memref<640xf32, #tpu.memory_space<vmem_shared>>)
      tpu.yield
    }) : () -> ()
    "tpu.region"() ({
      %run_scoped3A = tpu.sem_alloc : memref<!tpu.dma_semaphore, #tpu.memory_space<semaphore_mem>>
      %dma_start3A = tpu.memref_slice %arg41[%mul3A_286] : memref<10240xf32, #tpu.memory_space<vmem_shared>> -> memref<640xf32, #tpu.memory_space<vmem_shared>>
      %dma_start3A_294 = tpu.memref_slice %arg41[%mul3A_286] : memref<10240xf32, #tpu.memory_space<vmem_shared>> -> memref<640xf32, #tpu.memory_space<vmem_shared>>
      tpu.enqueue_dma source(%arg27 : memref<640xf32, #tpu.memory_space<vmem>>) target(%dma_start3A_294 : memref<640xf32, #tpu.memory_space<vmem_shared>>) target_semaphore(%run_scoped3A : memref<!tpu.dma_semaphore, #tpu.memory_space<semaphore_mem>>)
      %dma_wait3A = tpu.memref_slice %arg41[%mul3A_286] : memref<10240xf32, #tpu.memory_space<vmem_shared>> -> memref<640xf32, #tpu.memory_space<vmem_shared>>
      %dma_wait3A_295 = tpu.memref_slice %arg41[%mul3A_286] : memref<10240xf32, #tpu.memory_space<vmem_shared>> -> memref<640xf32, #tpu.memory_space<vmem_shared>>
      tpu.wait_dma2 semaphore(%run_scoped3A : memref<!tpu.dma_semaphore, #tpu.memory_space<semaphore_mem>>) src(%arg27 : memref<640xf32, #tpu.memory_space<vmem>>) dst(%dma_wait3A_295 : memref<640xf32, #tpu.memory_space<vmem_shared>>)
      tpu.yield
    }) : () -> ()
    %eq3A = arith.constant 0 : i32
    %eq3A_287 = arith.cmpi eq, %arg0, %eq3A : i32
    %convert_element_type3A = arith.extui %eq3A_287 : i1 to i32
    %cond3A = arith.constant 0 : i32
    %cond3A_288 = arith.cmpi ne, %convert_element_type3A, %cond3A : i32
    scf.if %cond3A_288 {
      %mul3A_294 = arith.constant 20480 : i32
      %mul3A_295 = arith.muli %arg1, %mul3A_294 : i32
      %barrier3A = arith.constant 0 : index
      tpu.barrier barrier_id(%barrier3A)
      %add3A = arith.constant 0 : i32
      %add3A_296 = arith.addi %mul3A_295, %add3A : i32
      %multiple_of3A = tpu.assume_multiple %add3A_296, 8 : i32
      "tpu.region"() ({
        %run_scoped3A = tpu.sem_alloc : memref<!tpu.dma_semaphore, #tpu.memory_space<semaphore_mem>>
        %dma_start3A_336 = tpu.memref_slice %arg2[%multiple_of3A] : memref<327680xi32, #tpu.memory_space<hbm>> -> memref<128xi32, #tpu.memory_space<hbm>>
        %dma_start3A_337 = tpu.memref_slice %arg2[%multiple_of3A] : memref<327680xi32, #tpu.memory_space<hbm>> -> memref<128xi32, #tpu.memory_space<hbm>>
        tpu.enqueue_dma source(%dma_start3A_337 : memref<128xi32, #tpu.memory_space<hbm>>) target(%arg10 : memref<128xi32, #tpu.memory_space<vmem>>) target_semaphore(%run_scoped3A : memref<!tpu.dma_semaphore, #tpu.memory_space<semaphore_mem>>)
        %dma_wait3A_338 = tpu.memref_slice %arg2[%multiple_of3A] : memref<327680xi32, #tpu.memory_space<hbm>> -> memref<128xi32, #tpu.memory_space<hbm>>
        %dma_wait3A_339 = tpu.memref_slice %arg2[%multiple_of3A] : memref<327680xi32, #tpu.memory_space<hbm>> -> memref<128xi32, #tpu.memory_space<hbm>>
        tpu.wait_dma2 semaphore(%run_scoped3A : memref<!tpu.dma_semaphore, #tpu.memory_space<semaphore_mem>>) src(%dma_wait3A_339 : memref<128xi32, #tpu.memory_space<hbm>>) dst(%arg10 : memref<128xi32, #tpu.memory_space<vmem>>)
        tpu.yield
      }) : () -> ()
      %add3A_297 = arith.constant 0 : i32
      %add3A_298 = arith.addi %mul3A_295, %add3A_297 : i32
      %multiple_of3A_299 = tpu.assume_multiple %add3A_298, 8 : i32
      "tpu.region"() ({
        %run_scoped3A = tpu.sem_alloc : memref<!tpu.dma_semaphore, #tpu.memory_space<semaphore_mem>>
        %dma_start3A_336 = tpu.memref_slice %arg3[%multiple_of3A_299] : memref<327680xi32, #tpu.memory_space<hbm>> -> memref<128xi32, #tpu.memory_space<hbm>>
        %dma_start3A_337 = tpu.memref_slice %arg3[%multiple_of3A_299] : memref<327680xi32, #tpu.memory_space<hbm>> -> memref<128xi32, #tpu.memory_space<hbm>>
        tpu.enqueue_dma source(%dma_start3A_337 : memref<128xi32, #tpu.memory_space<hbm>>) target(%arg18 : memref<128xi32, #tpu.memory_space<vmem>>) target_semaphore(%run_scoped3A : memref<!tpu.dma_semaphore, #tpu.memory_space<semaphore_mem>>)
        %dma_wait3A_338 = tpu.memref_slice %arg3[%multiple_of3A_299] : memref<327680xi32, #tpu.memory_space<hbm>> -> memref<128xi32, #tpu.memory_space<hbm>>
        %dma_wait3A_339 = tpu.memref_slice %arg3[%multiple_of3A_299] : memref<327680xi32, #tpu.memory_space<hbm>> -> memref<128xi32, #tpu.memory_space<hbm>>
        tpu.wait_dma2 semaphore(%run_scoped3A : memref<!tpu.dma_semaphore, #tpu.memory_space<semaphore_mem>>) src(%dma_wait3A_339 : memref<128xi32, #tpu.memory_space<hbm>>) dst(%arg18 : memref<128xi32, #tpu.memory_space<vmem>>)
        tpu.yield
      }) : () -> ()
      %add3A_300 = arith.constant 128 : i32
      %add3A_301 = arith.addi %mul3A_295, %add3A_300 : i32
      %multiple_of3A_302 = tpu.assume_multiple %add3A_301, 8 : i32
      %dma_start3A = tpu.memref_slice %arg2[%multiple_of3A_302] : memref<327680xi32, #tpu.memory_space<hbm>> -> memref<128xi32, #tpu.memory_space<hbm>>
      %dma_start3A_303 = tpu.memref_slice %arg2[%multiple_of3A_302] : memref<327680xi32, #tpu.memory_space<hbm>> -> memref<128xi32, #tpu.memory_space<hbm>>
      tpu.enqueue_dma source(%dma_start3A_303 : memref<128xi32, #tpu.memory_space<hbm>>) target(%arg11 : memref<128xi32, #tpu.memory_space<vmem>>) target_semaphore(%arg29 : memref<!tpu.dma_semaphore, #tpu.memory_space<semaphore_mem>>)
      %add3A_304 = arith.constant 128 : i32
      %add3A_305 = arith.addi %mul3A_295, %add3A_304 : i32
      %multiple_of3A_306 = tpu.assume_multiple %add3A_305, 8 : i32
      %dma_start3A_307 = tpu.memref_slice %arg3[%multiple_of3A_306] : memref<327680xi32, #tpu.memory_space<hbm>> -> memref<128xi32, #tpu.memory_space<hbm>>
      %dma_start3A_308 = tpu.memref_slice %arg3[%multiple_of3A_306] : memref<327680xi32, #tpu.memory_space<hbm>> -> memref<128xi32, #tpu.memory_space<hbm>>
      tpu.enqueue_dma source(%dma_start3A_308 : memref<128xi32, #tpu.memory_space<hbm>>) target(%arg19 : memref<128xi32, #tpu.memory_space<vmem>>) target_semaphore(%arg29 : memref<!tpu.dma_semaphore, #tpu.memory_space<semaphore_mem>>)
      %add3A_309 = arith.constant 256 : i32
      %add3A_310 = arith.addi %mul3A_295, %add3A_309 : i32
      %multiple_of3A_311 = tpu.assume_multiple %add3A_310, 8 : i32
      %dma_start3A_312 = tpu.memref_slice %arg2[%multiple_of3A_311] : memref<327680xi32, #tpu.memory_space<hbm>> -> memref<128xi32, #tpu.memory_space<hbm>>
      %dma_start3A_313 = tpu.memref_slice %arg2[%multiple_of3A_311] : memref<327680xi32, #tpu.memory_space<hbm>> -> memref<128xi32, #tpu.memory_space<hbm>>
      tpu.enqueue_dma source(%dma_start3A_313 : memref<128xi32, #tpu.memory_space<hbm>>) target(%arg12 : memref<128xi32, #tpu.memory_space<vmem>>) target_semaphore(%arg30 : memref<!tpu.dma_semaphore, #tpu.memory_space<semaphore_mem>>)
      %add3A_314 = arith.constant 256 : i32
      %add3A_315 = arith.addi %mul3A_295, %add3A_314 : i32
      %multiple_of3A_316 = tpu.assume_multiple %add3A_315, 8 : i32
      %dma_start3A_317 = tpu.memref_slice %arg3[%multiple_of3A_316] : memref<327680xi32, #tpu.memory_space<hbm>> -> memref<128xi32, #tpu.memory_space<hbm>>
      %dma_start3A_318 = tpu.memref_slice %arg3[%multiple_of3A_316] : memref<327680xi32, #tpu.memory_space<hbm>> -> memref<128xi32, #tpu.memory_space<hbm>>
      tpu.enqueue_dma source(%dma_start3A_318 : memref<128xi32, #tpu.memory_space<hbm>>) target(%arg20 : memref<128xi32, #tpu.memory_space<vmem>>) target_semaphore(%arg30 : memref<!tpu.dma_semaphore, #tpu.memory_space<semaphore_mem>>)
      %scan3A = arith.constant 0 : i32
      %scan3A_319 = arith.constant 0 : i32
      %scan3A_320 = arith.constant 20 : i32
      %scan3A_321 = arith.addi %scan3A_319, %scan3A_320 : i32
      %scan3A_322 = arith.constant 1 : i32
      scf.for %scan3A_336 = %scan3A_319 to %scan3A_321 step %scan3A_322  : i32 {
        %mul3A_337 = arith.constant 8 : i32
        %mul3A_338 = arith.muli %scan3A_336, %mul3A_337 : i32
        %add3A_339 = arith.constant 0 : i32
        %add3A_340 = arith.addi %mul3A_338, %add3A_339 : i32
        %ge3A = arith.constant 3 : i32
        %ge3A_341 = arith.cmpi sge, %add3A_340, %ge3A : i32
        %convert_element_type3A_342 = arith.extui %ge3A_341 : i1 to i32
        %cond3A_343 = arith.constant 0 : i32
        %cond3A_344 = arith.cmpi ne, %convert_element_type3A_342, %cond3A_343 : i32
        scf.if %cond3A_344 {
          %dma_wait3A_519 = arith.constant 0 : i32
          %dma_wait3A_520 = tpu.memref_slice %arg40[%dma_wait3A_519] : memref<10240xf32, #tpu.memory_space<vmem_shared>> -> memref<10240xf32, #tpu.memory_space<vmem_shared>>
          tpu.wait_indirect_dma semaphore(%arg37 : memref<!tpu.dma_semaphore, #tpu.memory_space<semaphore_mem>>) src(%arg26 : memref<128xf32, #tpu.memory_space<vmem>>) dst(%dma_wait3A_520 : memref<10240xf32, #tpu.memory_space<vmem_shared>>)
          %dma_wait3A_521 = arith.constant 0 : i32
          %dma_wait3A_522 = tpu.memref_slice %arg41[%dma_wait3A_521] : memref<10240xf32, #tpu.memory_space<vmem_shared>> -> memref<10240xf32, #tpu.memory_space<vmem_shared>>
          tpu.wait_indirect_dma semaphore(%arg37 : memref<!tpu.dma_semaphore, #tpu.memory_space<semaphore_mem>>) src(%arg26 : memref<128xf32, #tpu.memory_space<vmem>>) dst(%dma_wait3A_522 : memref<10240xf32, #tpu.memory_space<vmem_shared>>)
        } else {
        }
        %dma_start3A_345 = arith.constant 0 : i32
        %dma_start3A_346 = tpu.memref_slice %arg40[%dma_start3A_345] : memref<10240xf32, #tpu.memory_space<vmem_shared>> -> memref<10240xf32, #tpu.memory_space<vmem_shared>>
        tpu.enqueue_indirect_dma source(%arg26 : memref<128xf32, #tpu.memory_space<vmem>>) target(%dma_start3A_346 : memref<10240xf32, #tpu.memory_space<vmem_shared>>) offsets(%arg10 : memref<128xi32, #tpu.memory_space<vmem>>) semaphore(%arg36 : memref<!tpu.dma_semaphore, #tpu.memory_space<semaphore_mem>>) {add = true}
        %dma_start3A_347 = arith.constant 0 : i32
        %dma_start3A_348 = tpu.memref_slice %arg41[%dma_start3A_347] : memref<10240xf32, #tpu.memory_space<vmem_shared>> -> memref<10240xf32, #tpu.memory_space<vmem_shared>>
        tpu.enqueue_indirect_dma source(%arg26 : memref<128xf32, #tpu.memory_space<vmem>>) target(%dma_start3A_348 : memref<10240xf32, #tpu.memory_space<vmem_shared>>) offsets(%arg18 : memref<128xi32, #tpu.memory_space<vmem>>) semaphore(%arg36 : memref<!tpu.dma_semaphore, #tpu.memory_space<semaphore_mem>>) {add = true}
        %lt3A = arith.constant 157 : i32
        %lt3A_349 = arith.cmpi slt, %add3A_340, %lt3A : i32
        %convert_element_type3A_350 = arith.extui %lt3A_349 : i1 to i32
        %cond3A_351 = arith.constant 0 : i32
        %cond3A_352 = arith.cmpi ne, %convert_element_type3A_350, %cond3A_351 : i32
        scf.if %cond3A_352 {
          %add3A_519 = arith.constant 3 : i32
          %add3A_520 = arith.addi %add3A_340, %add3A_519 : i32
          %mul3A_521 = arith.constant 128 : i32
          %mul3A_522 = arith.muli %add3A_520, %mul3A_521 : i32
          %add3A_523 = arith.addi %mul3A_295, %mul3A_522 : i32
          %multiple_of3A_524 = tpu.assume_multiple %add3A_523, 8 : i32
          %dma_start3A_525 = tpu.memref_slice %arg2[%multiple_of3A_524] : memref<327680xi32, #tpu.memory_space<hbm>> -> memref<128xi32, #tpu.memory_space<hbm>>
          %dma_start3A_526 = tpu.memref_slice %arg2[%multiple_of3A_524] : memref<327680xi32, #tpu.memory_space<hbm>> -> memref<128xi32, #tpu.memory_space<hbm>>
          tpu.enqueue_dma source(%dma_start3A_526 : memref<128xi32, #tpu.memory_space<hbm>>) target(%arg13 : memref<128xi32, #tpu.memory_space<vmem>>) target_semaphore(%arg31 : memref<!tpu.dma_semaphore, #tpu.memory_space<semaphore_mem>>)
          %add3A_527 = arith.constant 3 : i32
          %add3A_528 = arith.addi %add3A_340, %add3A_527 : i32
          %mul3A_529 = arith.constant 128 : i32
          %mul3A_530 = arith.muli %add3A_528, %mul3A_529 : i32
          %add3A_531 = arith.addi %mul3A_295, %mul3A_530 : i32
          %multiple_of3A_532 = tpu.assume_multiple %add3A_531, 8 : i32
          %dma_start3A_533 = tpu.memref_slice %arg3[%multiple_of3A_532] : memref<327680xi32, #tpu.memory_space<hbm>> -> memref<128xi32, #tpu.memory_space<hbm>>
          %dma_start3A_534 = tpu.memref_slice %arg3[%multiple_of3A_532] : memref<327680xi32, #tpu.memory_space<hbm>> -> memref<128xi32, #tpu.memory_space<hbm>>
          tpu.enqueue_dma source(%dma_start3A_534 : memref<128xi32, #tpu.memory_space<hbm>>) target(%arg21 : memref<128xi32, #tpu.memory_space<vmem>>) target_semaphore(%arg31 : memref<!tpu.dma_semaphore, #tpu.memory_space<semaphore_mem>>)
        } else {
        }
        %lt3A_353 = arith.constant 159 : i32
        %lt3A_354 = arith.cmpi slt, %add3A_340, %lt3A_353 : i32
        %convert_element_type3A_355 = arith.extui %lt3A_354 : i1 to i32
        %cond3A_356 = arith.constant 0 : i32
        %cond3A_357 = arith.cmpi ne, %convert_element_type3A_355, %cond3A_356 : i32
        scf.if %cond3A_357 {
          %add3A_519 = arith.constant 0 : i32
          %add3A_520 = arith.addi %mul3A_295, %add3A_519 : i32
          %multiple_of3A_521 = tpu.assume_multiple %add3A_520, 8 : i32
          %dma_wait3A_522 = tpu.memref_slice %arg2[%multiple_of3A_521] : memref<327680xi32, #tpu.memory_space<hbm>> -> memref<128xi32, #tpu.memory_space<hbm>>
          %dma_wait3A_523 = tpu.memref_slice %arg2[%multiple_of3A_521] : memref<327680xi32, #tpu.memory_space<hbm>> -> memref<128xi32, #tpu.memory_space<hbm>>
          tpu.wait_dma2 semaphore(%arg29 : memref<!tpu.dma_semaphore, #tpu.memory_space<semaphore_mem>>) src(%dma_wait3A_523 : memref<128xi32, #tpu.memory_space<hbm>>) dst(%arg11 : memref<128xi32, #tpu.memory_space<vmem>>)
          %add3A_524 = arith.constant 0 : i32
          %add3A_525 = arith.addi %mul3A_295, %add3A_524 : i32
          %multiple_of3A_526 = tpu.assume_multiple %add3A_525, 8 : i32
          %dma_wait3A_527 = tpu.memref_slice %arg3[%multiple_of3A_526] : memref<327680xi32, #tpu.memory_space<hbm>> -> memref<128xi32, #tpu.memory_space<hbm>>
          %dma_wait3A_528 = tpu.memref_slice %arg3[%multiple_of3A_526] : memref<327680xi32, #tpu.memory_space<hbm>> -> memref<128xi32, #tpu.memory_space<hbm>>
          tpu.wait_dma2 semaphore(%arg29 : memref<!tpu.dma_semaphore, #tpu.memory_space<semaphore_mem>>) src(%dma_wait3A_528 : memref<128xi32, #tpu.memory_space<hbm>>) dst(%arg19 : memref<128xi32, #tpu.memory_space<vmem>>)
        } else {
        }
        %mul3A_358 = arith.constant 8 : i32
        %mul3A_359 = arith.muli %scan3A_336, %mul3A_358 : i32
        %add3A_360 = arith.constant 1 : i32
        %add3A_361 = arith.addi %mul3A_359, %add3A_360 : i32
        %ge3A_362 = arith.constant 3 : i32
        %ge3A_363 = arith.cmpi sge, %add3A_361, %ge3A_362 : i32
        %convert_element_type3A_364 = arith.extui %ge3A_363 : i1 to i32
        %cond3A_365 = arith.constant 0 : i32
        %cond3A_366 = arith.cmpi ne, %convert_element_type3A_364, %cond3A_365 : i32
        scf.if %cond3A_366 {
          %dma_wait3A_519 = arith.constant 0 : i32
          %dma_wait3A_520 = tpu.memref_slice %arg40[%dma_wait3A_519] : memref<10240xf32, #tpu.memory_space<vmem_shared>> -> memref<10240xf32, #tpu.memory_space<vmem_shared>>
          tpu.wait_indirect_dma semaphore(%arg38 : memref<!tpu.dma_semaphore, #tpu.memory_space<semaphore_mem>>) src(%arg26 : memref<128xf32, #tpu.memory_space<vmem>>) dst(%dma_wait3A_520 : memref<10240xf32, #tpu.memory_space<vmem_shared>>)
          %dma_wait3A_521 = arith.constant 0 : i32
          %dma_wait3A_522 = tpu.memref_slice %arg41[%dma_wait3A_521] : memref<10240xf32, #tpu.memory_space<vmem_shared>> -> memref<10240xf32, #tpu.memory_space<vmem_shared>>
          tpu.wait_indirect_dma semaphore(%arg38 : memref<!tpu.dma_semaphore, #tpu.memory_space<semaphore_mem>>) src(%arg26 : memref<128xf32, #tpu.memory_space<vmem>>) dst(%dma_wait3A_522 : memref<10240xf32, #tpu.memory_space<vmem_shared>>)
        } else {
        }
        %dma_start3A_367 = arith.constant 0 : i32
        %dma_start3A_368 = tpu.memref_slice %arg40[%dma_start3A_367] : memref<10240xf32, #tpu.memory_space<vmem_shared>> -> memref<10240xf32, #tpu.memory_space<vmem_shared>>
        tpu.enqueue_indirect_dma source(%arg26 : memref<128xf32, #tpu.memory_space<vmem>>) target(%dma_start3A_368 : memref<10240xf32, #tpu.memory_space<vmem_shared>>) offsets(%arg11 : memref<128xi32, #tpu.memory_space<vmem>>) semaphore(%arg37 : memref<!tpu.dma_semaphore, #tpu.memory_space<semaphore_mem>>) {add = true}
        %dma_start3A_369 = arith.constant 0 : i32
        %dma_start3A_370 = tpu.memref_slice %arg41[%dma_start3A_369] : memref<10240xf32, #tpu.memory_space<vmem_shared>> -> memref<10240xf32, #tpu.memory_space<vmem_shared>>
        tpu.enqueue_indirect_dma source(%arg26 : memref<128xf32, #tpu.memory_space<vmem>>) target(%dma_start3A_370 : memref<10240xf32, #tpu.memory_space<vmem_shared>>) offsets(%arg19 : memref<128xi32, #tpu.memory_space<vmem>>) semaphore(%arg37 : memref<!tpu.dma_semaphore, #tpu.memory_space<semaphore_mem>>) {add = true}
        %lt3A_371 = arith.constant 157 : i32
        %lt3A_372 = arith.cmpi slt, %add3A_361, %lt3A_371 : i32
        %convert_element_type3A_373 = arith.extui %lt3A_372 : i1 to i32
        %cond3A_374 = arith.constant 0 : i32
        %cond3A_375 = arith.cmpi ne, %convert_element_type3A_373, %cond3A_374 : i32
        scf.if %cond3A_375 {
          %add3A_519 = arith.constant 3 : i32
          %add3A_520 = arith.addi %add3A_361, %add3A_519 : i32
          %mul3A_521 = arith.constant 128 : i32
          %mul3A_522 = arith.muli %add3A_520, %mul3A_521 : i32
          %add3A_523 = arith.addi %mul3A_295, %mul3A_522 : i32
          %multiple_of3A_524 = tpu.assume_multiple %add3A_523, 8 : i32
          %dma_start3A_525 = tpu.memref_slice %arg2[%multiple_of3A_524] : memref<327680xi32, #tpu.memory_space<hbm>> -> memref<128xi32, #tpu.memory_space<hbm>>
          %dma_start3A_526 = tpu.memref_slice %arg2[%multiple_of3A_524] : memref<327680xi32, #tpu.memory_space<hbm>> -> memref<128xi32, #tpu.memory_space<hbm>>
          tpu.enqueue_dma source(%dma_start3A_526 : memref<128xi32, #tpu.memory_space<hbm>>) target(%arg14 : memref<128xi32, #tpu.memory_space<vmem>>) target_semaphore(%arg32 : memref<!tpu.dma_semaphore, #tpu.memory_space<semaphore_mem>>)
          %add3A_527 = arith.constant 3 : i32
          %add3A_528 = arith.addi %add3A_361, %add3A_527 : i32
          %mul3A_529 = arith.constant 128 : i32
          %mul3A_530 = arith.muli %add3A_528, %mul3A_529 : i32
          %add3A_531 = arith.addi %mul3A_295, %mul3A_530 : i32
          %multiple_of3A_532 = tpu.assume_multiple %add3A_531, 8 : i32
          %dma_start3A_533 = tpu.memref_slice %arg3[%multiple_of3A_532] : memref<327680xi32, #tpu.memory_space<hbm>> -> memref<128xi32, #tpu.memory_space<hbm>>
          %dma_start3A_534 = tpu.memref_slice %arg3[%multiple_of3A_532] : memref<327680xi32, #tpu.memory_space<hbm>> -> memref<128xi32, #tpu.memory_space<hbm>>
          tpu.enqueue_dma source(%dma_start3A_534 : memref<128xi32, #tpu.memory_space<hbm>>) target(%arg22 : memref<128xi32, #tpu.memory_space<vmem>>) target_semaphore(%arg32 : memref<!tpu.dma_semaphore, #tpu.memory_space<semaphore_mem>>)
        } else {
        }
        %lt3A_376 = arith.constant 159 : i32
        %lt3A_377 = arith.cmpi slt, %add3A_361, %lt3A_376 : i32
        %convert_element_type3A_378 = arith.extui %lt3A_377 : i1 to i32
        %cond3A_379 = arith.constant 0 : i32
        %cond3A_380 = arith.cmpi ne, %convert_element_type3A_378, %cond3A_379 : i32
        scf.if %cond3A_380 {
          %add3A_519 = arith.constant 0 : i32
          %add3A_520 = arith.addi %mul3A_295, %add3A_519 : i32
          %multiple_of3A_521 = tpu.assume_multiple %add3A_520, 8 : i32
          %dma_wait3A_522 = tpu.memref_slice %arg2[%multiple_of3A_521] : memref<327680xi32, #tpu.memory_space<hbm>> -> memref<128xi32, #tpu.memory_space<hbm>>
          %dma_wait3A_523 = tpu.memref_slice %arg2[%multiple_of3A_521] : memref<327680xi32, #tpu.memory_space<hbm>> -> memref<128xi32, #tpu.memory_space<hbm>>
          tpu.wait_dma2 semaphore(%arg30 : memref<!tpu.dma_semaphore, #tpu.memory_space<semaphore_mem>>) src(%dma_wait3A_523 : memref<128xi32, #tpu.memory_space<hbm>>) dst(%arg12 : memref<128xi32, #tpu.memory_space<vmem>>)
          %add3A_524 = arith.constant 0 : i32
          %add3A_525 = arith.addi %mul3A_295, %add3A_524 : i32
          %multiple_of3A_526 = tpu.assume_multiple %add3A_525, 8 : i32
          %dma_wait3A_527 = tpu.memref_slice %arg3[%multiple_of3A_526] : memref<327680xi32, #tpu.memory_space<hbm>> -> memref<128xi32, #tpu.memory_space<hbm>>
          %dma_wait3A_528 = tpu.memref_slice %arg3[%multiple_of3A_526] : memref<327680xi32, #tpu.memory_space<hbm>> -> memref<128xi32, #tpu.memory_space<hbm>>
          tpu.wait_dma2 semaphore(%arg30 : memref<!tpu.dma_semaphore, #tpu.memory_space<semaphore_mem>>) src(%dma_wait3A_528 : memref<128xi32, #tpu.memory_space<hbm>>) dst(%arg20 : memref<128xi32, #tpu.memory_space<vmem>>)
        } else {
        }
        %mul3A_381 = arith.constant 8 : i32
        %mul3A_382 = arith.muli %scan3A_336, %mul3A_381 : i32
        %add3A_383 = arith.constant 2 : i32
        %add3A_384 = arith.addi %mul3A_382, %add3A_383 : i32
        %ge3A_385 = arith.constant 3 : i32
        %ge3A_386 = arith.cmpi sge, %add3A_384, %ge3A_385 : i32
        %convert_element_type3A_387 = arith.extui %ge3A_386 : i1 to i32
        %cond3A_388 = arith.constant 0 : i32
        %cond3A_389 = arith.cmpi ne, %convert_element_type3A_387, %cond3A_388 : i32
        scf.if %cond3A_389 {
          %dma_wait3A_519 = arith.constant 0 : i32
          %dma_wait3A_520 = tpu.memref_slice %arg40[%dma_wait3A_519] : memref<10240xf32, #tpu.memory_space<vmem_shared>> -> memref<10240xf32, #tpu.memory_space<vmem_shared>>
          tpu.wait_indirect_dma semaphore(%arg39 : memref<!tpu.dma_semaphore, #tpu.memory_space<semaphore_mem>>) src(%arg26 : memref<128xf32, #tpu.memory_space<vmem>>) dst(%dma_wait3A_520 : memref<10240xf32, #tpu.memory_space<vmem_shared>>)
          %dma_wait3A_521 = arith.constant 0 : i32
          %dma_wait3A_522 = tpu.memref_slice %arg41[%dma_wait3A_521] : memref<10240xf32, #tpu.memory_space<vmem_shared>> -> memref<10240xf32, #tpu.memory_space<vmem_shared>>
          tpu.wait_indirect_dma semaphore(%arg39 : memref<!tpu.dma_semaphore, #tpu.memory_space<semaphore_mem>>) src(%arg26 : memref<128xf32, #tpu.memory_space<vmem>>) dst(%dma_wait3A_522 : memref<10240xf32, #tpu.memory_space<vmem_shared>>)
        } else {
        }
        %dma_start3A_390 = arith.constant 0 : i32
        %dma_start3A_391 = tpu.memref_slice %arg40[%dma_start3A_390] : memref<10240xf32, #tpu.memory_space<vmem_shared>> -> memref<10240xf32, #tpu.memory_space<vmem_shared>>
        tpu.enqueue_indirect_dma source(%arg26 : memref<128xf32, #tpu.memory_space<vmem>>) target(%dma_start3A_391 : memref<10240xf32, #tpu.memory_space<vmem_shared>>) offsets(%arg12 : memref<128xi32, #tpu.memory_space<vmem>>) semaphore(%arg38 : memref<!tpu.dma_semaphore, #tpu.memory_space<semaphore_mem>>) {add = true}
        %dma_start3A_392 = arith.constant 0 : i32
        %dma_start3A_393 = tpu.memref_slice %arg41[%dma_start3A_392] : memref<10240xf32, #tpu.memory_space<vmem_shared>> -> memref<10240xf32, #tpu.memory_space<vmem_shared>>
        tpu.enqueue_indirect_dma source(%arg26 : memref<128xf32, #tpu.memory_space<vmem>>) target(%dma_start3A_393 : memref<10240xf32, #tpu.memory_space<vmem_shared>>) offsets(%arg20 : memref<128xi32, #tpu.memory_space<vmem>>) semaphore(%arg38 : memref<!tpu.dma_semaphore, #tpu.memory_space<semaphore_mem>>) {add = true}
        %lt3A_394 = arith.constant 157 : i32
        %lt3A_395 = arith.cmpi slt, %add3A_384, %lt3A_394 : i32
        %convert_element_type3A_396 = arith.extui %lt3A_395 : i1 to i32
        %cond3A_397 = arith.constant 0 : i32
        %cond3A_398 = arith.cmpi ne, %convert_element_type3A_396, %cond3A_397 : i32
        scf.if %cond3A_398 {
          %add3A_519 = arith.constant 3 : i32
          %add3A_520 = arith.addi %add3A_384, %add3A_519 : i32
          %mul3A_521 = arith.constant 128 : i32
          %mul3A_522 = arith.muli %add3A_520, %mul3A_521 : i32
          %add3A_523 = arith.addi %mul3A_295, %mul3A_522 : i32
          %multiple_of3A_524 = tpu.assume_multiple %add3A_523, 8 : i32
          %dma_start3A_525 = tpu.memref_slice %arg2[%multiple_of3A_524] : memref<327680xi32, #tpu.memory_space<hbm>> -> memref<128xi32, #tpu.memory_space<hbm>>
          %dma_start3A_526 = tpu.memref_slice %arg2[%multiple_of3A_524] : memref<327680xi32, #tpu.memory_space<hbm>> -> memref<128xi32, #tpu.memory_space<hbm>>
          tpu.enqueue_dma source(%dma_start3A_526 : memref<128xi32, #tpu.memory_space<hbm>>) target(%arg15 : memref<128xi32, #tpu.memory_space<vmem>>) target_semaphore(%arg33 : memref<!tpu.dma_semaphore, #tpu.memory_space<semaphore_mem>>)
          %add3A_527 = arith.constant 3 : i32
          %add3A_528 = arith.addi %add3A_384, %add3A_527 : i32
          %mul3A_529 = arith.constant 128 : i32
          %mul3A_530 = arith.muli %add3A_528, %mul3A_529 : i32
          %add3A_531 = arith.addi %mul3A_295, %mul3A_530 : i32
          %multiple_of3A_532 = tpu.assume_multiple %add3A_531, 8 : i32
          %dma_start3A_533 = tpu.memref_slice %arg3[%multiple_of3A_532] : memref<327680xi32, #tpu.memory_space<hbm>> -> memref<128xi32, #tpu.memory_space<hbm>>
          %dma_start3A_534 = tpu.memref_slice %arg3[%multiple_of3A_532] : memref<327680xi32, #tpu.memory_space<hbm>> -> memref<128xi32, #tpu.memory_space<hbm>>
          tpu.enqueue_dma source(%dma_start3A_534 : memref<128xi32, #tpu.memory_space<hbm>>) target(%arg23 : memref<128xi32, #tpu.memory_space<vmem>>) target_semaphore(%arg33 : memref<!tpu.dma_semaphore, #tpu.memory_space<semaphore_mem>>)
        } else {
        }
        %lt3A_399 = arith.constant 159 : i32
        %lt3A_400 = arith.cmpi slt, %add3A_384, %lt3A_399 : i32
        %convert_element_type3A_401 = arith.extui %lt3A_400 : i1 to i32
        %cond3A_402 = arith.constant 0 : i32
        %cond3A_403 = arith.cmpi ne, %convert_element_type3A_401, %cond3A_402 : i32
        scf.if %cond3A_403 {
          %add3A_519 = arith.constant 0 : i32
          %add3A_520 = arith.addi %mul3A_295, %add3A_519 : i32
          %multiple_of3A_521 = tpu.assume_multiple %add3A_520, 8 : i32
          %dma_wait3A_522 = tpu.memref_slice %arg2[%multiple_of3A_521] : memref<327680xi32, #tpu.memory_space<hbm>> -> memref<128xi32, #tpu.memory_space<hbm>>
          %dma_wait3A_523 = tpu.memref_slice %arg2[%multiple_of3A_521] : memref<327680xi32, #tpu.memory_space<hbm>> -> memref<128xi32, #tpu.memory_space<hbm>>
          tpu.wait_dma2 semaphore(%arg31 : memref<!tpu.dma_semaphore, #tpu.memory_space<semaphore_mem>>) src(%dma_wait3A_523 : memref<128xi32, #tpu.memory_space<hbm>>) dst(%arg13 : memref<128xi32, #tpu.memory_space<vmem>>)
          %add3A_524 = arith.constant 0 : i32
          %add3A_525 = arith.addi %mul3A_295, %add3A_524 : i32
          %multiple_of3A_526 = tpu.assume_multiple %add3A_525, 8 : i32
          %dma_wait3A_527 = tpu.memref_slice %arg3[%multiple_of3A_526] : memref<327680xi32, #tpu.memory_space<hbm>> -> memref<128xi32, #tpu.memory_space<hbm>>
          %dma_wait3A_528 = tpu.memref_slice %arg3[%multiple_of3A_526] : memref<327680xi32, #tpu.memory_space<hbm>> -> memref<128xi32, #tpu.memory_space<hbm>>
          tpu.wait_dma2 semaphore(%arg31 : memref<!tpu.dma_semaphore, #tpu.memory_space<semaphore_mem>>) src(%dma_wait3A_528 : memref<128xi32, #tpu.memory_space<hbm>>) dst(%arg21 : memref<128xi32, #tpu.memory_space<vmem>>)
        } else {
        }
        %mul3A_404 = arith.constant 8 : i32
        %mul3A_405 = arith.muli %scan3A_336, %mul3A_404 : i32
        %add3A_406 = arith.constant 3 : i32
        %add3A_407 = arith.addi %mul3A_405, %add3A_406 : i32
        %ge3A_408 = arith.constant 3 : i32
        %ge3A_409 = arith.cmpi sge, %add3A_407, %ge3A_408 : i32
        %convert_element_type3A_410 = arith.extui %ge3A_409 : i1 to i32
        %cond3A_411 = arith.constant 0 : i32
        %cond3A_412 = arith.cmpi ne, %convert_element_type3A_410, %cond3A_411 : i32
        scf.if %cond3A_412 {
          %dma_wait3A_519 = arith.constant 0 : i32
          %dma_wait3A_520 = tpu.memref_slice %arg40[%dma_wait3A_519] : memref<10240xf32, #tpu.memory_space<vmem_shared>> -> memref<10240xf32, #tpu.memory_space<vmem_shared>>
          tpu.wait_indirect_dma semaphore(%arg36 : memref<!tpu.dma_semaphore, #tpu.memory_space<semaphore_mem>>) src(%arg26 : memref<128xf32, #tpu.memory_space<vmem>>) dst(%dma_wait3A_520 : memref<10240xf32, #tpu.memory_space<vmem_shared>>)
          %dma_wait3A_521 = arith.constant 0 : i32
          %dma_wait3A_522 = tpu.memref_slice %arg41[%dma_wait3A_521] : memref<10240xf32, #tpu.memory_space<vmem_shared>> -> memref<10240xf32, #tpu.memory_space<vmem_shared>>
          tpu.wait_indirect_dma semaphore(%arg36 : memref<!tpu.dma_semaphore, #tpu.memory_space<semaphore_mem>>) src(%arg26 : memref<128xf32, #tpu.memory_space<vmem>>) dst(%dma_wait3A_522 : memref<10240xf32, #tpu.memory_space<vmem_shared>>)
        } else {
        }
        %dma_start3A_413 = arith.constant 0 : i32
        %dma_start3A_414 = tpu.memref_slice %arg40[%dma_start3A_413] : memref<10240xf32, #tpu.memory_space<vmem_shared>> -> memref<10240xf32, #tpu.memory_space<vmem_shared>>
        tpu.enqueue_indirect_dma source(%arg26 : memref<128xf32, #tpu.memory_space<vmem>>) target(%dma_start3A_414 : memref<10240xf32, #tpu.memory_space<vmem_shared>>) offsets(%arg13 : memref<128xi32, #tpu.memory_space<vmem>>) semaphore(%arg39 : memref<!tpu.dma_semaphore, #tpu.memory_space<semaphore_mem>>) {add = true}
        %dma_start3A_415 = arith.constant 0 : i32
        %dma_start3A_416 = tpu.memref_slice %arg41[%dma_start3A_415] : memref<10240xf32, #tpu.memory_space<vmem_shared>> -> memref<10240xf32, #tpu.memory_space<vmem_shared>>
        tpu.enqueue_indirect_dma source(%arg26 : memref<128xf32, #tpu.memory_space<vmem>>) target(%dma_start3A_416 : memref<10240xf32, #tpu.memory_space<vmem_shared>>) offsets(%arg21 : memref<128xi32, #tpu.memory_space<vmem>>) semaphore(%arg39 : memref<!tpu.dma_semaphore, #tpu.memory_space<semaphore_mem>>) {add = true}
        %lt3A_417 = arith.constant 157 : i32
        %lt3A_418 = arith.cmpi slt, %add3A_407, %lt3A_417 : i32
        %convert_element_type3A_419 = arith.extui %lt3A_418 : i1 to i32
        %cond3A_420 = arith.constant 0 : i32
        %cond3A_421 = arith.cmpi ne, %convert_element_type3A_419, %cond3A_420 : i32
        scf.if %cond3A_421 {
          %add3A_519 = arith.constant 3 : i32
          %add3A_520 = arith.addi %add3A_407, %add3A_519 : i32
          %mul3A_521 = arith.constant 128 : i32
          %mul3A_522 = arith.muli %add3A_520, %mul3A_521 : i32
          %add3A_523 = arith.addi %mul3A_295, %mul3A_522 : i32
          %multiple_of3A_524 = tpu.assume_multiple %add3A_523, 8 : i32
          %dma_start3A_525 = tpu.memref_slice %arg2[%multiple_of3A_524] : memref<327680xi32, #tpu.memory_space<hbm>> -> memref<128xi32, #tpu.memory_space<hbm>>
          %dma_start3A_526 = tpu.memref_slice %arg2[%multiple_of3A_524] : memref<327680xi32, #tpu.memory_space<hbm>> -> memref<128xi32, #tpu.memory_space<hbm>>
          tpu.enqueue_dma source(%dma_start3A_526 : memref<128xi32, #tpu.memory_space<hbm>>) target(%arg16 : memref<128xi32, #tpu.memory_space<vmem>>) target_semaphore(%arg34 : memref<!tpu.dma_semaphore, #tpu.memory_space<semaphore_mem>>)
          %add3A_527 = arith.constant 3 : i32
          %add3A_528 = arith.addi %add3A_407, %add3A_527 : i32
          %mul3A_529 = arith.constant 128 : i32
          %mul3A_530 = arith.muli %add3A_528, %mul3A_529 : i32
          %add3A_531 = arith.addi %mul3A_295, %mul3A_530 : i32
          %multiple_of3A_532 = tpu.assume_multiple %add3A_531, 8 : i32
          %dma_start3A_533 = tpu.memref_slice %arg3[%multiple_of3A_532] : memref<327680xi32, #tpu.memory_space<hbm>> -> memref<128xi32, #tpu.memory_space<hbm>>
          %dma_start3A_534 = tpu.memref_slice %arg3[%multiple_of3A_532] : memref<327680xi32, #tpu.memory_space<hbm>> -> memref<128xi32, #tpu.memory_space<hbm>>
          tpu.enqueue_dma source(%dma_start3A_534 : memref<128xi32, #tpu.memory_space<hbm>>) target(%arg24 : memref<128xi32, #tpu.memory_space<vmem>>) target_semaphore(%arg34 : memref<!tpu.dma_semaphore, #tpu.memory_space<semaphore_mem>>)
        } else {
        }
        %lt3A_422 = arith.constant 159 : i32
        %lt3A_423 = arith.cmpi slt, %add3A_407, %lt3A_422 : i32
        %convert_element_type3A_424 = arith.extui %lt3A_423 : i1 to i32
        %cond3A_425 = arith.constant 0 : i32
        %cond3A_426 = arith.cmpi ne, %convert_element_type3A_424, %cond3A_425 : i32
        scf.if %cond3A_426 {
          %add3A_519 = arith.constant 0 : i32
          %add3A_520 = arith.addi %mul3A_295, %add3A_519 : i32
          %multiple_of3A_521 = tpu.assume_multiple %add3A_520, 8 : i32
          %dma_wait3A_522 = tpu.memref_slice %arg2[%multiple_of3A_521] : memref<327680xi32, #tpu.memory_space<hbm>> -> memref<128xi32, #tpu.memory_space<hbm>>
          %dma_wait3A_523 = tpu.memref_slice %arg2[%multiple_of3A_521] : memref<327680xi32, #tpu.memory_space<hbm>> -> memref<128xi32, #tpu.memory_space<hbm>>
          tpu.wait_dma2 semaphore(%arg32 : memref<!tpu.dma_semaphore, #tpu.memory_space<semaphore_mem>>) src(%dma_wait3A_523 : memref<128xi32, #tpu.memory_space<hbm>>) dst(%arg14 : memref<128xi32, #tpu.memory_space<vmem>>)
          %add3A_524 = arith.constant 0 : i32
          %add3A_525 = arith.addi %mul3A_295, %add3A_524 : i32
          %multiple_of3A_526 = tpu.assume_multiple %add3A_525, 8 : i32
          %dma_wait3A_527 = tpu.memref_slice %arg3[%multiple_of3A_526] : memref<327680xi32, #tpu.memory_space<hbm>> -> memref<128xi32, #tpu.memory_space<hbm>>
          %dma_wait3A_528 = tpu.memref_slice %arg3[%multiple_of3A_526] : memref<327680xi32, #tpu.memory_space<hbm>> -> memref<128xi32, #tpu.memory_space<hbm>>
          tpu.wait_dma2 semaphore(%arg32 : memref<!tpu.dma_semaphore, #tpu.memory_space<semaphore_mem>>) src(%dma_wait3A_528 : memref<128xi32, #tpu.memory_space<hbm>>) dst(%arg22 : memref<128xi32, #tpu.memory_space<vmem>>)
        } else {
        }
        %mul3A_427 = arith.constant 8 : i32
        %mul3A_428 = arith.muli %scan3A_336, %mul3A_427 : i32
        %add3A_429 = arith.constant 4 : i32
        %add3A_430 = arith.addi %mul3A_428, %add3A_429 : i32
        %ge3A_431 = arith.constant 3 : i32
        %ge3A_432 = arith.cmpi sge, %add3A_430, %ge3A_431 : i32
        %convert_element_type3A_433 = arith.extui %ge3A_432 : i1 to i32
        %cond3A_434 = arith.constant 0 : i32
        %cond3A_435 = arith.cmpi ne, %convert_element_type3A_433, %cond3A_434 : i32
        scf.if %cond3A_435 {
          %dma_wait3A_519 = arith.constant 0 : i32
          %dma_wait3A_520 = tpu.memref_slice %arg40[%dma_wait3A_519] : memref<10240xf32, #tpu.memory_space<vmem_shared>> -> memref<10240xf32, #tpu.memory_space<vmem_shared>>
          tpu.wait_indirect_dma semaphore(%arg37 : memref<!tpu.dma_semaphore, #tpu.memory_space<semaphore_mem>>) src(%arg26 : memref<128xf32, #tpu.memory_space<vmem>>) dst(%dma_wait3A_520 : memref<10240xf32, #tpu.memory_space<vmem_shared>>)
          %dma_wait3A_521 = arith.constant 0 : i32
          %dma_wait3A_522 = tpu.memref_slice %arg41[%dma_wait3A_521] : memref<10240xf32, #tpu.memory_space<vmem_shared>> -> memref<10240xf32, #tpu.memory_space<vmem_shared>>
          tpu.wait_indirect_dma semaphore(%arg37 : memref<!tpu.dma_semaphore, #tpu.memory_space<semaphore_mem>>) src(%arg26 : memref<128xf32, #tpu.memory_space<vmem>>) dst(%dma_wait3A_522 : memref<10240xf32, #tpu.memory_space<vmem_shared>>)
        } else {
        }
        %dma_start3A_436 = arith.constant 0 : i32
        %dma_start3A_437 = tpu.memref_slice %arg40[%dma_start3A_436] : memref<10240xf32, #tpu.memory_space<vmem_shared>> -> memref<10240xf32, #tpu.memory_space<vmem_shared>>
        tpu.enqueue_indirect_dma source(%arg26 : memref<128xf32, #tpu.memory_space<vmem>>) target(%dma_start3A_437 : memref<10240xf32, #tpu.memory_space<vmem_shared>>) offsets(%arg14 : memref<128xi32, #tpu.memory_space<vmem>>) semaphore(%arg36 : memref<!tpu.dma_semaphore, #tpu.memory_space<semaphore_mem>>) {add = true}
        %dma_start3A_438 = arith.constant 0 : i32
        %dma_start3A_439 = tpu.memref_slice %arg41[%dma_start3A_438] : memref<10240xf32, #tpu.memory_space<vmem_shared>> -> memref<10240xf32, #tpu.memory_space<vmem_shared>>
        tpu.enqueue_indirect_dma source(%arg26 : memref<128xf32, #tpu.memory_space<vmem>>) target(%dma_start3A_439 : memref<10240xf32, #tpu.memory_space<vmem_shared>>) offsets(%arg22 : memref<128xi32, #tpu.memory_space<vmem>>) semaphore(%arg36 : memref<!tpu.dma_semaphore, #tpu.memory_space<semaphore_mem>>) {add = true}
        %lt3A_440 = arith.constant 157 : i32
        %lt3A_441 = arith.cmpi slt, %add3A_430, %lt3A_440 : i32
        %convert_element_type3A_442 = arith.extui %lt3A_441 : i1 to i32
        %cond3A_443 = arith.constant 0 : i32
        %cond3A_444 = arith.cmpi ne, %convert_element_type3A_442, %cond3A_443 : i32
        scf.if %cond3A_444 {
          %add3A_519 = arith.constant 3 : i32
          %add3A_520 = arith.addi %add3A_430, %add3A_519 : i32
          %mul3A_521 = arith.constant 128 : i32
          %mul3A_522 = arith.muli %add3A_520, %mul3A_521 : i32
          %add3A_523 = arith.addi %mul3A_295, %mul3A_522 : i32
          %multiple_of3A_524 = tpu.assume_multiple %add3A_523, 8 : i32
          %dma_start3A_525 = tpu.memref_slice %arg2[%multiple_of3A_524] : memref<327680xi32, #tpu.memory_space<hbm>> -> memref<128xi32, #tpu.memory_space<hbm>>
          %dma_start3A_526 = tpu.memref_slice %arg2[%multiple_of3A_524] : memref<327680xi32, #tpu.memory_space<hbm>> -> memref<128xi32, #tpu.memory_space<hbm>>
          tpu.enqueue_dma source(%dma_start3A_526 : memref<128xi32, #tpu.memory_space<hbm>>) target(%arg17 : memref<128xi32, #tpu.memory_space<vmem>>) target_semaphore(%arg35 : memref<!tpu.dma_semaphore, #tpu.memory_space<semaphore_mem>>)
          %add3A_527 = arith.constant 3 : i32
          %add3A_528 = arith.addi %add3A_430, %add3A_527 : i32
          %mul3A_529 = arith.constant 128 : i32
          %mul3A_530 = arith.muli %add3A_528, %mul3A_529 : i32
          %add3A_531 = arith.addi %mul3A_295, %mul3A_530 : i32
          %multiple_of3A_532 = tpu.assume_multiple %add3A_531, 8 : i32
          %dma_start3A_533 = tpu.memref_slice %arg3[%multiple_of3A_532] : memref<327680xi32, #tpu.memory_space<hbm>> -> memref<128xi32, #tpu.memory_space<hbm>>
          %dma_start3A_534 = tpu.memref_slice %arg3[%multiple_of3A_532] : memref<327680xi32, #tpu.memory_space<hbm>> -> memref<128xi32, #tpu.memory_space<hbm>>
          tpu.enqueue_dma source(%dma_start3A_534 : memref<128xi32, #tpu.memory_space<hbm>>) target(%arg25 : memref<128xi32, #tpu.memory_space<vmem>>) target_semaphore(%arg35 : memref<!tpu.dma_semaphore, #tpu.memory_space<semaphore_mem>>)
        } else {
        }
        %lt3A_445 = arith.constant 159 : i32
        %lt3A_446 = arith.cmpi slt, %add3A_430, %lt3A_445 : i32
        %convert_element_type3A_447 = arith.extui %lt3A_446 : i1 to i32
        %cond3A_448 = arith.constant 0 : i32
        %cond3A_449 = arith.cmpi ne, %convert_element_type3A_447, %cond3A_448 : i32
        scf.if %cond3A_449 {
          %add3A_519 = arith.constant 0 : i32
          %add3A_520 = arith.addi %mul3A_295, %add3A_519 : i32
          %multiple_of3A_521 = tpu.assume_multiple %add3A_520, 8 : i32
          %dma_wait3A_522 = tpu.memref_slice %arg2[%multiple_of3A_521] : memref<327680xi32, #tpu.memory_space<hbm>> -> memref<128xi32, #tpu.memory_space<hbm>>
          %dma_wait3A_523 = tpu.memref_slice %arg2[%multiple_of3A_521] : memref<327680xi32, #tpu.memory_space<hbm>> -> memref<128xi32, #tpu.memory_space<hbm>>
          tpu.wait_dma2 semaphore(%arg33 : memref<!tpu.dma_semaphore, #tpu.memory_space<semaphore_mem>>) src(%dma_wait3A_523 : memref<128xi32, #tpu.memory_space<hbm>>) dst(%arg15 : memref<128xi32, #tpu.memory_space<vmem>>)
          %add3A_524 = arith.constant 0 : i32
          %add3A_525 = arith.addi %mul3A_295, %add3A_524 : i32
          %multiple_of3A_526 = tpu.assume_multiple %add3A_525, 8 : i32
          %dma_wait3A_527 = tpu.memref_slice %arg3[%multiple_of3A_526] : memref<327680xi32, #tpu.memory_space<hbm>> -> memref<128xi32, #tpu.memory_space<hbm>>
          %dma_wait3A_528 = tpu.memref_slice %arg3[%multiple_of3A_526] : memref<327680xi32, #tpu.memory_space<hbm>> -> memref<128xi32, #tpu.memory_space<hbm>>
          tpu.wait_dma2 semaphore(%arg33 : memref<!tpu.dma_semaphore, #tpu.memory_space<semaphore_mem>>) src(%dma_wait3A_528 : memref<128xi32, #tpu.memory_space<hbm>>) dst(%arg23 : memref<128xi32, #tpu.memory_space<vmem>>)
        } else {
        }
        %mul3A_450 = arith.constant 8 : i32
        %mul3A_451 = arith.muli %scan3A_336, %mul3A_450 : i32
        %add3A_452 = arith.constant 5 : i32
        %add3A_453 = arith.addi %mul3A_451, %add3A_452 : i32
        %ge3A_454 = arith.constant 3 : i32
        %ge3A_455 = arith.cmpi sge, %add3A_453, %ge3A_454 : i32
        %convert_element_type3A_456 = arith.extui %ge3A_455 : i1 to i32
        %cond3A_457 = arith.constant 0 : i32
        %cond3A_458 = arith.cmpi ne, %convert_element_type3A_456, %cond3A_457 : i32
        scf.if %cond3A_458 {
          %dma_wait3A_519 = arith.constant 0 : i32
          %dma_wait3A_520 = tpu.memref_slice %arg40[%dma_wait3A_519] : memref<10240xf32, #tpu.memory_space<vmem_shared>> -> memref<10240xf32, #tpu.memory_space<vmem_shared>>
          tpu.wait_indirect_dma semaphore(%arg38 : memref<!tpu.dma_semaphore, #tpu.memory_space<semaphore_mem>>) src(%arg26 : memref<128xf32, #tpu.memory_space<vmem>>) dst(%dma_wait3A_520 : memref<10240xf32, #tpu.memory_space<vmem_shared>>)
          %dma_wait3A_521 = arith.constant 0 : i32
          %dma_wait3A_522 = tpu.memref_slice %arg41[%dma_wait3A_521] : memref<10240xf32, #tpu.memory_space<vmem_shared>> -> memref<10240xf32, #tpu.memory_space<vmem_shared>>
          tpu.wait_indirect_dma semaphore(%arg38 : memref<!tpu.dma_semaphore, #tpu.memory_space<semaphore_mem>>) src(%arg26 : memref<128xf32, #tpu.memory_space<vmem>>) dst(%dma_wait3A_522 : memref<10240xf32, #tpu.memory_space<vmem_shared>>)
        } else {
        }
        %dma_start3A_459 = arith.constant 0 : i32
        %dma_start3A_460 = tpu.memref_slice %arg40[%dma_start3A_459] : memref<10240xf32, #tpu.memory_space<vmem_shared>> -> memref<10240xf32, #tpu.memory_space<vmem_shared>>
        tpu.enqueue_indirect_dma source(%arg26 : memref<128xf32, #tpu.memory_space<vmem>>) target(%dma_start3A_460 : memref<10240xf32, #tpu.memory_space<vmem_shared>>) offsets(%arg15 : memref<128xi32, #tpu.memory_space<vmem>>) semaphore(%arg37 : memref<!tpu.dma_semaphore, #tpu.memory_space<semaphore_mem>>) {add = true}
        %dma_start3A_461 = arith.constant 0 : i32
        %dma_start3A_462 = tpu.memref_slice %arg41[%dma_start3A_461] : memref<10240xf32, #tpu.memory_space<vmem_shared>> -> memref<10240xf32, #tpu.memory_space<vmem_shared>>
        tpu.enqueue_indirect_dma source(%arg26 : memref<128xf32, #tpu.memory_space<vmem>>) target(%dma_start3A_462 : memref<10240xf32, #tpu.memory_space<vmem_shared>>) offsets(%arg23 : memref<128xi32, #tpu.memory_space<vmem>>) semaphore(%arg37 : memref<!tpu.dma_semaphore, #tpu.memory_space<semaphore_mem>>) {add = true}
        %lt3A_463 = arith.constant 157 : i32
        %lt3A_464 = arith.cmpi slt, %add3A_453, %lt3A_463 : i32
        %convert_element_type3A_465 = arith.extui %lt3A_464 : i1 to i32
        %cond3A_466 = arith.constant 0 : i32
        %cond3A_467 = arith.cmpi ne, %convert_element_type3A_465, %cond3A_466 : i32
        scf.if %cond3A_467 {
          %add3A_519 = arith.constant 3 : i32
          %add3A_520 = arith.addi %add3A_453, %add3A_519 : i32
          %mul3A_521 = arith.constant 128 : i32
          %mul3A_522 = arith.muli %add3A_520, %mul3A_521 : i32
          %add3A_523 = arith.addi %mul3A_295, %mul3A_522 : i32
          %multiple_of3A_524 = tpu.assume_multiple %add3A_523, 8 : i32
          %dma_start3A_525 = tpu.memref_slice %arg2[%multiple_of3A_524] : memref<327680xi32, #tpu.memory_space<hbm>> -> memref<128xi32, #tpu.memory_space<hbm>>
          %dma_start3A_526 = tpu.memref_slice %arg2[%multiple_of3A_524] : memref<327680xi32, #tpu.memory_space<hbm>> -> memref<128xi32, #tpu.memory_space<hbm>>
          tpu.enqueue_dma source(%dma_start3A_526 : memref<128xi32, #tpu.memory_space<hbm>>) target(%arg10 : memref<128xi32, #tpu.memory_space<vmem>>) target_semaphore(%arg28 : memref<!tpu.dma_semaphore, #tpu.memory_space<semaphore_mem>>)
          %add3A_527 = arith.constant 3 : i32
          %add3A_528 = arith.addi %add3A_453, %add3A_527 : i32
          %mul3A_529 = arith.constant 128 : i32
          %mul3A_530 = arith.muli %add3A_528, %mul3A_529 : i32
          %add3A_531 = arith.addi %mul3A_295, %mul3A_530 : i32
          %multiple_of3A_532 = tpu.assume_multiple %add3A_531, 8 : i32
          %dma_start3A_533 = tpu.memref_slice %arg3[%multiple_of3A_532] : memref<327680xi32, #tpu.memory_space<hbm>> -> memref<128xi32, #tpu.memory_space<hbm>>
          %dma_start3A_534 = tpu.memref_slice %arg3[%multiple_of3A_532] : memref<327680xi32, #tpu.memory_space<hbm>> -> memref<128xi32, #tpu.memory_space<hbm>>
          tpu.enqueue_dma source(%dma_start3A_534 : memref<128xi32, #tpu.memory_space<hbm>>) target(%arg18 : memref<128xi32, #tpu.memory_space<vmem>>) target_semaphore(%arg28 : memref<!tpu.dma_semaphore, #tpu.memory_space<semaphore_mem>>)
        } else {
        }
        %lt3A_468 = arith.constant 159 : i32
        %lt3A_469 = arith.cmpi slt, %add3A_453, %lt3A_468 : i32
        %convert_element_type3A_470 = arith.extui %lt3A_469 : i1 to i32
        %cond3A_471 = arith.constant 0 : i32
        %cond3A_472 = arith.cmpi ne, %convert_element_type3A_470, %cond3A_471 : i32
        scf.if %cond3A_472 {
          %add3A_519 = arith.constant 0 : i32
          %add3A_520 = arith.addi %mul3A_295, %add3A_519 : i32
          %multiple_of3A_521 = tpu.assume_multiple %add3A_520, 8 : i32
          %dma_wait3A_522 = tpu.memref_slice %arg2[%multiple_of3A_521] : memref<327680xi32, #tpu.memory_space<hbm>> -> memref<128xi32, #tpu.memory_space<hbm>>
          %dma_wait3A_523 = tpu.memref_slice %arg2[%multiple_of3A_521] : memref<327680xi32, #tpu.memory_space<hbm>> -> memref<128xi32, #tpu.memory_space<hbm>>
          tpu.wait_dma2 semaphore(%arg34 : memref<!tpu.dma_semaphore, #tpu.memory_space<semaphore_mem>>) src(%dma_wait3A_523 : memref<128xi32, #tpu.memory_space<hbm>>) dst(%arg16 : memref<128xi32, #tpu.memory_space<vmem>>)
          %add3A_524 = arith.constant 0 : i32
          %add3A_525 = arith.addi %mul3A_295, %add3A_524 : i32
          %multiple_of3A_526 = tpu.assume_multiple %add3A_525, 8 : i32
          %dma_wait3A_527 = tpu.memref_slice %arg3[%multiple_of3A_526] : memref<327680xi32, #tpu.memory_space<hbm>> -> memref<128xi32, #tpu.memory_space<hbm>>
          %dma_wait3A_528 = tpu.memref_slice %arg3[%multiple_of3A_526] : memref<327680xi32, #tpu.memory_space<hbm>> -> memref<128xi32, #tpu.memory_space<hbm>>
          tpu.wait_dma2 semaphore(%arg34 : memref<!tpu.dma_semaphore, #tpu.memory_space<semaphore_mem>>) src(%dma_wait3A_528 : memref<128xi32, #tpu.memory_space<hbm>>) dst(%arg24 : memref<128xi32, #tpu.memory_space<vmem>>)
        } else {
        }
        %mul3A_473 = arith.constant 8 : i32
        %mul3A_474 = arith.muli %scan3A_336, %mul3A_473 : i32
        %add3A_475 = arith.constant 6 : i32
        %add3A_476 = arith.addi %mul3A_474, %add3A_475 : i32
        %ge3A_477 = arith.constant 3 : i32
        %ge3A_478 = arith.cmpi sge, %add3A_476, %ge3A_477 : i32
        %convert_element_type3A_479 = arith.extui %ge3A_478 : i1 to i32
        %cond3A_480 = arith.constant 0 : i32
        %cond3A_481 = arith.cmpi ne, %convert_element_type3A_479, %cond3A_480 : i32
        scf.if %cond3A_481 {
          %dma_wait3A_519 = arith.constant 0 : i32
          %dma_wait3A_520 = tpu.memref_slice %arg40[%dma_wait3A_519] : memref<10240xf32, #tpu.memory_space<vmem_shared>> -> memref<10240xf32, #tpu.memory_space<vmem_shared>>
          tpu.wait_indirect_dma semaphore(%arg39 : memref<!tpu.dma_semaphore, #tpu.memory_space<semaphore_mem>>) src(%arg26 : memref<128xf32, #tpu.memory_space<vmem>>) dst(%dma_wait3A_520 : memref<10240xf32, #tpu.memory_space<vmem_shared>>)
          %dma_wait3A_521 = arith.constant 0 : i32
          %dma_wait3A_522 = tpu.memref_slice %arg41[%dma_wait3A_521] : memref<10240xf32, #tpu.memory_space<vmem_shared>> -> memref<10240xf32, #tpu.memory_space<vmem_shared>>
          tpu.wait_indirect_dma semaphore(%arg39 : memref<!tpu.dma_semaphore, #tpu.memory_space<semaphore_mem>>) src(%arg26 : memref<128xf32, #tpu.memory_space<vmem>>) dst(%dma_wait3A_522 : memref<10240xf32, #tpu.memory_space<vmem_shared>>)
        } else {
        }
        %dma_start3A_482 = arith.constant 0 : i32
        %dma_start3A_483 = tpu.memref_slice %arg40[%dma_start3A_482] : memref<10240xf32, #tpu.memory_space<vmem_shared>> -> memref<10240xf32, #tpu.memory_space<vmem_shared>>
        tpu.enqueue_indirect_dma source(%arg26 : memref<128xf32, #tpu.memory_space<vmem>>) target(%dma_start3A_483 : memref<10240xf32, #tpu.memory_space<vmem_shared>>) offsets(%arg16 : memref<128xi32, #tpu.memory_space<vmem>>) semaphore(%arg38 : memref<!tpu.dma_semaphore, #tpu.memory_space<semaphore_mem>>) {add = true}
        %dma_start3A_484 = arith.constant 0 : i32
        %dma_start3A_485 = tpu.memref_slice %arg41[%dma_start3A_484] : memref<10240xf32, #tpu.memory_space<vmem_shared>> -> memref<10240xf32, #tpu.memory_space<vmem_shared>>
        tpu.enqueue_indirect_dma source(%arg26 : memref<128xf32, #tpu.memory_space<vmem>>) target(%dma_start3A_485 : memref<10240xf32, #tpu.memory_space<vmem_shared>>) offsets(%arg24 : memref<128xi32, #tpu.memory_space<vmem>>) semaphore(%arg38 : memref<!tpu.dma_semaphore, #tpu.memory_space<semaphore_mem>>) {add = true}
        %lt3A_486 = arith.constant 157 : i32
        %lt3A_487 = arith.cmpi slt, %add3A_476, %lt3A_486 : i32
        %convert_element_type3A_488 = arith.extui %lt3A_487 : i1 to i32
        %cond3A_489 = arith.constant 0 : i32
        %cond3A_490 = arith.cmpi ne, %convert_element_type3A_488, %cond3A_489 : i32
        scf.if %cond3A_490 {
          %add3A_519 = arith.constant 3 : i32
          %add3A_520 = arith.addi %add3A_476, %add3A_519 : i32
          %mul3A_521 = arith.constant 128 : i32
          %mul3A_522 = arith.muli %add3A_520, %mul3A_521 : i32
          %add3A_523 = arith.addi %mul3A_295, %mul3A_522 : i32
          %multiple_of3A_524 = tpu.assume_multiple %add3A_523, 8 : i32
          %dma_start3A_525 = tpu.memref_slice %arg2[%multiple_of3A_524] : memref<327680xi32, #tpu.memory_space<hbm>> -> memref<128xi32, #tpu.memory_space<hbm>>
          %dma_start3A_526 = tpu.memref_slice %arg2[%multiple_of3A_524] : memref<327680xi32, #tpu.memory_space<hbm>> -> memref<128xi32, #tpu.memory_space<hbm>>
          tpu.enqueue_dma source(%dma_start3A_526 : memref<128xi32, #tpu.memory_space<hbm>>) target(%arg11 : memref<128xi32, #tpu.memory_space<vmem>>) target_semaphore(%arg29 : memref<!tpu.dma_semaphore, #tpu.memory_space<semaphore_mem>>)
          %add3A_527 = arith.constant 3 : i32
          %add3A_528 = arith.addi %add3A_476, %add3A_527 : i32
          %mul3A_529 = arith.constant 128 : i32
          %mul3A_530 = arith.muli %add3A_528, %mul3A_529 : i32
          %add3A_531 = arith.addi %mul3A_295, %mul3A_530 : i32
          %multiple_of3A_532 = tpu.assume_multiple %add3A_531, 8 : i32
          %dma_start3A_533 = tpu.memref_slice %arg3[%multiple_of3A_532] : memref<327680xi32, #tpu.memory_space<hbm>> -> memref<128xi32, #tpu.memory_space<hbm>>
          %dma_start3A_534 = tpu.memref_slice %arg3[%multiple_of3A_532] : memref<327680xi32, #tpu.memory_space<hbm>> -> memref<128xi32, #tpu.memory_space<hbm>>
          tpu.enqueue_dma source(%dma_start3A_534 : memref<128xi32, #tpu.memory_space<hbm>>) target(%arg19 : memref<128xi32, #tpu.memory_space<vmem>>) target_semaphore(%arg29 : memref<!tpu.dma_semaphore, #tpu.memory_space<semaphore_mem>>)
        } else {
        }
        %lt3A_491 = arith.constant 159 : i32
        %lt3A_492 = arith.cmpi slt, %add3A_476, %lt3A_491 : i32
        %convert_element_type3A_493 = arith.extui %lt3A_492 : i1 to i32
        %cond3A_494 = arith.constant 0 : i32
        %cond3A_495 = arith.cmpi ne, %convert_element_type3A_493, %cond3A_494 : i32
        scf.if %cond3A_495 {
          %add3A_519 = arith.constant 0 : i32
          %add3A_520 = arith.addi %mul3A_295, %add3A_519 : i32
          %multiple_of3A_521 = tpu.assume_multiple %add3A_520, 8 : i32
          %dma_wait3A_522 = tpu.memref_slice %arg2[%multiple_of3A_521] : memref<327680xi32, #tpu.memory_space<hbm>> -> memref<128xi32, #tpu.memory_space<hbm>>
          %dma_wait3A_523 = tpu.memref_slice %arg2[%multiple_of3A_521] : memref<327680xi32, #tpu.memory_space<hbm>> -> memref<128xi32, #tpu.memory_space<hbm>>
          tpu.wait_dma2 semaphore(%arg35 : memref<!tpu.dma_semaphore, #tpu.memory_space<semaphore_mem>>) src(%dma_wait3A_523 : memref<128xi32, #tpu.memory_space<hbm>>) dst(%arg17 : memref<128xi32, #tpu.memory_space<vmem>>)
          %add3A_524 = arith.constant 0 : i32
          %add3A_525 = arith.addi %mul3A_295, %add3A_524 : i32
          %multiple_of3A_526 = tpu.assume_multiple %add3A_525, 8 : i32
          %dma_wait3A_527 = tpu.memref_slice %arg3[%multiple_of3A_526] : memref<327680xi32, #tpu.memory_space<hbm>> -> memref<128xi32, #tpu.memory_space<hbm>>
          %dma_wait3A_528 = tpu.memref_slice %arg3[%multiple_of3A_526] : memref<327680xi32, #tpu.memory_space<hbm>> -> memref<128xi32, #tpu.memory_space<hbm>>
          tpu.wait_dma2 semaphore(%arg35 : memref<!tpu.dma_semaphore, #tpu.memory_space<semaphore_mem>>) src(%dma_wait3A_528 : memref<128xi32, #tpu.memory_space<hbm>>) dst(%arg25 : memref<128xi32, #tpu.memory_space<vmem>>)
        } else {
        }
        %mul3A_496 = arith.constant 8 : i32
        %mul3A_497 = arith.muli %scan3A_336, %mul3A_496 : i32
        %add3A_498 = arith.constant 7 : i32
        %add3A_499 = arith.addi %mul3A_497, %add3A_498 : i32
        %ge3A_500 = arith.constant 3 : i32
        %ge3A_501 = arith.cmpi sge, %add3A_499, %ge3A_500 : i32
        %convert_element_type3A_502 = arith.extui %ge3A_501 : i1 to i32
        %cond3A_503 = arith.constant 0 : i32
        %cond3A_504 = arith.cmpi ne, %convert_element_type3A_502, %cond3A_503 : i32
        scf.if %cond3A_504 {
          %dma_wait3A_519 = arith.constant 0 : i32
          %dma_wait3A_520 = tpu.memref_slice %arg40[%dma_wait3A_519] : memref<10240xf32, #tpu.memory_space<vmem_shared>> -> memref<10240xf32, #tpu.memory_space<vmem_shared>>
          tpu.wait_indirect_dma semaphore(%arg36 : memref<!tpu.dma_semaphore, #tpu.memory_space<semaphore_mem>>) src(%arg26 : memref<128xf32, #tpu.memory_space<vmem>>) dst(%dma_wait3A_520 : memref<10240xf32, #tpu.memory_space<vmem_shared>>)
          %dma_wait3A_521 = arith.constant 0 : i32
          %dma_wait3A_522 = tpu.memref_slice %arg41[%dma_wait3A_521] : memref<10240xf32, #tpu.memory_space<vmem_shared>> -> memref<10240xf32, #tpu.memory_space<vmem_shared>>
          tpu.wait_indirect_dma semaphore(%arg36 : memref<!tpu.dma_semaphore, #tpu.memory_space<semaphore_mem>>) src(%arg26 : memref<128xf32, #tpu.memory_space<vmem>>) dst(%dma_wait3A_522 : memref<10240xf32, #tpu.memory_space<vmem_shared>>)
        } else {
        }
        %dma_start3A_505 = arith.constant 0 : i32
        %dma_start3A_506 = tpu.memref_slice %arg40[%dma_start3A_505] : memref<10240xf32, #tpu.memory_space<vmem_shared>> -> memref<10240xf32, #tpu.memory_space<vmem_shared>>
        tpu.enqueue_indirect_dma source(%arg26 : memref<128xf32, #tpu.memory_space<vmem>>) target(%dma_start3A_506 : memref<10240xf32, #tpu.memory_space<vmem_shared>>) offsets(%arg17 : memref<128xi32, #tpu.memory_space<vmem>>) semaphore(%arg39 : memref<!tpu.dma_semaphore, #tpu.memory_space<semaphore_mem>>) {add = true}
        %dma_start3A_507 = arith.constant 0 : i32
        %dma_start3A_508 = tpu.memref_slice %arg41[%dma_start3A_507] : memref<10240xf32, #tpu.memory_space<vmem_shared>> -> memref<10240xf32, #tpu.memory_space<vmem_shared>>
        tpu.enqueue_indirect_dma source(%arg26 : memref<128xf32, #tpu.memory_space<vmem>>) target(%dma_start3A_508 : memref<10240xf32, #tpu.memory_space<vmem_shared>>) offsets(%arg25 : memref<128xi32, #tpu.memory_space<vmem>>) semaphore(%arg39 : memref<!tpu.dma_semaphore, #tpu.memory_space<semaphore_mem>>) {add = true}
        %lt3A_509 = arith.constant 157 : i32
        %lt3A_510 = arith.cmpi slt, %add3A_499, %lt3A_509 : i32
        %convert_element_type3A_511 = arith.extui %lt3A_510 : i1 to i32
        %cond3A_512 = arith.constant 0 : i32
        %cond3A_513 = arith.cmpi ne, %convert_element_type3A_511, %cond3A_512 : i32
        scf.if %cond3A_513 {
          %add3A_519 = arith.constant 3 : i32
          %add3A_520 = arith.addi %add3A_499, %add3A_519 : i32
          %mul3A_521 = arith.constant 128 : i32
          %mul3A_522 = arith.muli %add3A_520, %mul3A_521 : i32
          %add3A_523 = arith.addi %mul3A_295, %mul3A_522 : i32
          %multiple_of3A_524 = tpu.assume_multiple %add3A_523, 8 : i32
          %dma_start3A_525 = tpu.memref_slice %arg2[%multiple_of3A_524] : memref<327680xi32, #tpu.memory_space<hbm>> -> memref<128xi32, #tpu.memory_space<hbm>>
          %dma_start3A_526 = tpu.memref_slice %arg2[%multiple_of3A_524] : memref<327680xi32, #tpu.memory_space<hbm>> -> memref<128xi32, #tpu.memory_space<hbm>>
          tpu.enqueue_dma source(%dma_start3A_526 : memref<128xi32, #tpu.memory_space<hbm>>) target(%arg12 : memref<128xi32, #tpu.memory_space<vmem>>) target_semaphore(%arg30 : memref<!tpu.dma_semaphore, #tpu.memory_space<semaphore_mem>>)
          %add3A_527 = arith.constant 3 : i32
          %add3A_528 = arith.addi %add3A_499, %add3A_527 : i32
          %mul3A_529 = arith.constant 128 : i32
          %mul3A_530 = arith.muli %add3A_528, %mul3A_529 : i32
          %add3A_531 = arith.addi %mul3A_295, %mul3A_530 : i32
          %multiple_of3A_532 = tpu.assume_multiple %add3A_531, 8 : i32
          %dma_start3A_533 = tpu.memref_slice %arg3[%multiple_of3A_532] : memref<327680xi32, #tpu.memory_space<hbm>> -> memref<128xi32, #tpu.memory_space<hbm>>
          %dma_start3A_534 = tpu.memref_slice %arg3[%multiple_of3A_532] : memref<327680xi32, #tpu.memory_space<hbm>> -> memref<128xi32, #tpu.memory_space<hbm>>
          tpu.enqueue_dma source(%dma_start3A_534 : memref<128xi32, #tpu.memory_space<hbm>>) target(%arg20 : memref<128xi32, #tpu.memory_space<vmem>>) target_semaphore(%arg30 : memref<!tpu.dma_semaphore, #tpu.memory_space<semaphore_mem>>)
        } else {
        }
        %lt3A_514 = arith.constant 159 : i32
        %lt3A_515 = arith.cmpi slt, %add3A_499, %lt3A_514 : i32
        %convert_element_type3A_516 = arith.extui %lt3A_515 : i1 to i32
        %cond3A_517 = arith.constant 0 : i32
        %cond3A_518 = arith.cmpi ne, %convert_element_type3A_516, %cond3A_517 : i32
        scf.if %cond3A_518 {
          %add3A_519 = arith.constant 0 : i32
          %add3A_520 = arith.addi %mul3A_295, %add3A_519 : i32
          %multiple_of3A_521 = tpu.assume_multiple %add3A_520, 8 : i32
          %dma_wait3A_522 = tpu.memref_slice %arg2[%multiple_of3A_521] : memref<327680xi32, #tpu.memory_space<hbm>> -> memref<128xi32, #tpu.memory_space<hbm>>
          %dma_wait3A_523 = tpu.memref_slice %arg2[%multiple_of3A_521] : memref<327680xi32, #tpu.memory_space<hbm>> -> memref<128xi32, #tpu.memory_space<hbm>>
          tpu.wait_dma2 semaphore(%arg28 : memref<!tpu.dma_semaphore, #tpu.memory_space<semaphore_mem>>) src(%dma_wait3A_523 : memref<128xi32, #tpu.memory_space<hbm>>) dst(%arg10 : memref<128xi32, #tpu.memory_space<vmem>>)
          %add3A_524 = arith.constant 0 : i32
          %add3A_525 = arith.addi %mul3A_295, %add3A_524 : i32
          %multiple_of3A_526 = tpu.assume_multiple %add3A_525, 8 : i32
          %dma_wait3A_527 = tpu.memref_slice %arg3[%multiple_of3A_526] : memref<327680xi32, #tpu.memory_space<hbm>> -> memref<128xi32, #tpu.memory_space<hbm>>
          %dma_wait3A_528 = tpu.memref_slice %arg3[%multiple_of3A_526] : memref<327680xi32, #tpu.memory_space<hbm>> -> memref<128xi32, #tpu.memory_space<hbm>>
          tpu.wait_dma2 semaphore(%arg28 : memref<!tpu.dma_semaphore, #tpu.memory_space<semaphore_mem>>) src(%dma_wait3A_528 : memref<128xi32, #tpu.memory_space<hbm>>) dst(%arg18 : memref<128xi32, #tpu.memory_space<vmem>>)
        } else {
        }
      }
      %scan3A_323 = arith.constant 20 : i32
      %dma_wait3A = arith.constant 0 : i32
      %dma_wait3A_324 = tpu.memref_slice %arg40[%dma_wait3A] : memref<10240xf32, #tpu.memory_space<vmem_shared>> -> memref<10240xf32, #tpu.memory_space<vmem_shared>>
      tpu.wait_indirect_dma semaphore(%arg37 : memref<!tpu.dma_semaphore, #tpu.memory_space<semaphore_mem>>) src(%arg26 : memref<128xf32, #tpu.memory_space<vmem>>) dst(%dma_wait3A_324 : memref<10240xf32, #tpu.memory_space<vmem_shared>>)
      %dma_wait3A_325 = arith.constant 0 : i32
      %dma_wait3A_326 = tpu.memref_slice %arg41[%dma_wait3A_325] : memref<10240xf32, #tpu.memory_space<vmem_shared>> -> memref<10240xf32, #tpu.memory_space<vmem_shared>>
      tpu.wait_indirect_dma semaphore(%arg37 : memref<!tpu.dma_semaphore, #tpu.memory_space<semaphore_mem>>) src(%arg26 : memref<128xf32, #tpu.memory_space<vmem>>) dst(%dma_wait3A_326 : memref<10240xf32, #tpu.memory_space<vmem_shared>>)
      %dma_wait3A_327 = arith.constant 0 : i32
      %dma_wait3A_328 = tpu.memref_slice %arg40[%dma_wait3A_327] : memref<10240xf32, #tpu.memory_space<vmem_shared>> -> memref<10240xf32, #tpu.memory_space<vmem_shared>>
      tpu.wait_indirect_dma semaphore(%arg38 : memref<!tpu.dma_semaphore, #tpu.memory_space<semaphore_mem>>) src(%arg26 : memref<128xf32, #tpu.memory_space<vmem>>) dst(%dma_wait3A_328 : memref<10240xf32, #tpu.memory_space<vmem_shared>>)
      %dma_wait3A_329 = arith.constant 0 : i32
      %dma_wait3A_330 = tpu.memref_slice %arg41[%dma_wait3A_329] : memref<10240xf32, #tpu.memory_space<vmem_shared>> -> memref<10240xf32, #tpu.memory_space<vmem_shared>>
      tpu.wait_indirect_dma semaphore(%arg38 : memref<!tpu.dma_semaphore, #tpu.memory_space<semaphore_mem>>) src(%arg26 : memref<128xf32, #tpu.memory_space<vmem>>) dst(%dma_wait3A_330 : memref<10240xf32, #tpu.memory_space<vmem_shared>>)
      %dma_wait3A_331 = arith.constant 0 : i32
      %dma_wait3A_332 = tpu.memref_slice %arg40[%dma_wait3A_331] : memref<10240xf32, #tpu.memory_space<vmem_shared>> -> memref<10240xf32, #tpu.memory_space<vmem_shared>>
      tpu.wait_indirect_dma semaphore(%arg39 : memref<!tpu.dma_semaphore, #tpu.memory_space<semaphore_mem>>) src(%arg26 : memref<128xf32, #tpu.memory_space<vmem>>) dst(%dma_wait3A_332 : memref<10240xf32, #tpu.memory_space<vmem_shared>>)
      %dma_wait3A_333 = arith.constant 0 : i32
      %dma_wait3A_334 = tpu.memref_slice %arg41[%dma_wait3A_333] : memref<10240xf32, #tpu.memory_space<vmem_shared>> -> memref<10240xf32, #tpu.memory_space<vmem_shared>>
      tpu.wait_indirect_dma semaphore(%arg39 : memref<!tpu.dma_semaphore, #tpu.memory_space<semaphore_mem>>) src(%arg26 : memref<128xf32, #tpu.memory_space<vmem>>) dst(%dma_wait3A_334 : memref<10240xf32, #tpu.memory_space<vmem_shared>>)
      %barrier3A_335 = arith.constant 0 : index
      tpu.barrier barrier_id(%barrier3A_335)
      "tpu.region"() ({
        %run_scoped3A = tpu.sem_alloc : memref<!tpu.dma_semaphore, #tpu.memory_space<semaphore_mem>>
        %dma_start3A_336 = tpu.memref_slice %arg6[%mul3A_286] : memref<10240xf32, #tpu.memory_space<hbm>> -> memref<640xf32, #tpu.memory_space<hbm>>
        %dma_start3A_337 = tpu.memref_slice %arg40[%mul3A_286] : memref<10240xf32, #tpu.memory_space<vmem_shared>> -> memref<640xf32, #tpu.memory_space<vmem_shared>>
        tpu.enqueue_dma source(%dma_start3A_337 : memref<640xf32, #tpu.memory_space<vmem_shared>>) target(%dma_start3A_336 : memref<640xf32, #tpu.memory_space<hbm>>) target_semaphore(%run_scoped3A : memref<!tpu.dma_semaphore, #tpu.memory_space<semaphore_mem>>)
        %dma_wait3A_338 = tpu.memref_slice %arg6[%mul3A_286] : memref<10240xf32, #tpu.memory_space<hbm>> -> memref<640xf32, #tpu.memory_space<hbm>>
        %dma_wait3A_339 = tpu.memref_slice %arg40[%mul3A_286] : memref<10240xf32, #tpu.memory_space<vmem_shared>> -> memref<640xf32, #tpu.memory_space<vmem_shared>>
        tpu.wait_dma2 semaphore(%run_scoped3A : memref<!tpu.dma_semaphore, #tpu.memory_space<semaphore_mem>>) src(%dma_wait3A_339 : memref<640xf32, #tpu.memory_space<vmem_shared>>) dst(%dma_wait3A_338 : memref<640xf32, #tpu.memory_space<hbm>>)
        tpu.yield
      }) : () -> ()
      "tpu.region"() ({
        %run_scoped3A = tpu.sem_alloc : memref<!tpu.dma_semaphore, #tpu.memory_space<semaphore_mem>>
        %dma_start3A_336 = tpu.memref_slice %arg7[%mul3A_286] : memref<10240xf32, #tpu.memory_space<hbm>> -> memref<640xf32, #tpu.memory_space<hbm>>
        %dma_start3A_337 = tpu.memref_slice %arg41[%mul3A_286] : memref<10240xf32, #tpu.memory_space<vmem_shared>> -> memref<640xf32, #tpu.memory_space<vmem_shared>>
        tpu.enqueue_dma source(%dma_start3A_337 : memref<640xf32, #tpu.memory_space<vmem_shared>>) target(%dma_start3A_336 : memref<640xf32, #tpu.memory_space<hbm>>) target_semaphore(%run_scoped3A : memref<!tpu.dma_semaphore, #tpu.memory_space<semaphore_mem>>)
        %dma_wait3A_338 = tpu.memref_slice %arg7[%mul3A_286] : memref<10240xf32, #tpu.memory_space<hbm>> -> memref<640xf32, #tpu.memory_space<hbm>>
        %dma_wait3A_339 = tpu.memref_slice %arg41[%mul3A_286] : memref<10240xf32, #tpu.memory_space<vmem_shared>> -> memref<640xf32, #tpu.memory_space<vmem_shared>>
        tpu.wait_dma2 semaphore(%run_scoped3A : memref<!tpu.dma_semaphore, #tpu.memory_space<semaphore_mem>>) src(%dma_wait3A_339 : memref<640xf32, #tpu.memory_space<vmem_shared>>) dst(%dma_wait3A_338 : memref<640xf32, #tpu.memory_space<hbm>>)
        tpu.yield
      }) : () -> ()
    } else {
    }
    %eq3A_289 = arith.constant 1 : i32
    %eq3A_290 = arith.cmpi eq, %arg0, %eq3A_289 : i32
    %convert_element_type3A_291 = arith.extui %eq3A_290 : i1 to i32
    %cond3A_292 = arith.constant 0 : i32
    %cond3A_293 = arith.cmpi ne, %convert_element_type3A_291, %cond3A_292 : i32
    scf.if %cond3A_293 {
      %mul3A_294 = arith.constant 20480 : i32
      %mul3A_295 = arith.muli %arg1, %mul3A_294 : i32
      %barrier3A = arith.constant 0 : index
      tpu.barrier barrier_id(%barrier3A)
      %add3A = arith.constant 0 : i32
      %add3A_296 = arith.addi %mul3A_295, %add3A : i32
      %multiple_of3A = tpu.assume_multiple %add3A_296, 8 : i32
      "tpu.region"() ({
        %run_scoped3A = tpu.sem_alloc : memref<!tpu.dma_semaphore, #tpu.memory_space<semaphore_mem>>
        %dma_start3A_336 = tpu.memref_slice %arg4[%multiple_of3A] : memref<327680xi32, #tpu.memory_space<hbm>> -> memref<128xi32, #tpu.memory_space<hbm>>
        %dma_start3A_337 = tpu.memref_slice %arg4[%multiple_of3A] : memref<327680xi32, #tpu.memory_space<hbm>> -> memref<128xi32, #tpu.memory_space<hbm>>
        tpu.enqueue_dma source(%dma_start3A_337 : memref<128xi32, #tpu.memory_space<hbm>>) target(%arg10 : memref<128xi32, #tpu.memory_space<vmem>>) target_semaphore(%run_scoped3A : memref<!tpu.dma_semaphore, #tpu.memory_space<semaphore_mem>>)
        %dma_wait3A_338 = tpu.memref_slice %arg4[%multiple_of3A] : memref<327680xi32, #tpu.memory_space<hbm>> -> memref<128xi32, #tpu.memory_space<hbm>>
        %dma_wait3A_339 = tpu.memref_slice %arg4[%multiple_of3A] : memref<327680xi32, #tpu.memory_space<hbm>> -> memref<128xi32, #tpu.memory_space<hbm>>
        tpu.wait_dma2 semaphore(%run_scoped3A : memref<!tpu.dma_semaphore, #tpu.memory_space<semaphore_mem>>) src(%dma_wait3A_339 : memref<128xi32, #tpu.memory_space<hbm>>) dst(%arg10 : memref<128xi32, #tpu.memory_space<vmem>>)
        tpu.yield
      }) : () -> ()
      %add3A_297 = arith.constant 0 : i32
      %add3A_298 = arith.addi %mul3A_295, %add3A_297 : i32
      %multiple_of3A_299 = tpu.assume_multiple %add3A_298, 8 : i32
      "tpu.region"() ({
        %run_scoped3A = tpu.sem_alloc : memref<!tpu.dma_semaphore, #tpu.memory_space<semaphore_mem>>
        %dma_start3A_336 = tpu.memref_slice %arg5[%multiple_of3A_299] : memref<327680xi32, #tpu.memory_space<hbm>> -> memref<128xi32, #tpu.memory_space<hbm>>
        %dma_start3A_337 = tpu.memref_slice %arg5[%multiple_of3A_299] : memref<327680xi32, #tpu.memory_space<hbm>> -> memref<128xi32, #tpu.memory_space<hbm>>
        tpu.enqueue_dma source(%dma_start3A_337 : memref<128xi32, #tpu.memory_space<hbm>>) target(%arg18 : memref<128xi32, #tpu.memory_space<vmem>>) target_semaphore(%run_scoped3A : memref<!tpu.dma_semaphore, #tpu.memory_space<semaphore_mem>>)
        %dma_wait3A_338 = tpu.memref_slice %arg5[%multiple_of3A_299] : memref<327680xi32, #tpu.memory_space<hbm>> -> memref<128xi32, #tpu.memory_space<hbm>>
        %dma_wait3A_339 = tpu.memref_slice %arg5[%multiple_of3A_299] : memref<327680xi32, #tpu.memory_space<hbm>> -> memref<128xi32, #tpu.memory_space<hbm>>
        tpu.wait_dma2 semaphore(%run_scoped3A : memref<!tpu.dma_semaphore, #tpu.memory_space<semaphore_mem>>) src(%dma_wait3A_339 : memref<128xi32, #tpu.memory_space<hbm>>) dst(%arg18 : memref<128xi32, #tpu.memory_space<vmem>>)
        tpu.yield
      }) : () -> ()
      %add3A_300 = arith.constant 128 : i32
      %add3A_301 = arith.addi %mul3A_295, %add3A_300 : i32
      %multiple_of3A_302 = tpu.assume_multiple %add3A_301, 8 : i32
      %dma_start3A = tpu.memref_slice %arg4[%multiple_of3A_302] : memref<327680xi32, #tpu.memory_space<hbm>> -> memref<128xi32, #tpu.memory_space<hbm>>
      %dma_start3A_303 = tpu.memref_slice %arg4[%multiple_of3A_302] : memref<327680xi32, #tpu.memory_space<hbm>> -> memref<128xi32, #tpu.memory_space<hbm>>
      tpu.enqueue_dma source(%dma_start3A_303 : memref<128xi32, #tpu.memory_space<hbm>>) target(%arg11 : memref<128xi32, #tpu.memory_space<vmem>>) target_semaphore(%arg29 : memref<!tpu.dma_semaphore, #tpu.memory_space<semaphore_mem>>)
      %add3A_304 = arith.constant 128 : i32
      %add3A_305 = arith.addi %mul3A_295, %add3A_304 : i32
      %multiple_of3A_306 = tpu.assume_multiple %add3A_305, 8 : i32
      %dma_start3A_307 = tpu.memref_slice %arg5[%multiple_of3A_306] : memref<327680xi32, #tpu.memory_space<hbm>> -> memref<128xi32, #tpu.memory_space<hbm>>
      %dma_start3A_308 = tpu.memref_slice %arg5[%multiple_of3A_306] : memref<327680xi32, #tpu.memory_space<hbm>> -> memref<128xi32, #tpu.memory_space<hbm>>
      tpu.enqueue_dma source(%dma_start3A_308 : memref<128xi32, #tpu.memory_space<hbm>>) target(%arg19 : memref<128xi32, #tpu.memory_space<vmem>>) target_semaphore(%arg29 : memref<!tpu.dma_semaphore, #tpu.memory_space<semaphore_mem>>)
      %add3A_309 = arith.constant 256 : i32
      %add3A_310 = arith.addi %mul3A_295, %add3A_309 : i32
      %multiple_of3A_311 = tpu.assume_multiple %add3A_310, 8 : i32
      %dma_start3A_312 = tpu.memref_slice %arg4[%multiple_of3A_311] : memref<327680xi32, #tpu.memory_space<hbm>> -> memref<128xi32, #tpu.memory_space<hbm>>
      %dma_start3A_313 = tpu.memref_slice %arg4[%multiple_of3A_311] : memref<327680xi32, #tpu.memory_space<hbm>> -> memref<128xi32, #tpu.memory_space<hbm>>
      tpu.enqueue_dma source(%dma_start3A_313 : memref<128xi32, #tpu.memory_space<hbm>>) target(%arg12 : memref<128xi32, #tpu.memory_space<vmem>>) target_semaphore(%arg30 : memref<!tpu.dma_semaphore, #tpu.memory_space<semaphore_mem>>)
      %add3A_314 = arith.constant 256 : i32
      %add3A_315 = arith.addi %mul3A_295, %add3A_314 : i32
      %multiple_of3A_316 = tpu.assume_multiple %add3A_315, 8 : i32
      %dma_start3A_317 = tpu.memref_slice %arg5[%multiple_of3A_316] : memref<327680xi32, #tpu.memory_space<hbm>> -> memref<128xi32, #tpu.memory_space<hbm>>
      %dma_start3A_318 = tpu.memref_slice %arg5[%multiple_of3A_316] : memref<327680xi32, #tpu.memory_space<hbm>> -> memref<128xi32, #tpu.memory_space<hbm>>
      tpu.enqueue_dma source(%dma_start3A_318 : memref<128xi32, #tpu.memory_space<hbm>>) target(%arg20 : memref<128xi32, #tpu.memory_space<vmem>>) target_semaphore(%arg30 : memref<!tpu.dma_semaphore, #tpu.memory_space<semaphore_mem>>)
      %scan3A = arith.constant 0 : i32
      %scan3A_319 = arith.constant 0 : i32
      %scan3A_320 = arith.constant 20 : i32
      %scan3A_321 = arith.addi %scan3A_319, %scan3A_320 : i32
      %scan3A_322 = arith.constant 1 : i32
      scf.for %scan3A_336 = %scan3A_319 to %scan3A_321 step %scan3A_322  : i32 {
        %mul3A_337 = arith.constant 8 : i32
        %mul3A_338 = arith.muli %scan3A_336, %mul3A_337 : i32
        %add3A_339 = arith.constant 0 : i32
        %add3A_340 = arith.addi %mul3A_338, %add3A_339 : i32
        %ge3A = arith.constant 3 : i32
        %ge3A_341 = arith.cmpi sge, %add3A_340, %ge3A : i32
        %convert_element_type3A_342 = arith.extui %ge3A_341 : i1 to i32
        %cond3A_343 = arith.constant 0 : i32
        %cond3A_344 = arith.cmpi ne, %convert_element_type3A_342, %cond3A_343 : i32
        scf.if %cond3A_344 {
          %dma_wait3A_519 = arith.constant 0 : i32
          %dma_wait3A_520 = tpu.memref_slice %arg40[%dma_wait3A_519] : memref<10240xf32, #tpu.memory_space<vmem_shared>> -> memref<10240xf32, #tpu.memory_space<vmem_shared>>
          tpu.wait_indirect_dma semaphore(%arg37 : memref<!tpu.dma_semaphore, #tpu.memory_space<semaphore_mem>>) src(%arg26 : memref<128xf32, #tpu.memory_space<vmem>>) dst(%dma_wait3A_520 : memref<10240xf32, #tpu.memory_space<vmem_shared>>)
          %dma_wait3A_521 = arith.constant 0 : i32
          %dma_wait3A_522 = tpu.memref_slice %arg41[%dma_wait3A_521] : memref<10240xf32, #tpu.memory_space<vmem_shared>> -> memref<10240xf32, #tpu.memory_space<vmem_shared>>
          tpu.wait_indirect_dma semaphore(%arg37 : memref<!tpu.dma_semaphore, #tpu.memory_space<semaphore_mem>>) src(%arg26 : memref<128xf32, #tpu.memory_space<vmem>>) dst(%dma_wait3A_522 : memref<10240xf32, #tpu.memory_space<vmem_shared>>)
        } else {
        }
        %dma_start3A_345 = arith.constant 0 : i32
        %dma_start3A_346 = tpu.memref_slice %arg40[%dma_start3A_345] : memref<10240xf32, #tpu.memory_space<vmem_shared>> -> memref<10240xf32, #tpu.memory_space<vmem_shared>>
        tpu.enqueue_indirect_dma source(%arg26 : memref<128xf32, #tpu.memory_space<vmem>>) target(%dma_start3A_346 : memref<10240xf32, #tpu.memory_space<vmem_shared>>) offsets(%arg10 : memref<128xi32, #tpu.memory_space<vmem>>) semaphore(%arg36 : memref<!tpu.dma_semaphore, #tpu.memory_space<semaphore_mem>>) {add = true}
        %dma_start3A_347 = arith.constant 0 : i32
        %dma_start3A_348 = tpu.memref_slice %arg41[%dma_start3A_347] : memref<10240xf32, #tpu.memory_space<vmem_shared>> -> memref<10240xf32, #tpu.memory_space<vmem_shared>>
        tpu.enqueue_indirect_dma source(%arg26 : memref<128xf32, #tpu.memory_space<vmem>>) target(%dma_start3A_348 : memref<10240xf32, #tpu.memory_space<vmem_shared>>) offsets(%arg18 : memref<128xi32, #tpu.memory_space<vmem>>) semaphore(%arg36 : memref<!tpu.dma_semaphore, #tpu.memory_space<semaphore_mem>>) {add = true}
        %lt3A = arith.constant 157 : i32
        %lt3A_349 = arith.cmpi slt, %add3A_340, %lt3A : i32
        %convert_element_type3A_350 = arith.extui %lt3A_349 : i1 to i32
        %cond3A_351 = arith.constant 0 : i32
        %cond3A_352 = arith.cmpi ne, %convert_element_type3A_350, %cond3A_351 : i32
        scf.if %cond3A_352 {
          %add3A_519 = arith.constant 3 : i32
          %add3A_520 = arith.addi %add3A_340, %add3A_519 : i32
          %mul3A_521 = arith.constant 128 : i32
          %mul3A_522 = arith.muli %add3A_520, %mul3A_521 : i32
          %add3A_523 = arith.addi %mul3A_295, %mul3A_522 : i32
          %multiple_of3A_524 = tpu.assume_multiple %add3A_523, 8 : i32
          %dma_start3A_525 = tpu.memref_slice %arg4[%multiple_of3A_524] : memref<327680xi32, #tpu.memory_space<hbm>> -> memref<128xi32, #tpu.memory_space<hbm>>
          %dma_start3A_526 = tpu.memref_slice %arg4[%multiple_of3A_524] : memref<327680xi32, #tpu.memory_space<hbm>> -> memref<128xi32, #tpu.memory_space<hbm>>
          tpu.enqueue_dma source(%dma_start3A_526 : memref<128xi32, #tpu.memory_space<hbm>>) target(%arg13 : memref<128xi32, #tpu.memory_space<vmem>>) target_semaphore(%arg31 : memref<!tpu.dma_semaphore, #tpu.memory_space<semaphore_mem>>)
          %add3A_527 = arith.constant 3 : i32
          %add3A_528 = arith.addi %add3A_340, %add3A_527 : i32
          %mul3A_529 = arith.constant 128 : i32
          %mul3A_530 = arith.muli %add3A_528, %mul3A_529 : i32
          %add3A_531 = arith.addi %mul3A_295, %mul3A_530 : i32
          %multiple_of3A_532 = tpu.assume_multiple %add3A_531, 8 : i32
          %dma_start3A_533 = tpu.memref_slice %arg5[%multiple_of3A_532] : memref<327680xi32, #tpu.memory_space<hbm>> -> memref<128xi32, #tpu.memory_space<hbm>>
          %dma_start3A_534 = tpu.memref_slice %arg5[%multiple_of3A_532] : memref<327680xi32, #tpu.memory_space<hbm>> -> memref<128xi32, #tpu.memory_space<hbm>>
          tpu.enqueue_dma source(%dma_start3A_534 : memref<128xi32, #tpu.memory_space<hbm>>) target(%arg21 : memref<128xi32, #tpu.memory_space<vmem>>) target_semaphore(%arg31 : memref<!tpu.dma_semaphore, #tpu.memory_space<semaphore_mem>>)
        } else {
        }
        %lt3A_353 = arith.constant 159 : i32
        %lt3A_354 = arith.cmpi slt, %add3A_340, %lt3A_353 : i32
        %convert_element_type3A_355 = arith.extui %lt3A_354 : i1 to i32
        %cond3A_356 = arith.constant 0 : i32
        %cond3A_357 = arith.cmpi ne, %convert_element_type3A_355, %cond3A_356 : i32
        scf.if %cond3A_357 {
          %add3A_519 = arith.constant 0 : i32
          %add3A_520 = arith.addi %mul3A_295, %add3A_519 : i32
          %multiple_of3A_521 = tpu.assume_multiple %add3A_520, 8 : i32
          %dma_wait3A_522 = tpu.memref_slice %arg4[%multiple_of3A_521] : memref<327680xi32, #tpu.memory_space<hbm>> -> memref<128xi32, #tpu.memory_space<hbm>>
          %dma_wait3A_523 = tpu.memref_slice %arg4[%multiple_of3A_521] : memref<327680xi32, #tpu.memory_space<hbm>> -> memref<128xi32, #tpu.memory_space<hbm>>
          tpu.wait_dma2 semaphore(%arg29 : memref<!tpu.dma_semaphore, #tpu.memory_space<semaphore_mem>>) src(%dma_wait3A_523 : memref<128xi32, #tpu.memory_space<hbm>>) dst(%arg11 : memref<128xi32, #tpu.memory_space<vmem>>)
          %add3A_524 = arith.constant 0 : i32
          %add3A_525 = arith.addi %mul3A_295, %add3A_524 : i32
          %multiple_of3A_526 = tpu.assume_multiple %add3A_525, 8 : i32
          %dma_wait3A_527 = tpu.memref_slice %arg5[%multiple_of3A_526] : memref<327680xi32, #tpu.memory_space<hbm>> -> memref<128xi32, #tpu.memory_space<hbm>>
          %dma_wait3A_528 = tpu.memref_slice %arg5[%multiple_of3A_526] : memref<327680xi32, #tpu.memory_space<hbm>> -> memref<128xi32, #tpu.memory_space<hbm>>
          tpu.wait_dma2 semaphore(%arg29 : memref<!tpu.dma_semaphore, #tpu.memory_space<semaphore_mem>>) src(%dma_wait3A_528 : memref<128xi32, #tpu.memory_space<hbm>>) dst(%arg19 : memref<128xi32, #tpu.memory_space<vmem>>)
        } else {
        }
        %mul3A_358 = arith.constant 8 : i32
        %mul3A_359 = arith.muli %scan3A_336, %mul3A_358 : i32
        %add3A_360 = arith.constant 1 : i32
        %add3A_361 = arith.addi %mul3A_359, %add3A_360 : i32
        %ge3A_362 = arith.constant 3 : i32
        %ge3A_363 = arith.cmpi sge, %add3A_361, %ge3A_362 : i32
        %convert_element_type3A_364 = arith.extui %ge3A_363 : i1 to i32
        %cond3A_365 = arith.constant 0 : i32
        %cond3A_366 = arith.cmpi ne, %convert_element_type3A_364, %cond3A_365 : i32
        scf.if %cond3A_366 {
          %dma_wait3A_519 = arith.constant 0 : i32
          %dma_wait3A_520 = tpu.memref_slice %arg40[%dma_wait3A_519] : memref<10240xf32, #tpu.memory_space<vmem_shared>> -> memref<10240xf32, #tpu.memory_space<vmem_shared>>
          tpu.wait_indirect_dma semaphore(%arg38 : memref<!tpu.dma_semaphore, #tpu.memory_space<semaphore_mem>>) src(%arg26 : memref<128xf32, #tpu.memory_space<vmem>>) dst(%dma_wait3A_520 : memref<10240xf32, #tpu.memory_space<vmem_shared>>)
          %dma_wait3A_521 = arith.constant 0 : i32
          %dma_wait3A_522 = tpu.memref_slice %arg41[%dma_wait3A_521] : memref<10240xf32, #tpu.memory_space<vmem_shared>> -> memref<10240xf32, #tpu.memory_space<vmem_shared>>
          tpu.wait_indirect_dma semaphore(%arg38 : memref<!tpu.dma_semaphore, #tpu.memory_space<semaphore_mem>>) src(%arg26 : memref<128xf32, #tpu.memory_space<vmem>>) dst(%dma_wait3A_522 : memref<10240xf32, #tpu.memory_space<vmem_shared>>)
        } else {
        }
        %dma_start3A_367 = arith.constant 0 : i32
        %dma_start3A_368 = tpu.memref_slice %arg40[%dma_start3A_367] : memref<10240xf32, #tpu.memory_space<vmem_shared>> -> memref<10240xf32, #tpu.memory_space<vmem_shared>>
        tpu.enqueue_indirect_dma source(%arg26 : memref<128xf32, #tpu.memory_space<vmem>>) target(%dma_start3A_368 : memref<10240xf32, #tpu.memory_space<vmem_shared>>) offsets(%arg11 : memref<128xi32, #tpu.memory_space<vmem>>) semaphore(%arg37 : memref<!tpu.dma_semaphore, #tpu.memory_space<semaphore_mem>>) {add = true}
        %dma_start3A_369 = arith.constant 0 : i32
        %dma_start3A_370 = tpu.memref_slice %arg41[%dma_start3A_369] : memref<10240xf32, #tpu.memory_space<vmem_shared>> -> memref<10240xf32, #tpu.memory_space<vmem_shared>>
        tpu.enqueue_indirect_dma source(%arg26 : memref<128xf32, #tpu.memory_space<vmem>>) target(%dma_start3A_370 : memref<10240xf32, #tpu.memory_space<vmem_shared>>) offsets(%arg19 : memref<128xi32, #tpu.memory_space<vmem>>) semaphore(%arg37 : memref<!tpu.dma_semaphore, #tpu.memory_space<semaphore_mem>>) {add = true}
        %lt3A_371 = arith.constant 157 : i32
        %lt3A_372 = arith.cmpi slt, %add3A_361, %lt3A_371 : i32
        %convert_element_type3A_373 = arith.extui %lt3A_372 : i1 to i32
        %cond3A_374 = arith.constant 0 : i32
        %cond3A_375 = arith.cmpi ne, %convert_element_type3A_373, %cond3A_374 : i32
        scf.if %cond3A_375 {
          %add3A_519 = arith.constant 3 : i32
          %add3A_520 = arith.addi %add3A_361, %add3A_519 : i32
          %mul3A_521 = arith.constant 128 : i32
          %mul3A_522 = arith.muli %add3A_520, %mul3A_521 : i32
          %add3A_523 = arith.addi %mul3A_295, %mul3A_522 : i32
          %multiple_of3A_524 = tpu.assume_multiple %add3A_523, 8 : i32
          %dma_start3A_525 = tpu.memref_slice %arg4[%multiple_of3A_524] : memref<327680xi32, #tpu.memory_space<hbm>> -> memref<128xi32, #tpu.memory_space<hbm>>
          %dma_start3A_526 = tpu.memref_slice %arg4[%multiple_of3A_524] : memref<327680xi32, #tpu.memory_space<hbm>> -> memref<128xi32, #tpu.memory_space<hbm>>
          tpu.enqueue_dma source(%dma_start3A_526 : memref<128xi32, #tpu.memory_space<hbm>>) target(%arg14 : memref<128xi32, #tpu.memory_space<vmem>>) target_semaphore(%arg32 : memref<!tpu.dma_semaphore, #tpu.memory_space<semaphore_mem>>)
          %add3A_527 = arith.constant 3 : i32
          %add3A_528 = arith.addi %add3A_361, %add3A_527 : i32
          %mul3A_529 = arith.constant 128 : i32
          %mul3A_530 = arith.muli %add3A_528, %mul3A_529 : i32
          %add3A_531 = arith.addi %mul3A_295, %mul3A_530 : i32
          %multiple_of3A_532 = tpu.assume_multiple %add3A_531, 8 : i32
          %dma_start3A_533 = tpu.memref_slice %arg5[%multiple_of3A_532] : memref<327680xi32, #tpu.memory_space<hbm>> -> memref<128xi32, #tpu.memory_space<hbm>>
          %dma_start3A_534 = tpu.memref_slice %arg5[%multiple_of3A_532] : memref<327680xi32, #tpu.memory_space<hbm>> -> memref<128xi32, #tpu.memory_space<hbm>>
          tpu.enqueue_dma source(%dma_start3A_534 : memref<128xi32, #tpu.memory_space<hbm>>) target(%arg22 : memref<128xi32, #tpu.memory_space<vmem>>) target_semaphore(%arg32 : memref<!tpu.dma_semaphore, #tpu.memory_space<semaphore_mem>>)
        } else {
        }
        %lt3A_376 = arith.constant 159 : i32
        %lt3A_377 = arith.cmpi slt, %add3A_361, %lt3A_376 : i32
        %convert_element_type3A_378 = arith.extui %lt3A_377 : i1 to i32
        %cond3A_379 = arith.constant 0 : i32
        %cond3A_380 = arith.cmpi ne, %convert_element_type3A_378, %cond3A_379 : i32
        scf.if %cond3A_380 {
          %add3A_519 = arith.constant 0 : i32
          %add3A_520 = arith.addi %mul3A_295, %add3A_519 : i32
          %multiple_of3A_521 = tpu.assume_multiple %add3A_520, 8 : i32
          %dma_wait3A_522 = tpu.memref_slice %arg4[%multiple_of3A_521] : memref<327680xi32, #tpu.memory_space<hbm>> -> memref<128xi32, #tpu.memory_space<hbm>>
          %dma_wait3A_523 = tpu.memref_slice %arg4[%multiple_of3A_521] : memref<327680xi32, #tpu.memory_space<hbm>> -> memref<128xi32, #tpu.memory_space<hbm>>
          tpu.wait_dma2 semaphore(%arg30 : memref<!tpu.dma_semaphore, #tpu.memory_space<semaphore_mem>>) src(%dma_wait3A_523 : memref<128xi32, #tpu.memory_space<hbm>>) dst(%arg12 : memref<128xi32, #tpu.memory_space<vmem>>)
          %add3A_524 = arith.constant 0 : i32
          %add3A_525 = arith.addi %mul3A_295, %add3A_524 : i32
          %multiple_of3A_526 = tpu.assume_multiple %add3A_525, 8 : i32
          %dma_wait3A_527 = tpu.memref_slice %arg5[%multiple_of3A_526] : memref<327680xi32, #tpu.memory_space<hbm>> -> memref<128xi32, #tpu.memory_space<hbm>>
          %dma_wait3A_528 = tpu.memref_slice %arg5[%multiple_of3A_526] : memref<327680xi32, #tpu.memory_space<hbm>> -> memref<128xi32, #tpu.memory_space<hbm>>
          tpu.wait_dma2 semaphore(%arg30 : memref<!tpu.dma_semaphore, #tpu.memory_space<semaphore_mem>>) src(%dma_wait3A_528 : memref<128xi32, #tpu.memory_space<hbm>>) dst(%arg20 : memref<128xi32, #tpu.memory_space<vmem>>)
        } else {
        }
        %mul3A_381 = arith.constant 8 : i32
        %mul3A_382 = arith.muli %scan3A_336, %mul3A_381 : i32
        %add3A_383 = arith.constant 2 : i32
        %add3A_384 = arith.addi %mul3A_382, %add3A_383 : i32
        %ge3A_385 = arith.constant 3 : i32
        %ge3A_386 = arith.cmpi sge, %add3A_384, %ge3A_385 : i32
        %convert_element_type3A_387 = arith.extui %ge3A_386 : i1 to i32
        %cond3A_388 = arith.constant 0 : i32
        %cond3A_389 = arith.cmpi ne, %convert_element_type3A_387, %cond3A_388 : i32
        scf.if %cond3A_389 {
          %dma_wait3A_519 = arith.constant 0 : i32
          %dma_wait3A_520 = tpu.memref_slice %arg40[%dma_wait3A_519] : memref<10240xf32, #tpu.memory_space<vmem_shared>> -> memref<10240xf32, #tpu.memory_space<vmem_shared>>
          tpu.wait_indirect_dma semaphore(%arg39 : memref<!tpu.dma_semaphore, #tpu.memory_space<semaphore_mem>>) src(%arg26 : memref<128xf32, #tpu.memory_space<vmem>>) dst(%dma_wait3A_520 : memref<10240xf32, #tpu.memory_space<vmem_shared>>)
          %dma_wait3A_521 = arith.constant 0 : i32
          %dma_wait3A_522 = tpu.memref_slice %arg41[%dma_wait3A_521] : memref<10240xf32, #tpu.memory_space<vmem_shared>> -> memref<10240xf32, #tpu.memory_space<vmem_shared>>
          tpu.wait_indirect_dma semaphore(%arg39 : memref<!tpu.dma_semaphore, #tpu.memory_space<semaphore_mem>>) src(%arg26 : memref<128xf32, #tpu.memory_space<vmem>>) dst(%dma_wait3A_522 : memref<10240xf32, #tpu.memory_space<vmem_shared>>)
        } else {
        }
        %dma_start3A_390 = arith.constant 0 : i32
        %dma_start3A_391 = tpu.memref_slice %arg40[%dma_start3A_390] : memref<10240xf32, #tpu.memory_space<vmem_shared>> -> memref<10240xf32, #tpu.memory_space<vmem_shared>>
        tpu.enqueue_indirect_dma source(%arg26 : memref<128xf32, #tpu.memory_space<vmem>>) target(%dma_start3A_391 : memref<10240xf32, #tpu.memory_space<vmem_shared>>) offsets(%arg12 : memref<128xi32, #tpu.memory_space<vmem>>) semaphore(%arg38 : memref<!tpu.dma_semaphore, #tpu.memory_space<semaphore_mem>>) {add = true}
        %dma_start3A_392 = arith.constant 0 : i32
        %dma_start3A_393 = tpu.memref_slice %arg41[%dma_start3A_392] : memref<10240xf32, #tpu.memory_space<vmem_shared>> -> memref<10240xf32, #tpu.memory_space<vmem_shared>>
        tpu.enqueue_indirect_dma source(%arg26 : memref<128xf32, #tpu.memory_space<vmem>>) target(%dma_start3A_393 : memref<10240xf32, #tpu.memory_space<vmem_shared>>) offsets(%arg20 : memref<128xi32, #tpu.memory_space<vmem>>) semaphore(%arg38 : memref<!tpu.dma_semaphore, #tpu.memory_space<semaphore_mem>>) {add = true}
        %lt3A_394 = arith.constant 157 : i32
        %lt3A_395 = arith.cmpi slt, %add3A_384, %lt3A_394 : i32
        %convert_element_type3A_396 = arith.extui %lt3A_395 : i1 to i32
        %cond3A_397 = arith.constant 0 : i32
        %cond3A_398 = arith.cmpi ne, %convert_element_type3A_396, %cond3A_397 : i32
        scf.if %cond3A_398 {
          %add3A_519 = arith.constant 3 : i32
          %add3A_520 = arith.addi %add3A_384, %add3A_519 : i32
          %mul3A_521 = arith.constant 128 : i32
          %mul3A_522 = arith.muli %add3A_520, %mul3A_521 : i32
          %add3A_523 = arith.addi %mul3A_295, %mul3A_522 : i32
          %multiple_of3A_524 = tpu.assume_multiple %add3A_523, 8 : i32
          %dma_start3A_525 = tpu.memref_slice %arg4[%multiple_of3A_524] : memref<327680xi32, #tpu.memory_space<hbm>> -> memref<128xi32, #tpu.memory_space<hbm>>
          %dma_start3A_526 = tpu.memref_slice %arg4[%multiple_of3A_524] : memref<327680xi32, #tpu.memory_space<hbm>> -> memref<128xi32, #tpu.memory_space<hbm>>
          tpu.enqueue_dma source(%dma_start3A_526 : memref<128xi32, #tpu.memory_space<hbm>>) target(%arg15 : memref<128xi32, #tpu.memory_space<vmem>>) target_semaphore(%arg33 : memref<!tpu.dma_semaphore, #tpu.memory_space<semaphore_mem>>)
          %add3A_527 = arith.constant 3 : i32
          %add3A_528 = arith.addi %add3A_384, %add3A_527 : i32
          %mul3A_529 = arith.constant 128 : i32
          %mul3A_530 = arith.muli %add3A_528, %mul3A_529 : i32
          %add3A_531 = arith.addi %mul3A_295, %mul3A_530 : i32
          %multiple_of3A_532 = tpu.assume_multiple %add3A_531, 8 : i32
          %dma_start3A_533 = tpu.memref_slice %arg5[%multiple_of3A_532] : memref<327680xi32, #tpu.memory_space<hbm>> -> memref<128xi32, #tpu.memory_space<hbm>>
          %dma_start3A_534 = tpu.memref_slice %arg5[%multiple_of3A_532] : memref<327680xi32, #tpu.memory_space<hbm>> -> memref<128xi32, #tpu.memory_space<hbm>>
          tpu.enqueue_dma source(%dma_start3A_534 : memref<128xi32, #tpu.memory_space<hbm>>) target(%arg23 : memref<128xi32, #tpu.memory_space<vmem>>) target_semaphore(%arg33 : memref<!tpu.dma_semaphore, #tpu.memory_space<semaphore_mem>>)
        } else {
        }
        %lt3A_399 = arith.constant 159 : i32
        %lt3A_400 = arith.cmpi slt, %add3A_384, %lt3A_399 : i32
        %convert_element_type3A_401 = arith.extui %lt3A_400 : i1 to i32
        %cond3A_402 = arith.constant 0 : i32
        %cond3A_403 = arith.cmpi ne, %convert_element_type3A_401, %cond3A_402 : i32
        scf.if %cond3A_403 {
          %add3A_519 = arith.constant 0 : i32
          %add3A_520 = arith.addi %mul3A_295, %add3A_519 : i32
          %multiple_of3A_521 = tpu.assume_multiple %add3A_520, 8 : i32
          %dma_wait3A_522 = tpu.memref_slice %arg4[%multiple_of3A_521] : memref<327680xi32, #tpu.memory_space<hbm>> -> memref<128xi32, #tpu.memory_space<hbm>>
          %dma_wait3A_523 = tpu.memref_slice %arg4[%multiple_of3A_521] : memref<327680xi32, #tpu.memory_space<hbm>> -> memref<128xi32, #tpu.memory_space<hbm>>
          tpu.wait_dma2 semaphore(%arg31 : memref<!tpu.dma_semaphore, #tpu.memory_space<semaphore_mem>>) src(%dma_wait3A_523 : memref<128xi32, #tpu.memory_space<hbm>>) dst(%arg13 : memref<128xi32, #tpu.memory_space<vmem>>)
          %add3A_524 = arith.constant 0 : i32
          %add3A_525 = arith.addi %mul3A_295, %add3A_524 : i32
          %multiple_of3A_526 = tpu.assume_multiple %add3A_525, 8 : i32
          %dma_wait3A_527 = tpu.memref_slice %arg5[%multiple_of3A_526] : memref<327680xi32, #tpu.memory_space<hbm>> -> memref<128xi32, #tpu.memory_space<hbm>>
          %dma_wait3A_528 = tpu.memref_slice %arg5[%multiple_of3A_526] : memref<327680xi32, #tpu.memory_space<hbm>> -> memref<128xi32, #tpu.memory_space<hbm>>
          tpu.wait_dma2 semaphore(%arg31 : memref<!tpu.dma_semaphore, #tpu.memory_space<semaphore_mem>>) src(%dma_wait3A_528 : memref<128xi32, #tpu.memory_space<hbm>>) dst(%arg21 : memref<128xi32, #tpu.memory_space<vmem>>)
        } else {
        }
        %mul3A_404 = arith.constant 8 : i32
        %mul3A_405 = arith.muli %scan3A_336, %mul3A_404 : i32
        %add3A_406 = arith.constant 3 : i32
        %add3A_407 = arith.addi %mul3A_405, %add3A_406 : i32
        %ge3A_408 = arith.constant 3 : i32
        %ge3A_409 = arith.cmpi sge, %add3A_407, %ge3A_408 : i32
        %convert_element_type3A_410 = arith.extui %ge3A_409 : i1 to i32
        %cond3A_411 = arith.constant 0 : i32
        %cond3A_412 = arith.cmpi ne, %convert_element_type3A_410, %cond3A_411 : i32
        scf.if %cond3A_412 {
          %dma_wait3A_519 = arith.constant 0 : i32
          %dma_wait3A_520 = tpu.memref_slice %arg40[%dma_wait3A_519] : memref<10240xf32, #tpu.memory_space<vmem_shared>> -> memref<10240xf32, #tpu.memory_space<vmem_shared>>
          tpu.wait_indirect_dma semaphore(%arg36 : memref<!tpu.dma_semaphore, #tpu.memory_space<semaphore_mem>>) src(%arg26 : memref<128xf32, #tpu.memory_space<vmem>>) dst(%dma_wait3A_520 : memref<10240xf32, #tpu.memory_space<vmem_shared>>)
          %dma_wait3A_521 = arith.constant 0 : i32
          %dma_wait3A_522 = tpu.memref_slice %arg41[%dma_wait3A_521] : memref<10240xf32, #tpu.memory_space<vmem_shared>> -> memref<10240xf32, #tpu.memory_space<vmem_shared>>
          tpu.wait_indirect_dma semaphore(%arg36 : memref<!tpu.dma_semaphore, #tpu.memory_space<semaphore_mem>>) src(%arg26 : memref<128xf32, #tpu.memory_space<vmem>>) dst(%dma_wait3A_522 : memref<10240xf32, #tpu.memory_space<vmem_shared>>)
        } else {
        }
        %dma_start3A_413 = arith.constant 0 : i32
        %dma_start3A_414 = tpu.memref_slice %arg40[%dma_start3A_413] : memref<10240xf32, #tpu.memory_space<vmem_shared>> -> memref<10240xf32, #tpu.memory_space<vmem_shared>>
        tpu.enqueue_indirect_dma source(%arg26 : memref<128xf32, #tpu.memory_space<vmem>>) target(%dma_start3A_414 : memref<10240xf32, #tpu.memory_space<vmem_shared>>) offsets(%arg13 : memref<128xi32, #tpu.memory_space<vmem>>) semaphore(%arg39 : memref<!tpu.dma_semaphore, #tpu.memory_space<semaphore_mem>>) {add = true}
        %dma_start3A_415 = arith.constant 0 : i32
        %dma_start3A_416 = tpu.memref_slice %arg41[%dma_start3A_415] : memref<10240xf32, #tpu.memory_space<vmem_shared>> -> memref<10240xf32, #tpu.memory_space<vmem_shared>>
        tpu.enqueue_indirect_dma source(%arg26 : memref<128xf32, #tpu.memory_space<vmem>>) target(%dma_start3A_416 : memref<10240xf32, #tpu.memory_space<vmem_shared>>) offsets(%arg21 : memref<128xi32, #tpu.memory_space<vmem>>) semaphore(%arg39 : memref<!tpu.dma_semaphore, #tpu.memory_space<semaphore_mem>>) {add = true}
        %lt3A_417 = arith.constant 157 : i32
        %lt3A_418 = arith.cmpi slt, %add3A_407, %lt3A_417 : i32
        %convert_element_type3A_419 = arith.extui %lt3A_418 : i1 to i32
        %cond3A_420 = arith.constant 0 : i32
        %cond3A_421 = arith.cmpi ne, %convert_element_type3A_419, %cond3A_420 : i32
        scf.if %cond3A_421 {
          %add3A_519 = arith.constant 3 : i32
          %add3A_520 = arith.addi %add3A_407, %add3A_519 : i32
          %mul3A_521 = arith.constant 128 : i32
          %mul3A_522 = arith.muli %add3A_520, %mul3A_521 : i32
          %add3A_523 = arith.addi %mul3A_295, %mul3A_522 : i32
          %multiple_of3A_524 = tpu.assume_multiple %add3A_523, 8 : i32
          %dma_start3A_525 = tpu.memref_slice %arg4[%multiple_of3A_524] : memref<327680xi32, #tpu.memory_space<hbm>> -> memref<128xi32, #tpu.memory_space<hbm>>
          %dma_start3A_526 = tpu.memref_slice %arg4[%multiple_of3A_524] : memref<327680xi32, #tpu.memory_space<hbm>> -> memref<128xi32, #tpu.memory_space<hbm>>
          tpu.enqueue_dma source(%dma_start3A_526 : memref<128xi32, #tpu.memory_space<hbm>>) target(%arg16 : memref<128xi32, #tpu.memory_space<vmem>>) target_semaphore(%arg34 : memref<!tpu.dma_semaphore, #tpu.memory_space<semaphore_mem>>)
          %add3A_527 = arith.constant 3 : i32
          %add3A_528 = arith.addi %add3A_407, %add3A_527 : i32
          %mul3A_529 = arith.constant 128 : i32
          %mul3A_530 = arith.muli %add3A_528, %mul3A_529 : i32
          %add3A_531 = arith.addi %mul3A_295, %mul3A_530 : i32
          %multiple_of3A_532 = tpu.assume_multiple %add3A_531, 8 : i32
          %dma_start3A_533 = tpu.memref_slice %arg5[%multiple_of3A_532] : memref<327680xi32, #tpu.memory_space<hbm>> -> memref<128xi32, #tpu.memory_space<hbm>>
          %dma_start3A_534 = tpu.memref_slice %arg5[%multiple_of3A_532] : memref<327680xi32, #tpu.memory_space<hbm>> -> memref<128xi32, #tpu.memory_space<hbm>>
          tpu.enqueue_dma source(%dma_start3A_534 : memref<128xi32, #tpu.memory_space<hbm>>) target(%arg24 : memref<128xi32, #tpu.memory_space<vmem>>) target_semaphore(%arg34 : memref<!tpu.dma_semaphore, #tpu.memory_space<semaphore_mem>>)
        } else {
        }
        %lt3A_422 = arith.constant 159 : i32
        %lt3A_423 = arith.cmpi slt, %add3A_407, %lt3A_422 : i32
        %convert_element_type3A_424 = arith.extui %lt3A_423 : i1 to i32
        %cond3A_425 = arith.constant 0 : i32
        %cond3A_426 = arith.cmpi ne, %convert_element_type3A_424, %cond3A_425 : i32
        scf.if %cond3A_426 {
          %add3A_519 = arith.constant 0 : i32
          %add3A_520 = arith.addi %mul3A_295, %add3A_519 : i32
          %multiple_of3A_521 = tpu.assume_multiple %add3A_520, 8 : i32
          %dma_wait3A_522 = tpu.memref_slice %arg4[%multiple_of3A_521] : memref<327680xi32, #tpu.memory_space<hbm>> -> memref<128xi32, #tpu.memory_space<hbm>>
          %dma_wait3A_523 = tpu.memref_slice %arg4[%multiple_of3A_521] : memref<327680xi32, #tpu.memory_space<hbm>> -> memref<128xi32, #tpu.memory_space<hbm>>
          tpu.wait_dma2 semaphore(%arg32 : memref<!tpu.dma_semaphore, #tpu.memory_space<semaphore_mem>>) src(%dma_wait3A_523 : memref<128xi32, #tpu.memory_space<hbm>>) dst(%arg14 : memref<128xi32, #tpu.memory_space<vmem>>)
          %add3A_524 = arith.constant 0 : i32
          %add3A_525 = arith.addi %mul3A_295, %add3A_524 : i32
          %multiple_of3A_526 = tpu.assume_multiple %add3A_525, 8 : i32
          %dma_wait3A_527 = tpu.memref_slice %arg5[%multiple_of3A_526] : memref<327680xi32, #tpu.memory_space<hbm>> -> memref<128xi32, #tpu.memory_space<hbm>>
          %dma_wait3A_528 = tpu.memref_slice %arg5[%multiple_of3A_526] : memref<327680xi32, #tpu.memory_space<hbm>> -> memref<128xi32, #tpu.memory_space<hbm>>
          tpu.wait_dma2 semaphore(%arg32 : memref<!tpu.dma_semaphore, #tpu.memory_space<semaphore_mem>>) src(%dma_wait3A_528 : memref<128xi32, #tpu.memory_space<hbm>>) dst(%arg22 : memref<128xi32, #tpu.memory_space<vmem>>)
        } else {
        }
        %mul3A_427 = arith.constant 8 : i32
        %mul3A_428 = arith.muli %scan3A_336, %mul3A_427 : i32
        %add3A_429 = arith.constant 4 : i32
        %add3A_430 = arith.addi %mul3A_428, %add3A_429 : i32
        %ge3A_431 = arith.constant 3 : i32
        %ge3A_432 = arith.cmpi sge, %add3A_430, %ge3A_431 : i32
        %convert_element_type3A_433 = arith.extui %ge3A_432 : i1 to i32
        %cond3A_434 = arith.constant 0 : i32
        %cond3A_435 = arith.cmpi ne, %convert_element_type3A_433, %cond3A_434 : i32
        scf.if %cond3A_435 {
          %dma_wait3A_519 = arith.constant 0 : i32
          %dma_wait3A_520 = tpu.memref_slice %arg40[%dma_wait3A_519] : memref<10240xf32, #tpu.memory_space<vmem_shared>> -> memref<10240xf32, #tpu.memory_space<vmem_shared>>
          tpu.wait_indirect_dma semaphore(%arg37 : memref<!tpu.dma_semaphore, #tpu.memory_space<semaphore_mem>>) src(%arg26 : memref<128xf32, #tpu.memory_space<vmem>>) dst(%dma_wait3A_520 : memref<10240xf32, #tpu.memory_space<vmem_shared>>)
          %dma_wait3A_521 = arith.constant 0 : i32
          %dma_wait3A_522 = tpu.memref_slice %arg41[%dma_wait3A_521] : memref<10240xf32, #tpu.memory_space<vmem_shared>> -> memref<10240xf32, #tpu.memory_space<vmem_shared>>
          tpu.wait_indirect_dma semaphore(%arg37 : memref<!tpu.dma_semaphore, #tpu.memory_space<semaphore_mem>>) src(%arg26 : memref<128xf32, #tpu.memory_space<vmem>>) dst(%dma_wait3A_522 : memref<10240xf32, #tpu.memory_space<vmem_shared>>)
        } else {
        }
        %dma_start3A_436 = arith.constant 0 : i32
        %dma_start3A_437 = tpu.memref_slice %arg40[%dma_start3A_436] : memref<10240xf32, #tpu.memory_space<vmem_shared>> -> memref<10240xf32, #tpu.memory_space<vmem_shared>>
        tpu.enqueue_indirect_dma source(%arg26 : memref<128xf32, #tpu.memory_space<vmem>>) target(%dma_start3A_437 : memref<10240xf32, #tpu.memory_space<vmem_shared>>) offsets(%arg14 : memref<128xi32, #tpu.memory_space<vmem>>) semaphore(%arg36 : memref<!tpu.dma_semaphore, #tpu.memory_space<semaphore_mem>>) {add = true}
        %dma_start3A_438 = arith.constant 0 : i32
        %dma_start3A_439 = tpu.memref_slice %arg41[%dma_start3A_438] : memref<10240xf32, #tpu.memory_space<vmem_shared>> -> memref<10240xf32, #tpu.memory_space<vmem_shared>>
        tpu.enqueue_indirect_dma source(%arg26 : memref<128xf32, #tpu.memory_space<vmem>>) target(%dma_start3A_439 : memref<10240xf32, #tpu.memory_space<vmem_shared>>) offsets(%arg22 : memref<128xi32, #tpu.memory_space<vmem>>) semaphore(%arg36 : memref<!tpu.dma_semaphore, #tpu.memory_space<semaphore_mem>>) {add = true}
        %lt3A_440 = arith.constant 157 : i32
        %lt3A_441 = arith.cmpi slt, %add3A_430, %lt3A_440 : i32
        %convert_element_type3A_442 = arith.extui %lt3A_441 : i1 to i32
        %cond3A_443 = arith.constant 0 : i32
        %cond3A_444 = arith.cmpi ne, %convert_element_type3A_442, %cond3A_443 : i32
        scf.if %cond3A_444 {
          %add3A_519 = arith.constant 3 : i32
          %add3A_520 = arith.addi %add3A_430, %add3A_519 : i32
          %mul3A_521 = arith.constant 128 : i32
          %mul3A_522 = arith.muli %add3A_520, %mul3A_521 : i32
          %add3A_523 = arith.addi %mul3A_295, %mul3A_522 : i32
          %multiple_of3A_524 = tpu.assume_multiple %add3A_523, 8 : i32
          %dma_start3A_525 = tpu.memref_slice %arg4[%multiple_of3A_524] : memref<327680xi32, #tpu.memory_space<hbm>> -> memref<128xi32, #tpu.memory_space<hbm>>
          %dma_start3A_526 = tpu.memref_slice %arg4[%multiple_of3A_524] : memref<327680xi32, #tpu.memory_space<hbm>> -> memref<128xi32, #tpu.memory_space<hbm>>
          tpu.enqueue_dma source(%dma_start3A_526 : memref<128xi32, #tpu.memory_space<hbm>>) target(%arg17 : memref<128xi32, #tpu.memory_space<vmem>>) target_semaphore(%arg35 : memref<!tpu.dma_semaphore, #tpu.memory_space<semaphore_mem>>)
          %add3A_527 = arith.constant 3 : i32
          %add3A_528 = arith.addi %add3A_430, %add3A_527 : i32
          %mul3A_529 = arith.constant 128 : i32
          %mul3A_530 = arith.muli %add3A_528, %mul3A_529 : i32
          %add3A_531 = arith.addi %mul3A_295, %mul3A_530 : i32
          %multiple_of3A_532 = tpu.assume_multiple %add3A_531, 8 : i32
          %dma_start3A_533 = tpu.memref_slice %arg5[%multiple_of3A_532] : memref<327680xi32, #tpu.memory_space<hbm>> -> memref<128xi32, #tpu.memory_space<hbm>>
          %dma_start3A_534 = tpu.memref_slice %arg5[%multiple_of3A_532] : memref<327680xi32, #tpu.memory_space<hbm>> -> memref<128xi32, #tpu.memory_space<hbm>>
          tpu.enqueue_dma source(%dma_start3A_534 : memref<128xi32, #tpu.memory_space<hbm>>) target(%arg25 : memref<128xi32, #tpu.memory_space<vmem>>) target_semaphore(%arg35 : memref<!tpu.dma_semaphore, #tpu.memory_space<semaphore_mem>>)
        } else {
        }
        %lt3A_445 = arith.constant 159 : i32
        %lt3A_446 = arith.cmpi slt, %add3A_430, %lt3A_445 : i32
        %convert_element_type3A_447 = arith.extui %lt3A_446 : i1 to i32
        %cond3A_448 = arith.constant 0 : i32
        %cond3A_449 = arith.cmpi ne, %convert_element_type3A_447, %cond3A_448 : i32
        scf.if %cond3A_449 {
          %add3A_519 = arith.constant 0 : i32
          %add3A_520 = arith.addi %mul3A_295, %add3A_519 : i32
          %multiple_of3A_521 = tpu.assume_multiple %add3A_520, 8 : i32
          %dma_wait3A_522 = tpu.memref_slice %arg4[%multiple_of3A_521] : memref<327680xi32, #tpu.memory_space<hbm>> -> memref<128xi32, #tpu.memory_space<hbm>>
          %dma_wait3A_523 = tpu.memref_slice %arg4[%multiple_of3A_521] : memref<327680xi32, #tpu.memory_space<hbm>> -> memref<128xi32, #tpu.memory_space<hbm>>
          tpu.wait_dma2 semaphore(%arg33 : memref<!tpu.dma_semaphore, #tpu.memory_space<semaphore_mem>>) src(%dma_wait3A_523 : memref<128xi32, #tpu.memory_space<hbm>>) dst(%arg15 : memref<128xi32, #tpu.memory_space<vmem>>)
          %add3A_524 = arith.constant 0 : i32
          %add3A_525 = arith.addi %mul3A_295, %add3A_524 : i32
          %multiple_of3A_526 = tpu.assume_multiple %add3A_525, 8 : i32
          %dma_wait3A_527 = tpu.memref_slice %arg5[%multiple_of3A_526] : memref<327680xi32, #tpu.memory_space<hbm>> -> memref<128xi32, #tpu.memory_space<hbm>>
          %dma_wait3A_528 = tpu.memref_slice %arg5[%multiple_of3A_526] : memref<327680xi32, #tpu.memory_space<hbm>> -> memref<128xi32, #tpu.memory_space<hbm>>
          tpu.wait_dma2 semaphore(%arg33 : memref<!tpu.dma_semaphore, #tpu.memory_space<semaphore_mem>>) src(%dma_wait3A_528 : memref<128xi32, #tpu.memory_space<hbm>>) dst(%arg23 : memref<128xi32, #tpu.memory_space<vmem>>)
        } else {
        }
        %mul3A_450 = arith.constant 8 : i32
        %mul3A_451 = arith.muli %scan3A_336, %mul3A_450 : i32
        %add3A_452 = arith.constant 5 : i32
        %add3A_453 = arith.addi %mul3A_451, %add3A_452 : i32
        %ge3A_454 = arith.constant 3 : i32
        %ge3A_455 = arith.cmpi sge, %add3A_453, %ge3A_454 : i32
        %convert_element_type3A_456 = arith.extui %ge3A_455 : i1 to i32
        %cond3A_457 = arith.constant 0 : i32
        %cond3A_458 = arith.cmpi ne, %convert_element_type3A_456, %cond3A_457 : i32
        scf.if %cond3A_458 {
          %dma_wait3A_519 = arith.constant 0 : i32
          %dma_wait3A_520 = tpu.memref_slice %arg40[%dma_wait3A_519] : memref<10240xf32, #tpu.memory_space<vmem_shared>> -> memref<10240xf32, #tpu.memory_space<vmem_shared>>
          tpu.wait_indirect_dma semaphore(%arg38 : memref<!tpu.dma_semaphore, #tpu.memory_space<semaphore_mem>>) src(%arg26 : memref<128xf32, #tpu.memory_space<vmem>>) dst(%dma_wait3A_520 : memref<10240xf32, #tpu.memory_space<vmem_shared>>)
          %dma_wait3A_521 = arith.constant 0 : i32
          %dma_wait3A_522 = tpu.memref_slice %arg41[%dma_wait3A_521] : memref<10240xf32, #tpu.memory_space<vmem_shared>> -> memref<10240xf32, #tpu.memory_space<vmem_shared>>
          tpu.wait_indirect_dma semaphore(%arg38 : memref<!tpu.dma_semaphore, #tpu.memory_space<semaphore_mem>>) src(%arg26 : memref<128xf32, #tpu.memory_space<vmem>>) dst(%dma_wait3A_522 : memref<10240xf32, #tpu.memory_space<vmem_shared>>)
        } else {
        }
        %dma_start3A_459 = arith.constant 0 : i32
        %dma_start3A_460 = tpu.memref_slice %arg40[%dma_start3A_459] : memref<10240xf32, #tpu.memory_space<vmem_shared>> -> memref<10240xf32, #tpu.memory_space<vmem_shared>>
        tpu.enqueue_indirect_dma source(%arg26 : memref<128xf32, #tpu.memory_space<vmem>>) target(%dma_start3A_460 : memref<10240xf32, #tpu.memory_space<vmem_shared>>) offsets(%arg15 : memref<128xi32, #tpu.memory_space<vmem>>) semaphore(%arg37 : memref<!tpu.dma_semaphore, #tpu.memory_space<semaphore_mem>>) {add = true}
        %dma_start3A_461 = arith.constant 0 : i32
        %dma_start3A_462 = tpu.memref_slice %arg41[%dma_start3A_461] : memref<10240xf32, #tpu.memory_space<vmem_shared>> -> memref<10240xf32, #tpu.memory_space<vmem_shared>>
        tpu.enqueue_indirect_dma source(%arg26 : memref<128xf32, #tpu.memory_space<vmem>>) target(%dma_start3A_462 : memref<10240xf32, #tpu.memory_space<vmem_shared>>) offsets(%arg23 : memref<128xi32, #tpu.memory_space<vmem>>) semaphore(%arg37 : memref<!tpu.dma_semaphore, #tpu.memory_space<semaphore_mem>>) {add = true}
        %lt3A_463 = arith.constant 157 : i32
        %lt3A_464 = arith.cmpi slt, %add3A_453, %lt3A_463 : i32
        %convert_element_type3A_465 = arith.extui %lt3A_464 : i1 to i32
        %cond3A_466 = arith.constant 0 : i32
        %cond3A_467 = arith.cmpi ne, %convert_element_type3A_465, %cond3A_466 : i32
        scf.if %cond3A_467 {
          %add3A_519 = arith.constant 3 : i32
          %add3A_520 = arith.addi %add3A_453, %add3A_519 : i32
          %mul3A_521 = arith.constant 128 : i32
          %mul3A_522 = arith.muli %add3A_520, %mul3A_521 : i32
          %add3A_523 = arith.addi %mul3A_295, %mul3A_522 : i32
          %multiple_of3A_524 = tpu.assume_multiple %add3A_523, 8 : i32
          %dma_start3A_525 = tpu.memref_slice %arg4[%multiple_of3A_524] : memref<327680xi32, #tpu.memory_space<hbm>> -> memref<128xi32, #tpu.memory_space<hbm>>
          %dma_start3A_526 = tpu.memref_slice %arg4[%multiple_of3A_524] : memref<327680xi32, #tpu.memory_space<hbm>> -> memref<128xi32, #tpu.memory_space<hbm>>
          tpu.enqueue_dma source(%dma_start3A_526 : memref<128xi32, #tpu.memory_space<hbm>>) target(%arg10 : memref<128xi32, #tpu.memory_space<vmem>>) target_semaphore(%arg28 : memref<!tpu.dma_semaphore, #tpu.memory_space<semaphore_mem>>)
          %add3A_527 = arith.constant 3 : i32
          %add3A_528 = arith.addi %add3A_453, %add3A_527 : i32
          %mul3A_529 = arith.constant 128 : i32
          %mul3A_530 = arith.muli %add3A_528, %mul3A_529 : i32
          %add3A_531 = arith.addi %mul3A_295, %mul3A_530 : i32
          %multiple_of3A_532 = tpu.assume_multiple %add3A_531, 8 : i32
          %dma_start3A_533 = tpu.memref_slice %arg5[%multiple_of3A_532] : memref<327680xi32, #tpu.memory_space<hbm>> -> memref<128xi32, #tpu.memory_space<hbm>>
          %dma_start3A_534 = tpu.memref_slice %arg5[%multiple_of3A_532] : memref<327680xi32, #tpu.memory_space<hbm>> -> memref<128xi32, #tpu.memory_space<hbm>>
          tpu.enqueue_dma source(%dma_start3A_534 : memref<128xi32, #tpu.memory_space<hbm>>) target(%arg18 : memref<128xi32, #tpu.memory_space<vmem>>) target_semaphore(%arg28 : memref<!tpu.dma_semaphore, #tpu.memory_space<semaphore_mem>>)
        } else {
        }
        %lt3A_468 = arith.constant 159 : i32
        %lt3A_469 = arith.cmpi slt, %add3A_453, %lt3A_468 : i32
        %convert_element_type3A_470 = arith.extui %lt3A_469 : i1 to i32
        %cond3A_471 = arith.constant 0 : i32
        %cond3A_472 = arith.cmpi ne, %convert_element_type3A_470, %cond3A_471 : i32
        scf.if %cond3A_472 {
          %add3A_519 = arith.constant 0 : i32
          %add3A_520 = arith.addi %mul3A_295, %add3A_519 : i32
          %multiple_of3A_521 = tpu.assume_multiple %add3A_520, 8 : i32
          %dma_wait3A_522 = tpu.memref_slice %arg4[%multiple_of3A_521] : memref<327680xi32, #tpu.memory_space<hbm>> -> memref<128xi32, #tpu.memory_space<hbm>>
          %dma_wait3A_523 = tpu.memref_slice %arg4[%multiple_of3A_521] : memref<327680xi32, #tpu.memory_space<hbm>> -> memref<128xi32, #tpu.memory_space<hbm>>
          tpu.wait_dma2 semaphore(%arg34 : memref<!tpu.dma_semaphore, #tpu.memory_space<semaphore_mem>>) src(%dma_wait3A_523 : memref<128xi32, #tpu.memory_space<hbm>>) dst(%arg16 : memref<128xi32, #tpu.memory_space<vmem>>)
          %add3A_524 = arith.constant 0 : i32
          %add3A_525 = arith.addi %mul3A_295, %add3A_524 : i32
          %multiple_of3A_526 = tpu.assume_multiple %add3A_525, 8 : i32
          %dma_wait3A_527 = tpu.memref_slice %arg5[%multiple_of3A_526] : memref<327680xi32, #tpu.memory_space<hbm>> -> memref<128xi32, #tpu.memory_space<hbm>>
          %dma_wait3A_528 = tpu.memref_slice %arg5[%multiple_of3A_526] : memref<327680xi32, #tpu.memory_space<hbm>> -> memref<128xi32, #tpu.memory_space<hbm>>
          tpu.wait_dma2 semaphore(%arg34 : memref<!tpu.dma_semaphore, #tpu.memory_space<semaphore_mem>>) src(%dma_wait3A_528 : memref<128xi32, #tpu.memory_space<hbm>>) dst(%arg24 : memref<128xi32, #tpu.memory_space<vmem>>)
        } else {
        }
        %mul3A_473 = arith.constant 8 : i32
        %mul3A_474 = arith.muli %scan3A_336, %mul3A_473 : i32
        %add3A_475 = arith.constant 6 : i32
        %add3A_476 = arith.addi %mul3A_474, %add3A_475 : i32
        %ge3A_477 = arith.constant 3 : i32
        %ge3A_478 = arith.cmpi sge, %add3A_476, %ge3A_477 : i32
        %convert_element_type3A_479 = arith.extui %ge3A_478 : i1 to i32
        %cond3A_480 = arith.constant 0 : i32
        %cond3A_481 = arith.cmpi ne, %convert_element_type3A_479, %cond3A_480 : i32
        scf.if %cond3A_481 {
          %dma_wait3A_519 = arith.constant 0 : i32
          %dma_wait3A_520 = tpu.memref_slice %arg40[%dma_wait3A_519] : memref<10240xf32, #tpu.memory_space<vmem_shared>> -> memref<10240xf32, #tpu.memory_space<vmem_shared>>
          tpu.wait_indirect_dma semaphore(%arg39 : memref<!tpu.dma_semaphore, #tpu.memory_space<semaphore_mem>>) src(%arg26 : memref<128xf32, #tpu.memory_space<vmem>>) dst(%dma_wait3A_520 : memref<10240xf32, #tpu.memory_space<vmem_shared>>)
          %dma_wait3A_521 = arith.constant 0 : i32
          %dma_wait3A_522 = tpu.memref_slice %arg41[%dma_wait3A_521] : memref<10240xf32, #tpu.memory_space<vmem_shared>> -> memref<10240xf32, #tpu.memory_space<vmem_shared>>
          tpu.wait_indirect_dma semaphore(%arg39 : memref<!tpu.dma_semaphore, #tpu.memory_space<semaphore_mem>>) src(%arg26 : memref<128xf32, #tpu.memory_space<vmem>>) dst(%dma_wait3A_522 : memref<10240xf32, #tpu.memory_space<vmem_shared>>)
        } else {
        }
        %dma_start3A_482 = arith.constant 0 : i32
        %dma_start3A_483 = tpu.memref_slice %arg40[%dma_start3A_482] : memref<10240xf32, #tpu.memory_space<vmem_shared>> -> memref<10240xf32, #tpu.memory_space<vmem_shared>>
        tpu.enqueue_indirect_dma source(%arg26 : memref<128xf32, #tpu.memory_space<vmem>>) target(%dma_start3A_483 : memref<10240xf32, #tpu.memory_space<vmem_shared>>) offsets(%arg16 : memref<128xi32, #tpu.memory_space<vmem>>) semaphore(%arg38 : memref<!tpu.dma_semaphore, #tpu.memory_space<semaphore_mem>>) {add = true}
        %dma_start3A_484 = arith.constant 0 : i32
        %dma_start3A_485 = tpu.memref_slice %arg41[%dma_start3A_484] : memref<10240xf32, #tpu.memory_space<vmem_shared>> -> memref<10240xf32, #tpu.memory_space<vmem_shared>>
        tpu.enqueue_indirect_dma source(%arg26 : memref<128xf32, #tpu.memory_space<vmem>>) target(%dma_start3A_485 : memref<10240xf32, #tpu.memory_space<vmem_shared>>) offsets(%arg24 : memref<128xi32, #tpu.memory_space<vmem>>) semaphore(%arg38 : memref<!tpu.dma_semaphore, #tpu.memory_space<semaphore_mem>>) {add = true}
        %lt3A_486 = arith.constant 157 : i32
        %lt3A_487 = arith.cmpi slt, %add3A_476, %lt3A_486 : i32
        %convert_element_type3A_488 = arith.extui %lt3A_487 : i1 to i32
        %cond3A_489 = arith.constant 0 : i32
        %cond3A_490 = arith.cmpi ne, %convert_element_type3A_488, %cond3A_489 : i32
        scf.if %cond3A_490 {
          %add3A_519 = arith.constant 3 : i32
          %add3A_520 = arith.addi %add3A_476, %add3A_519 : i32
          %mul3A_521 = arith.constant 128 : i32
          %mul3A_522 = arith.muli %add3A_520, %mul3A_521 : i32
          %add3A_523 = arith.addi %mul3A_295, %mul3A_522 : i32
          %multiple_of3A_524 = tpu.assume_multiple %add3A_523, 8 : i32
          %dma_start3A_525 = tpu.memref_slice %arg4[%multiple_of3A_524] : memref<327680xi32, #tpu.memory_space<hbm>> -> memref<128xi32, #tpu.memory_space<hbm>>
          %dma_start3A_526 = tpu.memref_slice %arg4[%multiple_of3A_524] : memref<327680xi32, #tpu.memory_space<hbm>> -> memref<128xi32, #tpu.memory_space<hbm>>
          tpu.enqueue_dma source(%dma_start3A_526 : memref<128xi32, #tpu.memory_space<hbm>>) target(%arg11 : memref<128xi32, #tpu.memory_space<vmem>>) target_semaphore(%arg29 : memref<!tpu.dma_semaphore, #tpu.memory_space<semaphore_mem>>)
          %add3A_527 = arith.constant 3 : i32
          %add3A_528 = arith.addi %add3A_476, %add3A_527 : i32
          %mul3A_529 = arith.constant 128 : i32
          %mul3A_530 = arith.muli %add3A_528, %mul3A_529 : i32
          %add3A_531 = arith.addi %mul3A_295, %mul3A_530 : i32
          %multiple_of3A_532 = tpu.assume_multiple %add3A_531, 8 : i32
          %dma_start3A_533 = tpu.memref_slice %arg5[%multiple_of3A_532] : memref<327680xi32, #tpu.memory_space<hbm>> -> memref<128xi32, #tpu.memory_space<hbm>>
          %dma_start3A_534 = tpu.memref_slice %arg5[%multiple_of3A_532] : memref<327680xi32, #tpu.memory_space<hbm>> -> memref<128xi32, #tpu.memory_space<hbm>>
          tpu.enqueue_dma source(%dma_start3A_534 : memref<128xi32, #tpu.memory_space<hbm>>) target(%arg19 : memref<128xi32, #tpu.memory_space<vmem>>) target_semaphore(%arg29 : memref<!tpu.dma_semaphore, #tpu.memory_space<semaphore_mem>>)
        } else {
        }
        %lt3A_491 = arith.constant 159 : i32
        %lt3A_492 = arith.cmpi slt, %add3A_476, %lt3A_491 : i32
        %convert_element_type3A_493 = arith.extui %lt3A_492 : i1 to i32
        %cond3A_494 = arith.constant 0 : i32
        %cond3A_495 = arith.cmpi ne, %convert_element_type3A_493, %cond3A_494 : i32
        scf.if %cond3A_495 {
          %add3A_519 = arith.constant 0 : i32
          %add3A_520 = arith.addi %mul3A_295, %add3A_519 : i32
          %multiple_of3A_521 = tpu.assume_multiple %add3A_520, 8 : i32
          %dma_wait3A_522 = tpu.memref_slice %arg4[%multiple_of3A_521] : memref<327680xi32, #tpu.memory_space<hbm>> -> memref<128xi32, #tpu.memory_space<hbm>>
          %dma_wait3A_523 = tpu.memref_slice %arg4[%multiple_of3A_521] : memref<327680xi32, #tpu.memory_space<hbm>> -> memref<128xi32, #tpu.memory_space<hbm>>
          tpu.wait_dma2 semaphore(%arg35 : memref<!tpu.dma_semaphore, #tpu.memory_space<semaphore_mem>>) src(%dma_wait3A_523 : memref<128xi32, #tpu.memory_space<hbm>>) dst(%arg17 : memref<128xi32, #tpu.memory_space<vmem>>)
          %add3A_524 = arith.constant 0 : i32
          %add3A_525 = arith.addi %mul3A_295, %add3A_524 : i32
          %multiple_of3A_526 = tpu.assume_multiple %add3A_525, 8 : i32
          %dma_wait3A_527 = tpu.memref_slice %arg5[%multiple_of3A_526] : memref<327680xi32, #tpu.memory_space<hbm>> -> memref<128xi32, #tpu.memory_space<hbm>>
          %dma_wait3A_528 = tpu.memref_slice %arg5[%multiple_of3A_526] : memref<327680xi32, #tpu.memory_space<hbm>> -> memref<128xi32, #tpu.memory_space<hbm>>
          tpu.wait_dma2 semaphore(%arg35 : memref<!tpu.dma_semaphore, #tpu.memory_space<semaphore_mem>>) src(%dma_wait3A_528 : memref<128xi32, #tpu.memory_space<hbm>>) dst(%arg25 : memref<128xi32, #tpu.memory_space<vmem>>)
        } else {
        }
        %mul3A_496 = arith.constant 8 : i32
        %mul3A_497 = arith.muli %scan3A_336, %mul3A_496 : i32
        %add3A_498 = arith.constant 7 : i32
        %add3A_499 = arith.addi %mul3A_497, %add3A_498 : i32
        %ge3A_500 = arith.constant 3 : i32
        %ge3A_501 = arith.cmpi sge, %add3A_499, %ge3A_500 : i32
        %convert_element_type3A_502 = arith.extui %ge3A_501 : i1 to i32
        %cond3A_503 = arith.constant 0 : i32
        %cond3A_504 = arith.cmpi ne, %convert_element_type3A_502, %cond3A_503 : i32
        scf.if %cond3A_504 {
          %dma_wait3A_519 = arith.constant 0 : i32
          %dma_wait3A_520 = tpu.memref_slice %arg40[%dma_wait3A_519] : memref<10240xf32, #tpu.memory_space<vmem_shared>> -> memref<10240xf32, #tpu.memory_space<vmem_shared>>
          tpu.wait_indirect_dma semaphore(%arg36 : memref<!tpu.dma_semaphore, #tpu.memory_space<semaphore_mem>>) src(%arg26 : memref<128xf32, #tpu.memory_space<vmem>>) dst(%dma_wait3A_520 : memref<10240xf32, #tpu.memory_space<vmem_shared>>)
          %dma_wait3A_521 = arith.constant 0 : i32
          %dma_wait3A_522 = tpu.memref_slice %arg41[%dma_wait3A_521] : memref<10240xf32, #tpu.memory_space<vmem_shared>> -> memref<10240xf32, #tpu.memory_space<vmem_shared>>
          tpu.wait_indirect_dma semaphore(%arg36 : memref<!tpu.dma_semaphore, #tpu.memory_space<semaphore_mem>>) src(%arg26 : memref<128xf32, #tpu.memory_space<vmem>>) dst(%dma_wait3A_522 : memref<10240xf32, #tpu.memory_space<vmem_shared>>)
        } else {
        }
        %dma_start3A_505 = arith.constant 0 : i32
        %dma_start3A_506 = tpu.memref_slice %arg40[%dma_start3A_505] : memref<10240xf32, #tpu.memory_space<vmem_shared>> -> memref<10240xf32, #tpu.memory_space<vmem_shared>>
        tpu.enqueue_indirect_dma source(%arg26 : memref<128xf32, #tpu.memory_space<vmem>>) target(%dma_start3A_506 : memref<10240xf32, #tpu.memory_space<vmem_shared>>) offsets(%arg17 : memref<128xi32, #tpu.memory_space<vmem>>) semaphore(%arg39 : memref<!tpu.dma_semaphore, #tpu.memory_space<semaphore_mem>>) {add = true}
        %dma_start3A_507 = arith.constant 0 : i32
        %dma_start3A_508 = tpu.memref_slice %arg41[%dma_start3A_507] : memref<10240xf32, #tpu.memory_space<vmem_shared>> -> memref<10240xf32, #tpu.memory_space<vmem_shared>>
        tpu.enqueue_indirect_dma source(%arg26 : memref<128xf32, #tpu.memory_space<vmem>>) target(%dma_start3A_508 : memref<10240xf32, #tpu.memory_space<vmem_shared>>) offsets(%arg25 : memref<128xi32, #tpu.memory_space<vmem>>) semaphore(%arg39 : memref<!tpu.dma_semaphore, #tpu.memory_space<semaphore_mem>>) {add = true}
        %lt3A_509 = arith.constant 157 : i32
        %lt3A_510 = arith.cmpi slt, %add3A_499, %lt3A_509 : i32
        %convert_element_type3A_511 = arith.extui %lt3A_510 : i1 to i32
        %cond3A_512 = arith.constant 0 : i32
        %cond3A_513 = arith.cmpi ne, %convert_element_type3A_511, %cond3A_512 : i32
        scf.if %cond3A_513 {
          %add3A_519 = arith.constant 3 : i32
          %add3A_520 = arith.addi %add3A_499, %add3A_519 : i32
          %mul3A_521 = arith.constant 128 : i32
          %mul3A_522 = arith.muli %add3A_520, %mul3A_521 : i32
          %add3A_523 = arith.addi %mul3A_295, %mul3A_522 : i32
          %multiple_of3A_524 = tpu.assume_multiple %add3A_523, 8 : i32
          %dma_start3A_525 = tpu.memref_slice %arg4[%multiple_of3A_524] : memref<327680xi32, #tpu.memory_space<hbm>> -> memref<128xi32, #tpu.memory_space<hbm>>
          %dma_start3A_526 = tpu.memref_slice %arg4[%multiple_of3A_524] : memref<327680xi32, #tpu.memory_space<hbm>> -> memref<128xi32, #tpu.memory_space<hbm>>
          tpu.enqueue_dma source(%dma_start3A_526 : memref<128xi32, #tpu.memory_space<hbm>>) target(%arg12 : memref<128xi32, #tpu.memory_space<vmem>>) target_semaphore(%arg30 : memref<!tpu.dma_semaphore, #tpu.memory_space<semaphore_mem>>)
          %add3A_527 = arith.constant 3 : i32
          %add3A_528 = arith.addi %add3A_499, %add3A_527 : i32
          %mul3A_529 = arith.constant 128 : i32
          %mul3A_530 = arith.muli %add3A_528, %mul3A_529 : i32
          %add3A_531 = arith.addi %mul3A_295, %mul3A_530 : i32
          %multiple_of3A_532 = tpu.assume_multiple %add3A_531, 8 : i32
          %dma_start3A_533 = tpu.memref_slice %arg5[%multiple_of3A_532] : memref<327680xi32, #tpu.memory_space<hbm>> -> memref<128xi32, #tpu.memory_space<hbm>>
          %dma_start3A_534 = tpu.memref_slice %arg5[%multiple_of3A_532] : memref<327680xi32, #tpu.memory_space<hbm>> -> memref<128xi32, #tpu.memory_space<hbm>>
          tpu.enqueue_dma source(%dma_start3A_534 : memref<128xi32, #tpu.memory_space<hbm>>) target(%arg20 : memref<128xi32, #tpu.memory_space<vmem>>) target_semaphore(%arg30 : memref<!tpu.dma_semaphore, #tpu.memory_space<semaphore_mem>>)
        } else {
        }
        %lt3A_514 = arith.constant 159 : i32
        %lt3A_515 = arith.cmpi slt, %add3A_499, %lt3A_514 : i32
        %convert_element_type3A_516 = arith.extui %lt3A_515 : i1 to i32
        %cond3A_517 = arith.constant 0 : i32
        %cond3A_518 = arith.cmpi ne, %convert_element_type3A_516, %cond3A_517 : i32
        scf.if %cond3A_518 {
          %add3A_519 = arith.constant 0 : i32
          %add3A_520 = arith.addi %mul3A_295, %add3A_519 : i32
          %multiple_of3A_521 = tpu.assume_multiple %add3A_520, 8 : i32
          %dma_wait3A_522 = tpu.memref_slice %arg4[%multiple_of3A_521] : memref<327680xi32, #tpu.memory_space<hbm>> -> memref<128xi32, #tpu.memory_space<hbm>>
          %dma_wait3A_523 = tpu.memref_slice %arg4[%multiple_of3A_521] : memref<327680xi32, #tpu.memory_space<hbm>> -> memref<128xi32, #tpu.memory_space<hbm>>
          tpu.wait_dma2 semaphore(%arg28 : memref<!tpu.dma_semaphore, #tpu.memory_space<semaphore_mem>>) src(%dma_wait3A_523 : memref<128xi32, #tpu.memory_space<hbm>>) dst(%arg10 : memref<128xi32, #tpu.memory_space<vmem>>)
          %add3A_524 = arith.constant 0 : i32
          %add3A_525 = arith.addi %mul3A_295, %add3A_524 : i32
          %multiple_of3A_526 = tpu.assume_multiple %add3A_525, 8 : i32
          %dma_wait3A_527 = tpu.memref_slice %arg5[%multiple_of3A_526] : memref<327680xi32, #tpu.memory_space<hbm>> -> memref<128xi32, #tpu.memory_space<hbm>>
          %dma_wait3A_528 = tpu.memref_slice %arg5[%multiple_of3A_526] : memref<327680xi32, #tpu.memory_space<hbm>> -> memref<128xi32, #tpu.memory_space<hbm>>
          tpu.wait_dma2 semaphore(%arg28 : memref<!tpu.dma_semaphore, #tpu.memory_space<semaphore_mem>>) src(%dma_wait3A_528 : memref<128xi32, #tpu.memory_space<hbm>>) dst(%arg18 : memref<128xi32, #tpu.memory_space<vmem>>)
        } else {
        }
      }
      %scan3A_323 = arith.constant 20 : i32
      %dma_wait3A = arith.constant 0 : i32
      %dma_wait3A_324 = tpu.memref_slice %arg40[%dma_wait3A] : memref<10240xf32, #tpu.memory_space<vmem_shared>> -> memref<10240xf32, #tpu.memory_space<vmem_shared>>
      tpu.wait_indirect_dma semaphore(%arg37 : memref<!tpu.dma_semaphore, #tpu.memory_space<semaphore_mem>>) src(%arg26 : memref<128xf32, #tpu.memory_space<vmem>>) dst(%dma_wait3A_324 : memref<10240xf32, #tpu.memory_space<vmem_shared>>)
      %dma_wait3A_325 = arith.constant 0 : i32
      %dma_wait3A_326 = tpu.memref_slice %arg41[%dma_wait3A_325] : memref<10240xf32, #tpu.memory_space<vmem_shared>> -> memref<10240xf32, #tpu.memory_space<vmem_shared>>
      tpu.wait_indirect_dma semaphore(%arg37 : memref<!tpu.dma_semaphore, #tpu.memory_space<semaphore_mem>>) src(%arg26 : memref<128xf32, #tpu.memory_space<vmem>>) dst(%dma_wait3A_326 : memref<10240xf32, #tpu.memory_space<vmem_shared>>)
      %dma_wait3A_327 = arith.constant 0 : i32
      %dma_wait3A_328 = tpu.memref_slice %arg40[%dma_wait3A_327] : memref<10240xf32, #tpu.memory_space<vmem_shared>> -> memref<10240xf32, #tpu.memory_space<vmem_shared>>
      tpu.wait_indirect_dma semaphore(%arg38 : memref<!tpu.dma_semaphore, #tpu.memory_space<semaphore_mem>>) src(%arg26 : memref<128xf32, #tpu.memory_space<vmem>>) dst(%dma_wait3A_328 : memref<10240xf32, #tpu.memory_space<vmem_shared>>)
      %dma_wait3A_329 = arith.constant 0 : i32
      %dma_wait3A_330 = tpu.memref_slice %arg41[%dma_wait3A_329] : memref<10240xf32, #tpu.memory_space<vmem_shared>> -> memref<10240xf32, #tpu.memory_space<vmem_shared>>
      tpu.wait_indirect_dma semaphore(%arg38 : memref<!tpu.dma_semaphore, #tpu.memory_space<semaphore_mem>>) src(%arg26 : memref<128xf32, #tpu.memory_space<vmem>>) dst(%dma_wait3A_330 : memref<10240xf32, #tpu.memory_space<vmem_shared>>)
      %dma_wait3A_331 = arith.constant 0 : i32
      %dma_wait3A_332 = tpu.memref_slice %arg40[%dma_wait3A_331] : memref<10240xf32, #tpu.memory_space<vmem_shared>> -> memref<10240xf32, #tpu.memory_space<vmem_shared>>
      tpu.wait_indirect_dma semaphore(%arg39 : memref<!tpu.dma_semaphore, #tpu.memory_space<semaphore_mem>>) src(%arg26 : memref<128xf32, #tpu.memory_space<vmem>>) dst(%dma_wait3A_332 : memref<10240xf32, #tpu.memory_space<vmem_shared>>)
      %dma_wait3A_333 = arith.constant 0 : i32
      %dma_wait3A_334 = tpu.memref_slice %arg41[%dma_wait3A_333] : memref<10240xf32, #tpu.memory_space<vmem_shared>> -> memref<10240xf32, #tpu.memory_space<vmem_shared>>
      tpu.wait_indirect_dma semaphore(%arg39 : memref<!tpu.dma_semaphore, #tpu.memory_space<semaphore_mem>>) src(%arg26 : memref<128xf32, #tpu.memory_space<vmem>>) dst(%dma_wait3A_334 : memref<10240xf32, #tpu.memory_space<vmem_shared>>)
      %barrier3A_335 = arith.constant 0 : index
      tpu.barrier barrier_id(%barrier3A_335)
      "tpu.region"() ({
        %run_scoped3A = tpu.sem_alloc : memref<!tpu.dma_semaphore, #tpu.memory_space<semaphore_mem>>
        %dma_start3A_336 = tpu.memref_slice %arg8[%mul3A_286] : memref<10240xf32, #tpu.memory_space<hbm>> -> memref<640xf32, #tpu.memory_space<hbm>>
        %dma_start3A_337 = tpu.memref_slice %arg40[%mul3A_286] : memref<10240xf32, #tpu.memory_space<vmem_shared>> -> memref<640xf32, #tpu.memory_space<vmem_shared>>
        tpu.enqueue_dma source(%dma_start3A_337 : memref<640xf32, #tpu.memory_space<vmem_shared>>) target(%dma_start3A_336 : memref<640xf32, #tpu.memory_space<hbm>>) target_semaphore(%run_scoped3A : memref<!tpu.dma_semaphore, #tpu.memory_space<semaphore_mem>>)
        %dma_wait3A_338 = tpu.memref_slice %arg8[%mul3A_286] : memref<10240xf32, #tpu.memory_space<hbm>> -> memref<640xf32, #tpu.memory_space<hbm>>
        %dma_wait3A_339 = tpu.memref_slice %arg40[%mul3A_286] : memref<10240xf32, #tpu.memory_space<vmem_shared>> -> memref<640xf32, #tpu.memory_space<vmem_shared>>
        tpu.wait_dma2 semaphore(%run_scoped3A : memref<!tpu.dma_semaphore, #tpu.memory_space<semaphore_mem>>) src(%dma_wait3A_339 : memref<640xf32, #tpu.memory_space<vmem_shared>>) dst(%dma_wait3A_338 : memref<640xf32, #tpu.memory_space<hbm>>)
        tpu.yield
      }) : () -> ()
      "tpu.region"() ({
        %run_scoped3A = tpu.sem_alloc : memref<!tpu.dma_semaphore, #tpu.memory_space<semaphore_mem>>
        %dma_start3A_336 = tpu.memref_slice %arg9[%mul3A_286] : memref<10240xf32, #tpu.memory_space<hbm>> -> memref<640xf32, #tpu.memory_space<hbm>>
        %dma_start3A_337 = tpu.memref_slice %arg41[%mul3A_286] : memref<10240xf32, #tpu.memory_space<vmem_shared>> -> memref<640xf32, #tpu.memory_space<vmem_shared>>
        tpu.enqueue_dma source(%dma_start3A_337 : memref<640xf32, #tpu.memory_space<vmem_shared>>) target(%dma_start3A_336 : memref<640xf32, #tpu.memory_space<hbm>>) target_semaphore(%run_scoped3A : memref<!tpu.dma_semaphore, #tpu.memory_space<semaphore_mem>>)
        %dma_wait3A_338 = tpu.memref_slice %arg9[%mul3A_286] : memref<10240xf32, #tpu.memory_space<hbm>> -> memref<640xf32, #tpu.memory_space<hbm>>
        %dma_wait3A_339 = tpu.memref_slice %arg41[%mul3A_286] : memref<10240xf32, #tpu.memory_space<vmem_shared>> -> memref<640xf32, #tpu.memory_space<vmem_shared>>
        tpu.wait_dma2 semaphore(%run_scoped3A : memref<!tpu.dma_semaphore, #tpu.memory_space<semaphore_mem>>) src(%dma_wait3A_339 : memref<640xf32, #tpu.memory_space<vmem_shared>>) dst(%dma_wait3A_338 : memref<640xf32, #tpu.memory_space<hbm>>)
        tpu.yield
      }) : () -> ()
    } else {
    }
    return
  }
}

#map = affine_map<(d0, d1) -> (0, 0)>
#map1 = affine_map<(d0, d1) -> (0)>
module attributes {stable_mosaic.version = 14 : i64} {
  func.func @_sc_aggregate(%arg0: i32, %arg1: i32, %arg2: memref<10240x128xf32, #tpu.memory_space<hbm>>, %arg3: memref<10240x128xf32, #tpu.memory_space<hbm>>, %arg4: memref<320000xi32, #tpu.memory_space<hbm>>, %arg5: memref<320000xi32, #tpu.memory_space<hbm>>, %arg6: memref<320000xi32, #tpu.memory_space<hbm>>, %arg7: memref<320000xi32, #tpu.memory_space<hbm>>, %arg8: memref<10240x128xf32, #tpu.memory_space<hbm>>, %arg9: memref<10240x128xf32, #tpu.memory_space<hbm>>, %arg10: memref<80xi32, #tpu.memory_space<vmem>>, %arg11: memref<80xi32, #tpu.memory_space<vmem>>, %arg12: memref<80xi32, #tpu.memory_space<vmem>>, %arg13: memref<80xi32, #tpu.memory_space<vmem>>, %arg14: memref<80xi32, #tpu.memory_space<vmem>>, %arg15: memref<80xi32, #tpu.memory_space<vmem>>, %arg16: memref<80xi32, #tpu.memory_space<vmem>>, %arg17: memref<80xi32, #tpu.memory_space<vmem>>, %arg18: memref<80xi32, #tpu.memory_space<vmem>>, %arg19: memref<80xi32, #tpu.memory_space<vmem>>, %arg20: memref<80xi32, #tpu.memory_space<vmem>>, %arg21: memref<80xi32, #tpu.memory_space<vmem>>, %arg22: memref<80xi32, #tpu.memory_space<vmem>>, %arg23: memref<80xi32, #tpu.memory_space<vmem>>, %arg24: memref<80xi32, #tpu.memory_space<vmem>>, %arg25: memref<80xi32, #tpu.memory_space<vmem>>, %arg26: memref<80x128xf32, #tpu.memory_space<vmem>>, %arg27: memref<80x128xf32, #tpu.memory_space<vmem>>, %arg28: memref<80x128xf32, #tpu.memory_space<vmem>>, %arg29: memref<80x128xf32, #tpu.memory_space<vmem>>, %arg30: memref<!tpu.dma_semaphore, #tpu.memory_space<semaphore_mem>>, %arg31: memref<!tpu.dma_semaphore, #tpu.memory_space<semaphore_mem>>, %arg32: memref<!tpu.dma_semaphore, #tpu.memory_space<semaphore_mem>>, %arg33: memref<!tpu.dma_semaphore, #tpu.memory_space<semaphore_mem>>, %arg34: memref<!tpu.dma_semaphore, #tpu.memory_space<semaphore_mem>>, %arg35: memref<!tpu.dma_semaphore, #tpu.memory_space<semaphore_mem>>, %arg36: memref<!tpu.dma_semaphore, #tpu.memory_space<semaphore_mem>>, %arg37: memref<!tpu.dma_semaphore, #tpu.memory_space<semaphore_mem>>, %arg38: memref<!tpu.dma_semaphore, #tpu.memory_space<semaphore_mem>>, %arg39: memref<!tpu.dma_semaphore, #tpu.memory_space<semaphore_mem>>, %arg40: memref<!tpu.dma_semaphore, #tpu.memory_space<semaphore_mem>>, %arg41: memref<!tpu.dma_semaphore, #tpu.memory_space<semaphore_mem>>, %arg42: memref<!tpu.dma_semaphore, #tpu.memory_space<semaphore_mem>>, %arg43: memref<!tpu.dma_semaphore, #tpu.memory_space<semaphore_mem>>, %arg44: memref<!tpu.dma_semaphore, #tpu.memory_space<semaphore_mem>>, %arg45: memref<!tpu.dma_semaphore, #tpu.memory_space<semaphore_mem>>, %arg46: memref<10240x128xf32, #tpu.memory_space<vmem_shared>>) attributes {dimension_semantics = [#tpu.dimension_semantics<core_parallel>, #tpu.dimension_semantics<subcore_parallel>], iteration_bounds = array<i64: 2, 16>, scalar_prefetch = 0 : i64, scratch_operands = 37 : i64, tpu.core_type = #tpu.core_type<sc_vector_subcore>, window_params = [{transform_indices = #map}, {transform_indices = #map}, {transform_indices = #map1}, {transform_indices = #map1}, {transform_indices = #map1}, {transform_indices = #map1}, {transform_indices = #map}, {transform_indices = #map}]} {
    %mul3A = arith.constant 640 : i32
    %mul3A_0 = arith.muli %arg1, %mul3A : i32
    %eq3A = arith.constant 0 : i32
    %eq3A_1 = arith.cmpi eq, %arg0, %eq3A : i32
    %convert_element_type3A = arith.extui %eq3A_1 : i1 to i32
    %cond3A = arith.constant 0 : i32
    %cond3A_2 = arith.cmpi ne, %convert_element_type3A, %cond3A : i32
    scf.if %cond3A_2 {
      "tpu.region"() ({
        %run_scoped3A = tpu.sem_alloc : memref<!tpu.dma_semaphore, #tpu.memory_space<semaphore_mem>>
        %dma_start3A_116 = arith.constant 0 : i32
        %dma_start3A_117 = tpu.memref_slice %arg46[%mul3A_0, %dma_start3A_116] : memref<10240x128xf32, #tpu.memory_space<vmem_shared>> -> memref<640x128xf32, #tpu.memory_space<vmem_shared>>
        %dma_start3A_118 = arith.constant 0 : i32
        %dma_start3A_119 = tpu.memref_slice %arg2[%mul3A_0, %dma_start3A_118] : memref<10240x128xf32, #tpu.memory_space<hbm>> -> memref<640x128xf32, #tpu.memory_space<hbm>>
        tpu.enqueue_dma source(%dma_start3A_119 : memref<640x128xf32, #tpu.memory_space<hbm>>) target(%dma_start3A_117 : memref<640x128xf32, #tpu.memory_space<vmem_shared>>) target_semaphore(%run_scoped3A : memref<!tpu.dma_semaphore, #tpu.memory_space<semaphore_mem>>)
        %dma_wait3A_120 = arith.constant 0 : i32
        %dma_wait3A_121 = tpu.memref_slice %arg46[%mul3A_0, %dma_wait3A_120] : memref<10240x128xf32, #tpu.memory_space<vmem_shared>> -> memref<640x128xf32, #tpu.memory_space<vmem_shared>>
        %dma_wait3A_122 = arith.constant 0 : i32
        %dma_wait3A_123 = tpu.memref_slice %arg2[%mul3A_0, %dma_wait3A_122] : memref<10240x128xf32, #tpu.memory_space<hbm>> -> memref<640x128xf32, #tpu.memory_space<hbm>>
        tpu.wait_dma2 semaphore(%run_scoped3A : memref<!tpu.dma_semaphore, #tpu.memory_space<semaphore_mem>>) src(%dma_wait3A_123 : memref<640x128xf32, #tpu.memory_space<hbm>>) dst(%dma_wait3A_121 : memref<640x128xf32, #tpu.memory_space<vmem_shared>>)
        tpu.yield
      }) : () -> ()
      %mul3A_8 = arith.constant 20000 : i32
      %mul3A_9 = arith.muli %arg1, %mul3A_8 : i32
      %barrier3A = arith.constant 0 : index
      tpu.barrier barrier_id(%barrier3A)
      %add3A = arith.constant 0 : i32
      %add3A_10 = arith.addi %mul3A_9, %add3A : i32
      %multiple_of3A = tpu.assume_multiple %add3A_10, 8 : i32
      "tpu.region"() ({
        %run_scoped3A = tpu.sem_alloc : memref<!tpu.dma_semaphore, #tpu.memory_space<semaphore_mem>>
        %dma_start3A_116 = tpu.memref_slice %arg4[%multiple_of3A] : memref<320000xi32, #tpu.memory_space<hbm>> -> memref<80xi32, #tpu.memory_space<hbm>>
        %dma_start3A_117 = tpu.memref_slice %arg4[%multiple_of3A] : memref<320000xi32, #tpu.memory_space<hbm>> -> memref<80xi32, #tpu.memory_space<hbm>>
        tpu.enqueue_dma source(%dma_start3A_117 : memref<80xi32, #tpu.memory_space<hbm>>) target(%arg10 : memref<80xi32, #tpu.memory_space<vmem>>) target_semaphore(%run_scoped3A : memref<!tpu.dma_semaphore, #tpu.memory_space<semaphore_mem>>)
        %dma_wait3A_118 = tpu.memref_slice %arg4[%multiple_of3A] : memref<320000xi32, #tpu.memory_space<hbm>> -> memref<80xi32, #tpu.memory_space<hbm>>
        %dma_wait3A_119 = tpu.memref_slice %arg4[%multiple_of3A] : memref<320000xi32, #tpu.memory_space<hbm>> -> memref<80xi32, #tpu.memory_space<hbm>>
        tpu.wait_dma2 semaphore(%run_scoped3A : memref<!tpu.dma_semaphore, #tpu.memory_space<semaphore_mem>>) src(%dma_wait3A_119 : memref<80xi32, #tpu.memory_space<hbm>>) dst(%arg10 : memref<80xi32, #tpu.memory_space<vmem>>)
        tpu.yield
      }) : () -> ()
      %add3A_11 = arith.constant 0 : i32
      %add3A_12 = arith.addi %mul3A_9, %add3A_11 : i32
      %multiple_of3A_13 = tpu.assume_multiple %add3A_12, 8 : i32
      "tpu.region"() ({
        %run_scoped3A = tpu.sem_alloc : memref<!tpu.dma_semaphore, #tpu.memory_space<semaphore_mem>>
        %dma_start3A_116 = tpu.memref_slice %arg5[%multiple_of3A_13] : memref<320000xi32, #tpu.memory_space<hbm>> -> memref<80xi32, #tpu.memory_space<hbm>>
        %dma_start3A_117 = tpu.memref_slice %arg5[%multiple_of3A_13] : memref<320000xi32, #tpu.memory_space<hbm>> -> memref<80xi32, #tpu.memory_space<hbm>>
        tpu.enqueue_dma source(%dma_start3A_117 : memref<80xi32, #tpu.memory_space<hbm>>) target(%arg18 : memref<80xi32, #tpu.memory_space<vmem>>) target_semaphore(%run_scoped3A : memref<!tpu.dma_semaphore, #tpu.memory_space<semaphore_mem>>)
        %dma_wait3A_118 = tpu.memref_slice %arg5[%multiple_of3A_13] : memref<320000xi32, #tpu.memory_space<hbm>> -> memref<80xi32, #tpu.memory_space<hbm>>
        %dma_wait3A_119 = tpu.memref_slice %arg5[%multiple_of3A_13] : memref<320000xi32, #tpu.memory_space<hbm>> -> memref<80xi32, #tpu.memory_space<hbm>>
        tpu.wait_dma2 semaphore(%run_scoped3A : memref<!tpu.dma_semaphore, #tpu.memory_space<semaphore_mem>>) src(%dma_wait3A_119 : memref<80xi32, #tpu.memory_space<hbm>>) dst(%arg18 : memref<80xi32, #tpu.memory_space<vmem>>)
        tpu.yield
      }) : () -> ()
      %add3A_14 = arith.constant 80 : i32
      %add3A_15 = arith.addi %mul3A_9, %add3A_14 : i32
      %multiple_of3A_16 = tpu.assume_multiple %add3A_15, 8 : i32
      "tpu.region"() ({
        %run_scoped3A = tpu.sem_alloc : memref<!tpu.dma_semaphore, #tpu.memory_space<semaphore_mem>>
        %dma_start3A_116 = tpu.memref_slice %arg4[%multiple_of3A_16] : memref<320000xi32, #tpu.memory_space<hbm>> -> memref<80xi32, #tpu.memory_space<hbm>>
        %dma_start3A_117 = tpu.memref_slice %arg4[%multiple_of3A_16] : memref<320000xi32, #tpu.memory_space<hbm>> -> memref<80xi32, #tpu.memory_space<hbm>>
        tpu.enqueue_dma source(%dma_start3A_117 : memref<80xi32, #tpu.memory_space<hbm>>) target(%arg11 : memref<80xi32, #tpu.memory_space<vmem>>) target_semaphore(%run_scoped3A : memref<!tpu.dma_semaphore, #tpu.memory_space<semaphore_mem>>)
        %dma_wait3A_118 = tpu.memref_slice %arg4[%multiple_of3A_16] : memref<320000xi32, #tpu.memory_space<hbm>> -> memref<80xi32, #tpu.memory_space<hbm>>
        %dma_wait3A_119 = tpu.memref_slice %arg4[%multiple_of3A_16] : memref<320000xi32, #tpu.memory_space<hbm>> -> memref<80xi32, #tpu.memory_space<hbm>>
        tpu.wait_dma2 semaphore(%run_scoped3A : memref<!tpu.dma_semaphore, #tpu.memory_space<semaphore_mem>>) src(%dma_wait3A_119 : memref<80xi32, #tpu.memory_space<hbm>>) dst(%arg11 : memref<80xi32, #tpu.memory_space<vmem>>)
        tpu.yield
      }) : () -> ()
      %add3A_17 = arith.constant 80 : i32
      %add3A_18 = arith.addi %mul3A_9, %add3A_17 : i32
      %multiple_of3A_19 = tpu.assume_multiple %add3A_18, 8 : i32
      "tpu.region"() ({
        %run_scoped3A = tpu.sem_alloc : memref<!tpu.dma_semaphore, #tpu.memory_space<semaphore_mem>>
        %dma_start3A_116 = tpu.memref_slice %arg5[%multiple_of3A_19] : memref<320000xi32, #tpu.memory_space<hbm>> -> memref<80xi32, #tpu.memory_space<hbm>>
        %dma_start3A_117 = tpu.memref_slice %arg5[%multiple_of3A_19] : memref<320000xi32, #tpu.memory_space<hbm>> -> memref<80xi32, #tpu.memory_space<hbm>>
        tpu.enqueue_dma source(%dma_start3A_117 : memref<80xi32, #tpu.memory_space<hbm>>) target(%arg19 : memref<80xi32, #tpu.memory_space<vmem>>) target_semaphore(%run_scoped3A : memref<!tpu.dma_semaphore, #tpu.memory_space<semaphore_mem>>)
        %dma_wait3A_118 = tpu.memref_slice %arg5[%multiple_of3A_19] : memref<320000xi32, #tpu.memory_space<hbm>> -> memref<80xi32, #tpu.memory_space<hbm>>
        %dma_wait3A_119 = tpu.memref_slice %arg5[%multiple_of3A_19] : memref<320000xi32, #tpu.memory_space<hbm>> -> memref<80xi32, #tpu.memory_space<hbm>>
        tpu.wait_dma2 semaphore(%run_scoped3A : memref<!tpu.dma_semaphore, #tpu.memory_space<semaphore_mem>>) src(%dma_wait3A_119 : memref<80xi32, #tpu.memory_space<hbm>>) dst(%arg19 : memref<80xi32, #tpu.memory_space<vmem>>)
        tpu.yield
      }) : () -> ()
      %add3A_20 = arith.constant 160 : i32
      %add3A_21 = arith.addi %mul3A_9, %add3A_20 : i32
      %multiple_of3A_22 = tpu.assume_multiple %add3A_21, 8 : i32
      %dma_start3A = tpu.memref_slice %arg4[%multiple_of3A_22] : memref<320000xi32, #tpu.memory_space<hbm>> -> memref<80xi32, #tpu.memory_space<hbm>>
      %dma_start3A_23 = tpu.memref_slice %arg4[%multiple_of3A_22] : memref<320000xi32, #tpu.memory_space<hbm>> -> memref<80xi32, #tpu.memory_space<hbm>>
      tpu.enqueue_dma source(%dma_start3A_23 : memref<80xi32, #tpu.memory_space<hbm>>) target(%arg12 : memref<80xi32, #tpu.memory_space<vmem>>) target_semaphore(%arg32 : memref<!tpu.dma_semaphore, #tpu.memory_space<semaphore_mem>>)
      %add3A_24 = arith.constant 160 : i32
      %add3A_25 = arith.addi %mul3A_9, %add3A_24 : i32
      %multiple_of3A_26 = tpu.assume_multiple %add3A_25, 8 : i32
      %dma_start3A_27 = tpu.memref_slice %arg5[%multiple_of3A_26] : memref<320000xi32, #tpu.memory_space<hbm>> -> memref<80xi32, #tpu.memory_space<hbm>>
      %dma_start3A_28 = tpu.memref_slice %arg5[%multiple_of3A_26] : memref<320000xi32, #tpu.memory_space<hbm>> -> memref<80xi32, #tpu.memory_space<hbm>>
      tpu.enqueue_dma source(%dma_start3A_28 : memref<80xi32, #tpu.memory_space<hbm>>) target(%arg20 : memref<80xi32, #tpu.memory_space<vmem>>) target_semaphore(%arg32 : memref<!tpu.dma_semaphore, #tpu.memory_space<semaphore_mem>>)
      %dma_start3A_29 = arith.constant 0 : i32
      %dma_start3A_30 = arith.constant 0 : i32
      %dma_start3A_31 = tpu.memref_slice %arg26[%dma_start3A_29, %dma_start3A_30] : memref<80x128xf32, #tpu.memory_space<vmem>> -> memref<40x128xf32, #tpu.memory_space<vmem>>
      %dma_start3A_32 = arith.constant 0 : i32
      %dma_start3A_33 = tpu.memref_slice %arg10[%dma_start3A_32] : memref<80xi32, #tpu.memory_space<vmem>> -> memref<40xi32, #tpu.memory_space<vmem>>
      %dma_start3A_34 = arith.constant 0 : i32
      %dma_start3A_35 = arith.constant 0 : i32
      %dma_start3A_36 = tpu.memref_slice %arg2[%dma_start3A_34, %dma_start3A_35] : memref<10240x128xf32, #tpu.memory_space<hbm>> -> memref<10240x128xf32, #tpu.memory_space<hbm>>
      tpu.enqueue_indirect_dma source(%dma_start3A_36 : memref<10240x128xf32, #tpu.memory_space<hbm>>) target(%dma_start3A_31 : memref<40x128xf32, #tpu.memory_space<vmem>>) offsets(%dma_start3A_33 : memref<40xi32, #tpu.memory_space<vmem>>) semaphore(%arg38 : memref<!tpu.dma_semaphore, #tpu.memory_space<semaphore_mem>>)
      %dma_start3A_37 = arith.constant 40 : i32
      %dma_start3A_38 = arith.constant 0 : i32
      %dma_start3A_39 = tpu.memref_slice %arg26[%dma_start3A_37, %dma_start3A_38] : memref<80x128xf32, #tpu.memory_space<vmem>> -> memref<40x128xf32, #tpu.memory_space<vmem>>
      %dma_start3A_40 = arith.constant 40 : i32
      %dma_start3A_41 = tpu.memref_slice %arg10[%dma_start3A_40] : memref<80xi32, #tpu.memory_space<vmem>> -> memref<40xi32, #tpu.memory_space<vmem>>
      %dma_start3A_42 = arith.constant 0 : i32
      %dma_start3A_43 = arith.constant 0 : i32
      %dma_start3A_44 = tpu.memref_slice %arg2[%dma_start3A_42, %dma_start3A_43] : memref<10240x128xf32, #tpu.memory_space<hbm>> -> memref<10240x128xf32, #tpu.memory_space<hbm>>
      tpu.enqueue_indirect_dma source(%dma_start3A_44 : memref<10240x128xf32, #tpu.memory_space<hbm>>) target(%dma_start3A_39 : memref<40x128xf32, #tpu.memory_space<vmem>>) offsets(%dma_start3A_41 : memref<40xi32, #tpu.memory_space<vmem>>) semaphore(%arg38 : memref<!tpu.dma_semaphore, #tpu.memory_space<semaphore_mem>>)
      %dma_start3A_45 = arith.constant 0 : i32
      %dma_start3A_46 = arith.constant 0 : i32
      %dma_start3A_47 = tpu.memref_slice %arg27[%dma_start3A_45, %dma_start3A_46] : memref<80x128xf32, #tpu.memory_space<vmem>> -> memref<40x128xf32, #tpu.memory_space<vmem>>
      %dma_start3A_48 = arith.constant 0 : i32
      %dma_start3A_49 = tpu.memref_slice %arg11[%dma_start3A_48] : memref<80xi32, #tpu.memory_space<vmem>> -> memref<40xi32, #tpu.memory_space<vmem>>
      %dma_start3A_50 = arith.constant 0 : i32
      %dma_start3A_51 = arith.constant 0 : i32
      %dma_start3A_52 = tpu.memref_slice %arg2[%dma_start3A_50, %dma_start3A_51] : memref<10240x128xf32, #tpu.memory_space<hbm>> -> memref<10240x128xf32, #tpu.memory_space<hbm>>
      tpu.enqueue_indirect_dma source(%dma_start3A_52 : memref<10240x128xf32, #tpu.memory_space<hbm>>) target(%dma_start3A_47 : memref<40x128xf32, #tpu.memory_space<vmem>>) offsets(%dma_start3A_49 : memref<40xi32, #tpu.memory_space<vmem>>) semaphore(%arg39 : memref<!tpu.dma_semaphore, #tpu.memory_space<semaphore_mem>>)
      %dma_start3A_53 = arith.constant 40 : i32
      %dma_start3A_54 = arith.constant 0 : i32
      %dma_start3A_55 = tpu.memref_slice %arg27[%dma_start3A_53, %dma_start3A_54] : memref<80x128xf32, #tpu.memory_space<vmem>> -> memref<40x128xf32, #tpu.memory_space<vmem>>
      %dma_start3A_56 = arith.constant 40 : i32
      %dma_start3A_57 = tpu.memref_slice %arg11[%dma_start3A_56] : memref<80xi32, #tpu.memory_space<vmem>> -> memref<40xi32, #tpu.memory_space<vmem>>
      %dma_start3A_58 = arith.constant 0 : i32
      %dma_start3A_59 = arith.constant 0 : i32
      %dma_start3A_60 = tpu.memref_slice %arg2[%dma_start3A_58, %dma_start3A_59] : memref<10240x128xf32, #tpu.memory_space<hbm>> -> memref<10240x128xf32, #tpu.memory_space<hbm>>
      tpu.enqueue_indirect_dma source(%dma_start3A_60 : memref<10240x128xf32, #tpu.memory_space<hbm>>) target(%dma_start3A_55 : memref<40x128xf32, #tpu.memory_space<vmem>>) offsets(%dma_start3A_57 : memref<40xi32, #tpu.memory_space<vmem>>) semaphore(%arg39 : memref<!tpu.dma_semaphore, #tpu.memory_space<semaphore_mem>>)
      %scan3A = arith.constant 0 : i32
      %scan3A_61 = arith.constant 0 : i32
      %scan3A_62 = arith.constant 31 : i32
      %scan3A_63 = arith.addi %scan3A_61, %scan3A_62 : i32
      %scan3A_64 = arith.constant 1 : i32
      scf.for %scan3A_116 = %scan3A_61 to %scan3A_63 step %scan3A_64  : i32 {
        %mul3A_117 = arith.constant 8 : i32
        %mul3A_118 = arith.muli %scan3A_116, %mul3A_117 : i32
        %add3A_119 = arith.constant 0 : i32
        %add3A_120 = arith.addi %mul3A_118, %add3A_119 : i32
        %dma_wait3A_121 = arith.constant 0 : i32
        %dma_wait3A_122 = arith.constant 0 : i32
        %dma_wait3A_123 = tpu.memref_slice %arg26[%dma_wait3A_121, %dma_wait3A_122] : memref<80x128xf32, #tpu.memory_space<vmem>> -> memref<40x128xf32, #tpu.memory_space<vmem>>
        %dma_wait3A_124 = arith.constant 0 : i32
        %dma_wait3A_125 = tpu.memref_slice %arg10[%dma_wait3A_124] : memref<80xi32, #tpu.memory_space<vmem>> -> memref<40xi32, #tpu.memory_space<vmem>>
        %dma_wait3A_126 = arith.constant 0 : i32
        %dma_wait3A_127 = arith.constant 0 : i32
        %dma_wait3A_128 = tpu.memref_slice %arg2[%dma_wait3A_126, %dma_wait3A_127] : memref<10240x128xf32, #tpu.memory_space<hbm>> -> memref<10240x128xf32, #tpu.memory_space<hbm>>
        tpu.wait_indirect_dma semaphore(%arg38 : memref<!tpu.dma_semaphore, #tpu.memory_space<semaphore_mem>>) src(%dma_wait3A_128 : memref<10240x128xf32, #tpu.memory_space<hbm>>) dst(%dma_wait3A_123 : memref<40x128xf32, #tpu.memory_space<vmem>>)
        %dma_wait3A_129 = arith.constant 0 : i32
        %dma_wait3A_130 = arith.constant 0 : i32
        %dma_wait3A_131 = tpu.memref_slice %arg26[%dma_wait3A_129, %dma_wait3A_130] : memref<80x128xf32, #tpu.memory_space<vmem>> -> memref<40x128xf32, #tpu.memory_space<vmem>>
        %dma_wait3A_132 = arith.constant 0 : i32
        %dma_wait3A_133 = tpu.memref_slice %arg10[%dma_wait3A_132] : memref<80xi32, #tpu.memory_space<vmem>> -> memref<40xi32, #tpu.memory_space<vmem>>
        %dma_wait3A_134 = arith.constant 0 : i32
        %dma_wait3A_135 = arith.constant 0 : i32
        %dma_wait3A_136 = tpu.memref_slice %arg2[%dma_wait3A_134, %dma_wait3A_135] : memref<10240x128xf32, #tpu.memory_space<hbm>> -> memref<10240x128xf32, #tpu.memory_space<hbm>>
        tpu.wait_indirect_dma semaphore(%arg38 : memref<!tpu.dma_semaphore, #tpu.memory_space<semaphore_mem>>) src(%dma_wait3A_136 : memref<10240x128xf32, #tpu.memory_space<hbm>>) dst(%dma_wait3A_131 : memref<40x128xf32, #tpu.memory_space<vmem>>)
        %dma_start3A_137 = arith.constant 0 : i32
        %dma_start3A_138 = arith.constant 0 : i32
        %dma_start3A_139 = tpu.memref_slice %arg46[%dma_start3A_137, %dma_start3A_138] : memref<10240x128xf32, #tpu.memory_space<vmem_shared>> -> memref<10240x128xf32, #tpu.memory_space<vmem_shared>>
        tpu.enqueue_indirect_dma source(%arg26 : memref<80x128xf32, #tpu.memory_space<vmem>>) target(%dma_start3A_139 : memref<10240x128xf32, #tpu.memory_space<vmem_shared>>) offsets(%arg18 : memref<80xi32, #tpu.memory_space<vmem>>) semaphore(%arg42 : memref<!tpu.dma_semaphore, #tpu.memory_space<semaphore_mem>>) {add = true}
        %lt3A = arith.constant 248 : i32
        %lt3A_140 = arith.cmpi slt, %add3A_120, %lt3A : i32
        %convert_element_type3A_141 = arith.extui %lt3A_140 : i1 to i32
        %cond3A_142 = arith.constant 0 : i32
        %cond3A_143 = arith.cmpi ne, %convert_element_type3A_141, %cond3A_142 : i32
        scf.if %cond3A_143 {
          %add3A_380 = arith.constant 0 : i32
          %add3A_381 = arith.addi %mul3A_9, %add3A_380 : i32
          %multiple_of3A_382 = tpu.assume_multiple %add3A_381, 8 : i32
          %dma_wait3A_383 = tpu.memref_slice %arg4[%multiple_of3A_382] : memref<320000xi32, #tpu.memory_space<hbm>> -> memref<80xi32, #tpu.memory_space<hbm>>
          %dma_wait3A_384 = tpu.memref_slice %arg4[%multiple_of3A_382] : memref<320000xi32, #tpu.memory_space<hbm>> -> memref<80xi32, #tpu.memory_space<hbm>>
          tpu.wait_dma2 semaphore(%arg32 : memref<!tpu.dma_semaphore, #tpu.memory_space<semaphore_mem>>) src(%dma_wait3A_384 : memref<80xi32, #tpu.memory_space<hbm>>) dst(%arg12 : memref<80xi32, #tpu.memory_space<vmem>>)
          %add3A_385 = arith.constant 0 : i32
          %add3A_386 = arith.addi %mul3A_9, %add3A_385 : i32
          %multiple_of3A_387 = tpu.assume_multiple %add3A_386, 8 : i32
          %dma_wait3A_388 = tpu.memref_slice %arg5[%multiple_of3A_387] : memref<320000xi32, #tpu.memory_space<hbm>> -> memref<80xi32, #tpu.memory_space<hbm>>
          %dma_wait3A_389 = tpu.memref_slice %arg5[%multiple_of3A_387] : memref<320000xi32, #tpu.memory_space<hbm>> -> memref<80xi32, #tpu.memory_space<hbm>>
          tpu.wait_dma2 semaphore(%arg32 : memref<!tpu.dma_semaphore, #tpu.memory_space<semaphore_mem>>) src(%dma_wait3A_389 : memref<80xi32, #tpu.memory_space<hbm>>) dst(%arg20 : memref<80xi32, #tpu.memory_space<vmem>>)
          %ge3A = arith.constant 2 : i32
          %ge3A_390 = arith.cmpi sge, %add3A_120, %ge3A : i32
          %convert_element_type3A_391 = arith.extui %ge3A_390 : i1 to i32
          %cond3A_392 = arith.constant 0 : i32
          %cond3A_393 = arith.cmpi ne, %convert_element_type3A_391, %cond3A_392 : i32
          scf.if %cond3A_393 {
            %dma_wait3A_410 = arith.constant 0 : i32
            %dma_wait3A_411 = arith.constant 0 : i32
            %dma_wait3A_412 = tpu.memref_slice %arg46[%dma_wait3A_410, %dma_wait3A_411] : memref<10240x128xf32, #tpu.memory_space<vmem_shared>> -> memref<10240x128xf32, #tpu.memory_space<vmem_shared>>
            tpu.wait_indirect_dma semaphore(%arg44 : memref<!tpu.dma_semaphore, #tpu.memory_space<semaphore_mem>>) src(%arg28 : memref<80x128xf32, #tpu.memory_space<vmem>>) dst(%dma_wait3A_412 : memref<10240x128xf32, #tpu.memory_space<vmem_shared>>)
          } else {
          }
          %dma_start3A_394 = arith.constant 0 : i32
          %dma_start3A_395 = arith.constant 0 : i32
          %dma_start3A_396 = tpu.memref_slice %arg28[%dma_start3A_394, %dma_start3A_395] : memref<80x128xf32, #tpu.memory_space<vmem>> -> memref<40x128xf32, #tpu.memory_space<vmem>>
          %dma_start3A_397 = arith.constant 0 : i32
          %dma_start3A_398 = tpu.memref_slice %arg12[%dma_start3A_397] : memref<80xi32, #tpu.memory_space<vmem>> -> memref<40xi32, #tpu.memory_space<vmem>>
          %dma_start3A_399 = arith.constant 0 : i32
          %dma_start3A_400 = arith.constant 0 : i32
          %dma_start3A_401 = tpu.memref_slice %arg2[%dma_start3A_399, %dma_start3A_400] : memref<10240x128xf32, #tpu.memory_space<hbm>> -> memref<10240x128xf32, #tpu.memory_space<hbm>>
          tpu.enqueue_indirect_dma source(%dma_start3A_401 : memref<10240x128xf32, #tpu.memory_space<hbm>>) target(%dma_start3A_396 : memref<40x128xf32, #tpu.memory_space<vmem>>) offsets(%dma_start3A_398 : memref<40xi32, #tpu.memory_space<vmem>>) semaphore(%arg40 : memref<!tpu.dma_semaphore, #tpu.memory_space<semaphore_mem>>)
          %dma_start3A_402 = arith.constant 40 : i32
          %dma_start3A_403 = arith.constant 0 : i32
          %dma_start3A_404 = tpu.memref_slice %arg28[%dma_start3A_402, %dma_start3A_403] : memref<80x128xf32, #tpu.memory_space<vmem>> -> memref<40x128xf32, #tpu.memory_space<vmem>>
          %dma_start3A_405 = arith.constant 40 : i32
          %dma_start3A_406 = tpu.memref_slice %arg12[%dma_start3A_405] : memref<80xi32, #tpu.memory_space<vmem>> -> memref<40xi32, #tpu.memory_space<vmem>>
          %dma_start3A_407 = arith.constant 0 : i32
          %dma_start3A_408 = arith.constant 0 : i32
          %dma_start3A_409 = tpu.memref_slice %arg2[%dma_start3A_407, %dma_start3A_408] : memref<10240x128xf32, #tpu.memory_space<hbm>> -> memref<10240x128xf32, #tpu.memory_space<hbm>>
          tpu.enqueue_indirect_dma source(%dma_start3A_409 : memref<10240x128xf32, #tpu.memory_space<hbm>>) target(%dma_start3A_404 : memref<40x128xf32, #tpu.memory_space<vmem>>) offsets(%dma_start3A_406 : memref<40xi32, #tpu.memory_space<vmem>>) semaphore(%arg40 : memref<!tpu.dma_semaphore, #tpu.memory_space<semaphore_mem>>)
        } else {
        }
        %lt3A_144 = arith.constant 247 : i32
        %lt3A_145 = arith.cmpi slt, %add3A_120, %lt3A_144 : i32
        %convert_element_type3A_146 = arith.extui %lt3A_145 : i1 to i32
        %cond3A_147 = arith.constant 0 : i32
        %cond3A_148 = arith.cmpi ne, %convert_element_type3A_146, %cond3A_147 : i32
        scf.if %cond3A_148 {
          %add3A_380 = arith.constant 3 : i32
          %add3A_381 = arith.addi %add3A_120, %add3A_380 : i32
          %mul3A_382 = arith.constant 80 : i32
          %mul3A_383 = arith.muli %add3A_381, %mul3A_382 : i32
          %add3A_384 = arith.addi %mul3A_9, %mul3A_383 : i32
          %multiple_of3A_385 = tpu.assume_multiple %add3A_384, 8 : i32
          %dma_start3A_386 = tpu.memref_slice %arg4[%multiple_of3A_385] : memref<320000xi32, #tpu.memory_space<hbm>> -> memref<80xi32, #tpu.memory_space<hbm>>
          %dma_start3A_387 = tpu.memref_slice %arg4[%multiple_of3A_385] : memref<320000xi32, #tpu.memory_space<hbm>> -> memref<80xi32, #tpu.memory_space<hbm>>
          tpu.enqueue_dma source(%dma_start3A_387 : memref<80xi32, #tpu.memory_space<hbm>>) target(%arg13 : memref<80xi32, #tpu.memory_space<vmem>>) target_semaphore(%arg33 : memref<!tpu.dma_semaphore, #tpu.memory_space<semaphore_mem>>)
          %add3A_388 = arith.constant 3 : i32
          %add3A_389 = arith.addi %add3A_120, %add3A_388 : i32
          %mul3A_390 = arith.constant 80 : i32
          %mul3A_391 = arith.muli %add3A_389, %mul3A_390 : i32
          %add3A_392 = arith.addi %mul3A_9, %mul3A_391 : i32
          %multiple_of3A_393 = tpu.assume_multiple %add3A_392, 8 : i32
          %dma_start3A_394 = tpu.memref_slice %arg5[%multiple_of3A_393] : memref<320000xi32, #tpu.memory_space<hbm>> -> memref<80xi32, #tpu.memory_space<hbm>>
          %dma_start3A_395 = tpu.memref_slice %arg5[%multiple_of3A_393] : memref<320000xi32, #tpu.memory_space<hbm>> -> memref<80xi32, #tpu.memory_space<hbm>>
          tpu.enqueue_dma source(%dma_start3A_395 : memref<80xi32, #tpu.memory_space<hbm>>) target(%arg21 : memref<80xi32, #tpu.memory_space<vmem>>) target_semaphore(%arg33 : memref<!tpu.dma_semaphore, #tpu.memory_space<semaphore_mem>>)
        } else {
        }
        %mul3A_149 = arith.constant 8 : i32
        %mul3A_150 = arith.muli %scan3A_116, %mul3A_149 : i32
        %add3A_151 = arith.constant 1 : i32
        %add3A_152 = arith.addi %mul3A_150, %add3A_151 : i32
        %dma_wait3A_153 = arith.constant 0 : i32
        %dma_wait3A_154 = arith.constant 0 : i32
        %dma_wait3A_155 = tpu.memref_slice %arg27[%dma_wait3A_153, %dma_wait3A_154] : memref<80x128xf32, #tpu.memory_space<vmem>> -> memref<40x128xf32, #tpu.memory_space<vmem>>
        %dma_wait3A_156 = arith.constant 0 : i32
        %dma_wait3A_157 = tpu.memref_slice %arg11[%dma_wait3A_156] : memref<80xi32, #tpu.memory_space<vmem>> -> memref<40xi32, #tpu.memory_space<vmem>>
        %dma_wait3A_158 = arith.constant 0 : i32
        %dma_wait3A_159 = arith.constant 0 : i32
        %dma_wait3A_160 = tpu.memref_slice %arg2[%dma_wait3A_158, %dma_wait3A_159] : memref<10240x128xf32, #tpu.memory_space<hbm>> -> memref<10240x128xf32, #tpu.memory_space<hbm>>
        tpu.wait_indirect_dma semaphore(%arg39 : memref<!tpu.dma_semaphore, #tpu.memory_space<semaphore_mem>>) src(%dma_wait3A_160 : memref<10240x128xf32, #tpu.memory_space<hbm>>) dst(%dma_wait3A_155 : memref<40x128xf32, #tpu.memory_space<vmem>>)
        %dma_wait3A_161 = arith.constant 0 : i32
        %dma_wait3A_162 = arith.constant 0 : i32
        %dma_wait3A_163 = tpu.memref_slice %arg27[%dma_wait3A_161, %dma_wait3A_162] : memref<80x128xf32, #tpu.memory_space<vmem>> -> memref<40x128xf32, #tpu.memory_space<vmem>>
        %dma_wait3A_164 = arith.constant 0 : i32
        %dma_wait3A_165 = tpu.memref_slice %arg11[%dma_wait3A_164] : memref<80xi32, #tpu.memory_space<vmem>> -> memref<40xi32, #tpu.memory_space<vmem>>
        %dma_wait3A_166 = arith.constant 0 : i32
        %dma_wait3A_167 = arith.constant 0 : i32
        %dma_wait3A_168 = tpu.memref_slice %arg2[%dma_wait3A_166, %dma_wait3A_167] : memref<10240x128xf32, #tpu.memory_space<hbm>> -> memref<10240x128xf32, #tpu.memory_space<hbm>>
        tpu.wait_indirect_dma semaphore(%arg39 : memref<!tpu.dma_semaphore, #tpu.memory_space<semaphore_mem>>) src(%dma_wait3A_168 : memref<10240x128xf32, #tpu.memory_space<hbm>>) dst(%dma_wait3A_163 : memref<40x128xf32, #tpu.memory_space<vmem>>)
        %dma_start3A_169 = arith.constant 0 : i32
        %dma_start3A_170 = arith.constant 0 : i32
        %dma_start3A_171 = tpu.memref_slice %arg46[%dma_start3A_169, %dma_start3A_170] : memref<10240x128xf32, #tpu.memory_space<vmem_shared>> -> memref<10240x128xf32, #tpu.memory_space<vmem_shared>>
        tpu.enqueue_indirect_dma source(%arg27 : memref<80x128xf32, #tpu.memory_space<vmem>>) target(%dma_start3A_171 : memref<10240x128xf32, #tpu.memory_space<vmem_shared>>) offsets(%arg19 : memref<80xi32, #tpu.memory_space<vmem>>) semaphore(%arg43 : memref<!tpu.dma_semaphore, #tpu.memory_space<semaphore_mem>>) {add = true}
        %lt3A_172 = arith.constant 248 : i32
        %lt3A_173 = arith.cmpi slt, %add3A_152, %lt3A_172 : i32
        %convert_element_type3A_174 = arith.extui %lt3A_173 : i1 to i32
        %cond3A_175 = arith.constant 0 : i32
        %cond3A_176 = arith.cmpi ne, %convert_element_type3A_174, %cond3A_175 : i32
        scf.if %cond3A_176 {
          %add3A_380 = arith.constant 0 : i32
          %add3A_381 = arith.addi %mul3A_9, %add3A_380 : i32
          %multiple_of3A_382 = tpu.assume_multiple %add3A_381, 8 : i32
          %dma_wait3A_383 = tpu.memref_slice %arg4[%multiple_of3A_382] : memref<320000xi32, #tpu.memory_space<hbm>> -> memref<80xi32, #tpu.memory_space<hbm>>
          %dma_wait3A_384 = tpu.memref_slice %arg4[%multiple_of3A_382] : memref<320000xi32, #tpu.memory_space<hbm>> -> memref<80xi32, #tpu.memory_space<hbm>>
          tpu.wait_dma2 semaphore(%arg33 : memref<!tpu.dma_semaphore, #tpu.memory_space<semaphore_mem>>) src(%dma_wait3A_384 : memref<80xi32, #tpu.memory_space<hbm>>) dst(%arg13 : memref<80xi32, #tpu.memory_space<vmem>>)
          %add3A_385 = arith.constant 0 : i32
          %add3A_386 = arith.addi %mul3A_9, %add3A_385 : i32
          %multiple_of3A_387 = tpu.assume_multiple %add3A_386, 8 : i32
          %dma_wait3A_388 = tpu.memref_slice %arg5[%multiple_of3A_387] : memref<320000xi32, #tpu.memory_space<hbm>> -> memref<80xi32, #tpu.memory_space<hbm>>
          %dma_wait3A_389 = tpu.memref_slice %arg5[%multiple_of3A_387] : memref<320000xi32, #tpu.memory_space<hbm>> -> memref<80xi32, #tpu.memory_space<hbm>>
          tpu.wait_dma2 semaphore(%arg33 : memref<!tpu.dma_semaphore, #tpu.memory_space<semaphore_mem>>) src(%dma_wait3A_389 : memref<80xi32, #tpu.memory_space<hbm>>) dst(%arg21 : memref<80xi32, #tpu.memory_space<vmem>>)
          %ge3A = arith.constant 2 : i32
          %ge3A_390 = arith.cmpi sge, %add3A_152, %ge3A : i32
          %convert_element_type3A_391 = arith.extui %ge3A_390 : i1 to i32
          %cond3A_392 = arith.constant 0 : i32
          %cond3A_393 = arith.cmpi ne, %convert_element_type3A_391, %cond3A_392 : i32
          scf.if %cond3A_393 {
            %dma_wait3A_410 = arith.constant 0 : i32
            %dma_wait3A_411 = arith.constant 0 : i32
            %dma_wait3A_412 = tpu.memref_slice %arg46[%dma_wait3A_410, %dma_wait3A_411] : memref<10240x128xf32, #tpu.memory_space<vmem_shared>> -> memref<10240x128xf32, #tpu.memory_space<vmem_shared>>
            tpu.wait_indirect_dma semaphore(%arg45 : memref<!tpu.dma_semaphore, #tpu.memory_space<semaphore_mem>>) src(%arg29 : memref<80x128xf32, #tpu.memory_space<vmem>>) dst(%dma_wait3A_412 : memref<10240x128xf32, #tpu.memory_space<vmem_shared>>)
          } else {
          }
          %dma_start3A_394 = arith.constant 0 : i32
          %dma_start3A_395 = arith.constant 0 : i32
          %dma_start3A_396 = tpu.memref_slice %arg29[%dma_start3A_394, %dma_start3A_395] : memref<80x128xf32, #tpu.memory_space<vmem>> -> memref<40x128xf32, #tpu.memory_space<vmem>>
          %dma_start3A_397 = arith.constant 0 : i32
          %dma_start3A_398 = tpu.memref_slice %arg13[%dma_start3A_397] : memref<80xi32, #tpu.memory_space<vmem>> -> memref<40xi32, #tpu.memory_space<vmem>>
          %dma_start3A_399 = arith.constant 0 : i32
          %dma_start3A_400 = arith.constant 0 : i32
          %dma_start3A_401 = tpu.memref_slice %arg2[%dma_start3A_399, %dma_start3A_400] : memref<10240x128xf32, #tpu.memory_space<hbm>> -> memref<10240x128xf32, #tpu.memory_space<hbm>>
          tpu.enqueue_indirect_dma source(%dma_start3A_401 : memref<10240x128xf32, #tpu.memory_space<hbm>>) target(%dma_start3A_396 : memref<40x128xf32, #tpu.memory_space<vmem>>) offsets(%dma_start3A_398 : memref<40xi32, #tpu.memory_space<vmem>>) semaphore(%arg41 : memref<!tpu.dma_semaphore, #tpu.memory_space<semaphore_mem>>)
          %dma_start3A_402 = arith.constant 40 : i32
          %dma_start3A_403 = arith.constant 0 : i32
          %dma_start3A_404 = tpu.memref_slice %arg29[%dma_start3A_402, %dma_start3A_403] : memref<80x128xf32, #tpu.memory_space<vmem>> -> memref<40x128xf32, #tpu.memory_space<vmem>>
          %dma_start3A_405 = arith.constant 40 : i32
          %dma_start3A_406 = tpu.memref_slice %arg13[%dma_start3A_405] : memref<80xi32, #tpu.memory_space<vmem>> -> memref<40xi32, #tpu.memory_space<vmem>>
          %dma_start3A_407 = arith.constant 0 : i32
          %dma_start3A_408 = arith.constant 0 : i32
          %dma_start3A_409 = tpu.memref_slice %arg2[%dma_start3A_407, %dma_start3A_408] : memref<10240x128xf32, #tpu.memory_space<hbm>> -> memref<10240x128xf32, #tpu.memory_space<hbm>>
          tpu.enqueue_indirect_dma source(%dma_start3A_409 : memref<10240x128xf32, #tpu.memory_space<hbm>>) target(%dma_start3A_404 : memref<40x128xf32, #tpu.memory_space<vmem>>) offsets(%dma_start3A_406 : memref<40xi32, #tpu.memory_space<vmem>>) semaphore(%arg41 : memref<!tpu.dma_semaphore, #tpu.memory_space<semaphore_mem>>)
        } else {
        }
        %lt3A_177 = arith.constant 247 : i32
        %lt3A_178 = arith.cmpi slt, %add3A_152, %lt3A_177 : i32
        %convert_element_type3A_179 = arith.extui %lt3A_178 : i1 to i32
        %cond3A_180 = arith.constant 0 : i32
        %cond3A_181 = arith.cmpi ne, %convert_element_type3A_179, %cond3A_180 : i32
        scf.if %cond3A_181 {
          %add3A_380 = arith.constant 3 : i32
          %add3A_381 = arith.addi %add3A_152, %add3A_380 : i32
          %mul3A_382 = arith.constant 80 : i32
          %mul3A_383 = arith.muli %add3A_381, %mul3A_382 : i32
          %add3A_384 = arith.addi %mul3A_9, %mul3A_383 : i32
          %multiple_of3A_385 = tpu.assume_multiple %add3A_384, 8 : i32
          %dma_start3A_386 = tpu.memref_slice %arg4[%multiple_of3A_385] : memref<320000xi32, #tpu.memory_space<hbm>> -> memref<80xi32, #tpu.memory_space<hbm>>
          %dma_start3A_387 = tpu.memref_slice %arg4[%multiple_of3A_385] : memref<320000xi32, #tpu.memory_space<hbm>> -> memref<80xi32, #tpu.memory_space<hbm>>
          tpu.enqueue_dma source(%dma_start3A_387 : memref<80xi32, #tpu.memory_space<hbm>>) target(%arg14 : memref<80xi32, #tpu.memory_space<vmem>>) target_semaphore(%arg34 : memref<!tpu.dma_semaphore, #tpu.memory_space<semaphore_mem>>)
          %add3A_388 = arith.constant 3 : i32
          %add3A_389 = arith.addi %add3A_152, %add3A_388 : i32
          %mul3A_390 = arith.constant 80 : i32
          %mul3A_391 = arith.muli %add3A_389, %mul3A_390 : i32
          %add3A_392 = arith.addi %mul3A_9, %mul3A_391 : i32
          %multiple_of3A_393 = tpu.assume_multiple %add3A_392, 8 : i32
          %dma_start3A_394 = tpu.memref_slice %arg5[%multiple_of3A_393] : memref<320000xi32, #tpu.memory_space<hbm>> -> memref<80xi32, #tpu.memory_space<hbm>>
          %dma_start3A_395 = tpu.memref_slice %arg5[%multiple_of3A_393] : memref<320000xi32, #tpu.memory_space<hbm>> -> memref<80xi32, #tpu.memory_space<hbm>>
          tpu.enqueue_dma source(%dma_start3A_395 : memref<80xi32, #tpu.memory_space<hbm>>) target(%arg22 : memref<80xi32, #tpu.memory_space<vmem>>) target_semaphore(%arg34 : memref<!tpu.dma_semaphore, #tpu.memory_space<semaphore_mem>>)
        } else {
        }
        %mul3A_182 = arith.constant 8 : i32
        %mul3A_183 = arith.muli %scan3A_116, %mul3A_182 : i32
        %add3A_184 = arith.constant 2 : i32
        %add3A_185 = arith.addi %mul3A_183, %add3A_184 : i32
        %dma_wait3A_186 = arith.constant 0 : i32
        %dma_wait3A_187 = arith.constant 0 : i32
        %dma_wait3A_188 = tpu.memref_slice %arg28[%dma_wait3A_186, %dma_wait3A_187] : memref<80x128xf32, #tpu.memory_space<vmem>> -> memref<40x128xf32, #tpu.memory_space<vmem>>
        %dma_wait3A_189 = arith.constant 0 : i32
        %dma_wait3A_190 = tpu.memref_slice %arg12[%dma_wait3A_189] : memref<80xi32, #tpu.memory_space<vmem>> -> memref<40xi32, #tpu.memory_space<vmem>>
        %dma_wait3A_191 = arith.constant 0 : i32
        %dma_wait3A_192 = arith.constant 0 : i32
        %dma_wait3A_193 = tpu.memref_slice %arg2[%dma_wait3A_191, %dma_wait3A_192] : memref<10240x128xf32, #tpu.memory_space<hbm>> -> memref<10240x128xf32, #tpu.memory_space<hbm>>
        tpu.wait_indirect_dma semaphore(%arg40 : memref<!tpu.dma_semaphore, #tpu.memory_space<semaphore_mem>>) src(%dma_wait3A_193 : memref<10240x128xf32, #tpu.memory_space<hbm>>) dst(%dma_wait3A_188 : memref<40x128xf32, #tpu.memory_space<vmem>>)
        %dma_wait3A_194 = arith.constant 0 : i32
        %dma_wait3A_195 = arith.constant 0 : i32
        %dma_wait3A_196 = tpu.memref_slice %arg28[%dma_wait3A_194, %dma_wait3A_195] : memref<80x128xf32, #tpu.memory_space<vmem>> -> memref<40x128xf32, #tpu.memory_space<vmem>>
        %dma_wait3A_197 = arith.constant 0 : i32
        %dma_wait3A_198 = tpu.memref_slice %arg12[%dma_wait3A_197] : memref<80xi32, #tpu.memory_space<vmem>> -> memref<40xi32, #tpu.memory_space<vmem>>
        %dma_wait3A_199 = arith.constant 0 : i32
        %dma_wait3A_200 = arith.constant 0 : i32
        %dma_wait3A_201 = tpu.memref_slice %arg2[%dma_wait3A_199, %dma_wait3A_200] : memref<10240x128xf32, #tpu.memory_space<hbm>> -> memref<10240x128xf32, #tpu.memory_space<hbm>>
        tpu.wait_indirect_dma semaphore(%arg40 : memref<!tpu.dma_semaphore, #tpu.memory_space<semaphore_mem>>) src(%dma_wait3A_201 : memref<10240x128xf32, #tpu.memory_space<hbm>>) dst(%dma_wait3A_196 : memref<40x128xf32, #tpu.memory_space<vmem>>)
        %dma_start3A_202 = arith.constant 0 : i32
        %dma_start3A_203 = arith.constant 0 : i32
        %dma_start3A_204 = tpu.memref_slice %arg46[%dma_start3A_202, %dma_start3A_203] : memref<10240x128xf32, #tpu.memory_space<vmem_shared>> -> memref<10240x128xf32, #tpu.memory_space<vmem_shared>>
        tpu.enqueue_indirect_dma source(%arg28 : memref<80x128xf32, #tpu.memory_space<vmem>>) target(%dma_start3A_204 : memref<10240x128xf32, #tpu.memory_space<vmem_shared>>) offsets(%arg20 : memref<80xi32, #tpu.memory_space<vmem>>) semaphore(%arg44 : memref<!tpu.dma_semaphore, #tpu.memory_space<semaphore_mem>>) {add = true}
        %lt3A_205 = arith.constant 248 : i32
        %lt3A_206 = arith.cmpi slt, %add3A_185, %lt3A_205 : i32
        %convert_element_type3A_207 = arith.extui %lt3A_206 : i1 to i32
        %cond3A_208 = arith.constant 0 : i32
        %cond3A_209 = arith.cmpi ne, %convert_element_type3A_207, %cond3A_208 : i32
        scf.if %cond3A_209 {
          %add3A_380 = arith.constant 0 : i32
          %add3A_381 = arith.addi %mul3A_9, %add3A_380 : i32
          %multiple_of3A_382 = tpu.assume_multiple %add3A_381, 8 : i32
          %dma_wait3A_383 = tpu.memref_slice %arg4[%multiple_of3A_382] : memref<320000xi32, #tpu.memory_space<hbm>> -> memref<80xi32, #tpu.memory_space<hbm>>
          %dma_wait3A_384 = tpu.memref_slice %arg4[%multiple_of3A_382] : memref<320000xi32, #tpu.memory_space<hbm>> -> memref<80xi32, #tpu.memory_space<hbm>>
          tpu.wait_dma2 semaphore(%arg34 : memref<!tpu.dma_semaphore, #tpu.memory_space<semaphore_mem>>) src(%dma_wait3A_384 : memref<80xi32, #tpu.memory_space<hbm>>) dst(%arg14 : memref<80xi32, #tpu.memory_space<vmem>>)
          %add3A_385 = arith.constant 0 : i32
          %add3A_386 = arith.addi %mul3A_9, %add3A_385 : i32
          %multiple_of3A_387 = tpu.assume_multiple %add3A_386, 8 : i32
          %dma_wait3A_388 = tpu.memref_slice %arg5[%multiple_of3A_387] : memref<320000xi32, #tpu.memory_space<hbm>> -> memref<80xi32, #tpu.memory_space<hbm>>
          %dma_wait3A_389 = tpu.memref_slice %arg5[%multiple_of3A_387] : memref<320000xi32, #tpu.memory_space<hbm>> -> memref<80xi32, #tpu.memory_space<hbm>>
          tpu.wait_dma2 semaphore(%arg34 : memref<!tpu.dma_semaphore, #tpu.memory_space<semaphore_mem>>) src(%dma_wait3A_389 : memref<80xi32, #tpu.memory_space<hbm>>) dst(%arg22 : memref<80xi32, #tpu.memory_space<vmem>>)
          %ge3A = arith.constant 2 : i32
          %ge3A_390 = arith.cmpi sge, %add3A_185, %ge3A : i32
          %convert_element_type3A_391 = arith.extui %ge3A_390 : i1 to i32
          %cond3A_392 = arith.constant 0 : i32
          %cond3A_393 = arith.cmpi ne, %convert_element_type3A_391, %cond3A_392 : i32
          scf.if %cond3A_393 {
            %dma_wait3A_410 = arith.constant 0 : i32
            %dma_wait3A_411 = arith.constant 0 : i32
            %dma_wait3A_412 = tpu.memref_slice %arg46[%dma_wait3A_410, %dma_wait3A_411] : memref<10240x128xf32, #tpu.memory_space<vmem_shared>> -> memref<10240x128xf32, #tpu.memory_space<vmem_shared>>
            tpu.wait_indirect_dma semaphore(%arg42 : memref<!tpu.dma_semaphore, #tpu.memory_space<semaphore_mem>>) src(%arg26 : memref<80x128xf32, #tpu.memory_space<vmem>>) dst(%dma_wait3A_412 : memref<10240x128xf32, #tpu.memory_space<vmem_shared>>)
          } else {
          }
          %dma_start3A_394 = arith.constant 0 : i32
          %dma_start3A_395 = arith.constant 0 : i32
          %dma_start3A_396 = tpu.memref_slice %arg26[%dma_start3A_394, %dma_start3A_395] : memref<80x128xf32, #tpu.memory_space<vmem>> -> memref<40x128xf32, #tpu.memory_space<vmem>>
          %dma_start3A_397 = arith.constant 0 : i32
          %dma_start3A_398 = tpu.memref_slice %arg14[%dma_start3A_397] : memref<80xi32, #tpu.memory_space<vmem>> -> memref<40xi32, #tpu.memory_space<vmem>>
          %dma_start3A_399 = arith.constant 0 : i32
          %dma_start3A_400 = arith.constant 0 : i32
          %dma_start3A_401 = tpu.memref_slice %arg2[%dma_start3A_399, %dma_start3A_400] : memref<10240x128xf32, #tpu.memory_space<hbm>> -> memref<10240x128xf32, #tpu.memory_space<hbm>>
          tpu.enqueue_indirect_dma source(%dma_start3A_401 : memref<10240x128xf32, #tpu.memory_space<hbm>>) target(%dma_start3A_396 : memref<40x128xf32, #tpu.memory_space<vmem>>) offsets(%dma_start3A_398 : memref<40xi32, #tpu.memory_space<vmem>>) semaphore(%arg38 : memref<!tpu.dma_semaphore, #tpu.memory_space<semaphore_mem>>)
          %dma_start3A_402 = arith.constant 40 : i32
          %dma_start3A_403 = arith.constant 0 : i32
          %dma_start3A_404 = tpu.memref_slice %arg26[%dma_start3A_402, %dma_start3A_403] : memref<80x128xf32, #tpu.memory_space<vmem>> -> memref<40x128xf32, #tpu.memory_space<vmem>>
          %dma_start3A_405 = arith.constant 40 : i32
          %dma_start3A_406 = tpu.memref_slice %arg14[%dma_start3A_405] : memref<80xi32, #tpu.memory_space<vmem>> -> memref<40xi32, #tpu.memory_space<vmem>>
          %dma_start3A_407 = arith.constant 0 : i32
          %dma_start3A_408 = arith.constant 0 : i32
          %dma_start3A_409 = tpu.memref_slice %arg2[%dma_start3A_407, %dma_start3A_408] : memref<10240x128xf32, #tpu.memory_space<hbm>> -> memref<10240x128xf32, #tpu.memory_space<hbm>>
          tpu.enqueue_indirect_dma source(%dma_start3A_409 : memref<10240x128xf32, #tpu.memory_space<hbm>>) target(%dma_start3A_404 : memref<40x128xf32, #tpu.memory_space<vmem>>) offsets(%dma_start3A_406 : memref<40xi32, #tpu.memory_space<vmem>>) semaphore(%arg38 : memref<!tpu.dma_semaphore, #tpu.memory_space<semaphore_mem>>)
        } else {
        }
        %lt3A_210 = arith.constant 247 : i32
        %lt3A_211 = arith.cmpi slt, %add3A_185, %lt3A_210 : i32
        %convert_element_type3A_212 = arith.extui %lt3A_211 : i1 to i32
        %cond3A_213 = arith.constant 0 : i32
        %cond3A_214 = arith.cmpi ne, %convert_element_type3A_212, %cond3A_213 : i32
        scf.if %cond3A_214 {
          %add3A_380 = arith.constant 3 : i32
          %add3A_381 = arith.addi %add3A_185, %add3A_380 : i32
          %mul3A_382 = arith.constant 80 : i32
          %mul3A_383 = arith.muli %add3A_381, %mul3A_382 : i32
          %add3A_384 = arith.addi %mul3A_9, %mul3A_383 : i32
          %multiple_of3A_385 = tpu.assume_multiple %add3A_384, 8 : i32
          %dma_start3A_386 = tpu.memref_slice %arg4[%multiple_of3A_385] : memref<320000xi32, #tpu.memory_space<hbm>> -> memref<80xi32, #tpu.memory_space<hbm>>
          %dma_start3A_387 = tpu.memref_slice %arg4[%multiple_of3A_385] : memref<320000xi32, #tpu.memory_space<hbm>> -> memref<80xi32, #tpu.memory_space<hbm>>
          tpu.enqueue_dma source(%dma_start3A_387 : memref<80xi32, #tpu.memory_space<hbm>>) target(%arg15 : memref<80xi32, #tpu.memory_space<vmem>>) target_semaphore(%arg35 : memref<!tpu.dma_semaphore, #tpu.memory_space<semaphore_mem>>)
          %add3A_388 = arith.constant 3 : i32
          %add3A_389 = arith.addi %add3A_185, %add3A_388 : i32
          %mul3A_390 = arith.constant 80 : i32
          %mul3A_391 = arith.muli %add3A_389, %mul3A_390 : i32
          %add3A_392 = arith.addi %mul3A_9, %mul3A_391 : i32
          %multiple_of3A_393 = tpu.assume_multiple %add3A_392, 8 : i32
          %dma_start3A_394 = tpu.memref_slice %arg5[%multiple_of3A_393] : memref<320000xi32, #tpu.memory_space<hbm>> -> memref<80xi32, #tpu.memory_space<hbm>>
          %dma_start3A_395 = tpu.memref_slice %arg5[%multiple_of3A_393] : memref<320000xi32, #tpu.memory_space<hbm>> -> memref<80xi32, #tpu.memory_space<hbm>>
          tpu.enqueue_dma source(%dma_start3A_395 : memref<80xi32, #tpu.memory_space<hbm>>) target(%arg23 : memref<80xi32, #tpu.memory_space<vmem>>) target_semaphore(%arg35 : memref<!tpu.dma_semaphore, #tpu.memory_space<semaphore_mem>>)
        } else {
        }
        %mul3A_215 = arith.constant 8 : i32
        %mul3A_216 = arith.muli %scan3A_116, %mul3A_215 : i32
        %add3A_217 = arith.constant 3 : i32
        %add3A_218 = arith.addi %mul3A_216, %add3A_217 : i32
        %dma_wait3A_219 = arith.constant 0 : i32
        %dma_wait3A_220 = arith.constant 0 : i32
        %dma_wait3A_221 = tpu.memref_slice %arg29[%dma_wait3A_219, %dma_wait3A_220] : memref<80x128xf32, #tpu.memory_space<vmem>> -> memref<40x128xf32, #tpu.memory_space<vmem>>
        %dma_wait3A_222 = arith.constant 0 : i32
        %dma_wait3A_223 = tpu.memref_slice %arg13[%dma_wait3A_222] : memref<80xi32, #tpu.memory_space<vmem>> -> memref<40xi32, #tpu.memory_space<vmem>>
        %dma_wait3A_224 = arith.constant 0 : i32
        %dma_wait3A_225 = arith.constant 0 : i32
        %dma_wait3A_226 = tpu.memref_slice %arg2[%dma_wait3A_224, %dma_wait3A_225] : memref<10240x128xf32, #tpu.memory_space<hbm>> -> memref<10240x128xf32, #tpu.memory_space<hbm>>
        tpu.wait_indirect_dma semaphore(%arg41 : memref<!tpu.dma_semaphore, #tpu.memory_space<semaphore_mem>>) src(%dma_wait3A_226 : memref<10240x128xf32, #tpu.memory_space<hbm>>) dst(%dma_wait3A_221 : memref<40x128xf32, #tpu.memory_space<vmem>>)
        %dma_wait3A_227 = arith.constant 0 : i32
        %dma_wait3A_228 = arith.constant 0 : i32
        %dma_wait3A_229 = tpu.memref_slice %arg29[%dma_wait3A_227, %dma_wait3A_228] : memref<80x128xf32, #tpu.memory_space<vmem>> -> memref<40x128xf32, #tpu.memory_space<vmem>>
        %dma_wait3A_230 = arith.constant 0 : i32
        %dma_wait3A_231 = tpu.memref_slice %arg13[%dma_wait3A_230] : memref<80xi32, #tpu.memory_space<vmem>> -> memref<40xi32, #tpu.memory_space<vmem>>
        %dma_wait3A_232 = arith.constant 0 : i32
        %dma_wait3A_233 = arith.constant 0 : i32
        %dma_wait3A_234 = tpu.memref_slice %arg2[%dma_wait3A_232, %dma_wait3A_233] : memref<10240x128xf32, #tpu.memory_space<hbm>> -> memref<10240x128xf32, #tpu.memory_space<hbm>>
        tpu.wait_indirect_dma semaphore(%arg41 : memref<!tpu.dma_semaphore, #tpu.memory_space<semaphore_mem>>) src(%dma_wait3A_234 : memref<10240x128xf32, #tpu.memory_space<hbm>>) dst(%dma_wait3A_229 : memref<40x128xf32, #tpu.memory_space<vmem>>)
        %dma_start3A_235 = arith.constant 0 : i32
        %dma_start3A_236 = arith.constant 0 : i32
        %dma_start3A_237 = tpu.memref_slice %arg46[%dma_start3A_235, %dma_start3A_236] : memref<10240x128xf32, #tpu.memory_space<vmem_shared>> -> memref<10240x128xf32, #tpu.memory_space<vmem_shared>>
        tpu.enqueue_indirect_dma source(%arg29 : memref<80x128xf32, #tpu.memory_space<vmem>>) target(%dma_start3A_237 : memref<10240x128xf32, #tpu.memory_space<vmem_shared>>) offsets(%arg21 : memref<80xi32, #tpu.memory_space<vmem>>) semaphore(%arg45 : memref<!tpu.dma_semaphore, #tpu.memory_space<semaphore_mem>>) {add = true}
        %lt3A_238 = arith.constant 248 : i32
        %lt3A_239 = arith.cmpi slt, %add3A_218, %lt3A_238 : i32
        %convert_element_type3A_240 = arith.extui %lt3A_239 : i1 to i32
        %cond3A_241 = arith.constant 0 : i32
        %cond3A_242 = arith.cmpi ne, %convert_element_type3A_240, %cond3A_241 : i32
        scf.if %cond3A_242 {
          %add3A_380 = arith.constant 0 : i32
          %add3A_381 = arith.addi %mul3A_9, %add3A_380 : i32
          %multiple_of3A_382 = tpu.assume_multiple %add3A_381, 8 : i32
          %dma_wait3A_383 = tpu.memref_slice %arg4[%multiple_of3A_382] : memref<320000xi32, #tpu.memory_space<hbm>> -> memref<80xi32, #tpu.memory_space<hbm>>
          %dma_wait3A_384 = tpu.memref_slice %arg4[%multiple_of3A_382] : memref<320000xi32, #tpu.memory_space<hbm>> -> memref<80xi32, #tpu.memory_space<hbm>>
          tpu.wait_dma2 semaphore(%arg35 : memref<!tpu.dma_semaphore, #tpu.memory_space<semaphore_mem>>) src(%dma_wait3A_384 : memref<80xi32, #tpu.memory_space<hbm>>) dst(%arg15 : memref<80xi32, #tpu.memory_space<vmem>>)
          %add3A_385 = arith.constant 0 : i32
          %add3A_386 = arith.addi %mul3A_9, %add3A_385 : i32
          %multiple_of3A_387 = tpu.assume_multiple %add3A_386, 8 : i32
          %dma_wait3A_388 = tpu.memref_slice %arg5[%multiple_of3A_387] : memref<320000xi32, #tpu.memory_space<hbm>> -> memref<80xi32, #tpu.memory_space<hbm>>
          %dma_wait3A_389 = tpu.memref_slice %arg5[%multiple_of3A_387] : memref<320000xi32, #tpu.memory_space<hbm>> -> memref<80xi32, #tpu.memory_space<hbm>>
          tpu.wait_dma2 semaphore(%arg35 : memref<!tpu.dma_semaphore, #tpu.memory_space<semaphore_mem>>) src(%dma_wait3A_389 : memref<80xi32, #tpu.memory_space<hbm>>) dst(%arg23 : memref<80xi32, #tpu.memory_space<vmem>>)
          %ge3A = arith.constant 2 : i32
          %ge3A_390 = arith.cmpi sge, %add3A_218, %ge3A : i32
          %convert_element_type3A_391 = arith.extui %ge3A_390 : i1 to i32
          %cond3A_392 = arith.constant 0 : i32
          %cond3A_393 = arith.cmpi ne, %convert_element_type3A_391, %cond3A_392 : i32
          scf.if %cond3A_393 {
            %dma_wait3A_410 = arith.constant 0 : i32
            %dma_wait3A_411 = arith.constant 0 : i32
            %dma_wait3A_412 = tpu.memref_slice %arg46[%dma_wait3A_410, %dma_wait3A_411] : memref<10240x128xf32, #tpu.memory_space<vmem_shared>> -> memref<10240x128xf32, #tpu.memory_space<vmem_shared>>
            tpu.wait_indirect_dma semaphore(%arg43 : memref<!tpu.dma_semaphore, #tpu.memory_space<semaphore_mem>>) src(%arg27 : memref<80x128xf32, #tpu.memory_space<vmem>>) dst(%dma_wait3A_412 : memref<10240x128xf32, #tpu.memory_space<vmem_shared>>)
          } else {
          }
          %dma_start3A_394 = arith.constant 0 : i32
          %dma_start3A_395 = arith.constant 0 : i32
          %dma_start3A_396 = tpu.memref_slice %arg27[%dma_start3A_394, %dma_start3A_395] : memref<80x128xf32, #tpu.memory_space<vmem>> -> memref<40x128xf32, #tpu.memory_space<vmem>>
          %dma_start3A_397 = arith.constant 0 : i32
          %dma_start3A_398 = tpu.memref_slice %arg15[%dma_start3A_397] : memref<80xi32, #tpu.memory_space<vmem>> -> memref<40xi32, #tpu.memory_space<vmem>>
          %dma_start3A_399 = arith.constant 0 : i32
          %dma_start3A_400 = arith.constant 0 : i32
          %dma_start3A_401 = tpu.memref_slice %arg2[%dma_start3A_399, %dma_start3A_400] : memref<10240x128xf32, #tpu.memory_space<hbm>> -> memref<10240x128xf32, #tpu.memory_space<hbm>>
          tpu.enqueue_indirect_dma source(%dma_start3A_401 : memref<10240x128xf32, #tpu.memory_space<hbm>>) target(%dma_start3A_396 : memref<40x128xf32, #tpu.memory_space<vmem>>) offsets(%dma_start3A_398 : memref<40xi32, #tpu.memory_space<vmem>>) semaphore(%arg39 : memref<!tpu.dma_semaphore, #tpu.memory_space<semaphore_mem>>)
          %dma_start3A_402 = arith.constant 40 : i32
          %dma_start3A_403 = arith.constant 0 : i32
          %dma_start3A_404 = tpu.memref_slice %arg27[%dma_start3A_402, %dma_start3A_403] : memref<80x128xf32, #tpu.memory_space<vmem>> -> memref<40x128xf32, #tpu.memory_space<vmem>>
          %dma_start3A_405 = arith.constant 40 : i32
          %dma_start3A_406 = tpu.memref_slice %arg15[%dma_start3A_405] : memref<80xi32, #tpu.memory_space<vmem>> -> memref<40xi32, #tpu.memory_space<vmem>>
          %dma_start3A_407 = arith.constant 0 : i32
          %dma_start3A_408 = arith.constant 0 : i32
          %dma_start3A_409 = tpu.memref_slice %arg2[%dma_start3A_407, %dma_start3A_408] : memref<10240x128xf32, #tpu.memory_space<hbm>> -> memref<10240x128xf32, #tpu.memory_space<hbm>>
          tpu.enqueue_indirect_dma source(%dma_start3A_409 : memref<10240x128xf32, #tpu.memory_space<hbm>>) target(%dma_start3A_404 : memref<40x128xf32, #tpu.memory_space<vmem>>) offsets(%dma_start3A_406 : memref<40xi32, #tpu.memory_space<vmem>>) semaphore(%arg39 : memref<!tpu.dma_semaphore, #tpu.memory_space<semaphore_mem>>)
        } else {
        }
        %lt3A_243 = arith.constant 247 : i32
        %lt3A_244 = arith.cmpi slt, %add3A_218, %lt3A_243 : i32
        %convert_element_type3A_245 = arith.extui %lt3A_244 : i1 to i32
        %cond3A_246 = arith.constant 0 : i32
        %cond3A_247 = arith.cmpi ne, %convert_element_type3A_245, %cond3A_246 : i32
        scf.if %cond3A_247 {
          %add3A_380 = arith.constant 3 : i32
          %add3A_381 = arith.addi %add3A_218, %add3A_380 : i32
          %mul3A_382 = arith.constant 80 : i32
          %mul3A_383 = arith.muli %add3A_381, %mul3A_382 : i32
          %add3A_384 = arith.addi %mul3A_9, %mul3A_383 : i32
          %multiple_of3A_385 = tpu.assume_multiple %add3A_384, 8 : i32
          %dma_start3A_386 = tpu.memref_slice %arg4[%multiple_of3A_385] : memref<320000xi32, #tpu.memory_space<hbm>> -> memref<80xi32, #tpu.memory_space<hbm>>
          %dma_start3A_387 = tpu.memref_slice %arg4[%multiple_of3A_385] : memref<320000xi32, #tpu.memory_space<hbm>> -> memref<80xi32, #tpu.memory_space<hbm>>
          tpu.enqueue_dma source(%dma_start3A_387 : memref<80xi32, #tpu.memory_space<hbm>>) target(%arg16 : memref<80xi32, #tpu.memory_space<vmem>>) target_semaphore(%arg36 : memref<!tpu.dma_semaphore, #tpu.memory_space<semaphore_mem>>)
          %add3A_388 = arith.constant 3 : i32
          %add3A_389 = arith.addi %add3A_218, %add3A_388 : i32
          %mul3A_390 = arith.constant 80 : i32
          %mul3A_391 = arith.muli %add3A_389, %mul3A_390 : i32
          %add3A_392 = arith.addi %mul3A_9, %mul3A_391 : i32
          %multiple_of3A_393 = tpu.assume_multiple %add3A_392, 8 : i32
          %dma_start3A_394 = tpu.memref_slice %arg5[%multiple_of3A_393] : memref<320000xi32, #tpu.memory_space<hbm>> -> memref<80xi32, #tpu.memory_space<hbm>>
          %dma_start3A_395 = tpu.memref_slice %arg5[%multiple_of3A_393] : memref<320000xi32, #tpu.memory_space<hbm>> -> memref<80xi32, #tpu.memory_space<hbm>>
          tpu.enqueue_dma source(%dma_start3A_395 : memref<80xi32, #tpu.memory_space<hbm>>) target(%arg24 : memref<80xi32, #tpu.memory_space<vmem>>) target_semaphore(%arg36 : memref<!tpu.dma_semaphore, #tpu.memory_space<semaphore_mem>>)
        } else {
        }
        %mul3A_248 = arith.constant 8 : i32
        %mul3A_249 = arith.muli %scan3A_116, %mul3A_248 : i32
        %add3A_250 = arith.constant 4 : i32
        %add3A_251 = arith.addi %mul3A_249, %add3A_250 : i32
        %dma_wait3A_252 = arith.constant 0 : i32
        %dma_wait3A_253 = arith.constant 0 : i32
        %dma_wait3A_254 = tpu.memref_slice %arg26[%dma_wait3A_252, %dma_wait3A_253] : memref<80x128xf32, #tpu.memory_space<vmem>> -> memref<40x128xf32, #tpu.memory_space<vmem>>
        %dma_wait3A_255 = arith.constant 0 : i32
        %dma_wait3A_256 = tpu.memref_slice %arg10[%dma_wait3A_255] : memref<80xi32, #tpu.memory_space<vmem>> -> memref<40xi32, #tpu.memory_space<vmem>>
        %dma_wait3A_257 = arith.constant 0 : i32
        %dma_wait3A_258 = arith.constant 0 : i32
        %dma_wait3A_259 = tpu.memref_slice %arg2[%dma_wait3A_257, %dma_wait3A_258] : memref<10240x128xf32, #tpu.memory_space<hbm>> -> memref<10240x128xf32, #tpu.memory_space<hbm>>
        tpu.wait_indirect_dma semaphore(%arg38 : memref<!tpu.dma_semaphore, #tpu.memory_space<semaphore_mem>>) src(%dma_wait3A_259 : memref<10240x128xf32, #tpu.memory_space<hbm>>) dst(%dma_wait3A_254 : memref<40x128xf32, #tpu.memory_space<vmem>>)
        %dma_wait3A_260 = arith.constant 0 : i32
        %dma_wait3A_261 = arith.constant 0 : i32
        %dma_wait3A_262 = tpu.memref_slice %arg26[%dma_wait3A_260, %dma_wait3A_261] : memref<80x128xf32, #tpu.memory_space<vmem>> -> memref<40x128xf32, #tpu.memory_space<vmem>>
        %dma_wait3A_263 = arith.constant 0 : i32
        %dma_wait3A_264 = tpu.memref_slice %arg10[%dma_wait3A_263] : memref<80xi32, #tpu.memory_space<vmem>> -> memref<40xi32, #tpu.memory_space<vmem>>
        %dma_wait3A_265 = arith.constant 0 : i32
        %dma_wait3A_266 = arith.constant 0 : i32
        %dma_wait3A_267 = tpu.memref_slice %arg2[%dma_wait3A_265, %dma_wait3A_266] : memref<10240x128xf32, #tpu.memory_space<hbm>> -> memref<10240x128xf32, #tpu.memory_space<hbm>>
        tpu.wait_indirect_dma semaphore(%arg38 : memref<!tpu.dma_semaphore, #tpu.memory_space<semaphore_mem>>) src(%dma_wait3A_267 : memref<10240x128xf32, #tpu.memory_space<hbm>>) dst(%dma_wait3A_262 : memref<40x128xf32, #tpu.memory_space<vmem>>)
        %dma_start3A_268 = arith.constant 0 : i32
        %dma_start3A_269 = arith.constant 0 : i32
        %dma_start3A_270 = tpu.memref_slice %arg46[%dma_start3A_268, %dma_start3A_269] : memref<10240x128xf32, #tpu.memory_space<vmem_shared>> -> memref<10240x128xf32, #tpu.memory_space<vmem_shared>>
        tpu.enqueue_indirect_dma source(%arg26 : memref<80x128xf32, #tpu.memory_space<vmem>>) target(%dma_start3A_270 : memref<10240x128xf32, #tpu.memory_space<vmem_shared>>) offsets(%arg22 : memref<80xi32, #tpu.memory_space<vmem>>) semaphore(%arg42 : memref<!tpu.dma_semaphore, #tpu.memory_space<semaphore_mem>>) {add = true}
        %lt3A_271 = arith.constant 248 : i32
        %lt3A_272 = arith.cmpi slt, %add3A_251, %lt3A_271 : i32
        %convert_element_type3A_273 = arith.extui %lt3A_272 : i1 to i32
        %cond3A_274 = arith.constant 0 : i32
        %cond3A_275 = arith.cmpi ne, %convert_element_type3A_273, %cond3A_274 : i32
        scf.if %cond3A_275 {
          %add3A_380 = arith.constant 0 : i32
          %add3A_381 = arith.addi %mul3A_9, %add3A_380 : i32
          %multiple_of3A_382 = tpu.assume_multiple %add3A_381, 8 : i32
          %dma_wait3A_383 = tpu.memref_slice %arg4[%multiple_of3A_382] : memref<320000xi32, #tpu.memory_space<hbm>> -> memref<80xi32, #tpu.memory_space<hbm>>
          %dma_wait3A_384 = tpu.memref_slice %arg4[%multiple_of3A_382] : memref<320000xi32, #tpu.memory_space<hbm>> -> memref<80xi32, #tpu.memory_space<hbm>>
          tpu.wait_dma2 semaphore(%arg36 : memref<!tpu.dma_semaphore, #tpu.memory_space<semaphore_mem>>) src(%dma_wait3A_384 : memref<80xi32, #tpu.memory_space<hbm>>) dst(%arg16 : memref<80xi32, #tpu.memory_space<vmem>>)
          %add3A_385 = arith.constant 0 : i32
          %add3A_386 = arith.addi %mul3A_9, %add3A_385 : i32
          %multiple_of3A_387 = tpu.assume_multiple %add3A_386, 8 : i32
          %dma_wait3A_388 = tpu.memref_slice %arg5[%multiple_of3A_387] : memref<320000xi32, #tpu.memory_space<hbm>> -> memref<80xi32, #tpu.memory_space<hbm>>
          %dma_wait3A_389 = tpu.memref_slice %arg5[%multiple_of3A_387] : memref<320000xi32, #tpu.memory_space<hbm>> -> memref<80xi32, #tpu.memory_space<hbm>>
          tpu.wait_dma2 semaphore(%arg36 : memref<!tpu.dma_semaphore, #tpu.memory_space<semaphore_mem>>) src(%dma_wait3A_389 : memref<80xi32, #tpu.memory_space<hbm>>) dst(%arg24 : memref<80xi32, #tpu.memory_space<vmem>>)
          %ge3A = arith.constant 2 : i32
          %ge3A_390 = arith.cmpi sge, %add3A_251, %ge3A : i32
          %convert_element_type3A_391 = arith.extui %ge3A_390 : i1 to i32
          %cond3A_392 = arith.constant 0 : i32
          %cond3A_393 = arith.cmpi ne, %convert_element_type3A_391, %cond3A_392 : i32
          scf.if %cond3A_393 {
            %dma_wait3A_410 = arith.constant 0 : i32
            %dma_wait3A_411 = arith.constant 0 : i32
            %dma_wait3A_412 = tpu.memref_slice %arg46[%dma_wait3A_410, %dma_wait3A_411] : memref<10240x128xf32, #tpu.memory_space<vmem_shared>> -> memref<10240x128xf32, #tpu.memory_space<vmem_shared>>
            tpu.wait_indirect_dma semaphore(%arg44 : memref<!tpu.dma_semaphore, #tpu.memory_space<semaphore_mem>>) src(%arg28 : memref<80x128xf32, #tpu.memory_space<vmem>>) dst(%dma_wait3A_412 : memref<10240x128xf32, #tpu.memory_space<vmem_shared>>)
          } else {
          }
          %dma_start3A_394 = arith.constant 0 : i32
          %dma_start3A_395 = arith.constant 0 : i32
          %dma_start3A_396 = tpu.memref_slice %arg28[%dma_start3A_394, %dma_start3A_395] : memref<80x128xf32, #tpu.memory_space<vmem>> -> memref<40x128xf32, #tpu.memory_space<vmem>>
          %dma_start3A_397 = arith.constant 0 : i32
          %dma_start3A_398 = tpu.memref_slice %arg16[%dma_start3A_397] : memref<80xi32, #tpu.memory_space<vmem>> -> memref<40xi32, #tpu.memory_space<vmem>>
          %dma_start3A_399 = arith.constant 0 : i32
          %dma_start3A_400 = arith.constant 0 : i32
          %dma_start3A_401 = tpu.memref_slice %arg2[%dma_start3A_399, %dma_start3A_400] : memref<10240x128xf32, #tpu.memory_space<hbm>> -> memref<10240x128xf32, #tpu.memory_space<hbm>>
          tpu.enqueue_indirect_dma source(%dma_start3A_401 : memref<10240x128xf32, #tpu.memory_space<hbm>>) target(%dma_start3A_396 : memref<40x128xf32, #tpu.memory_space<vmem>>) offsets(%dma_start3A_398 : memref<40xi32, #tpu.memory_space<vmem>>) semaphore(%arg40 : memref<!tpu.dma_semaphore, #tpu.memory_space<semaphore_mem>>)
          %dma_start3A_402 = arith.constant 40 : i32
          %dma_start3A_403 = arith.constant 0 : i32
          %dma_start3A_404 = tpu.memref_slice %arg28[%dma_start3A_402, %dma_start3A_403] : memref<80x128xf32, #tpu.memory_space<vmem>> -> memref<40x128xf32, #tpu.memory_space<vmem>>
          %dma_start3A_405 = arith.constant 40 : i32
          %dma_start3A_406 = tpu.memref_slice %arg16[%dma_start3A_405] : memref<80xi32, #tpu.memory_space<vmem>> -> memref<40xi32, #tpu.memory_space<vmem>>
          %dma_start3A_407 = arith.constant 0 : i32
          %dma_start3A_408 = arith.constant 0 : i32
          %dma_start3A_409 = tpu.memref_slice %arg2[%dma_start3A_407, %dma_start3A_408] : memref<10240x128xf32, #tpu.memory_space<hbm>> -> memref<10240x128xf32, #tpu.memory_space<hbm>>
          tpu.enqueue_indirect_dma source(%dma_start3A_409 : memref<10240x128xf32, #tpu.memory_space<hbm>>) target(%dma_start3A_404 : memref<40x128xf32, #tpu.memory_space<vmem>>) offsets(%dma_start3A_406 : memref<40xi32, #tpu.memory_space<vmem>>) semaphore(%arg40 : memref<!tpu.dma_semaphore, #tpu.memory_space<semaphore_mem>>)
        } else {
        }
        %lt3A_276 = arith.constant 247 : i32
        %lt3A_277 = arith.cmpi slt, %add3A_251, %lt3A_276 : i32
        %convert_element_type3A_278 = arith.extui %lt3A_277 : i1 to i32
        %cond3A_279 = arith.constant 0 : i32
        %cond3A_280 = arith.cmpi ne, %convert_element_type3A_278, %cond3A_279 : i32
        scf.if %cond3A_280 {
          %add3A_380 = arith.constant 3 : i32
          %add3A_381 = arith.addi %add3A_251, %add3A_380 : i32
          %mul3A_382 = arith.constant 80 : i32
          %mul3A_383 = arith.muli %add3A_381, %mul3A_382 : i32
          %add3A_384 = arith.addi %mul3A_9, %mul3A_383 : i32
          %multiple_of3A_385 = tpu.assume_multiple %add3A_384, 8 : i32
          %dma_start3A_386 = tpu.memref_slice %arg4[%multiple_of3A_385] : memref<320000xi32, #tpu.memory_space<hbm>> -> memref<80xi32, #tpu.memory_space<hbm>>
          %dma_start3A_387 = tpu.memref_slice %arg4[%multiple_of3A_385] : memref<320000xi32, #tpu.memory_space<hbm>> -> memref<80xi32, #tpu.memory_space<hbm>>
          tpu.enqueue_dma source(%dma_start3A_387 : memref<80xi32, #tpu.memory_space<hbm>>) target(%arg17 : memref<80xi32, #tpu.memory_space<vmem>>) target_semaphore(%arg37 : memref<!tpu.dma_semaphore, #tpu.memory_space<semaphore_mem>>)
          %add3A_388 = arith.constant 3 : i32
          %add3A_389 = arith.addi %add3A_251, %add3A_388 : i32
          %mul3A_390 = arith.constant 80 : i32
          %mul3A_391 = arith.muli %add3A_389, %mul3A_390 : i32
          %add3A_392 = arith.addi %mul3A_9, %mul3A_391 : i32
          %multiple_of3A_393 = tpu.assume_multiple %add3A_392, 8 : i32
          %dma_start3A_394 = tpu.memref_slice %arg5[%multiple_of3A_393] : memref<320000xi32, #tpu.memory_space<hbm>> -> memref<80xi32, #tpu.memory_space<hbm>>
          %dma_start3A_395 = tpu.memref_slice %arg5[%multiple_of3A_393] : memref<320000xi32, #tpu.memory_space<hbm>> -> memref<80xi32, #tpu.memory_space<hbm>>
          tpu.enqueue_dma source(%dma_start3A_395 : memref<80xi32, #tpu.memory_space<hbm>>) target(%arg25 : memref<80xi32, #tpu.memory_space<vmem>>) target_semaphore(%arg37 : memref<!tpu.dma_semaphore, #tpu.memory_space<semaphore_mem>>)
        } else {
        }
        %mul3A_281 = arith.constant 8 : i32
        %mul3A_282 = arith.muli %scan3A_116, %mul3A_281 : i32
        %add3A_283 = arith.constant 5 : i32
        %add3A_284 = arith.addi %mul3A_282, %add3A_283 : i32
        %dma_wait3A_285 = arith.constant 0 : i32
        %dma_wait3A_286 = arith.constant 0 : i32
        %dma_wait3A_287 = tpu.memref_slice %arg27[%dma_wait3A_285, %dma_wait3A_286] : memref<80x128xf32, #tpu.memory_space<vmem>> -> memref<40x128xf32, #tpu.memory_space<vmem>>
        %dma_wait3A_288 = arith.constant 0 : i32
        %dma_wait3A_289 = tpu.memref_slice %arg11[%dma_wait3A_288] : memref<80xi32, #tpu.memory_space<vmem>> -> memref<40xi32, #tpu.memory_space<vmem>>
        %dma_wait3A_290 = arith.constant 0 : i32
        %dma_wait3A_291 = arith.constant 0 : i32
        %dma_wait3A_292 = tpu.memref_slice %arg2[%dma_wait3A_290, %dma_wait3A_291] : memref<10240x128xf32, #tpu.memory_space<hbm>> -> memref<10240x128xf32, #tpu.memory_space<hbm>>
        tpu.wait_indirect_dma semaphore(%arg39 : memref<!tpu.dma_semaphore, #tpu.memory_space<semaphore_mem>>) src(%dma_wait3A_292 : memref<10240x128xf32, #tpu.memory_space<hbm>>) dst(%dma_wait3A_287 : memref<40x128xf32, #tpu.memory_space<vmem>>)
        %dma_wait3A_293 = arith.constant 0 : i32
        %dma_wait3A_294 = arith.constant 0 : i32
        %dma_wait3A_295 = tpu.memref_slice %arg27[%dma_wait3A_293, %dma_wait3A_294] : memref<80x128xf32, #tpu.memory_space<vmem>> -> memref<40x128xf32, #tpu.memory_space<vmem>>
        %dma_wait3A_296 = arith.constant 0 : i32
        %dma_wait3A_297 = tpu.memref_slice %arg11[%dma_wait3A_296] : memref<80xi32, #tpu.memory_space<vmem>> -> memref<40xi32, #tpu.memory_space<vmem>>
        %dma_wait3A_298 = arith.constant 0 : i32
        %dma_wait3A_299 = arith.constant 0 : i32
        %dma_wait3A_300 = tpu.memref_slice %arg2[%dma_wait3A_298, %dma_wait3A_299] : memref<10240x128xf32, #tpu.memory_space<hbm>> -> memref<10240x128xf32, #tpu.memory_space<hbm>>
        tpu.wait_indirect_dma semaphore(%arg39 : memref<!tpu.dma_semaphore, #tpu.memory_space<semaphore_mem>>) src(%dma_wait3A_300 : memref<10240x128xf32, #tpu.memory_space<hbm>>) dst(%dma_wait3A_295 : memref<40x128xf32, #tpu.memory_space<vmem>>)
        %dma_start3A_301 = arith.constant 0 : i32
        %dma_start3A_302 = arith.constant 0 : i32
        %dma_start3A_303 = tpu.memref_slice %arg46[%dma_start3A_301, %dma_start3A_302] : memref<10240x128xf32, #tpu.memory_space<vmem_shared>> -> memref<10240x128xf32, #tpu.memory_space<vmem_shared>>
        tpu.enqueue_indirect_dma source(%arg27 : memref<80x128xf32, #tpu.memory_space<vmem>>) target(%dma_start3A_303 : memref<10240x128xf32, #tpu.memory_space<vmem_shared>>) offsets(%arg23 : memref<80xi32, #tpu.memory_space<vmem>>) semaphore(%arg43 : memref<!tpu.dma_semaphore, #tpu.memory_space<semaphore_mem>>) {add = true}
        %lt3A_304 = arith.constant 248 : i32
        %lt3A_305 = arith.cmpi slt, %add3A_284, %lt3A_304 : i32
        %convert_element_type3A_306 = arith.extui %lt3A_305 : i1 to i32
        %cond3A_307 = arith.constant 0 : i32
        %cond3A_308 = arith.cmpi ne, %convert_element_type3A_306, %cond3A_307 : i32
        scf.if %cond3A_308 {
          %add3A_380 = arith.constant 0 : i32
          %add3A_381 = arith.addi %mul3A_9, %add3A_380 : i32
          %multiple_of3A_382 = tpu.assume_multiple %add3A_381, 8 : i32
          %dma_wait3A_383 = tpu.memref_slice %arg4[%multiple_of3A_382] : memref<320000xi32, #tpu.memory_space<hbm>> -> memref<80xi32, #tpu.memory_space<hbm>>
          %dma_wait3A_384 = tpu.memref_slice %arg4[%multiple_of3A_382] : memref<320000xi32, #tpu.memory_space<hbm>> -> memref<80xi32, #tpu.memory_space<hbm>>
          tpu.wait_dma2 semaphore(%arg37 : memref<!tpu.dma_semaphore, #tpu.memory_space<semaphore_mem>>) src(%dma_wait3A_384 : memref<80xi32, #tpu.memory_space<hbm>>) dst(%arg17 : memref<80xi32, #tpu.memory_space<vmem>>)
          %add3A_385 = arith.constant 0 : i32
          %add3A_386 = arith.addi %mul3A_9, %add3A_385 : i32
          %multiple_of3A_387 = tpu.assume_multiple %add3A_386, 8 : i32
          %dma_wait3A_388 = tpu.memref_slice %arg5[%multiple_of3A_387] : memref<320000xi32, #tpu.memory_space<hbm>> -> memref<80xi32, #tpu.memory_space<hbm>>
          %dma_wait3A_389 = tpu.memref_slice %arg5[%multiple_of3A_387] : memref<320000xi32, #tpu.memory_space<hbm>> -> memref<80xi32, #tpu.memory_space<hbm>>
          tpu.wait_dma2 semaphore(%arg37 : memref<!tpu.dma_semaphore, #tpu.memory_space<semaphore_mem>>) src(%dma_wait3A_389 : memref<80xi32, #tpu.memory_space<hbm>>) dst(%arg25 : memref<80xi32, #tpu.memory_space<vmem>>)
          %ge3A = arith.constant 2 : i32
          %ge3A_390 = arith.cmpi sge, %add3A_284, %ge3A : i32
          %convert_element_type3A_391 = arith.extui %ge3A_390 : i1 to i32
          %cond3A_392 = arith.constant 0 : i32
          %cond3A_393 = arith.cmpi ne, %convert_element_type3A_391, %cond3A_392 : i32
          scf.if %cond3A_393 {
            %dma_wait3A_410 = arith.constant 0 : i32
            %dma_wait3A_411 = arith.constant 0 : i32
            %dma_wait3A_412 = tpu.memref_slice %arg46[%dma_wait3A_410, %dma_wait3A_411] : memref<10240x128xf32, #tpu.memory_space<vmem_shared>> -> memref<10240x128xf32, #tpu.memory_space<vmem_shared>>
            tpu.wait_indirect_dma semaphore(%arg45 : memref<!tpu.dma_semaphore, #tpu.memory_space<semaphore_mem>>) src(%arg29 : memref<80x128xf32, #tpu.memory_space<vmem>>) dst(%dma_wait3A_412 : memref<10240x128xf32, #tpu.memory_space<vmem_shared>>)
          } else {
          }
          %dma_start3A_394 = arith.constant 0 : i32
          %dma_start3A_395 = arith.constant 0 : i32
          %dma_start3A_396 = tpu.memref_slice %arg29[%dma_start3A_394, %dma_start3A_395] : memref<80x128xf32, #tpu.memory_space<vmem>> -> memref<40x128xf32, #tpu.memory_space<vmem>>
          %dma_start3A_397 = arith.constant 0 : i32
          %dma_start3A_398 = tpu.memref_slice %arg17[%dma_start3A_397] : memref<80xi32, #tpu.memory_space<vmem>> -> memref<40xi32, #tpu.memory_space<vmem>>
          %dma_start3A_399 = arith.constant 0 : i32
          %dma_start3A_400 = arith.constant 0 : i32
          %dma_start3A_401 = tpu.memref_slice %arg2[%dma_start3A_399, %dma_start3A_400] : memref<10240x128xf32, #tpu.memory_space<hbm>> -> memref<10240x128xf32, #tpu.memory_space<hbm>>
          tpu.enqueue_indirect_dma source(%dma_start3A_401 : memref<10240x128xf32, #tpu.memory_space<hbm>>) target(%dma_start3A_396 : memref<40x128xf32, #tpu.memory_space<vmem>>) offsets(%dma_start3A_398 : memref<40xi32, #tpu.memory_space<vmem>>) semaphore(%arg41 : memref<!tpu.dma_semaphore, #tpu.memory_space<semaphore_mem>>)
          %dma_start3A_402 = arith.constant 40 : i32
          %dma_start3A_403 = arith.constant 0 : i32
          %dma_start3A_404 = tpu.memref_slice %arg29[%dma_start3A_402, %dma_start3A_403] : memref<80x128xf32, #tpu.memory_space<vmem>> -> memref<40x128xf32, #tpu.memory_space<vmem>>
          %dma_start3A_405 = arith.constant 40 : i32
          %dma_start3A_406 = tpu.memref_slice %arg17[%dma_start3A_405] : memref<80xi32, #tpu.memory_space<vmem>> -> memref<40xi32, #tpu.memory_space<vmem>>
          %dma_start3A_407 = arith.constant 0 : i32
          %dma_start3A_408 = arith.constant 0 : i32
          %dma_start3A_409 = tpu.memref_slice %arg2[%dma_start3A_407, %dma_start3A_408] : memref<10240x128xf32, #tpu.memory_space<hbm>> -> memref<10240x128xf32, #tpu.memory_space<hbm>>
          tpu.enqueue_indirect_dma source(%dma_start3A_409 : memref<10240x128xf32, #tpu.memory_space<hbm>>) target(%dma_start3A_404 : memref<40x128xf32, #tpu.memory_space<vmem>>) offsets(%dma_start3A_406 : memref<40xi32, #tpu.memory_space<vmem>>) semaphore(%arg41 : memref<!tpu.dma_semaphore, #tpu.memory_space<semaphore_mem>>)
        } else {
        }
        %lt3A_309 = arith.constant 247 : i32
        %lt3A_310 = arith.cmpi slt, %add3A_284, %lt3A_309 : i32
        %convert_element_type3A_311 = arith.extui %lt3A_310 : i1 to i32
        %cond3A_312 = arith.constant 0 : i32
        %cond3A_313 = arith.cmpi ne, %convert_element_type3A_311, %cond3A_312 : i32
        scf.if %cond3A_313 {
          %add3A_380 = arith.constant 3 : i32
          %add3A_381 = arith.addi %add3A_284, %add3A_380 : i32
          %mul3A_382 = arith.constant 80 : i32
          %mul3A_383 = arith.muli %add3A_381, %mul3A_382 : i32
          %add3A_384 = arith.addi %mul3A_9, %mul3A_383 : i32
          %multiple_of3A_385 = tpu.assume_multiple %add3A_384, 8 : i32
          %dma_start3A_386 = tpu.memref_slice %arg4[%multiple_of3A_385] : memref<320000xi32, #tpu.memory_space<hbm>> -> memref<80xi32, #tpu.memory_space<hbm>>
          %dma_start3A_387 = tpu.memref_slice %arg4[%multiple_of3A_385] : memref<320000xi32, #tpu.memory_space<hbm>> -> memref<80xi32, #tpu.memory_space<hbm>>
          tpu.enqueue_dma source(%dma_start3A_387 : memref<80xi32, #tpu.memory_space<hbm>>) target(%arg10 : memref<80xi32, #tpu.memory_space<vmem>>) target_semaphore(%arg30 : memref<!tpu.dma_semaphore, #tpu.memory_space<semaphore_mem>>)
          %add3A_388 = arith.constant 3 : i32
          %add3A_389 = arith.addi %add3A_284, %add3A_388 : i32
          %mul3A_390 = arith.constant 80 : i32
          %mul3A_391 = arith.muli %add3A_389, %mul3A_390 : i32
          %add3A_392 = arith.addi %mul3A_9, %mul3A_391 : i32
          %multiple_of3A_393 = tpu.assume_multiple %add3A_392, 8 : i32
          %dma_start3A_394 = tpu.memref_slice %arg5[%multiple_of3A_393] : memref<320000xi32, #tpu.memory_space<hbm>> -> memref<80xi32, #tpu.memory_space<hbm>>
          %dma_start3A_395 = tpu.memref_slice %arg5[%multiple_of3A_393] : memref<320000xi32, #tpu.memory_space<hbm>> -> memref<80xi32, #tpu.memory_space<hbm>>
          tpu.enqueue_dma source(%dma_start3A_395 : memref<80xi32, #tpu.memory_space<hbm>>) target(%arg18 : memref<80xi32, #tpu.memory_space<vmem>>) target_semaphore(%arg30 : memref<!tpu.dma_semaphore, #tpu.memory_space<semaphore_mem>>)
        } else {
        }
        %mul3A_314 = arith.constant 8 : i32
        %mul3A_315 = arith.muli %scan3A_116, %mul3A_314 : i32
        %add3A_316 = arith.constant 6 : i32
        %add3A_317 = arith.addi %mul3A_315, %add3A_316 : i32
        %dma_wait3A_318 = arith.constant 0 : i32
        %dma_wait3A_319 = arith.constant 0 : i32
        %dma_wait3A_320 = tpu.memref_slice %arg28[%dma_wait3A_318, %dma_wait3A_319] : memref<80x128xf32, #tpu.memory_space<vmem>> -> memref<40x128xf32, #tpu.memory_space<vmem>>
        %dma_wait3A_321 = arith.constant 0 : i32
        %dma_wait3A_322 = tpu.memref_slice %arg12[%dma_wait3A_321] : memref<80xi32, #tpu.memory_space<vmem>> -> memref<40xi32, #tpu.memory_space<vmem>>
        %dma_wait3A_323 = arith.constant 0 : i32
        %dma_wait3A_324 = arith.constant 0 : i32
        %dma_wait3A_325 = tpu.memref_slice %arg2[%dma_wait3A_323, %dma_wait3A_324] : memref<10240x128xf32, #tpu.memory_space<hbm>> -> memref<10240x128xf32, #tpu.memory_space<hbm>>
        tpu.wait_indirect_dma semaphore(%arg40 : memref<!tpu.dma_semaphore, #tpu.memory_space<semaphore_mem>>) src(%dma_wait3A_325 : memref<10240x128xf32, #tpu.memory_space<hbm>>) dst(%dma_wait3A_320 : memref<40x128xf32, #tpu.memory_space<vmem>>)
        %dma_wait3A_326 = arith.constant 0 : i32
        %dma_wait3A_327 = arith.constant 0 : i32
        %dma_wait3A_328 = tpu.memref_slice %arg28[%dma_wait3A_326, %dma_wait3A_327] : memref<80x128xf32, #tpu.memory_space<vmem>> -> memref<40x128xf32, #tpu.memory_space<vmem>>
        %dma_wait3A_329 = arith.constant 0 : i32
        %dma_wait3A_330 = tpu.memref_slice %arg12[%dma_wait3A_329] : memref<80xi32, #tpu.memory_space<vmem>> -> memref<40xi32, #tpu.memory_space<vmem>>
        %dma_wait3A_331 = arith.constant 0 : i32
        %dma_wait3A_332 = arith.constant 0 : i32
        %dma_wait3A_333 = tpu.memref_slice %arg2[%dma_wait3A_331, %dma_wait3A_332] : memref<10240x128xf32, #tpu.memory_space<hbm>> -> memref<10240x128xf32, #tpu.memory_space<hbm>>
        tpu.wait_indirect_dma semaphore(%arg40 : memref<!tpu.dma_semaphore, #tpu.memory_space<semaphore_mem>>) src(%dma_wait3A_333 : memref<10240x128xf32, #tpu.memory_space<hbm>>) dst(%dma_wait3A_328 : memref<40x128xf32, #tpu.memory_space<vmem>>)
        %dma_start3A_334 = arith.constant 0 : i32
        %dma_start3A_335 = arith.constant 0 : i32
        %dma_start3A_336 = tpu.memref_slice %arg46[%dma_start3A_334, %dma_start3A_335] : memref<10240x128xf32, #tpu.memory_space<vmem_shared>> -> memref<10240x128xf32, #tpu.memory_space<vmem_shared>>
        tpu.enqueue_indirect_dma source(%arg28 : memref<80x128xf32, #tpu.memory_space<vmem>>) target(%dma_start3A_336 : memref<10240x128xf32, #tpu.memory_space<vmem_shared>>) offsets(%arg24 : memref<80xi32, #tpu.memory_space<vmem>>) semaphore(%arg44 : memref<!tpu.dma_semaphore, #tpu.memory_space<semaphore_mem>>) {add = true}
        %lt3A_337 = arith.constant 248 : i32
        %lt3A_338 = arith.cmpi slt, %add3A_317, %lt3A_337 : i32
        %convert_element_type3A_339 = arith.extui %lt3A_338 : i1 to i32
        %cond3A_340 = arith.constant 0 : i32
        %cond3A_341 = arith.cmpi ne, %convert_element_type3A_339, %cond3A_340 : i32
        scf.if %cond3A_341 {
          %add3A_380 = arith.constant 0 : i32
          %add3A_381 = arith.addi %mul3A_9, %add3A_380 : i32
          %multiple_of3A_382 = tpu.assume_multiple %add3A_381, 8 : i32
          %dma_wait3A_383 = tpu.memref_slice %arg4[%multiple_of3A_382] : memref<320000xi32, #tpu.memory_space<hbm>> -> memref<80xi32, #tpu.memory_space<hbm>>
          %dma_wait3A_384 = tpu.memref_slice %arg4[%multiple_of3A_382] : memref<320000xi32, #tpu.memory_space<hbm>> -> memref<80xi32, #tpu.memory_space<hbm>>
          tpu.wait_dma2 semaphore(%arg30 : memref<!tpu.dma_semaphore, #tpu.memory_space<semaphore_mem>>) src(%dma_wait3A_384 : memref<80xi32, #tpu.memory_space<hbm>>) dst(%arg10 : memref<80xi32, #tpu.memory_space<vmem>>)
          %add3A_385 = arith.constant 0 : i32
          %add3A_386 = arith.addi %mul3A_9, %add3A_385 : i32
          %multiple_of3A_387 = tpu.assume_multiple %add3A_386, 8 : i32
          %dma_wait3A_388 = tpu.memref_slice %arg5[%multiple_of3A_387] : memref<320000xi32, #tpu.memory_space<hbm>> -> memref<80xi32, #tpu.memory_space<hbm>>
          %dma_wait3A_389 = tpu.memref_slice %arg5[%multiple_of3A_387] : memref<320000xi32, #tpu.memory_space<hbm>> -> memref<80xi32, #tpu.memory_space<hbm>>
          tpu.wait_dma2 semaphore(%arg30 : memref<!tpu.dma_semaphore, #tpu.memory_space<semaphore_mem>>) src(%dma_wait3A_389 : memref<80xi32, #tpu.memory_space<hbm>>) dst(%arg18 : memref<80xi32, #tpu.memory_space<vmem>>)
          %ge3A = arith.constant 2 : i32
          %ge3A_390 = arith.cmpi sge, %add3A_317, %ge3A : i32
          %convert_element_type3A_391 = arith.extui %ge3A_390 : i1 to i32
          %cond3A_392 = arith.constant 0 : i32
          %cond3A_393 = arith.cmpi ne, %convert_element_type3A_391, %cond3A_392 : i32
          scf.if %cond3A_393 {
            %dma_wait3A_410 = arith.constant 0 : i32
            %dma_wait3A_411 = arith.constant 0 : i32
            %dma_wait3A_412 = tpu.memref_slice %arg46[%dma_wait3A_410, %dma_wait3A_411] : memref<10240x128xf32, #tpu.memory_space<vmem_shared>> -> memref<10240x128xf32, #tpu.memory_space<vmem_shared>>
            tpu.wait_indirect_dma semaphore(%arg42 : memref<!tpu.dma_semaphore, #tpu.memory_space<semaphore_mem>>) src(%arg26 : memref<80x128xf32, #tpu.memory_space<vmem>>) dst(%dma_wait3A_412 : memref<10240x128xf32, #tpu.memory_space<vmem_shared>>)
          } else {
          }
          %dma_start3A_394 = arith.constant 0 : i32
          %dma_start3A_395 = arith.constant 0 : i32
          %dma_start3A_396 = tpu.memref_slice %arg26[%dma_start3A_394, %dma_start3A_395] : memref<80x128xf32, #tpu.memory_space<vmem>> -> memref<40x128xf32, #tpu.memory_space<vmem>>
          %dma_start3A_397 = arith.constant 0 : i32
          %dma_start3A_398 = tpu.memref_slice %arg10[%dma_start3A_397] : memref<80xi32, #tpu.memory_space<vmem>> -> memref<40xi32, #tpu.memory_space<vmem>>
          %dma_start3A_399 = arith.constant 0 : i32
          %dma_start3A_400 = arith.constant 0 : i32
          %dma_start3A_401 = tpu.memref_slice %arg2[%dma_start3A_399, %dma_start3A_400] : memref<10240x128xf32, #tpu.memory_space<hbm>> -> memref<10240x128xf32, #tpu.memory_space<hbm>>
          tpu.enqueue_indirect_dma source(%dma_start3A_401 : memref<10240x128xf32, #tpu.memory_space<hbm>>) target(%dma_start3A_396 : memref<40x128xf32, #tpu.memory_space<vmem>>) offsets(%dma_start3A_398 : memref<40xi32, #tpu.memory_space<vmem>>) semaphore(%arg38 : memref<!tpu.dma_semaphore, #tpu.memory_space<semaphore_mem>>)
          %dma_start3A_402 = arith.constant 40 : i32
          %dma_start3A_403 = arith.constant 0 : i32
          %dma_start3A_404 = tpu.memref_slice %arg26[%dma_start3A_402, %dma_start3A_403] : memref<80x128xf32, #tpu.memory_space<vmem>> -> memref<40x128xf32, #tpu.memory_space<vmem>>
          %dma_start3A_405 = arith.constant 40 : i32
          %dma_start3A_406 = tpu.memref_slice %arg10[%dma_start3A_405] : memref<80xi32, #tpu.memory_space<vmem>> -> memref<40xi32, #tpu.memory_space<vmem>>
          %dma_start3A_407 = arith.constant 0 : i32
          %dma_start3A_408 = arith.constant 0 : i32
          %dma_start3A_409 = tpu.memref_slice %arg2[%dma_start3A_407, %dma_start3A_408] : memref<10240x128xf32, #tpu.memory_space<hbm>> -> memref<10240x128xf32, #tpu.memory_space<hbm>>
          tpu.enqueue_indirect_dma source(%dma_start3A_409 : memref<10240x128xf32, #tpu.memory_space<hbm>>) target(%dma_start3A_404 : memref<40x128xf32, #tpu.memory_space<vmem>>) offsets(%dma_start3A_406 : memref<40xi32, #tpu.memory_space<vmem>>) semaphore(%arg38 : memref<!tpu.dma_semaphore, #tpu.memory_space<semaphore_mem>>)
        } else {
        }
        %lt3A_342 = arith.constant 247 : i32
        %lt3A_343 = arith.cmpi slt, %add3A_317, %lt3A_342 : i32
        %convert_element_type3A_344 = arith.extui %lt3A_343 : i1 to i32
        %cond3A_345 = arith.constant 0 : i32
        %cond3A_346 = arith.cmpi ne, %convert_element_type3A_344, %cond3A_345 : i32
        scf.if %cond3A_346 {
          %add3A_380 = arith.constant 3 : i32
          %add3A_381 = arith.addi %add3A_317, %add3A_380 : i32
          %mul3A_382 = arith.constant 80 : i32
          %mul3A_383 = arith.muli %add3A_381, %mul3A_382 : i32
          %add3A_384 = arith.addi %mul3A_9, %mul3A_383 : i32
          %multiple_of3A_385 = tpu.assume_multiple %add3A_384, 8 : i32
          %dma_start3A_386 = tpu.memref_slice %arg4[%multiple_of3A_385] : memref<320000xi32, #tpu.memory_space<hbm>> -> memref<80xi32, #tpu.memory_space<hbm>>
          %dma_start3A_387 = tpu.memref_slice %arg4[%multiple_of3A_385] : memref<320000xi32, #tpu.memory_space<hbm>> -> memref<80xi32, #tpu.memory_space<hbm>>
          tpu.enqueue_dma source(%dma_start3A_387 : memref<80xi32, #tpu.memory_space<hbm>>) target(%arg11 : memref<80xi32, #tpu.memory_space<vmem>>) target_semaphore(%arg31 : memref<!tpu.dma_semaphore, #tpu.memory_space<semaphore_mem>>)
          %add3A_388 = arith.constant 3 : i32
          %add3A_389 = arith.addi %add3A_317, %add3A_388 : i32
          %mul3A_390 = arith.constant 80 : i32
          %mul3A_391 = arith.muli %add3A_389, %mul3A_390 : i32
          %add3A_392 = arith.addi %mul3A_9, %mul3A_391 : i32
          %multiple_of3A_393 = tpu.assume_multiple %add3A_392, 8 : i32
          %dma_start3A_394 = tpu.memref_slice %arg5[%multiple_of3A_393] : memref<320000xi32, #tpu.memory_space<hbm>> -> memref<80xi32, #tpu.memory_space<hbm>>
          %dma_start3A_395 = tpu.memref_slice %arg5[%multiple_of3A_393] : memref<320000xi32, #tpu.memory_space<hbm>> -> memref<80xi32, #tpu.memory_space<hbm>>
          tpu.enqueue_dma source(%dma_start3A_395 : memref<80xi32, #tpu.memory_space<hbm>>) target(%arg19 : memref<80xi32, #tpu.memory_space<vmem>>) target_semaphore(%arg31 : memref<!tpu.dma_semaphore, #tpu.memory_space<semaphore_mem>>)
        } else {
        }
        %mul3A_347 = arith.constant 8 : i32
        %mul3A_348 = arith.muli %scan3A_116, %mul3A_347 : i32
        %add3A_349 = arith.constant 7 : i32
        %add3A_350 = arith.addi %mul3A_348, %add3A_349 : i32
        %dma_wait3A_351 = arith.constant 0 : i32
        %dma_wait3A_352 = arith.constant 0 : i32
        %dma_wait3A_353 = tpu.memref_slice %arg29[%dma_wait3A_351, %dma_wait3A_352] : memref<80x128xf32, #tpu.memory_space<vmem>> -> memref<40x128xf32, #tpu.memory_space<vmem>>
        %dma_wait3A_354 = arith.constant 0 : i32
        %dma_wait3A_355 = tpu.memref_slice %arg13[%dma_wait3A_354] : memref<80xi32, #tpu.memory_space<vmem>> -> memref<40xi32, #tpu.memory_space<vmem>>
        %dma_wait3A_356 = arith.constant 0 : i32
        %dma_wait3A_357 = arith.constant 0 : i32
        %dma_wait3A_358 = tpu.memref_slice %arg2[%dma_wait3A_356, %dma_wait3A_357] : memref<10240x128xf32, #tpu.memory_space<hbm>> -> memref<10240x128xf32, #tpu.memory_space<hbm>>
        tpu.wait_indirect_dma semaphore(%arg41 : memref<!tpu.dma_semaphore, #tpu.memory_space<semaphore_mem>>) src(%dma_wait3A_358 : memref<10240x128xf32, #tpu.memory_space<hbm>>) dst(%dma_wait3A_353 : memref<40x128xf32, #tpu.memory_space<vmem>>)
        %dma_wait3A_359 = arith.constant 0 : i32
        %dma_wait3A_360 = arith.constant 0 : i32
        %dma_wait3A_361 = tpu.memref_slice %arg29[%dma_wait3A_359, %dma_wait3A_360] : memref<80x128xf32, #tpu.memory_space<vmem>> -> memref<40x128xf32, #tpu.memory_space<vmem>>
        %dma_wait3A_362 = arith.constant 0 : i32
        %dma_wait3A_363 = tpu.memref_slice %arg13[%dma_wait3A_362] : memref<80xi32, #tpu.memory_space<vmem>> -> memref<40xi32, #tpu.memory_space<vmem>>
        %dma_wait3A_364 = arith.constant 0 : i32
        %dma_wait3A_365 = arith.constant 0 : i32
        %dma_wait3A_366 = tpu.memref_slice %arg2[%dma_wait3A_364, %dma_wait3A_365] : memref<10240x128xf32, #tpu.memory_space<hbm>> -> memref<10240x128xf32, #tpu.memory_space<hbm>>
        tpu.wait_indirect_dma semaphore(%arg41 : memref<!tpu.dma_semaphore, #tpu.memory_space<semaphore_mem>>) src(%dma_wait3A_366 : memref<10240x128xf32, #tpu.memory_space<hbm>>) dst(%dma_wait3A_361 : memref<40x128xf32, #tpu.memory_space<vmem>>)
        %dma_start3A_367 = arith.constant 0 : i32
        %dma_start3A_368 = arith.constant 0 : i32
        %dma_start3A_369 = tpu.memref_slice %arg46[%dma_start3A_367, %dma_start3A_368] : memref<10240x128xf32, #tpu.memory_space<vmem_shared>> -> memref<10240x128xf32, #tpu.memory_space<vmem_shared>>
        tpu.enqueue_indirect_dma source(%arg29 : memref<80x128xf32, #tpu.memory_space<vmem>>) target(%dma_start3A_369 : memref<10240x128xf32, #tpu.memory_space<vmem_shared>>) offsets(%arg25 : memref<80xi32, #tpu.memory_space<vmem>>) semaphore(%arg45 : memref<!tpu.dma_semaphore, #tpu.memory_space<semaphore_mem>>) {add = true}
        %lt3A_370 = arith.constant 248 : i32
        %lt3A_371 = arith.cmpi slt, %add3A_350, %lt3A_370 : i32
        %convert_element_type3A_372 = arith.extui %lt3A_371 : i1 to i32
        %cond3A_373 = arith.constant 0 : i32
        %cond3A_374 = arith.cmpi ne, %convert_element_type3A_372, %cond3A_373 : i32
        scf.if %cond3A_374 {
          %add3A_380 = arith.constant 0 : i32
          %add3A_381 = arith.addi %mul3A_9, %add3A_380 : i32
          %multiple_of3A_382 = tpu.assume_multiple %add3A_381, 8 : i32
          %dma_wait3A_383 = tpu.memref_slice %arg4[%multiple_of3A_382] : memref<320000xi32, #tpu.memory_space<hbm>> -> memref<80xi32, #tpu.memory_space<hbm>>
          %dma_wait3A_384 = tpu.memref_slice %arg4[%multiple_of3A_382] : memref<320000xi32, #tpu.memory_space<hbm>> -> memref<80xi32, #tpu.memory_space<hbm>>
          tpu.wait_dma2 semaphore(%arg31 : memref<!tpu.dma_semaphore, #tpu.memory_space<semaphore_mem>>) src(%dma_wait3A_384 : memref<80xi32, #tpu.memory_space<hbm>>) dst(%arg11 : memref<80xi32, #tpu.memory_space<vmem>>)
          %add3A_385 = arith.constant 0 : i32
          %add3A_386 = arith.addi %mul3A_9, %add3A_385 : i32
          %multiple_of3A_387 = tpu.assume_multiple %add3A_386, 8 : i32
          %dma_wait3A_388 = tpu.memref_slice %arg5[%multiple_of3A_387] : memref<320000xi32, #tpu.memory_space<hbm>> -> memref<80xi32, #tpu.memory_space<hbm>>
          %dma_wait3A_389 = tpu.memref_slice %arg5[%multiple_of3A_387] : memref<320000xi32, #tpu.memory_space<hbm>> -> memref<80xi32, #tpu.memory_space<hbm>>
          tpu.wait_dma2 semaphore(%arg31 : memref<!tpu.dma_semaphore, #tpu.memory_space<semaphore_mem>>) src(%dma_wait3A_389 : memref<80xi32, #tpu.memory_space<hbm>>) dst(%arg19 : memref<80xi32, #tpu.memory_space<vmem>>)
          %ge3A = arith.constant 2 : i32
          %ge3A_390 = arith.cmpi sge, %add3A_350, %ge3A : i32
          %convert_element_type3A_391 = arith.extui %ge3A_390 : i1 to i32
          %cond3A_392 = arith.constant 0 : i32
          %cond3A_393 = arith.cmpi ne, %convert_element_type3A_391, %cond3A_392 : i32
          scf.if %cond3A_393 {
            %dma_wait3A_410 = arith.constant 0 : i32
            %dma_wait3A_411 = arith.constant 0 : i32
            %dma_wait3A_412 = tpu.memref_slice %arg46[%dma_wait3A_410, %dma_wait3A_411] : memref<10240x128xf32, #tpu.memory_space<vmem_shared>> -> memref<10240x128xf32, #tpu.memory_space<vmem_shared>>
            tpu.wait_indirect_dma semaphore(%arg43 : memref<!tpu.dma_semaphore, #tpu.memory_space<semaphore_mem>>) src(%arg27 : memref<80x128xf32, #tpu.memory_space<vmem>>) dst(%dma_wait3A_412 : memref<10240x128xf32, #tpu.memory_space<vmem_shared>>)
          } else {
          }
          %dma_start3A_394 = arith.constant 0 : i32
          %dma_start3A_395 = arith.constant 0 : i32
          %dma_start3A_396 = tpu.memref_slice %arg27[%dma_start3A_394, %dma_start3A_395] : memref<80x128xf32, #tpu.memory_space<vmem>> -> memref<40x128xf32, #tpu.memory_space<vmem>>
          %dma_start3A_397 = arith.constant 0 : i32
          %dma_start3A_398 = tpu.memref_slice %arg11[%dma_start3A_397] : memref<80xi32, #tpu.memory_space<vmem>> -> memref<40xi32, #tpu.memory_space<vmem>>
          %dma_start3A_399 = arith.constant 0 : i32
          %dma_start3A_400 = arith.constant 0 : i32
          %dma_start3A_401 = tpu.memref_slice %arg2[%dma_start3A_399, %dma_start3A_400] : memref<10240x128xf32, #tpu.memory_space<hbm>> -> memref<10240x128xf32, #tpu.memory_space<hbm>>
          tpu.enqueue_indirect_dma source(%dma_start3A_401 : memref<10240x128xf32, #tpu.memory_space<hbm>>) target(%dma_start3A_396 : memref<40x128xf32, #tpu.memory_space<vmem>>) offsets(%dma_start3A_398 : memref<40xi32, #tpu.memory_space<vmem>>) semaphore(%arg39 : memref<!tpu.dma_semaphore, #tpu.memory_space<semaphore_mem>>)
          %dma_start3A_402 = arith.constant 40 : i32
          %dma_start3A_403 = arith.constant 0 : i32
          %dma_start3A_404 = tpu.memref_slice %arg27[%dma_start3A_402, %dma_start3A_403] : memref<80x128xf32, #tpu.memory_space<vmem>> -> memref<40x128xf32, #tpu.memory_space<vmem>>
          %dma_start3A_405 = arith.constant 40 : i32
          %dma_start3A_406 = tpu.memref_slice %arg11[%dma_start3A_405] : memref<80xi32, #tpu.memory_space<vmem>> -> memref<40xi32, #tpu.memory_space<vmem>>
          %dma_start3A_407 = arith.constant 0 : i32
          %dma_start3A_408 = arith.constant 0 : i32
          %dma_start3A_409 = tpu.memref_slice %arg2[%dma_start3A_407, %dma_start3A_408] : memref<10240x128xf32, #tpu.memory_space<hbm>> -> memref<10240x128xf32, #tpu.memory_space<hbm>>
          tpu.enqueue_indirect_dma source(%dma_start3A_409 : memref<10240x128xf32, #tpu.memory_space<hbm>>) target(%dma_start3A_404 : memref<40x128xf32, #tpu.memory_space<vmem>>) offsets(%dma_start3A_406 : memref<40xi32, #tpu.memory_space<vmem>>) semaphore(%arg39 : memref<!tpu.dma_semaphore, #tpu.memory_space<semaphore_mem>>)
        } else {
        }
        %lt3A_375 = arith.constant 247 : i32
        %lt3A_376 = arith.cmpi slt, %add3A_350, %lt3A_375 : i32
        %convert_element_type3A_377 = arith.extui %lt3A_376 : i1 to i32
        %cond3A_378 = arith.constant 0 : i32
        %cond3A_379 = arith.cmpi ne, %convert_element_type3A_377, %cond3A_378 : i32
        scf.if %cond3A_379 {
          %add3A_380 = arith.constant 3 : i32
          %add3A_381 = arith.addi %add3A_350, %add3A_380 : i32
          %mul3A_382 = arith.constant 80 : i32
          %mul3A_383 = arith.muli %add3A_381, %mul3A_382 : i32
          %add3A_384 = arith.addi %mul3A_9, %mul3A_383 : i32
          %multiple_of3A_385 = tpu.assume_multiple %add3A_384, 8 : i32
          %dma_start3A_386 = tpu.memref_slice %arg4[%multiple_of3A_385] : memref<320000xi32, #tpu.memory_space<hbm>> -> memref<80xi32, #tpu.memory_space<hbm>>
          %dma_start3A_387 = tpu.memref_slice %arg4[%multiple_of3A_385] : memref<320000xi32, #tpu.memory_space<hbm>> -> memref<80xi32, #tpu.memory_space<hbm>>
          tpu.enqueue_dma source(%dma_start3A_387 : memref<80xi32, #tpu.memory_space<hbm>>) target(%arg12 : memref<80xi32, #tpu.memory_space<vmem>>) target_semaphore(%arg32 : memref<!tpu.dma_semaphore, #tpu.memory_space<semaphore_mem>>)
          %add3A_388 = arith.constant 3 : i32
          %add3A_389 = arith.addi %add3A_350, %add3A_388 : i32
          %mul3A_390 = arith.constant 80 : i32
          %mul3A_391 = arith.muli %add3A_389, %mul3A_390 : i32
          %add3A_392 = arith.addi %mul3A_9, %mul3A_391 : i32
          %multiple_of3A_393 = tpu.assume_multiple %add3A_392, 8 : i32
          %dma_start3A_394 = tpu.memref_slice %arg5[%multiple_of3A_393] : memref<320000xi32, #tpu.memory_space<hbm>> -> memref<80xi32, #tpu.memory_space<hbm>>
          %dma_start3A_395 = tpu.memref_slice %arg5[%multiple_of3A_393] : memref<320000xi32, #tpu.memory_space<hbm>> -> memref<80xi32, #tpu.memory_space<hbm>>
          tpu.enqueue_dma source(%dma_start3A_395 : memref<80xi32, #tpu.memory_space<hbm>>) target(%arg20 : memref<80xi32, #tpu.memory_space<vmem>>) target_semaphore(%arg32 : memref<!tpu.dma_semaphore, #tpu.memory_space<semaphore_mem>>)
        } else {
        }
      }
      %scan3A_65 = arith.constant 31 : i32
      %dma_wait3A = arith.constant 0 : i32
      %dma_wait3A_66 = arith.constant 0 : i32
      %dma_wait3A_67 = tpu.memref_slice %arg26[%dma_wait3A, %dma_wait3A_66] : memref<80x128xf32, #tpu.memory_space<vmem>> -> memref<40x128xf32, #tpu.memory_space<vmem>>
      %dma_wait3A_68 = arith.constant 0 : i32
      %dma_wait3A_69 = tpu.memref_slice %arg10[%dma_wait3A_68] : memref<80xi32, #tpu.memory_space<vmem>> -> memref<40xi32, #tpu.memory_space<vmem>>
      %dma_wait3A_70 = arith.constant 0 : i32
      %dma_wait3A_71 = arith.constant 0 : i32
      %dma_wait3A_72 = tpu.memref_slice %arg2[%dma_wait3A_70, %dma_wait3A_71] : memref<10240x128xf32, #tpu.memory_space<hbm>> -> memref<10240x128xf32, #tpu.memory_space<hbm>>
      tpu.wait_indirect_dma semaphore(%arg38 : memref<!tpu.dma_semaphore, #tpu.memory_space<semaphore_mem>>) src(%dma_wait3A_72 : memref<10240x128xf32, #tpu.memory_space<hbm>>) dst(%dma_wait3A_67 : memref<40x128xf32, #tpu.memory_space<vmem>>)
      %dma_wait3A_73 = arith.constant 0 : i32
      %dma_wait3A_74 = arith.constant 0 : i32
      %dma_wait3A_75 = tpu.memref_slice %arg26[%dma_wait3A_73, %dma_wait3A_74] : memref<80x128xf32, #tpu.memory_space<vmem>> -> memref<40x128xf32, #tpu.memory_space<vmem>>
      %dma_wait3A_76 = arith.constant 0 : i32
      %dma_wait3A_77 = tpu.memref_slice %arg10[%dma_wait3A_76] : memref<80xi32, #tpu.memory_space<vmem>> -> memref<40xi32, #tpu.memory_space<vmem>>
      %dma_wait3A_78 = arith.constant 0 : i32
      %dma_wait3A_79 = arith.constant 0 : i32
      %dma_wait3A_80 = tpu.memref_slice %arg2[%dma_wait3A_78, %dma_wait3A_79] : memref<10240x128xf32, #tpu.memory_space<hbm>> -> memref<10240x128xf32, #tpu.memory_space<hbm>>
      tpu.wait_indirect_dma semaphore(%arg38 : memref<!tpu.dma_semaphore, #tpu.memory_space<semaphore_mem>>) src(%dma_wait3A_80 : memref<10240x128xf32, #tpu.memory_space<hbm>>) dst(%dma_wait3A_75 : memref<40x128xf32, #tpu.memory_space<vmem>>)
      %dma_start3A_81 = arith.constant 0 : i32
      %dma_start3A_82 = arith.constant 0 : i32
      %dma_start3A_83 = tpu.memref_slice %arg46[%dma_start3A_81, %dma_start3A_82] : memref<10240x128xf32, #tpu.memory_space<vmem_shared>> -> memref<10240x128xf32, #tpu.memory_space<vmem_shared>>
      tpu.enqueue_indirect_dma source(%arg26 : memref<80x128xf32, #tpu.memory_space<vmem>>) target(%dma_start3A_83 : memref<10240x128xf32, #tpu.memory_space<vmem_shared>>) offsets(%arg18 : memref<80xi32, #tpu.memory_space<vmem>>) semaphore(%arg42 : memref<!tpu.dma_semaphore, #tpu.memory_space<semaphore_mem>>) {add = true}
      %dma_wait3A_84 = arith.constant 0 : i32
      %dma_wait3A_85 = arith.constant 0 : i32
      %dma_wait3A_86 = tpu.memref_slice %arg27[%dma_wait3A_84, %dma_wait3A_85] : memref<80x128xf32, #tpu.memory_space<vmem>> -> memref<40x128xf32, #tpu.memory_space<vmem>>
      %dma_wait3A_87 = arith.constant 0 : i32
      %dma_wait3A_88 = tpu.memref_slice %arg11[%dma_wait3A_87] : memref<80xi32, #tpu.memory_space<vmem>> -> memref<40xi32, #tpu.memory_space<vmem>>
      %dma_wait3A_89 = arith.constant 0 : i32
      %dma_wait3A_90 = arith.constant 0 : i32
      %dma_wait3A_91 = tpu.memref_slice %arg2[%dma_wait3A_89, %dma_wait3A_90] : memref<10240x128xf32, #tpu.memory_space<hbm>> -> memref<10240x128xf32, #tpu.memory_space<hbm>>
      tpu.wait_indirect_dma semaphore(%arg39 : memref<!tpu.dma_semaphore, #tpu.memory_space<semaphore_mem>>) src(%dma_wait3A_91 : memref<10240x128xf32, #tpu.memory_space<hbm>>) dst(%dma_wait3A_86 : memref<40x128xf32, #tpu.memory_space<vmem>>)
      %dma_wait3A_92 = arith.constant 0 : i32
      %dma_wait3A_93 = arith.constant 0 : i32
      %dma_wait3A_94 = tpu.memref_slice %arg27[%dma_wait3A_92, %dma_wait3A_93] : memref<80x128xf32, #tpu.memory_space<vmem>> -> memref<40x128xf32, #tpu.memory_space<vmem>>
      %dma_wait3A_95 = arith.constant 0 : i32
      %dma_wait3A_96 = tpu.memref_slice %arg11[%dma_wait3A_95] : memref<80xi32, #tpu.memory_space<vmem>> -> memref<40xi32, #tpu.memory_space<vmem>>
      %dma_wait3A_97 = arith.constant 0 : i32
      %dma_wait3A_98 = arith.constant 0 : i32
      %dma_wait3A_99 = tpu.memref_slice %arg2[%dma_wait3A_97, %dma_wait3A_98] : memref<10240x128xf32, #tpu.memory_space<hbm>> -> memref<10240x128xf32, #tpu.memory_space<hbm>>
      tpu.wait_indirect_dma semaphore(%arg39 : memref<!tpu.dma_semaphore, #tpu.memory_space<semaphore_mem>>) src(%dma_wait3A_99 : memref<10240x128xf32, #tpu.memory_space<hbm>>) dst(%dma_wait3A_94 : memref<40x128xf32, #tpu.memory_space<vmem>>)
      %dma_start3A_100 = arith.constant 0 : i32
      %dma_start3A_101 = arith.constant 0 : i32
      %dma_start3A_102 = tpu.memref_slice %arg46[%dma_start3A_100, %dma_start3A_101] : memref<10240x128xf32, #tpu.memory_space<vmem_shared>> -> memref<10240x128xf32, #tpu.memory_space<vmem_shared>>
      tpu.enqueue_indirect_dma source(%arg27 : memref<80x128xf32, #tpu.memory_space<vmem>>) target(%dma_start3A_102 : memref<10240x128xf32, #tpu.memory_space<vmem_shared>>) offsets(%arg19 : memref<80xi32, #tpu.memory_space<vmem>>) semaphore(%arg43 : memref<!tpu.dma_semaphore, #tpu.memory_space<semaphore_mem>>) {add = true}
      %dma_wait3A_103 = arith.constant 0 : i32
      %dma_wait3A_104 = arith.constant 0 : i32
      %dma_wait3A_105 = tpu.memref_slice %arg46[%dma_wait3A_103, %dma_wait3A_104] : memref<10240x128xf32, #tpu.memory_space<vmem_shared>> -> memref<10240x128xf32, #tpu.memory_space<vmem_shared>>
      tpu.wait_indirect_dma semaphore(%arg44 : memref<!tpu.dma_semaphore, #tpu.memory_space<semaphore_mem>>) src(%arg28 : memref<80x128xf32, #tpu.memory_space<vmem>>) dst(%dma_wait3A_105 : memref<10240x128xf32, #tpu.memory_space<vmem_shared>>)
      %dma_wait3A_106 = arith.constant 0 : i32
      %dma_wait3A_107 = arith.constant 0 : i32
      %dma_wait3A_108 = tpu.memref_slice %arg46[%dma_wait3A_106, %dma_wait3A_107] : memref<10240x128xf32, #tpu.memory_space<vmem_shared>> -> memref<10240x128xf32, #tpu.memory_space<vmem_shared>>
      tpu.wait_indirect_dma semaphore(%arg45 : memref<!tpu.dma_semaphore, #tpu.memory_space<semaphore_mem>>) src(%arg29 : memref<80x128xf32, #tpu.memory_space<vmem>>) dst(%dma_wait3A_108 : memref<10240x128xf32, #tpu.memory_space<vmem_shared>>)
      %dma_wait3A_109 = arith.constant 0 : i32
      %dma_wait3A_110 = arith.constant 0 : i32
      %dma_wait3A_111 = tpu.memref_slice %arg46[%dma_wait3A_109, %dma_wait3A_110] : memref<10240x128xf32, #tpu.memory_space<vmem_shared>> -> memref<10240x128xf32, #tpu.memory_space<vmem_shared>>
      tpu.wait_indirect_dma semaphore(%arg42 : memref<!tpu.dma_semaphore, #tpu.memory_space<semaphore_mem>>) src(%arg26 : memref<80x128xf32, #tpu.memory_space<vmem>>) dst(%dma_wait3A_111 : memref<10240x128xf32, #tpu.memory_space<vmem_shared>>)
      %dma_wait3A_112 = arith.constant 0 : i32
      %dma_wait3A_113 = arith.constant 0 : i32
      %dma_wait3A_114 = tpu.memref_slice %arg46[%dma_wait3A_112, %dma_wait3A_113] : memref<10240x128xf32, #tpu.memory_space<vmem_shared>> -> memref<10240x128xf32, #tpu.memory_space<vmem_shared>>
      tpu.wait_indirect_dma semaphore(%arg43 : memref<!tpu.dma_semaphore, #tpu.memory_space<semaphore_mem>>) src(%arg27 : memref<80x128xf32, #tpu.memory_space<vmem>>) dst(%dma_wait3A_114 : memref<10240x128xf32, #tpu.memory_space<vmem_shared>>)
      %barrier3A_115 = arith.constant 0 : index
      tpu.barrier barrier_id(%barrier3A_115)
      "tpu.region"() ({
        %run_scoped3A = tpu.sem_alloc : memref<!tpu.dma_semaphore, #tpu.memory_space<semaphore_mem>>
        %dma_start3A_116 = arith.constant 0 : i32
        %dma_start3A_117 = tpu.memref_slice %arg8[%mul3A_0, %dma_start3A_116] : memref<10240x128xf32, #tpu.memory_space<hbm>> -> memref<640x128xf32, #tpu.memory_space<hbm>>
        %dma_start3A_118 = arith.constant 0 : i32
        %dma_start3A_119 = tpu.memref_slice %arg46[%mul3A_0, %dma_start3A_118] : memref<10240x128xf32, #tpu.memory_space<vmem_shared>> -> memref<640x128xf32, #tpu.memory_space<vmem_shared>>
        tpu.enqueue_dma source(%dma_start3A_119 : memref<640x128xf32, #tpu.memory_space<vmem_shared>>) target(%dma_start3A_117 : memref<640x128xf32, #tpu.memory_space<hbm>>) target_semaphore(%run_scoped3A : memref<!tpu.dma_semaphore, #tpu.memory_space<semaphore_mem>>)
        %dma_wait3A_120 = arith.constant 0 : i32
        %dma_wait3A_121 = tpu.memref_slice %arg8[%mul3A_0, %dma_wait3A_120] : memref<10240x128xf32, #tpu.memory_space<hbm>> -> memref<640x128xf32, #tpu.memory_space<hbm>>
        %dma_wait3A_122 = arith.constant 0 : i32
        %dma_wait3A_123 = tpu.memref_slice %arg46[%mul3A_0, %dma_wait3A_122] : memref<10240x128xf32, #tpu.memory_space<vmem_shared>> -> memref<640x128xf32, #tpu.memory_space<vmem_shared>>
        tpu.wait_dma2 semaphore(%run_scoped3A : memref<!tpu.dma_semaphore, #tpu.memory_space<semaphore_mem>>) src(%dma_wait3A_123 : memref<640x128xf32, #tpu.memory_space<vmem_shared>>) dst(%dma_wait3A_121 : memref<640x128xf32, #tpu.memory_space<hbm>>)
        tpu.yield
      }) : () -> ()
    } else {
    }
    %eq3A_3 = arith.constant 1 : i32
    %eq3A_4 = arith.cmpi eq, %arg0, %eq3A_3 : i32
    %convert_element_type3A_5 = arith.extui %eq3A_4 : i1 to i32
    %cond3A_6 = arith.constant 0 : i32
    %cond3A_7 = arith.cmpi ne, %convert_element_type3A_5, %cond3A_6 : i32
    scf.if %cond3A_7 {
      "tpu.region"() ({
        %run_scoped3A = tpu.sem_alloc : memref<!tpu.dma_semaphore, #tpu.memory_space<semaphore_mem>>
        %dma_start3A_116 = arith.constant 0 : i32
        %dma_start3A_117 = tpu.memref_slice %arg46[%mul3A_0, %dma_start3A_116] : memref<10240x128xf32, #tpu.memory_space<vmem_shared>> -> memref<640x128xf32, #tpu.memory_space<vmem_shared>>
        %dma_start3A_118 = arith.constant 0 : i32
        %dma_start3A_119 = tpu.memref_slice %arg3[%mul3A_0, %dma_start3A_118] : memref<10240x128xf32, #tpu.memory_space<hbm>> -> memref<640x128xf32, #tpu.memory_space<hbm>>
        tpu.enqueue_dma source(%dma_start3A_119 : memref<640x128xf32, #tpu.memory_space<hbm>>) target(%dma_start3A_117 : memref<640x128xf32, #tpu.memory_space<vmem_shared>>) target_semaphore(%run_scoped3A : memref<!tpu.dma_semaphore, #tpu.memory_space<semaphore_mem>>)
        %dma_wait3A_120 = arith.constant 0 : i32
        %dma_wait3A_121 = tpu.memref_slice %arg46[%mul3A_0, %dma_wait3A_120] : memref<10240x128xf32, #tpu.memory_space<vmem_shared>> -> memref<640x128xf32, #tpu.memory_space<vmem_shared>>
        %dma_wait3A_122 = arith.constant 0 : i32
        %dma_wait3A_123 = tpu.memref_slice %arg3[%mul3A_0, %dma_wait3A_122] : memref<10240x128xf32, #tpu.memory_space<hbm>> -> memref<640x128xf32, #tpu.memory_space<hbm>>
        tpu.wait_dma2 semaphore(%run_scoped3A : memref<!tpu.dma_semaphore, #tpu.memory_space<semaphore_mem>>) src(%dma_wait3A_123 : memref<640x128xf32, #tpu.memory_space<hbm>>) dst(%dma_wait3A_121 : memref<640x128xf32, #tpu.memory_space<vmem_shared>>)
        tpu.yield
      }) : () -> ()
      %mul3A_8 = arith.constant 20000 : i32
      %mul3A_9 = arith.muli %arg1, %mul3A_8 : i32
      %barrier3A = arith.constant 0 : index
      tpu.barrier barrier_id(%barrier3A)
      %add3A = arith.constant 0 : i32
      %add3A_10 = arith.addi %mul3A_9, %add3A : i32
      %multiple_of3A = tpu.assume_multiple %add3A_10, 8 : i32
      "tpu.region"() ({
        %run_scoped3A = tpu.sem_alloc : memref<!tpu.dma_semaphore, #tpu.memory_space<semaphore_mem>>
        %dma_start3A_116 = tpu.memref_slice %arg6[%multiple_of3A] : memref<320000xi32, #tpu.memory_space<hbm>> -> memref<80xi32, #tpu.memory_space<hbm>>
        %dma_start3A_117 = tpu.memref_slice %arg6[%multiple_of3A] : memref<320000xi32, #tpu.memory_space<hbm>> -> memref<80xi32, #tpu.memory_space<hbm>>
        tpu.enqueue_dma source(%dma_start3A_117 : memref<80xi32, #tpu.memory_space<hbm>>) target(%arg10 : memref<80xi32, #tpu.memory_space<vmem>>) target_semaphore(%run_scoped3A : memref<!tpu.dma_semaphore, #tpu.memory_space<semaphore_mem>>)
        %dma_wait3A_118 = tpu.memref_slice %arg6[%multiple_of3A] : memref<320000xi32, #tpu.memory_space<hbm>> -> memref<80xi32, #tpu.memory_space<hbm>>
        %dma_wait3A_119 = tpu.memref_slice %arg6[%multiple_of3A] : memref<320000xi32, #tpu.memory_space<hbm>> -> memref<80xi32, #tpu.memory_space<hbm>>
        tpu.wait_dma2 semaphore(%run_scoped3A : memref<!tpu.dma_semaphore, #tpu.memory_space<semaphore_mem>>) src(%dma_wait3A_119 : memref<80xi32, #tpu.memory_space<hbm>>) dst(%arg10 : memref<80xi32, #tpu.memory_space<vmem>>)
        tpu.yield
      }) : () -> ()
      %add3A_11 = arith.constant 0 : i32
      %add3A_12 = arith.addi %mul3A_9, %add3A_11 : i32
      %multiple_of3A_13 = tpu.assume_multiple %add3A_12, 8 : i32
      "tpu.region"() ({
        %run_scoped3A = tpu.sem_alloc : memref<!tpu.dma_semaphore, #tpu.memory_space<semaphore_mem>>
        %dma_start3A_116 = tpu.memref_slice %arg7[%multiple_of3A_13] : memref<320000xi32, #tpu.memory_space<hbm>> -> memref<80xi32, #tpu.memory_space<hbm>>
        %dma_start3A_117 = tpu.memref_slice %arg7[%multiple_of3A_13] : memref<320000xi32, #tpu.memory_space<hbm>> -> memref<80xi32, #tpu.memory_space<hbm>>
        tpu.enqueue_dma source(%dma_start3A_117 : memref<80xi32, #tpu.memory_space<hbm>>) target(%arg18 : memref<80xi32, #tpu.memory_space<vmem>>) target_semaphore(%run_scoped3A : memref<!tpu.dma_semaphore, #tpu.memory_space<semaphore_mem>>)
        %dma_wait3A_118 = tpu.memref_slice %arg7[%multiple_of3A_13] : memref<320000xi32, #tpu.memory_space<hbm>> -> memref<80xi32, #tpu.memory_space<hbm>>
        %dma_wait3A_119 = tpu.memref_slice %arg7[%multiple_of3A_13] : memref<320000xi32, #tpu.memory_space<hbm>> -> memref<80xi32, #tpu.memory_space<hbm>>
        tpu.wait_dma2 semaphore(%run_scoped3A : memref<!tpu.dma_semaphore, #tpu.memory_space<semaphore_mem>>) src(%dma_wait3A_119 : memref<80xi32, #tpu.memory_space<hbm>>) dst(%arg18 : memref<80xi32, #tpu.memory_space<vmem>>)
        tpu.yield
      }) : () -> ()
      %add3A_14 = arith.constant 80 : i32
      %add3A_15 = arith.addi %mul3A_9, %add3A_14 : i32
      %multiple_of3A_16 = tpu.assume_multiple %add3A_15, 8 : i32
      "tpu.region"() ({
        %run_scoped3A = tpu.sem_alloc : memref<!tpu.dma_semaphore, #tpu.memory_space<semaphore_mem>>
        %dma_start3A_116 = tpu.memref_slice %arg6[%multiple_of3A_16] : memref<320000xi32, #tpu.memory_space<hbm>> -> memref<80xi32, #tpu.memory_space<hbm>>
        %dma_start3A_117 = tpu.memref_slice %arg6[%multiple_of3A_16] : memref<320000xi32, #tpu.memory_space<hbm>> -> memref<80xi32, #tpu.memory_space<hbm>>
        tpu.enqueue_dma source(%dma_start3A_117 : memref<80xi32, #tpu.memory_space<hbm>>) target(%arg11 : memref<80xi32, #tpu.memory_space<vmem>>) target_semaphore(%run_scoped3A : memref<!tpu.dma_semaphore, #tpu.memory_space<semaphore_mem>>)
        %dma_wait3A_118 = tpu.memref_slice %arg6[%multiple_of3A_16] : memref<320000xi32, #tpu.memory_space<hbm>> -> memref<80xi32, #tpu.memory_space<hbm>>
        %dma_wait3A_119 = tpu.memref_slice %arg6[%multiple_of3A_16] : memref<320000xi32, #tpu.memory_space<hbm>> -> memref<80xi32, #tpu.memory_space<hbm>>
        tpu.wait_dma2 semaphore(%run_scoped3A : memref<!tpu.dma_semaphore, #tpu.memory_space<semaphore_mem>>) src(%dma_wait3A_119 : memref<80xi32, #tpu.memory_space<hbm>>) dst(%arg11 : memref<80xi32, #tpu.memory_space<vmem>>)
        tpu.yield
      }) : () -> ()
      %add3A_17 = arith.constant 80 : i32
      %add3A_18 = arith.addi %mul3A_9, %add3A_17 : i32
      %multiple_of3A_19 = tpu.assume_multiple %add3A_18, 8 : i32
      "tpu.region"() ({
        %run_scoped3A = tpu.sem_alloc : memref<!tpu.dma_semaphore, #tpu.memory_space<semaphore_mem>>
        %dma_start3A_116 = tpu.memref_slice %arg7[%multiple_of3A_19] : memref<320000xi32, #tpu.memory_space<hbm>> -> memref<80xi32, #tpu.memory_space<hbm>>
        %dma_start3A_117 = tpu.memref_slice %arg7[%multiple_of3A_19] : memref<320000xi32, #tpu.memory_space<hbm>> -> memref<80xi32, #tpu.memory_space<hbm>>
        tpu.enqueue_dma source(%dma_start3A_117 : memref<80xi32, #tpu.memory_space<hbm>>) target(%arg19 : memref<80xi32, #tpu.memory_space<vmem>>) target_semaphore(%run_scoped3A : memref<!tpu.dma_semaphore, #tpu.memory_space<semaphore_mem>>)
        %dma_wait3A_118 = tpu.memref_slice %arg7[%multiple_of3A_19] : memref<320000xi32, #tpu.memory_space<hbm>> -> memref<80xi32, #tpu.memory_space<hbm>>
        %dma_wait3A_119 = tpu.memref_slice %arg7[%multiple_of3A_19] : memref<320000xi32, #tpu.memory_space<hbm>> -> memref<80xi32, #tpu.memory_space<hbm>>
        tpu.wait_dma2 semaphore(%run_scoped3A : memref<!tpu.dma_semaphore, #tpu.memory_space<semaphore_mem>>) src(%dma_wait3A_119 : memref<80xi32, #tpu.memory_space<hbm>>) dst(%arg19 : memref<80xi32, #tpu.memory_space<vmem>>)
        tpu.yield
      }) : () -> ()
      %add3A_20 = arith.constant 160 : i32
      %add3A_21 = arith.addi %mul3A_9, %add3A_20 : i32
      %multiple_of3A_22 = tpu.assume_multiple %add3A_21, 8 : i32
      %dma_start3A = tpu.memref_slice %arg6[%multiple_of3A_22] : memref<320000xi32, #tpu.memory_space<hbm>> -> memref<80xi32, #tpu.memory_space<hbm>>
      %dma_start3A_23 = tpu.memref_slice %arg6[%multiple_of3A_22] : memref<320000xi32, #tpu.memory_space<hbm>> -> memref<80xi32, #tpu.memory_space<hbm>>
      tpu.enqueue_dma source(%dma_start3A_23 : memref<80xi32, #tpu.memory_space<hbm>>) target(%arg12 : memref<80xi32, #tpu.memory_space<vmem>>) target_semaphore(%arg32 : memref<!tpu.dma_semaphore, #tpu.memory_space<semaphore_mem>>)
      %add3A_24 = arith.constant 160 : i32
      %add3A_25 = arith.addi %mul3A_9, %add3A_24 : i32
      %multiple_of3A_26 = tpu.assume_multiple %add3A_25, 8 : i32
      %dma_start3A_27 = tpu.memref_slice %arg7[%multiple_of3A_26] : memref<320000xi32, #tpu.memory_space<hbm>> -> memref<80xi32, #tpu.memory_space<hbm>>
      %dma_start3A_28 = tpu.memref_slice %arg7[%multiple_of3A_26] : memref<320000xi32, #tpu.memory_space<hbm>> -> memref<80xi32, #tpu.memory_space<hbm>>
      tpu.enqueue_dma source(%dma_start3A_28 : memref<80xi32, #tpu.memory_space<hbm>>) target(%arg20 : memref<80xi32, #tpu.memory_space<vmem>>) target_semaphore(%arg32 : memref<!tpu.dma_semaphore, #tpu.memory_space<semaphore_mem>>)
      %dma_start3A_29 = arith.constant 0 : i32
      %dma_start3A_30 = arith.constant 0 : i32
      %dma_start3A_31 = tpu.memref_slice %arg26[%dma_start3A_29, %dma_start3A_30] : memref<80x128xf32, #tpu.memory_space<vmem>> -> memref<40x128xf32, #tpu.memory_space<vmem>>
      %dma_start3A_32 = arith.constant 0 : i32
      %dma_start3A_33 = tpu.memref_slice %arg10[%dma_start3A_32] : memref<80xi32, #tpu.memory_space<vmem>> -> memref<40xi32, #tpu.memory_space<vmem>>
      %dma_start3A_34 = arith.constant 0 : i32
      %dma_start3A_35 = arith.constant 0 : i32
      %dma_start3A_36 = tpu.memref_slice %arg3[%dma_start3A_34, %dma_start3A_35] : memref<10240x128xf32, #tpu.memory_space<hbm>> -> memref<10240x128xf32, #tpu.memory_space<hbm>>
      tpu.enqueue_indirect_dma source(%dma_start3A_36 : memref<10240x128xf32, #tpu.memory_space<hbm>>) target(%dma_start3A_31 : memref<40x128xf32, #tpu.memory_space<vmem>>) offsets(%dma_start3A_33 : memref<40xi32, #tpu.memory_space<vmem>>) semaphore(%arg38 : memref<!tpu.dma_semaphore, #tpu.memory_space<semaphore_mem>>)
      %dma_start3A_37 = arith.constant 40 : i32
      %dma_start3A_38 = arith.constant 0 : i32
      %dma_start3A_39 = tpu.memref_slice %arg26[%dma_start3A_37, %dma_start3A_38] : memref<80x128xf32, #tpu.memory_space<vmem>> -> memref<40x128xf32, #tpu.memory_space<vmem>>
      %dma_start3A_40 = arith.constant 40 : i32
      %dma_start3A_41 = tpu.memref_slice %arg10[%dma_start3A_40] : memref<80xi32, #tpu.memory_space<vmem>> -> memref<40xi32, #tpu.memory_space<vmem>>
      %dma_start3A_42 = arith.constant 0 : i32
      %dma_start3A_43 = arith.constant 0 : i32
      %dma_start3A_44 = tpu.memref_slice %arg3[%dma_start3A_42, %dma_start3A_43] : memref<10240x128xf32, #tpu.memory_space<hbm>> -> memref<10240x128xf32, #tpu.memory_space<hbm>>
      tpu.enqueue_indirect_dma source(%dma_start3A_44 : memref<10240x128xf32, #tpu.memory_space<hbm>>) target(%dma_start3A_39 : memref<40x128xf32, #tpu.memory_space<vmem>>) offsets(%dma_start3A_41 : memref<40xi32, #tpu.memory_space<vmem>>) semaphore(%arg38 : memref<!tpu.dma_semaphore, #tpu.memory_space<semaphore_mem>>)
      %dma_start3A_45 = arith.constant 0 : i32
      %dma_start3A_46 = arith.constant 0 : i32
      %dma_start3A_47 = tpu.memref_slice %arg27[%dma_start3A_45, %dma_start3A_46] : memref<80x128xf32, #tpu.memory_space<vmem>> -> memref<40x128xf32, #tpu.memory_space<vmem>>
      %dma_start3A_48 = arith.constant 0 : i32
      %dma_start3A_49 = tpu.memref_slice %arg11[%dma_start3A_48] : memref<80xi32, #tpu.memory_space<vmem>> -> memref<40xi32, #tpu.memory_space<vmem>>
      %dma_start3A_50 = arith.constant 0 : i32
      %dma_start3A_51 = arith.constant 0 : i32
      %dma_start3A_52 = tpu.memref_slice %arg3[%dma_start3A_50, %dma_start3A_51] : memref<10240x128xf32, #tpu.memory_space<hbm>> -> memref<10240x128xf32, #tpu.memory_space<hbm>>
      tpu.enqueue_indirect_dma source(%dma_start3A_52 : memref<10240x128xf32, #tpu.memory_space<hbm>>) target(%dma_start3A_47 : memref<40x128xf32, #tpu.memory_space<vmem>>) offsets(%dma_start3A_49 : memref<40xi32, #tpu.memory_space<vmem>>) semaphore(%arg39 : memref<!tpu.dma_semaphore, #tpu.memory_space<semaphore_mem>>)
      %dma_start3A_53 = arith.constant 40 : i32
      %dma_start3A_54 = arith.constant 0 : i32
      %dma_start3A_55 = tpu.memref_slice %arg27[%dma_start3A_53, %dma_start3A_54] : memref<80x128xf32, #tpu.memory_space<vmem>> -> memref<40x128xf32, #tpu.memory_space<vmem>>
      %dma_start3A_56 = arith.constant 40 : i32
      %dma_start3A_57 = tpu.memref_slice %arg11[%dma_start3A_56] : memref<80xi32, #tpu.memory_space<vmem>> -> memref<40xi32, #tpu.memory_space<vmem>>
      %dma_start3A_58 = arith.constant 0 : i32
      %dma_start3A_59 = arith.constant 0 : i32
      %dma_start3A_60 = tpu.memref_slice %arg3[%dma_start3A_58, %dma_start3A_59] : memref<10240x128xf32, #tpu.memory_space<hbm>> -> memref<10240x128xf32, #tpu.memory_space<hbm>>
      tpu.enqueue_indirect_dma source(%dma_start3A_60 : memref<10240x128xf32, #tpu.memory_space<hbm>>) target(%dma_start3A_55 : memref<40x128xf32, #tpu.memory_space<vmem>>) offsets(%dma_start3A_57 : memref<40xi32, #tpu.memory_space<vmem>>) semaphore(%arg39 : memref<!tpu.dma_semaphore, #tpu.memory_space<semaphore_mem>>)
      %scan3A = arith.constant 0 : i32
      %scan3A_61 = arith.constant 0 : i32
      %scan3A_62 = arith.constant 31 : i32
      %scan3A_63 = arith.addi %scan3A_61, %scan3A_62 : i32
      %scan3A_64 = arith.constant 1 : i32
      scf.for %scan3A_116 = %scan3A_61 to %scan3A_63 step %scan3A_64  : i32 {
        %mul3A_117 = arith.constant 8 : i32
        %mul3A_118 = arith.muli %scan3A_116, %mul3A_117 : i32
        %add3A_119 = arith.constant 0 : i32
        %add3A_120 = arith.addi %mul3A_118, %add3A_119 : i32
        %dma_wait3A_121 = arith.constant 0 : i32
        %dma_wait3A_122 = arith.constant 0 : i32
        %dma_wait3A_123 = tpu.memref_slice %arg26[%dma_wait3A_121, %dma_wait3A_122] : memref<80x128xf32, #tpu.memory_space<vmem>> -> memref<40x128xf32, #tpu.memory_space<vmem>>
        %dma_wait3A_124 = arith.constant 0 : i32
        %dma_wait3A_125 = tpu.memref_slice %arg10[%dma_wait3A_124] : memref<80xi32, #tpu.memory_space<vmem>> -> memref<40xi32, #tpu.memory_space<vmem>>
        %dma_wait3A_126 = arith.constant 0 : i32
        %dma_wait3A_127 = arith.constant 0 : i32
        %dma_wait3A_128 = tpu.memref_slice %arg3[%dma_wait3A_126, %dma_wait3A_127] : memref<10240x128xf32, #tpu.memory_space<hbm>> -> memref<10240x128xf32, #tpu.memory_space<hbm>>
        tpu.wait_indirect_dma semaphore(%arg38 : memref<!tpu.dma_semaphore, #tpu.memory_space<semaphore_mem>>) src(%dma_wait3A_128 : memref<10240x128xf32, #tpu.memory_space<hbm>>) dst(%dma_wait3A_123 : memref<40x128xf32, #tpu.memory_space<vmem>>)
        %dma_wait3A_129 = arith.constant 0 : i32
        %dma_wait3A_130 = arith.constant 0 : i32
        %dma_wait3A_131 = tpu.memref_slice %arg26[%dma_wait3A_129, %dma_wait3A_130] : memref<80x128xf32, #tpu.memory_space<vmem>> -> memref<40x128xf32, #tpu.memory_space<vmem>>
        %dma_wait3A_132 = arith.constant 0 : i32
        %dma_wait3A_133 = tpu.memref_slice %arg10[%dma_wait3A_132] : memref<80xi32, #tpu.memory_space<vmem>> -> memref<40xi32, #tpu.memory_space<vmem>>
        %dma_wait3A_134 = arith.constant 0 : i32
        %dma_wait3A_135 = arith.constant 0 : i32
        %dma_wait3A_136 = tpu.memref_slice %arg3[%dma_wait3A_134, %dma_wait3A_135] : memref<10240x128xf32, #tpu.memory_space<hbm>> -> memref<10240x128xf32, #tpu.memory_space<hbm>>
        tpu.wait_indirect_dma semaphore(%arg38 : memref<!tpu.dma_semaphore, #tpu.memory_space<semaphore_mem>>) src(%dma_wait3A_136 : memref<10240x128xf32, #tpu.memory_space<hbm>>) dst(%dma_wait3A_131 : memref<40x128xf32, #tpu.memory_space<vmem>>)
        %dma_start3A_137 = arith.constant 0 : i32
        %dma_start3A_138 = arith.constant 0 : i32
        %dma_start3A_139 = tpu.memref_slice %arg46[%dma_start3A_137, %dma_start3A_138] : memref<10240x128xf32, #tpu.memory_space<vmem_shared>> -> memref<10240x128xf32, #tpu.memory_space<vmem_shared>>
        tpu.enqueue_indirect_dma source(%arg26 : memref<80x128xf32, #tpu.memory_space<vmem>>) target(%dma_start3A_139 : memref<10240x128xf32, #tpu.memory_space<vmem_shared>>) offsets(%arg18 : memref<80xi32, #tpu.memory_space<vmem>>) semaphore(%arg42 : memref<!tpu.dma_semaphore, #tpu.memory_space<semaphore_mem>>) {add = true}
        %lt3A = arith.constant 248 : i32
        %lt3A_140 = arith.cmpi slt, %add3A_120, %lt3A : i32
        %convert_element_type3A_141 = arith.extui %lt3A_140 : i1 to i32
        %cond3A_142 = arith.constant 0 : i32
        %cond3A_143 = arith.cmpi ne, %convert_element_type3A_141, %cond3A_142 : i32
        scf.if %cond3A_143 {
          %add3A_380 = arith.constant 0 : i32
          %add3A_381 = arith.addi %mul3A_9, %add3A_380 : i32
          %multiple_of3A_382 = tpu.assume_multiple %add3A_381, 8 : i32
          %dma_wait3A_383 = tpu.memref_slice %arg6[%multiple_of3A_382] : memref<320000xi32, #tpu.memory_space<hbm>> -> memref<80xi32, #tpu.memory_space<hbm>>
          %dma_wait3A_384 = tpu.memref_slice %arg6[%multiple_of3A_382] : memref<320000xi32, #tpu.memory_space<hbm>> -> memref<80xi32, #tpu.memory_space<hbm>>
          tpu.wait_dma2 semaphore(%arg32 : memref<!tpu.dma_semaphore, #tpu.memory_space<semaphore_mem>>) src(%dma_wait3A_384 : memref<80xi32, #tpu.memory_space<hbm>>) dst(%arg12 : memref<80xi32, #tpu.memory_space<vmem>>)
          %add3A_385 = arith.constant 0 : i32
          %add3A_386 = arith.addi %mul3A_9, %add3A_385 : i32
          %multiple_of3A_387 = tpu.assume_multiple %add3A_386, 8 : i32
          %dma_wait3A_388 = tpu.memref_slice %arg7[%multiple_of3A_387] : memref<320000xi32, #tpu.memory_space<hbm>> -> memref<80xi32, #tpu.memory_space<hbm>>
          %dma_wait3A_389 = tpu.memref_slice %arg7[%multiple_of3A_387] : memref<320000xi32, #tpu.memory_space<hbm>> -> memref<80xi32, #tpu.memory_space<hbm>>
          tpu.wait_dma2 semaphore(%arg32 : memref<!tpu.dma_semaphore, #tpu.memory_space<semaphore_mem>>) src(%dma_wait3A_389 : memref<80xi32, #tpu.memory_space<hbm>>) dst(%arg20 : memref<80xi32, #tpu.memory_space<vmem>>)
          %ge3A = arith.constant 2 : i32
          %ge3A_390 = arith.cmpi sge, %add3A_120, %ge3A : i32
          %convert_element_type3A_391 = arith.extui %ge3A_390 : i1 to i32
          %cond3A_392 = arith.constant 0 : i32
          %cond3A_393 = arith.cmpi ne, %convert_element_type3A_391, %cond3A_392 : i32
          scf.if %cond3A_393 {
            %dma_wait3A_410 = arith.constant 0 : i32
            %dma_wait3A_411 = arith.constant 0 : i32
            %dma_wait3A_412 = tpu.memref_slice %arg46[%dma_wait3A_410, %dma_wait3A_411] : memref<10240x128xf32, #tpu.memory_space<vmem_shared>> -> memref<10240x128xf32, #tpu.memory_space<vmem_shared>>
            tpu.wait_indirect_dma semaphore(%arg44 : memref<!tpu.dma_semaphore, #tpu.memory_space<semaphore_mem>>) src(%arg28 : memref<80x128xf32, #tpu.memory_space<vmem>>) dst(%dma_wait3A_412 : memref<10240x128xf32, #tpu.memory_space<vmem_shared>>)
          } else {
          }
          %dma_start3A_394 = arith.constant 0 : i32
          %dma_start3A_395 = arith.constant 0 : i32
          %dma_start3A_396 = tpu.memref_slice %arg28[%dma_start3A_394, %dma_start3A_395] : memref<80x128xf32, #tpu.memory_space<vmem>> -> memref<40x128xf32, #tpu.memory_space<vmem>>
          %dma_start3A_397 = arith.constant 0 : i32
          %dma_start3A_398 = tpu.memref_slice %arg12[%dma_start3A_397] : memref<80xi32, #tpu.memory_space<vmem>> -> memref<40xi32, #tpu.memory_space<vmem>>
          %dma_start3A_399 = arith.constant 0 : i32
          %dma_start3A_400 = arith.constant 0 : i32
          %dma_start3A_401 = tpu.memref_slice %arg3[%dma_start3A_399, %dma_start3A_400] : memref<10240x128xf32, #tpu.memory_space<hbm>> -> memref<10240x128xf32, #tpu.memory_space<hbm>>
          tpu.enqueue_indirect_dma source(%dma_start3A_401 : memref<10240x128xf32, #tpu.memory_space<hbm>>) target(%dma_start3A_396 : memref<40x128xf32, #tpu.memory_space<vmem>>) offsets(%dma_start3A_398 : memref<40xi32, #tpu.memory_space<vmem>>) semaphore(%arg40 : memref<!tpu.dma_semaphore, #tpu.memory_space<semaphore_mem>>)
          %dma_start3A_402 = arith.constant 40 : i32
          %dma_start3A_403 = arith.constant 0 : i32
          %dma_start3A_404 = tpu.memref_slice %arg28[%dma_start3A_402, %dma_start3A_403] : memref<80x128xf32, #tpu.memory_space<vmem>> -> memref<40x128xf32, #tpu.memory_space<vmem>>
          %dma_start3A_405 = arith.constant 40 : i32
          %dma_start3A_406 = tpu.memref_slice %arg12[%dma_start3A_405] : memref<80xi32, #tpu.memory_space<vmem>> -> memref<40xi32, #tpu.memory_space<vmem>>
          %dma_start3A_407 = arith.constant 0 : i32
          %dma_start3A_408 = arith.constant 0 : i32
          %dma_start3A_409 = tpu.memref_slice %arg3[%dma_start3A_407, %dma_start3A_408] : memref<10240x128xf32, #tpu.memory_space<hbm>> -> memref<10240x128xf32, #tpu.memory_space<hbm>>
          tpu.enqueue_indirect_dma source(%dma_start3A_409 : memref<10240x128xf32, #tpu.memory_space<hbm>>) target(%dma_start3A_404 : memref<40x128xf32, #tpu.memory_space<vmem>>) offsets(%dma_start3A_406 : memref<40xi32, #tpu.memory_space<vmem>>) semaphore(%arg40 : memref<!tpu.dma_semaphore, #tpu.memory_space<semaphore_mem>>)
        } else {
        }
        %lt3A_144 = arith.constant 247 : i32
        %lt3A_145 = arith.cmpi slt, %add3A_120, %lt3A_144 : i32
        %convert_element_type3A_146 = arith.extui %lt3A_145 : i1 to i32
        %cond3A_147 = arith.constant 0 : i32
        %cond3A_148 = arith.cmpi ne, %convert_element_type3A_146, %cond3A_147 : i32
        scf.if %cond3A_148 {
          %add3A_380 = arith.constant 3 : i32
          %add3A_381 = arith.addi %add3A_120, %add3A_380 : i32
          %mul3A_382 = arith.constant 80 : i32
          %mul3A_383 = arith.muli %add3A_381, %mul3A_382 : i32
          %add3A_384 = arith.addi %mul3A_9, %mul3A_383 : i32
          %multiple_of3A_385 = tpu.assume_multiple %add3A_384, 8 : i32
          %dma_start3A_386 = tpu.memref_slice %arg6[%multiple_of3A_385] : memref<320000xi32, #tpu.memory_space<hbm>> -> memref<80xi32, #tpu.memory_space<hbm>>
          %dma_start3A_387 = tpu.memref_slice %arg6[%multiple_of3A_385] : memref<320000xi32, #tpu.memory_space<hbm>> -> memref<80xi32, #tpu.memory_space<hbm>>
          tpu.enqueue_dma source(%dma_start3A_387 : memref<80xi32, #tpu.memory_space<hbm>>) target(%arg13 : memref<80xi32, #tpu.memory_space<vmem>>) target_semaphore(%arg33 : memref<!tpu.dma_semaphore, #tpu.memory_space<semaphore_mem>>)
          %add3A_388 = arith.constant 3 : i32
          %add3A_389 = arith.addi %add3A_120, %add3A_388 : i32
          %mul3A_390 = arith.constant 80 : i32
          %mul3A_391 = arith.muli %add3A_389, %mul3A_390 : i32
          %add3A_392 = arith.addi %mul3A_9, %mul3A_391 : i32
          %multiple_of3A_393 = tpu.assume_multiple %add3A_392, 8 : i32
          %dma_start3A_394 = tpu.memref_slice %arg7[%multiple_of3A_393] : memref<320000xi32, #tpu.memory_space<hbm>> -> memref<80xi32, #tpu.memory_space<hbm>>
          %dma_start3A_395 = tpu.memref_slice %arg7[%multiple_of3A_393] : memref<320000xi32, #tpu.memory_space<hbm>> -> memref<80xi32, #tpu.memory_space<hbm>>
          tpu.enqueue_dma source(%dma_start3A_395 : memref<80xi32, #tpu.memory_space<hbm>>) target(%arg21 : memref<80xi32, #tpu.memory_space<vmem>>) target_semaphore(%arg33 : memref<!tpu.dma_semaphore, #tpu.memory_space<semaphore_mem>>)
        } else {
        }
        %mul3A_149 = arith.constant 8 : i32
        %mul3A_150 = arith.muli %scan3A_116, %mul3A_149 : i32
        %add3A_151 = arith.constant 1 : i32
        %add3A_152 = arith.addi %mul3A_150, %add3A_151 : i32
        %dma_wait3A_153 = arith.constant 0 : i32
        %dma_wait3A_154 = arith.constant 0 : i32
        %dma_wait3A_155 = tpu.memref_slice %arg27[%dma_wait3A_153, %dma_wait3A_154] : memref<80x128xf32, #tpu.memory_space<vmem>> -> memref<40x128xf32, #tpu.memory_space<vmem>>
        %dma_wait3A_156 = arith.constant 0 : i32
        %dma_wait3A_157 = tpu.memref_slice %arg11[%dma_wait3A_156] : memref<80xi32, #tpu.memory_space<vmem>> -> memref<40xi32, #tpu.memory_space<vmem>>
        %dma_wait3A_158 = arith.constant 0 : i32
        %dma_wait3A_159 = arith.constant 0 : i32
        %dma_wait3A_160 = tpu.memref_slice %arg3[%dma_wait3A_158, %dma_wait3A_159] : memref<10240x128xf32, #tpu.memory_space<hbm>> -> memref<10240x128xf32, #tpu.memory_space<hbm>>
        tpu.wait_indirect_dma semaphore(%arg39 : memref<!tpu.dma_semaphore, #tpu.memory_space<semaphore_mem>>) src(%dma_wait3A_160 : memref<10240x128xf32, #tpu.memory_space<hbm>>) dst(%dma_wait3A_155 : memref<40x128xf32, #tpu.memory_space<vmem>>)
        %dma_wait3A_161 = arith.constant 0 : i32
        %dma_wait3A_162 = arith.constant 0 : i32
        %dma_wait3A_163 = tpu.memref_slice %arg27[%dma_wait3A_161, %dma_wait3A_162] : memref<80x128xf32, #tpu.memory_space<vmem>> -> memref<40x128xf32, #tpu.memory_space<vmem>>
        %dma_wait3A_164 = arith.constant 0 : i32
        %dma_wait3A_165 = tpu.memref_slice %arg11[%dma_wait3A_164] : memref<80xi32, #tpu.memory_space<vmem>> -> memref<40xi32, #tpu.memory_space<vmem>>
        %dma_wait3A_166 = arith.constant 0 : i32
        %dma_wait3A_167 = arith.constant 0 : i32
        %dma_wait3A_168 = tpu.memref_slice %arg3[%dma_wait3A_166, %dma_wait3A_167] : memref<10240x128xf32, #tpu.memory_space<hbm>> -> memref<10240x128xf32, #tpu.memory_space<hbm>>
        tpu.wait_indirect_dma semaphore(%arg39 : memref<!tpu.dma_semaphore, #tpu.memory_space<semaphore_mem>>) src(%dma_wait3A_168 : memref<10240x128xf32, #tpu.memory_space<hbm>>) dst(%dma_wait3A_163 : memref<40x128xf32, #tpu.memory_space<vmem>>)
        %dma_start3A_169 = arith.constant 0 : i32
        %dma_start3A_170 = arith.constant 0 : i32
        %dma_start3A_171 = tpu.memref_slice %arg46[%dma_start3A_169, %dma_start3A_170] : memref<10240x128xf32, #tpu.memory_space<vmem_shared>> -> memref<10240x128xf32, #tpu.memory_space<vmem_shared>>
        tpu.enqueue_indirect_dma source(%arg27 : memref<80x128xf32, #tpu.memory_space<vmem>>) target(%dma_start3A_171 : memref<10240x128xf32, #tpu.memory_space<vmem_shared>>) offsets(%arg19 : memref<80xi32, #tpu.memory_space<vmem>>) semaphore(%arg43 : memref<!tpu.dma_semaphore, #tpu.memory_space<semaphore_mem>>) {add = true}
        %lt3A_172 = arith.constant 248 : i32
        %lt3A_173 = arith.cmpi slt, %add3A_152, %lt3A_172 : i32
        %convert_element_type3A_174 = arith.extui %lt3A_173 : i1 to i32
        %cond3A_175 = arith.constant 0 : i32
        %cond3A_176 = arith.cmpi ne, %convert_element_type3A_174, %cond3A_175 : i32
        scf.if %cond3A_176 {
          %add3A_380 = arith.constant 0 : i32
          %add3A_381 = arith.addi %mul3A_9, %add3A_380 : i32
          %multiple_of3A_382 = tpu.assume_multiple %add3A_381, 8 : i32
          %dma_wait3A_383 = tpu.memref_slice %arg6[%multiple_of3A_382] : memref<320000xi32, #tpu.memory_space<hbm>> -> memref<80xi32, #tpu.memory_space<hbm>>
          %dma_wait3A_384 = tpu.memref_slice %arg6[%multiple_of3A_382] : memref<320000xi32, #tpu.memory_space<hbm>> -> memref<80xi32, #tpu.memory_space<hbm>>
          tpu.wait_dma2 semaphore(%arg33 : memref<!tpu.dma_semaphore, #tpu.memory_space<semaphore_mem>>) src(%dma_wait3A_384 : memref<80xi32, #tpu.memory_space<hbm>>) dst(%arg13 : memref<80xi32, #tpu.memory_space<vmem>>)
          %add3A_385 = arith.constant 0 : i32
          %add3A_386 = arith.addi %mul3A_9, %add3A_385 : i32
          %multiple_of3A_387 = tpu.assume_multiple %add3A_386, 8 : i32
          %dma_wait3A_388 = tpu.memref_slice %arg7[%multiple_of3A_387] : memref<320000xi32, #tpu.memory_space<hbm>> -> memref<80xi32, #tpu.memory_space<hbm>>
          %dma_wait3A_389 = tpu.memref_slice %arg7[%multiple_of3A_387] : memref<320000xi32, #tpu.memory_space<hbm>> -> memref<80xi32, #tpu.memory_space<hbm>>
          tpu.wait_dma2 semaphore(%arg33 : memref<!tpu.dma_semaphore, #tpu.memory_space<semaphore_mem>>) src(%dma_wait3A_389 : memref<80xi32, #tpu.memory_space<hbm>>) dst(%arg21 : memref<80xi32, #tpu.memory_space<vmem>>)
          %ge3A = arith.constant 2 : i32
          %ge3A_390 = arith.cmpi sge, %add3A_152, %ge3A : i32
          %convert_element_type3A_391 = arith.extui %ge3A_390 : i1 to i32
          %cond3A_392 = arith.constant 0 : i32
          %cond3A_393 = arith.cmpi ne, %convert_element_type3A_391, %cond3A_392 : i32
          scf.if %cond3A_393 {
            %dma_wait3A_410 = arith.constant 0 : i32
            %dma_wait3A_411 = arith.constant 0 : i32
            %dma_wait3A_412 = tpu.memref_slice %arg46[%dma_wait3A_410, %dma_wait3A_411] : memref<10240x128xf32, #tpu.memory_space<vmem_shared>> -> memref<10240x128xf32, #tpu.memory_space<vmem_shared>>
            tpu.wait_indirect_dma semaphore(%arg45 : memref<!tpu.dma_semaphore, #tpu.memory_space<semaphore_mem>>) src(%arg29 : memref<80x128xf32, #tpu.memory_space<vmem>>) dst(%dma_wait3A_412 : memref<10240x128xf32, #tpu.memory_space<vmem_shared>>)
          } else {
          }
          %dma_start3A_394 = arith.constant 0 : i32
          %dma_start3A_395 = arith.constant 0 : i32
          %dma_start3A_396 = tpu.memref_slice %arg29[%dma_start3A_394, %dma_start3A_395] : memref<80x128xf32, #tpu.memory_space<vmem>> -> memref<40x128xf32, #tpu.memory_space<vmem>>
          %dma_start3A_397 = arith.constant 0 : i32
          %dma_start3A_398 = tpu.memref_slice %arg13[%dma_start3A_397] : memref<80xi32, #tpu.memory_space<vmem>> -> memref<40xi32, #tpu.memory_space<vmem>>
          %dma_start3A_399 = arith.constant 0 : i32
          %dma_start3A_400 = arith.constant 0 : i32
          %dma_start3A_401 = tpu.memref_slice %arg3[%dma_start3A_399, %dma_start3A_400] : memref<10240x128xf32, #tpu.memory_space<hbm>> -> memref<10240x128xf32, #tpu.memory_space<hbm>>
          tpu.enqueue_indirect_dma source(%dma_start3A_401 : memref<10240x128xf32, #tpu.memory_space<hbm>>) target(%dma_start3A_396 : memref<40x128xf32, #tpu.memory_space<vmem>>) offsets(%dma_start3A_398 : memref<40xi32, #tpu.memory_space<vmem>>) semaphore(%arg41 : memref<!tpu.dma_semaphore, #tpu.memory_space<semaphore_mem>>)
          %dma_start3A_402 = arith.constant 40 : i32
          %dma_start3A_403 = arith.constant 0 : i32
          %dma_start3A_404 = tpu.memref_slice %arg29[%dma_start3A_402, %dma_start3A_403] : memref<80x128xf32, #tpu.memory_space<vmem>> -> memref<40x128xf32, #tpu.memory_space<vmem>>
          %dma_start3A_405 = arith.constant 40 : i32
          %dma_start3A_406 = tpu.memref_slice %arg13[%dma_start3A_405] : memref<80xi32, #tpu.memory_space<vmem>> -> memref<40xi32, #tpu.memory_space<vmem>>
          %dma_start3A_407 = arith.constant 0 : i32
          %dma_start3A_408 = arith.constant 0 : i32
          %dma_start3A_409 = tpu.memref_slice %arg3[%dma_start3A_407, %dma_start3A_408] : memref<10240x128xf32, #tpu.memory_space<hbm>> -> memref<10240x128xf32, #tpu.memory_space<hbm>>
          tpu.enqueue_indirect_dma source(%dma_start3A_409 : memref<10240x128xf32, #tpu.memory_space<hbm>>) target(%dma_start3A_404 : memref<40x128xf32, #tpu.memory_space<vmem>>) offsets(%dma_start3A_406 : memref<40xi32, #tpu.memory_space<vmem>>) semaphore(%arg41 : memref<!tpu.dma_semaphore, #tpu.memory_space<semaphore_mem>>)
        } else {
        }
        %lt3A_177 = arith.constant 247 : i32
        %lt3A_178 = arith.cmpi slt, %add3A_152, %lt3A_177 : i32
        %convert_element_type3A_179 = arith.extui %lt3A_178 : i1 to i32
        %cond3A_180 = arith.constant 0 : i32
        %cond3A_181 = arith.cmpi ne, %convert_element_type3A_179, %cond3A_180 : i32
        scf.if %cond3A_181 {
          %add3A_380 = arith.constant 3 : i32
          %add3A_381 = arith.addi %add3A_152, %add3A_380 : i32
          %mul3A_382 = arith.constant 80 : i32
          %mul3A_383 = arith.muli %add3A_381, %mul3A_382 : i32
          %add3A_384 = arith.addi %mul3A_9, %mul3A_383 : i32
          %multiple_of3A_385 = tpu.assume_multiple %add3A_384, 8 : i32
          %dma_start3A_386 = tpu.memref_slice %arg6[%multiple_of3A_385] : memref<320000xi32, #tpu.memory_space<hbm>> -> memref<80xi32, #tpu.memory_space<hbm>>
          %dma_start3A_387 = tpu.memref_slice %arg6[%multiple_of3A_385] : memref<320000xi32, #tpu.memory_space<hbm>> -> memref<80xi32, #tpu.memory_space<hbm>>
          tpu.enqueue_dma source(%dma_start3A_387 : memref<80xi32, #tpu.memory_space<hbm>>) target(%arg14 : memref<80xi32, #tpu.memory_space<vmem>>) target_semaphore(%arg34 : memref<!tpu.dma_semaphore, #tpu.memory_space<semaphore_mem>>)
          %add3A_388 = arith.constant 3 : i32
          %add3A_389 = arith.addi %add3A_152, %add3A_388 : i32
          %mul3A_390 = arith.constant 80 : i32
          %mul3A_391 = arith.muli %add3A_389, %mul3A_390 : i32
          %add3A_392 = arith.addi %mul3A_9, %mul3A_391 : i32
          %multiple_of3A_393 = tpu.assume_multiple %add3A_392, 8 : i32
          %dma_start3A_394 = tpu.memref_slice %arg7[%multiple_of3A_393] : memref<320000xi32, #tpu.memory_space<hbm>> -> memref<80xi32, #tpu.memory_space<hbm>>
          %dma_start3A_395 = tpu.memref_slice %arg7[%multiple_of3A_393] : memref<320000xi32, #tpu.memory_space<hbm>> -> memref<80xi32, #tpu.memory_space<hbm>>
          tpu.enqueue_dma source(%dma_start3A_395 : memref<80xi32, #tpu.memory_space<hbm>>) target(%arg22 : memref<80xi32, #tpu.memory_space<vmem>>) target_semaphore(%arg34 : memref<!tpu.dma_semaphore, #tpu.memory_space<semaphore_mem>>)
        } else {
        }
        %mul3A_182 = arith.constant 8 : i32
        %mul3A_183 = arith.muli %scan3A_116, %mul3A_182 : i32
        %add3A_184 = arith.constant 2 : i32
        %add3A_185 = arith.addi %mul3A_183, %add3A_184 : i32
        %dma_wait3A_186 = arith.constant 0 : i32
        %dma_wait3A_187 = arith.constant 0 : i32
        %dma_wait3A_188 = tpu.memref_slice %arg28[%dma_wait3A_186, %dma_wait3A_187] : memref<80x128xf32, #tpu.memory_space<vmem>> -> memref<40x128xf32, #tpu.memory_space<vmem>>
        %dma_wait3A_189 = arith.constant 0 : i32
        %dma_wait3A_190 = tpu.memref_slice %arg12[%dma_wait3A_189] : memref<80xi32, #tpu.memory_space<vmem>> -> memref<40xi32, #tpu.memory_space<vmem>>
        %dma_wait3A_191 = arith.constant 0 : i32
        %dma_wait3A_192 = arith.constant 0 : i32
        %dma_wait3A_193 = tpu.memref_slice %arg3[%dma_wait3A_191, %dma_wait3A_192] : memref<10240x128xf32, #tpu.memory_space<hbm>> -> memref<10240x128xf32, #tpu.memory_space<hbm>>
        tpu.wait_indirect_dma semaphore(%arg40 : memref<!tpu.dma_semaphore, #tpu.memory_space<semaphore_mem>>) src(%dma_wait3A_193 : memref<10240x128xf32, #tpu.memory_space<hbm>>) dst(%dma_wait3A_188 : memref<40x128xf32, #tpu.memory_space<vmem>>)
        %dma_wait3A_194 = arith.constant 0 : i32
        %dma_wait3A_195 = arith.constant 0 : i32
        %dma_wait3A_196 = tpu.memref_slice %arg28[%dma_wait3A_194, %dma_wait3A_195] : memref<80x128xf32, #tpu.memory_space<vmem>> -> memref<40x128xf32, #tpu.memory_space<vmem>>
        %dma_wait3A_197 = arith.constant 0 : i32
        %dma_wait3A_198 = tpu.memref_slice %arg12[%dma_wait3A_197] : memref<80xi32, #tpu.memory_space<vmem>> -> memref<40xi32, #tpu.memory_space<vmem>>
        %dma_wait3A_199 = arith.constant 0 : i32
        %dma_wait3A_200 = arith.constant 0 : i32
        %dma_wait3A_201 = tpu.memref_slice %arg3[%dma_wait3A_199, %dma_wait3A_200] : memref<10240x128xf32, #tpu.memory_space<hbm>> -> memref<10240x128xf32, #tpu.memory_space<hbm>>
        tpu.wait_indirect_dma semaphore(%arg40 : memref<!tpu.dma_semaphore, #tpu.memory_space<semaphore_mem>>) src(%dma_wait3A_201 : memref<10240x128xf32, #tpu.memory_space<hbm>>) dst(%dma_wait3A_196 : memref<40x128xf32, #tpu.memory_space<vmem>>)
        %dma_start3A_202 = arith.constant 0 : i32
        %dma_start3A_203 = arith.constant 0 : i32
        %dma_start3A_204 = tpu.memref_slice %arg46[%dma_start3A_202, %dma_start3A_203] : memref<10240x128xf32, #tpu.memory_space<vmem_shared>> -> memref<10240x128xf32, #tpu.memory_space<vmem_shared>>
        tpu.enqueue_indirect_dma source(%arg28 : memref<80x128xf32, #tpu.memory_space<vmem>>) target(%dma_start3A_204 : memref<10240x128xf32, #tpu.memory_space<vmem_shared>>) offsets(%arg20 : memref<80xi32, #tpu.memory_space<vmem>>) semaphore(%arg44 : memref<!tpu.dma_semaphore, #tpu.memory_space<semaphore_mem>>) {add = true}
        %lt3A_205 = arith.constant 248 : i32
        %lt3A_206 = arith.cmpi slt, %add3A_185, %lt3A_205 : i32
        %convert_element_type3A_207 = arith.extui %lt3A_206 : i1 to i32
        %cond3A_208 = arith.constant 0 : i32
        %cond3A_209 = arith.cmpi ne, %convert_element_type3A_207, %cond3A_208 : i32
        scf.if %cond3A_209 {
          %add3A_380 = arith.constant 0 : i32
          %add3A_381 = arith.addi %mul3A_9, %add3A_380 : i32
          %multiple_of3A_382 = tpu.assume_multiple %add3A_381, 8 : i32
          %dma_wait3A_383 = tpu.memref_slice %arg6[%multiple_of3A_382] : memref<320000xi32, #tpu.memory_space<hbm>> -> memref<80xi32, #tpu.memory_space<hbm>>
          %dma_wait3A_384 = tpu.memref_slice %arg6[%multiple_of3A_382] : memref<320000xi32, #tpu.memory_space<hbm>> -> memref<80xi32, #tpu.memory_space<hbm>>
          tpu.wait_dma2 semaphore(%arg34 : memref<!tpu.dma_semaphore, #tpu.memory_space<semaphore_mem>>) src(%dma_wait3A_384 : memref<80xi32, #tpu.memory_space<hbm>>) dst(%arg14 : memref<80xi32, #tpu.memory_space<vmem>>)
          %add3A_385 = arith.constant 0 : i32
          %add3A_386 = arith.addi %mul3A_9, %add3A_385 : i32
          %multiple_of3A_387 = tpu.assume_multiple %add3A_386, 8 : i32
          %dma_wait3A_388 = tpu.memref_slice %arg7[%multiple_of3A_387] : memref<320000xi32, #tpu.memory_space<hbm>> -> memref<80xi32, #tpu.memory_space<hbm>>
          %dma_wait3A_389 = tpu.memref_slice %arg7[%multiple_of3A_387] : memref<320000xi32, #tpu.memory_space<hbm>> -> memref<80xi32, #tpu.memory_space<hbm>>
          tpu.wait_dma2 semaphore(%arg34 : memref<!tpu.dma_semaphore, #tpu.memory_space<semaphore_mem>>) src(%dma_wait3A_389 : memref<80xi32, #tpu.memory_space<hbm>>) dst(%arg22 : memref<80xi32, #tpu.memory_space<vmem>>)
          %ge3A = arith.constant 2 : i32
          %ge3A_390 = arith.cmpi sge, %add3A_185, %ge3A : i32
          %convert_element_type3A_391 = arith.extui %ge3A_390 : i1 to i32
          %cond3A_392 = arith.constant 0 : i32
          %cond3A_393 = arith.cmpi ne, %convert_element_type3A_391, %cond3A_392 : i32
          scf.if %cond3A_393 {
            %dma_wait3A_410 = arith.constant 0 : i32
            %dma_wait3A_411 = arith.constant 0 : i32
            %dma_wait3A_412 = tpu.memref_slice %arg46[%dma_wait3A_410, %dma_wait3A_411] : memref<10240x128xf32, #tpu.memory_space<vmem_shared>> -> memref<10240x128xf32, #tpu.memory_space<vmem_shared>>
            tpu.wait_indirect_dma semaphore(%arg42 : memref<!tpu.dma_semaphore, #tpu.memory_space<semaphore_mem>>) src(%arg26 : memref<80x128xf32, #tpu.memory_space<vmem>>) dst(%dma_wait3A_412 : memref<10240x128xf32, #tpu.memory_space<vmem_shared>>)
          } else {
          }
          %dma_start3A_394 = arith.constant 0 : i32
          %dma_start3A_395 = arith.constant 0 : i32
          %dma_start3A_396 = tpu.memref_slice %arg26[%dma_start3A_394, %dma_start3A_395] : memref<80x128xf32, #tpu.memory_space<vmem>> -> memref<40x128xf32, #tpu.memory_space<vmem>>
          %dma_start3A_397 = arith.constant 0 : i32
          %dma_start3A_398 = tpu.memref_slice %arg14[%dma_start3A_397] : memref<80xi32, #tpu.memory_space<vmem>> -> memref<40xi32, #tpu.memory_space<vmem>>
          %dma_start3A_399 = arith.constant 0 : i32
          %dma_start3A_400 = arith.constant 0 : i32
          %dma_start3A_401 = tpu.memref_slice %arg3[%dma_start3A_399, %dma_start3A_400] : memref<10240x128xf32, #tpu.memory_space<hbm>> -> memref<10240x128xf32, #tpu.memory_space<hbm>>
          tpu.enqueue_indirect_dma source(%dma_start3A_401 : memref<10240x128xf32, #tpu.memory_space<hbm>>) target(%dma_start3A_396 : memref<40x128xf32, #tpu.memory_space<vmem>>) offsets(%dma_start3A_398 : memref<40xi32, #tpu.memory_space<vmem>>) semaphore(%arg38 : memref<!tpu.dma_semaphore, #tpu.memory_space<semaphore_mem>>)
          %dma_start3A_402 = arith.constant 40 : i32
          %dma_start3A_403 = arith.constant 0 : i32
          %dma_start3A_404 = tpu.memref_slice %arg26[%dma_start3A_402, %dma_start3A_403] : memref<80x128xf32, #tpu.memory_space<vmem>> -> memref<40x128xf32, #tpu.memory_space<vmem>>
          %dma_start3A_405 = arith.constant 40 : i32
          %dma_start3A_406 = tpu.memref_slice %arg14[%dma_start3A_405] : memref<80xi32, #tpu.memory_space<vmem>> -> memref<40xi32, #tpu.memory_space<vmem>>
          %dma_start3A_407 = arith.constant 0 : i32
          %dma_start3A_408 = arith.constant 0 : i32
          %dma_start3A_409 = tpu.memref_slice %arg3[%dma_start3A_407, %dma_start3A_408] : memref<10240x128xf32, #tpu.memory_space<hbm>> -> memref<10240x128xf32, #tpu.memory_space<hbm>>
          tpu.enqueue_indirect_dma source(%dma_start3A_409 : memref<10240x128xf32, #tpu.memory_space<hbm>>) target(%dma_start3A_404 : memref<40x128xf32, #tpu.memory_space<vmem>>) offsets(%dma_start3A_406 : memref<40xi32, #tpu.memory_space<vmem>>) semaphore(%arg38 : memref<!tpu.dma_semaphore, #tpu.memory_space<semaphore_mem>>)
        } else {
        }
        %lt3A_210 = arith.constant 247 : i32
        %lt3A_211 = arith.cmpi slt, %add3A_185, %lt3A_210 : i32
        %convert_element_type3A_212 = arith.extui %lt3A_211 : i1 to i32
        %cond3A_213 = arith.constant 0 : i32
        %cond3A_214 = arith.cmpi ne, %convert_element_type3A_212, %cond3A_213 : i32
        scf.if %cond3A_214 {
          %add3A_380 = arith.constant 3 : i32
          %add3A_381 = arith.addi %add3A_185, %add3A_380 : i32
          %mul3A_382 = arith.constant 80 : i32
          %mul3A_383 = arith.muli %add3A_381, %mul3A_382 : i32
          %add3A_384 = arith.addi %mul3A_9, %mul3A_383 : i32
          %multiple_of3A_385 = tpu.assume_multiple %add3A_384, 8 : i32
          %dma_start3A_386 = tpu.memref_slice %arg6[%multiple_of3A_385] : memref<320000xi32, #tpu.memory_space<hbm>> -> memref<80xi32, #tpu.memory_space<hbm>>
          %dma_start3A_387 = tpu.memref_slice %arg6[%multiple_of3A_385] : memref<320000xi32, #tpu.memory_space<hbm>> -> memref<80xi32, #tpu.memory_space<hbm>>
          tpu.enqueue_dma source(%dma_start3A_387 : memref<80xi32, #tpu.memory_space<hbm>>) target(%arg15 : memref<80xi32, #tpu.memory_space<vmem>>) target_semaphore(%arg35 : memref<!tpu.dma_semaphore, #tpu.memory_space<semaphore_mem>>)
          %add3A_388 = arith.constant 3 : i32
          %add3A_389 = arith.addi %add3A_185, %add3A_388 : i32
          %mul3A_390 = arith.constant 80 : i32
          %mul3A_391 = arith.muli %add3A_389, %mul3A_390 : i32
          %add3A_392 = arith.addi %mul3A_9, %mul3A_391 : i32
          %multiple_of3A_393 = tpu.assume_multiple %add3A_392, 8 : i32
          %dma_start3A_394 = tpu.memref_slice %arg7[%multiple_of3A_393] : memref<320000xi32, #tpu.memory_space<hbm>> -> memref<80xi32, #tpu.memory_space<hbm>>
          %dma_start3A_395 = tpu.memref_slice %arg7[%multiple_of3A_393] : memref<320000xi32, #tpu.memory_space<hbm>> -> memref<80xi32, #tpu.memory_space<hbm>>
          tpu.enqueue_dma source(%dma_start3A_395 : memref<80xi32, #tpu.memory_space<hbm>>) target(%arg23 : memref<80xi32, #tpu.memory_space<vmem>>) target_semaphore(%arg35 : memref<!tpu.dma_semaphore, #tpu.memory_space<semaphore_mem>>)
        } else {
        }
        %mul3A_215 = arith.constant 8 : i32
        %mul3A_216 = arith.muli %scan3A_116, %mul3A_215 : i32
        %add3A_217 = arith.constant 3 : i32
        %add3A_218 = arith.addi %mul3A_216, %add3A_217 : i32
        %dma_wait3A_219 = arith.constant 0 : i32
        %dma_wait3A_220 = arith.constant 0 : i32
        %dma_wait3A_221 = tpu.memref_slice %arg29[%dma_wait3A_219, %dma_wait3A_220] : memref<80x128xf32, #tpu.memory_space<vmem>> -> memref<40x128xf32, #tpu.memory_space<vmem>>
        %dma_wait3A_222 = arith.constant 0 : i32
        %dma_wait3A_223 = tpu.memref_slice %arg13[%dma_wait3A_222] : memref<80xi32, #tpu.memory_space<vmem>> -> memref<40xi32, #tpu.memory_space<vmem>>
        %dma_wait3A_224 = arith.constant 0 : i32
        %dma_wait3A_225 = arith.constant 0 : i32
        %dma_wait3A_226 = tpu.memref_slice %arg3[%dma_wait3A_224, %dma_wait3A_225] : memref<10240x128xf32, #tpu.memory_space<hbm>> -> memref<10240x128xf32, #tpu.memory_space<hbm>>
        tpu.wait_indirect_dma semaphore(%arg41 : memref<!tpu.dma_semaphore, #tpu.memory_space<semaphore_mem>>) src(%dma_wait3A_226 : memref<10240x128xf32, #tpu.memory_space<hbm>>) dst(%dma_wait3A_221 : memref<40x128xf32, #tpu.memory_space<vmem>>)
        %dma_wait3A_227 = arith.constant 0 : i32
        %dma_wait3A_228 = arith.constant 0 : i32
        %dma_wait3A_229 = tpu.memref_slice %arg29[%dma_wait3A_227, %dma_wait3A_228] : memref<80x128xf32, #tpu.memory_space<vmem>> -> memref<40x128xf32, #tpu.memory_space<vmem>>
        %dma_wait3A_230 = arith.constant 0 : i32
        %dma_wait3A_231 = tpu.memref_slice %arg13[%dma_wait3A_230] : memref<80xi32, #tpu.memory_space<vmem>> -> memref<40xi32, #tpu.memory_space<vmem>>
        %dma_wait3A_232 = arith.constant 0 : i32
        %dma_wait3A_233 = arith.constant 0 : i32
        %dma_wait3A_234 = tpu.memref_slice %arg3[%dma_wait3A_232, %dma_wait3A_233] : memref<10240x128xf32, #tpu.memory_space<hbm>> -> memref<10240x128xf32, #tpu.memory_space<hbm>>
        tpu.wait_indirect_dma semaphore(%arg41 : memref<!tpu.dma_semaphore, #tpu.memory_space<semaphore_mem>>) src(%dma_wait3A_234 : memref<10240x128xf32, #tpu.memory_space<hbm>>) dst(%dma_wait3A_229 : memref<40x128xf32, #tpu.memory_space<vmem>>)
        %dma_start3A_235 = arith.constant 0 : i32
        %dma_start3A_236 = arith.constant 0 : i32
        %dma_start3A_237 = tpu.memref_slice %arg46[%dma_start3A_235, %dma_start3A_236] : memref<10240x128xf32, #tpu.memory_space<vmem_shared>> -> memref<10240x128xf32, #tpu.memory_space<vmem_shared>>
        tpu.enqueue_indirect_dma source(%arg29 : memref<80x128xf32, #tpu.memory_space<vmem>>) target(%dma_start3A_237 : memref<10240x128xf32, #tpu.memory_space<vmem_shared>>) offsets(%arg21 : memref<80xi32, #tpu.memory_space<vmem>>) semaphore(%arg45 : memref<!tpu.dma_semaphore, #tpu.memory_space<semaphore_mem>>) {add = true}
        %lt3A_238 = arith.constant 248 : i32
        %lt3A_239 = arith.cmpi slt, %add3A_218, %lt3A_238 : i32
        %convert_element_type3A_240 = arith.extui %lt3A_239 : i1 to i32
        %cond3A_241 = arith.constant 0 : i32
        %cond3A_242 = arith.cmpi ne, %convert_element_type3A_240, %cond3A_241 : i32
        scf.if %cond3A_242 {
          %add3A_380 = arith.constant 0 : i32
          %add3A_381 = arith.addi %mul3A_9, %add3A_380 : i32
          %multiple_of3A_382 = tpu.assume_multiple %add3A_381, 8 : i32
          %dma_wait3A_383 = tpu.memref_slice %arg6[%multiple_of3A_382] : memref<320000xi32, #tpu.memory_space<hbm>> -> memref<80xi32, #tpu.memory_space<hbm>>
          %dma_wait3A_384 = tpu.memref_slice %arg6[%multiple_of3A_382] : memref<320000xi32, #tpu.memory_space<hbm>> -> memref<80xi32, #tpu.memory_space<hbm>>
          tpu.wait_dma2 semaphore(%arg35 : memref<!tpu.dma_semaphore, #tpu.memory_space<semaphore_mem>>) src(%dma_wait3A_384 : memref<80xi32, #tpu.memory_space<hbm>>) dst(%arg15 : memref<80xi32, #tpu.memory_space<vmem>>)
          %add3A_385 = arith.constant 0 : i32
          %add3A_386 = arith.addi %mul3A_9, %add3A_385 : i32
          %multiple_of3A_387 = tpu.assume_multiple %add3A_386, 8 : i32
          %dma_wait3A_388 = tpu.memref_slice %arg7[%multiple_of3A_387] : memref<320000xi32, #tpu.memory_space<hbm>> -> memref<80xi32, #tpu.memory_space<hbm>>
          %dma_wait3A_389 = tpu.memref_slice %arg7[%multiple_of3A_387] : memref<320000xi32, #tpu.memory_space<hbm>> -> memref<80xi32, #tpu.memory_space<hbm>>
          tpu.wait_dma2 semaphore(%arg35 : memref<!tpu.dma_semaphore, #tpu.memory_space<semaphore_mem>>) src(%dma_wait3A_389 : memref<80xi32, #tpu.memory_space<hbm>>) dst(%arg23 : memref<80xi32, #tpu.memory_space<vmem>>)
          %ge3A = arith.constant 2 : i32
          %ge3A_390 = arith.cmpi sge, %add3A_218, %ge3A : i32
          %convert_element_type3A_391 = arith.extui %ge3A_390 : i1 to i32
          %cond3A_392 = arith.constant 0 : i32
          %cond3A_393 = arith.cmpi ne, %convert_element_type3A_391, %cond3A_392 : i32
          scf.if %cond3A_393 {
            %dma_wait3A_410 = arith.constant 0 : i32
            %dma_wait3A_411 = arith.constant 0 : i32
            %dma_wait3A_412 = tpu.memref_slice %arg46[%dma_wait3A_410, %dma_wait3A_411] : memref<10240x128xf32, #tpu.memory_space<vmem_shared>> -> memref<10240x128xf32, #tpu.memory_space<vmem_shared>>
            tpu.wait_indirect_dma semaphore(%arg43 : memref<!tpu.dma_semaphore, #tpu.memory_space<semaphore_mem>>) src(%arg27 : memref<80x128xf32, #tpu.memory_space<vmem>>) dst(%dma_wait3A_412 : memref<10240x128xf32, #tpu.memory_space<vmem_shared>>)
          } else {
          }
          %dma_start3A_394 = arith.constant 0 : i32
          %dma_start3A_395 = arith.constant 0 : i32
          %dma_start3A_396 = tpu.memref_slice %arg27[%dma_start3A_394, %dma_start3A_395] : memref<80x128xf32, #tpu.memory_space<vmem>> -> memref<40x128xf32, #tpu.memory_space<vmem>>
          %dma_start3A_397 = arith.constant 0 : i32
          %dma_start3A_398 = tpu.memref_slice %arg15[%dma_start3A_397] : memref<80xi32, #tpu.memory_space<vmem>> -> memref<40xi32, #tpu.memory_space<vmem>>
          %dma_start3A_399 = arith.constant 0 : i32
          %dma_start3A_400 = arith.constant 0 : i32
          %dma_start3A_401 = tpu.memref_slice %arg3[%dma_start3A_399, %dma_start3A_400] : memref<10240x128xf32, #tpu.memory_space<hbm>> -> memref<10240x128xf32, #tpu.memory_space<hbm>>
          tpu.enqueue_indirect_dma source(%dma_start3A_401 : memref<10240x128xf32, #tpu.memory_space<hbm>>) target(%dma_start3A_396 : memref<40x128xf32, #tpu.memory_space<vmem>>) offsets(%dma_start3A_398 : memref<40xi32, #tpu.memory_space<vmem>>) semaphore(%arg39 : memref<!tpu.dma_semaphore, #tpu.memory_space<semaphore_mem>>)
          %dma_start3A_402 = arith.constant 40 : i32
          %dma_start3A_403 = arith.constant 0 : i32
          %dma_start3A_404 = tpu.memref_slice %arg27[%dma_start3A_402, %dma_start3A_403] : memref<80x128xf32, #tpu.memory_space<vmem>> -> memref<40x128xf32, #tpu.memory_space<vmem>>
          %dma_start3A_405 = arith.constant 40 : i32
          %dma_start3A_406 = tpu.memref_slice %arg15[%dma_start3A_405] : memref<80xi32, #tpu.memory_space<vmem>> -> memref<40xi32, #tpu.memory_space<vmem>>
          %dma_start3A_407 = arith.constant 0 : i32
          %dma_start3A_408 = arith.constant 0 : i32
          %dma_start3A_409 = tpu.memref_slice %arg3[%dma_start3A_407, %dma_start3A_408] : memref<10240x128xf32, #tpu.memory_space<hbm>> -> memref<10240x128xf32, #tpu.memory_space<hbm>>
          tpu.enqueue_indirect_dma source(%dma_start3A_409 : memref<10240x128xf32, #tpu.memory_space<hbm>>) target(%dma_start3A_404 : memref<40x128xf32, #tpu.memory_space<vmem>>) offsets(%dma_start3A_406 : memref<40xi32, #tpu.memory_space<vmem>>) semaphore(%arg39 : memref<!tpu.dma_semaphore, #tpu.memory_space<semaphore_mem>>)
        } else {
        }
        %lt3A_243 = arith.constant 247 : i32
        %lt3A_244 = arith.cmpi slt, %add3A_218, %lt3A_243 : i32
        %convert_element_type3A_245 = arith.extui %lt3A_244 : i1 to i32
        %cond3A_246 = arith.constant 0 : i32
        %cond3A_247 = arith.cmpi ne, %convert_element_type3A_245, %cond3A_246 : i32
        scf.if %cond3A_247 {
          %add3A_380 = arith.constant 3 : i32
          %add3A_381 = arith.addi %add3A_218, %add3A_380 : i32
          %mul3A_382 = arith.constant 80 : i32
          %mul3A_383 = arith.muli %add3A_381, %mul3A_382 : i32
          %add3A_384 = arith.addi %mul3A_9, %mul3A_383 : i32
          %multiple_of3A_385 = tpu.assume_multiple %add3A_384, 8 : i32
          %dma_start3A_386 = tpu.memref_slice %arg6[%multiple_of3A_385] : memref<320000xi32, #tpu.memory_space<hbm>> -> memref<80xi32, #tpu.memory_space<hbm>>
          %dma_start3A_387 = tpu.memref_slice %arg6[%multiple_of3A_385] : memref<320000xi32, #tpu.memory_space<hbm>> -> memref<80xi32, #tpu.memory_space<hbm>>
          tpu.enqueue_dma source(%dma_start3A_387 : memref<80xi32, #tpu.memory_space<hbm>>) target(%arg16 : memref<80xi32, #tpu.memory_space<vmem>>) target_semaphore(%arg36 : memref<!tpu.dma_semaphore, #tpu.memory_space<semaphore_mem>>)
          %add3A_388 = arith.constant 3 : i32
          %add3A_389 = arith.addi %add3A_218, %add3A_388 : i32
          %mul3A_390 = arith.constant 80 : i32
          %mul3A_391 = arith.muli %add3A_389, %mul3A_390 : i32
          %add3A_392 = arith.addi %mul3A_9, %mul3A_391 : i32
          %multiple_of3A_393 = tpu.assume_multiple %add3A_392, 8 : i32
          %dma_start3A_394 = tpu.memref_slice %arg7[%multiple_of3A_393] : memref<320000xi32, #tpu.memory_space<hbm>> -> memref<80xi32, #tpu.memory_space<hbm>>
          %dma_start3A_395 = tpu.memref_slice %arg7[%multiple_of3A_393] : memref<320000xi32, #tpu.memory_space<hbm>> -> memref<80xi32, #tpu.memory_space<hbm>>
          tpu.enqueue_dma source(%dma_start3A_395 : memref<80xi32, #tpu.memory_space<hbm>>) target(%arg24 : memref<80xi32, #tpu.memory_space<vmem>>) target_semaphore(%arg36 : memref<!tpu.dma_semaphore, #tpu.memory_space<semaphore_mem>>)
        } else {
        }
        %mul3A_248 = arith.constant 8 : i32
        %mul3A_249 = arith.muli %scan3A_116, %mul3A_248 : i32
        %add3A_250 = arith.constant 4 : i32
        %add3A_251 = arith.addi %mul3A_249, %add3A_250 : i32
        %dma_wait3A_252 = arith.constant 0 : i32
        %dma_wait3A_253 = arith.constant 0 : i32
        %dma_wait3A_254 = tpu.memref_slice %arg26[%dma_wait3A_252, %dma_wait3A_253] : memref<80x128xf32, #tpu.memory_space<vmem>> -> memref<40x128xf32, #tpu.memory_space<vmem>>
        %dma_wait3A_255 = arith.constant 0 : i32
        %dma_wait3A_256 = tpu.memref_slice %arg10[%dma_wait3A_255] : memref<80xi32, #tpu.memory_space<vmem>> -> memref<40xi32, #tpu.memory_space<vmem>>
        %dma_wait3A_257 = arith.constant 0 : i32
        %dma_wait3A_258 = arith.constant 0 : i32
        %dma_wait3A_259 = tpu.memref_slice %arg3[%dma_wait3A_257, %dma_wait3A_258] : memref<10240x128xf32, #tpu.memory_space<hbm>> -> memref<10240x128xf32, #tpu.memory_space<hbm>>
        tpu.wait_indirect_dma semaphore(%arg38 : memref<!tpu.dma_semaphore, #tpu.memory_space<semaphore_mem>>) src(%dma_wait3A_259 : memref<10240x128xf32, #tpu.memory_space<hbm>>) dst(%dma_wait3A_254 : memref<40x128xf32, #tpu.memory_space<vmem>>)
        %dma_wait3A_260 = arith.constant 0 : i32
        %dma_wait3A_261 = arith.constant 0 : i32
        %dma_wait3A_262 = tpu.memref_slice %arg26[%dma_wait3A_260, %dma_wait3A_261] : memref<80x128xf32, #tpu.memory_space<vmem>> -> memref<40x128xf32, #tpu.memory_space<vmem>>
        %dma_wait3A_263 = arith.constant 0 : i32
        %dma_wait3A_264 = tpu.memref_slice %arg10[%dma_wait3A_263] : memref<80xi32, #tpu.memory_space<vmem>> -> memref<40xi32, #tpu.memory_space<vmem>>
        %dma_wait3A_265 = arith.constant 0 : i32
        %dma_wait3A_266 = arith.constant 0 : i32
        %dma_wait3A_267 = tpu.memref_slice %arg3[%dma_wait3A_265, %dma_wait3A_266] : memref<10240x128xf32, #tpu.memory_space<hbm>> -> memref<10240x128xf32, #tpu.memory_space<hbm>>
        tpu.wait_indirect_dma semaphore(%arg38 : memref<!tpu.dma_semaphore, #tpu.memory_space<semaphore_mem>>) src(%dma_wait3A_267 : memref<10240x128xf32, #tpu.memory_space<hbm>>) dst(%dma_wait3A_262 : memref<40x128xf32, #tpu.memory_space<vmem>>)
        %dma_start3A_268 = arith.constant 0 : i32
        %dma_start3A_269 = arith.constant 0 : i32
        %dma_start3A_270 = tpu.memref_slice %arg46[%dma_start3A_268, %dma_start3A_269] : memref<10240x128xf32, #tpu.memory_space<vmem_shared>> -> memref<10240x128xf32, #tpu.memory_space<vmem_shared>>
        tpu.enqueue_indirect_dma source(%arg26 : memref<80x128xf32, #tpu.memory_space<vmem>>) target(%dma_start3A_270 : memref<10240x128xf32, #tpu.memory_space<vmem_shared>>) offsets(%arg22 : memref<80xi32, #tpu.memory_space<vmem>>) semaphore(%arg42 : memref<!tpu.dma_semaphore, #tpu.memory_space<semaphore_mem>>) {add = true}
        %lt3A_271 = arith.constant 248 : i32
        %lt3A_272 = arith.cmpi slt, %add3A_251, %lt3A_271 : i32
        %convert_element_type3A_273 = arith.extui %lt3A_272 : i1 to i32
        %cond3A_274 = arith.constant 0 : i32
        %cond3A_275 = arith.cmpi ne, %convert_element_type3A_273, %cond3A_274 : i32
        scf.if %cond3A_275 {
          %add3A_380 = arith.constant 0 : i32
          %add3A_381 = arith.addi %mul3A_9, %add3A_380 : i32
          %multiple_of3A_382 = tpu.assume_multiple %add3A_381, 8 : i32
          %dma_wait3A_383 = tpu.memref_slice %arg6[%multiple_of3A_382] : memref<320000xi32, #tpu.memory_space<hbm>> -> memref<80xi32, #tpu.memory_space<hbm>>
          %dma_wait3A_384 = tpu.memref_slice %arg6[%multiple_of3A_382] : memref<320000xi32, #tpu.memory_space<hbm>> -> memref<80xi32, #tpu.memory_space<hbm>>
          tpu.wait_dma2 semaphore(%arg36 : memref<!tpu.dma_semaphore, #tpu.memory_space<semaphore_mem>>) src(%dma_wait3A_384 : memref<80xi32, #tpu.memory_space<hbm>>) dst(%arg16 : memref<80xi32, #tpu.memory_space<vmem>>)
          %add3A_385 = arith.constant 0 : i32
          %add3A_386 = arith.addi %mul3A_9, %add3A_385 : i32
          %multiple_of3A_387 = tpu.assume_multiple %add3A_386, 8 : i32
          %dma_wait3A_388 = tpu.memref_slice %arg7[%multiple_of3A_387] : memref<320000xi32, #tpu.memory_space<hbm>> -> memref<80xi32, #tpu.memory_space<hbm>>
          %dma_wait3A_389 = tpu.memref_slice %arg7[%multiple_of3A_387] : memref<320000xi32, #tpu.memory_space<hbm>> -> memref<80xi32, #tpu.memory_space<hbm>>
          tpu.wait_dma2 semaphore(%arg36 : memref<!tpu.dma_semaphore, #tpu.memory_space<semaphore_mem>>) src(%dma_wait3A_389 : memref<80xi32, #tpu.memory_space<hbm>>) dst(%arg24 : memref<80xi32, #tpu.memory_space<vmem>>)
          %ge3A = arith.constant 2 : i32
          %ge3A_390 = arith.cmpi sge, %add3A_251, %ge3A : i32
          %convert_element_type3A_391 = arith.extui %ge3A_390 : i1 to i32
          %cond3A_392 = arith.constant 0 : i32
          %cond3A_393 = arith.cmpi ne, %convert_element_type3A_391, %cond3A_392 : i32
          scf.if %cond3A_393 {
            %dma_wait3A_410 = arith.constant 0 : i32
            %dma_wait3A_411 = arith.constant 0 : i32
            %dma_wait3A_412 = tpu.memref_slice %arg46[%dma_wait3A_410, %dma_wait3A_411] : memref<10240x128xf32, #tpu.memory_space<vmem_shared>> -> memref<10240x128xf32, #tpu.memory_space<vmem_shared>>
            tpu.wait_indirect_dma semaphore(%arg44 : memref<!tpu.dma_semaphore, #tpu.memory_space<semaphore_mem>>) src(%arg28 : memref<80x128xf32, #tpu.memory_space<vmem>>) dst(%dma_wait3A_412 : memref<10240x128xf32, #tpu.memory_space<vmem_shared>>)
          } else {
          }
          %dma_start3A_394 = arith.constant 0 : i32
          %dma_start3A_395 = arith.constant 0 : i32
          %dma_start3A_396 = tpu.memref_slice %arg28[%dma_start3A_394, %dma_start3A_395] : memref<80x128xf32, #tpu.memory_space<vmem>> -> memref<40x128xf32, #tpu.memory_space<vmem>>
          %dma_start3A_397 = arith.constant 0 : i32
          %dma_start3A_398 = tpu.memref_slice %arg16[%dma_start3A_397] : memref<80xi32, #tpu.memory_space<vmem>> -> memref<40xi32, #tpu.memory_space<vmem>>
          %dma_start3A_399 = arith.constant 0 : i32
          %dma_start3A_400 = arith.constant 0 : i32
          %dma_start3A_401 = tpu.memref_slice %arg3[%dma_start3A_399, %dma_start3A_400] : memref<10240x128xf32, #tpu.memory_space<hbm>> -> memref<10240x128xf32, #tpu.memory_space<hbm>>
          tpu.enqueue_indirect_dma source(%dma_start3A_401 : memref<10240x128xf32, #tpu.memory_space<hbm>>) target(%dma_start3A_396 : memref<40x128xf32, #tpu.memory_space<vmem>>) offsets(%dma_start3A_398 : memref<40xi32, #tpu.memory_space<vmem>>) semaphore(%arg40 : memref<!tpu.dma_semaphore, #tpu.memory_space<semaphore_mem>>)
          %dma_start3A_402 = arith.constant 40 : i32
          %dma_start3A_403 = arith.constant 0 : i32
          %dma_start3A_404 = tpu.memref_slice %arg28[%dma_start3A_402, %dma_start3A_403] : memref<80x128xf32, #tpu.memory_space<vmem>> -> memref<40x128xf32, #tpu.memory_space<vmem>>
          %dma_start3A_405 = arith.constant 40 : i32
          %dma_start3A_406 = tpu.memref_slice %arg16[%dma_start3A_405] : memref<80xi32, #tpu.memory_space<vmem>> -> memref<40xi32, #tpu.memory_space<vmem>>
          %dma_start3A_407 = arith.constant 0 : i32
          %dma_start3A_408 = arith.constant 0 : i32
          %dma_start3A_409 = tpu.memref_slice %arg3[%dma_start3A_407, %dma_start3A_408] : memref<10240x128xf32, #tpu.memory_space<hbm>> -> memref<10240x128xf32, #tpu.memory_space<hbm>>
          tpu.enqueue_indirect_dma source(%dma_start3A_409 : memref<10240x128xf32, #tpu.memory_space<hbm>>) target(%dma_start3A_404 : memref<40x128xf32, #tpu.memory_space<vmem>>) offsets(%dma_start3A_406 : memref<40xi32, #tpu.memory_space<vmem>>) semaphore(%arg40 : memref<!tpu.dma_semaphore, #tpu.memory_space<semaphore_mem>>)
        } else {
        }
        %lt3A_276 = arith.constant 247 : i32
        %lt3A_277 = arith.cmpi slt, %add3A_251, %lt3A_276 : i32
        %convert_element_type3A_278 = arith.extui %lt3A_277 : i1 to i32
        %cond3A_279 = arith.constant 0 : i32
        %cond3A_280 = arith.cmpi ne, %convert_element_type3A_278, %cond3A_279 : i32
        scf.if %cond3A_280 {
          %add3A_380 = arith.constant 3 : i32
          %add3A_381 = arith.addi %add3A_251, %add3A_380 : i32
          %mul3A_382 = arith.constant 80 : i32
          %mul3A_383 = arith.muli %add3A_381, %mul3A_382 : i32
          %add3A_384 = arith.addi %mul3A_9, %mul3A_383 : i32
          %multiple_of3A_385 = tpu.assume_multiple %add3A_384, 8 : i32
          %dma_start3A_386 = tpu.memref_slice %arg6[%multiple_of3A_385] : memref<320000xi32, #tpu.memory_space<hbm>> -> memref<80xi32, #tpu.memory_space<hbm>>
          %dma_start3A_387 = tpu.memref_slice %arg6[%multiple_of3A_385] : memref<320000xi32, #tpu.memory_space<hbm>> -> memref<80xi32, #tpu.memory_space<hbm>>
          tpu.enqueue_dma source(%dma_start3A_387 : memref<80xi32, #tpu.memory_space<hbm>>) target(%arg17 : memref<80xi32, #tpu.memory_space<vmem>>) target_semaphore(%arg37 : memref<!tpu.dma_semaphore, #tpu.memory_space<semaphore_mem>>)
          %add3A_388 = arith.constant 3 : i32
          %add3A_389 = arith.addi %add3A_251, %add3A_388 : i32
          %mul3A_390 = arith.constant 80 : i32
          %mul3A_391 = arith.muli %add3A_389, %mul3A_390 : i32
          %add3A_392 = arith.addi %mul3A_9, %mul3A_391 : i32
          %multiple_of3A_393 = tpu.assume_multiple %add3A_392, 8 : i32
          %dma_start3A_394 = tpu.memref_slice %arg7[%multiple_of3A_393] : memref<320000xi32, #tpu.memory_space<hbm>> -> memref<80xi32, #tpu.memory_space<hbm>>
          %dma_start3A_395 = tpu.memref_slice %arg7[%multiple_of3A_393] : memref<320000xi32, #tpu.memory_space<hbm>> -> memref<80xi32, #tpu.memory_space<hbm>>
          tpu.enqueue_dma source(%dma_start3A_395 : memref<80xi32, #tpu.memory_space<hbm>>) target(%arg25 : memref<80xi32, #tpu.memory_space<vmem>>) target_semaphore(%arg37 : memref<!tpu.dma_semaphore, #tpu.memory_space<semaphore_mem>>)
        } else {
        }
        %mul3A_281 = arith.constant 8 : i32
        %mul3A_282 = arith.muli %scan3A_116, %mul3A_281 : i32
        %add3A_283 = arith.constant 5 : i32
        %add3A_284 = arith.addi %mul3A_282, %add3A_283 : i32
        %dma_wait3A_285 = arith.constant 0 : i32
        %dma_wait3A_286 = arith.constant 0 : i32
        %dma_wait3A_287 = tpu.memref_slice %arg27[%dma_wait3A_285, %dma_wait3A_286] : memref<80x128xf32, #tpu.memory_space<vmem>> -> memref<40x128xf32, #tpu.memory_space<vmem>>
        %dma_wait3A_288 = arith.constant 0 : i32
        %dma_wait3A_289 = tpu.memref_slice %arg11[%dma_wait3A_288] : memref<80xi32, #tpu.memory_space<vmem>> -> memref<40xi32, #tpu.memory_space<vmem>>
        %dma_wait3A_290 = arith.constant 0 : i32
        %dma_wait3A_291 = arith.constant 0 : i32
        %dma_wait3A_292 = tpu.memref_slice %arg3[%dma_wait3A_290, %dma_wait3A_291] : memref<10240x128xf32, #tpu.memory_space<hbm>> -> memref<10240x128xf32, #tpu.memory_space<hbm>>
        tpu.wait_indirect_dma semaphore(%arg39 : memref<!tpu.dma_semaphore, #tpu.memory_space<semaphore_mem>>) src(%dma_wait3A_292 : memref<10240x128xf32, #tpu.memory_space<hbm>>) dst(%dma_wait3A_287 : memref<40x128xf32, #tpu.memory_space<vmem>>)
        %dma_wait3A_293 = arith.constant 0 : i32
        %dma_wait3A_294 = arith.constant 0 : i32
        %dma_wait3A_295 = tpu.memref_slice %arg27[%dma_wait3A_293, %dma_wait3A_294] : memref<80x128xf32, #tpu.memory_space<vmem>> -> memref<40x128xf32, #tpu.memory_space<vmem>>
        %dma_wait3A_296 = arith.constant 0 : i32
        %dma_wait3A_297 = tpu.memref_slice %arg11[%dma_wait3A_296] : memref<80xi32, #tpu.memory_space<vmem>> -> memref<40xi32, #tpu.memory_space<vmem>>
        %dma_wait3A_298 = arith.constant 0 : i32
        %dma_wait3A_299 = arith.constant 0 : i32
        %dma_wait3A_300 = tpu.memref_slice %arg3[%dma_wait3A_298, %dma_wait3A_299] : memref<10240x128xf32, #tpu.memory_space<hbm>> -> memref<10240x128xf32, #tpu.memory_space<hbm>>
        tpu.wait_indirect_dma semaphore(%arg39 : memref<!tpu.dma_semaphore, #tpu.memory_space<semaphore_mem>>) src(%dma_wait3A_300 : memref<10240x128xf32, #tpu.memory_space<hbm>>) dst(%dma_wait3A_295 : memref<40x128xf32, #tpu.memory_space<vmem>>)
        %dma_start3A_301 = arith.constant 0 : i32
        %dma_start3A_302 = arith.constant 0 : i32
        %dma_start3A_303 = tpu.memref_slice %arg46[%dma_start3A_301, %dma_start3A_302] : memref<10240x128xf32, #tpu.memory_space<vmem_shared>> -> memref<10240x128xf32, #tpu.memory_space<vmem_shared>>
        tpu.enqueue_indirect_dma source(%arg27 : memref<80x128xf32, #tpu.memory_space<vmem>>) target(%dma_start3A_303 : memref<10240x128xf32, #tpu.memory_space<vmem_shared>>) offsets(%arg23 : memref<80xi32, #tpu.memory_space<vmem>>) semaphore(%arg43 : memref<!tpu.dma_semaphore, #tpu.memory_space<semaphore_mem>>) {add = true}
        %lt3A_304 = arith.constant 248 : i32
        %lt3A_305 = arith.cmpi slt, %add3A_284, %lt3A_304 : i32
        %convert_element_type3A_306 = arith.extui %lt3A_305 : i1 to i32
        %cond3A_307 = arith.constant 0 : i32
        %cond3A_308 = arith.cmpi ne, %convert_element_type3A_306, %cond3A_307 : i32
        scf.if %cond3A_308 {
          %add3A_380 = arith.constant 0 : i32
          %add3A_381 = arith.addi %mul3A_9, %add3A_380 : i32
          %multiple_of3A_382 = tpu.assume_multiple %add3A_381, 8 : i32
          %dma_wait3A_383 = tpu.memref_slice %arg6[%multiple_of3A_382] : memref<320000xi32, #tpu.memory_space<hbm>> -> memref<80xi32, #tpu.memory_space<hbm>>
          %dma_wait3A_384 = tpu.memref_slice %arg6[%multiple_of3A_382] : memref<320000xi32, #tpu.memory_space<hbm>> -> memref<80xi32, #tpu.memory_space<hbm>>
          tpu.wait_dma2 semaphore(%arg37 : memref<!tpu.dma_semaphore, #tpu.memory_space<semaphore_mem>>) src(%dma_wait3A_384 : memref<80xi32, #tpu.memory_space<hbm>>) dst(%arg17 : memref<80xi32, #tpu.memory_space<vmem>>)
          %add3A_385 = arith.constant 0 : i32
          %add3A_386 = arith.addi %mul3A_9, %add3A_385 : i32
          %multiple_of3A_387 = tpu.assume_multiple %add3A_386, 8 : i32
          %dma_wait3A_388 = tpu.memref_slice %arg7[%multiple_of3A_387] : memref<320000xi32, #tpu.memory_space<hbm>> -> memref<80xi32, #tpu.memory_space<hbm>>
          %dma_wait3A_389 = tpu.memref_slice %arg7[%multiple_of3A_387] : memref<320000xi32, #tpu.memory_space<hbm>> -> memref<80xi32, #tpu.memory_space<hbm>>
          tpu.wait_dma2 semaphore(%arg37 : memref<!tpu.dma_semaphore, #tpu.memory_space<semaphore_mem>>) src(%dma_wait3A_389 : memref<80xi32, #tpu.memory_space<hbm>>) dst(%arg25 : memref<80xi32, #tpu.memory_space<vmem>>)
          %ge3A = arith.constant 2 : i32
          %ge3A_390 = arith.cmpi sge, %add3A_284, %ge3A : i32
          %convert_element_type3A_391 = arith.extui %ge3A_390 : i1 to i32
          %cond3A_392 = arith.constant 0 : i32
          %cond3A_393 = arith.cmpi ne, %convert_element_type3A_391, %cond3A_392 : i32
          scf.if %cond3A_393 {
            %dma_wait3A_410 = arith.constant 0 : i32
            %dma_wait3A_411 = arith.constant 0 : i32
            %dma_wait3A_412 = tpu.memref_slice %arg46[%dma_wait3A_410, %dma_wait3A_411] : memref<10240x128xf32, #tpu.memory_space<vmem_shared>> -> memref<10240x128xf32, #tpu.memory_space<vmem_shared>>
            tpu.wait_indirect_dma semaphore(%arg45 : memref<!tpu.dma_semaphore, #tpu.memory_space<semaphore_mem>>) src(%arg29 : memref<80x128xf32, #tpu.memory_space<vmem>>) dst(%dma_wait3A_412 : memref<10240x128xf32, #tpu.memory_space<vmem_shared>>)
          } else {
          }
          %dma_start3A_394 = arith.constant 0 : i32
          %dma_start3A_395 = arith.constant 0 : i32
          %dma_start3A_396 = tpu.memref_slice %arg29[%dma_start3A_394, %dma_start3A_395] : memref<80x128xf32, #tpu.memory_space<vmem>> -> memref<40x128xf32, #tpu.memory_space<vmem>>
          %dma_start3A_397 = arith.constant 0 : i32
          %dma_start3A_398 = tpu.memref_slice %arg17[%dma_start3A_397] : memref<80xi32, #tpu.memory_space<vmem>> -> memref<40xi32, #tpu.memory_space<vmem>>
          %dma_start3A_399 = arith.constant 0 : i32
          %dma_start3A_400 = arith.constant 0 : i32
          %dma_start3A_401 = tpu.memref_slice %arg3[%dma_start3A_399, %dma_start3A_400] : memref<10240x128xf32, #tpu.memory_space<hbm>> -> memref<10240x128xf32, #tpu.memory_space<hbm>>
          tpu.enqueue_indirect_dma source(%dma_start3A_401 : memref<10240x128xf32, #tpu.memory_space<hbm>>) target(%dma_start3A_396 : memref<40x128xf32, #tpu.memory_space<vmem>>) offsets(%dma_start3A_398 : memref<40xi32, #tpu.memory_space<vmem>>) semaphore(%arg41 : memref<!tpu.dma_semaphore, #tpu.memory_space<semaphore_mem>>)
          %dma_start3A_402 = arith.constant 40 : i32
          %dma_start3A_403 = arith.constant 0 : i32
          %dma_start3A_404 = tpu.memref_slice %arg29[%dma_start3A_402, %dma_start3A_403] : memref<80x128xf32, #tpu.memory_space<vmem>> -> memref<40x128xf32, #tpu.memory_space<vmem>>
          %dma_start3A_405 = arith.constant 40 : i32
          %dma_start3A_406 = tpu.memref_slice %arg17[%dma_start3A_405] : memref<80xi32, #tpu.memory_space<vmem>> -> memref<40xi32, #tpu.memory_space<vmem>>
          %dma_start3A_407 = arith.constant 0 : i32
          %dma_start3A_408 = arith.constant 0 : i32
          %dma_start3A_409 = tpu.memref_slice %arg3[%dma_start3A_407, %dma_start3A_408] : memref<10240x128xf32, #tpu.memory_space<hbm>> -> memref<10240x128xf32, #tpu.memory_space<hbm>>
          tpu.enqueue_indirect_dma source(%dma_start3A_409 : memref<10240x128xf32, #tpu.memory_space<hbm>>) target(%dma_start3A_404 : memref<40x128xf32, #tpu.memory_space<vmem>>) offsets(%dma_start3A_406 : memref<40xi32, #tpu.memory_space<vmem>>) semaphore(%arg41 : memref<!tpu.dma_semaphore, #tpu.memory_space<semaphore_mem>>)
        } else {
        }
        %lt3A_309 = arith.constant 247 : i32
        %lt3A_310 = arith.cmpi slt, %add3A_284, %lt3A_309 : i32
        %convert_element_type3A_311 = arith.extui %lt3A_310 : i1 to i32
        %cond3A_312 = arith.constant 0 : i32
        %cond3A_313 = arith.cmpi ne, %convert_element_type3A_311, %cond3A_312 : i32
        scf.if %cond3A_313 {
          %add3A_380 = arith.constant 3 : i32
          %add3A_381 = arith.addi %add3A_284, %add3A_380 : i32
          %mul3A_382 = arith.constant 80 : i32
          %mul3A_383 = arith.muli %add3A_381, %mul3A_382 : i32
          %add3A_384 = arith.addi %mul3A_9, %mul3A_383 : i32
          %multiple_of3A_385 = tpu.assume_multiple %add3A_384, 8 : i32
          %dma_start3A_386 = tpu.memref_slice %arg6[%multiple_of3A_385] : memref<320000xi32, #tpu.memory_space<hbm>> -> memref<80xi32, #tpu.memory_space<hbm>>
          %dma_start3A_387 = tpu.memref_slice %arg6[%multiple_of3A_385] : memref<320000xi32, #tpu.memory_space<hbm>> -> memref<80xi32, #tpu.memory_space<hbm>>
          tpu.enqueue_dma source(%dma_start3A_387 : memref<80xi32, #tpu.memory_space<hbm>>) target(%arg10 : memref<80xi32, #tpu.memory_space<vmem>>) target_semaphore(%arg30 : memref<!tpu.dma_semaphore, #tpu.memory_space<semaphore_mem>>)
          %add3A_388 = arith.constant 3 : i32
          %add3A_389 = arith.addi %add3A_284, %add3A_388 : i32
          %mul3A_390 = arith.constant 80 : i32
          %mul3A_391 = arith.muli %add3A_389, %mul3A_390 : i32
          %add3A_392 = arith.addi %mul3A_9, %mul3A_391 : i32
          %multiple_of3A_393 = tpu.assume_multiple %add3A_392, 8 : i32
          %dma_start3A_394 = tpu.memref_slice %arg7[%multiple_of3A_393] : memref<320000xi32, #tpu.memory_space<hbm>> -> memref<80xi32, #tpu.memory_space<hbm>>
          %dma_start3A_395 = tpu.memref_slice %arg7[%multiple_of3A_393] : memref<320000xi32, #tpu.memory_space<hbm>> -> memref<80xi32, #tpu.memory_space<hbm>>
          tpu.enqueue_dma source(%dma_start3A_395 : memref<80xi32, #tpu.memory_space<hbm>>) target(%arg18 : memref<80xi32, #tpu.memory_space<vmem>>) target_semaphore(%arg30 : memref<!tpu.dma_semaphore, #tpu.memory_space<semaphore_mem>>)
        } else {
        }
        %mul3A_314 = arith.constant 8 : i32
        %mul3A_315 = arith.muli %scan3A_116, %mul3A_314 : i32
        %add3A_316 = arith.constant 6 : i32
        %add3A_317 = arith.addi %mul3A_315, %add3A_316 : i32
        %dma_wait3A_318 = arith.constant 0 : i32
        %dma_wait3A_319 = arith.constant 0 : i32
        %dma_wait3A_320 = tpu.memref_slice %arg28[%dma_wait3A_318, %dma_wait3A_319] : memref<80x128xf32, #tpu.memory_space<vmem>> -> memref<40x128xf32, #tpu.memory_space<vmem>>
        %dma_wait3A_321 = arith.constant 0 : i32
        %dma_wait3A_322 = tpu.memref_slice %arg12[%dma_wait3A_321] : memref<80xi32, #tpu.memory_space<vmem>> -> memref<40xi32, #tpu.memory_space<vmem>>
        %dma_wait3A_323 = arith.constant 0 : i32
        %dma_wait3A_324 = arith.constant 0 : i32
        %dma_wait3A_325 = tpu.memref_slice %arg3[%dma_wait3A_323, %dma_wait3A_324] : memref<10240x128xf32, #tpu.memory_space<hbm>> -> memref<10240x128xf32, #tpu.memory_space<hbm>>
        tpu.wait_indirect_dma semaphore(%arg40 : memref<!tpu.dma_semaphore, #tpu.memory_space<semaphore_mem>>) src(%dma_wait3A_325 : memref<10240x128xf32, #tpu.memory_space<hbm>>) dst(%dma_wait3A_320 : memref<40x128xf32, #tpu.memory_space<vmem>>)
        %dma_wait3A_326 = arith.constant 0 : i32
        %dma_wait3A_327 = arith.constant 0 : i32
        %dma_wait3A_328 = tpu.memref_slice %arg28[%dma_wait3A_326, %dma_wait3A_327] : memref<80x128xf32, #tpu.memory_space<vmem>> -> memref<40x128xf32, #tpu.memory_space<vmem>>
        %dma_wait3A_329 = arith.constant 0 : i32
        %dma_wait3A_330 = tpu.memref_slice %arg12[%dma_wait3A_329] : memref<80xi32, #tpu.memory_space<vmem>> -> memref<40xi32, #tpu.memory_space<vmem>>
        %dma_wait3A_331 = arith.constant 0 : i32
        %dma_wait3A_332 = arith.constant 0 : i32
        %dma_wait3A_333 = tpu.memref_slice %arg3[%dma_wait3A_331, %dma_wait3A_332] : memref<10240x128xf32, #tpu.memory_space<hbm>> -> memref<10240x128xf32, #tpu.memory_space<hbm>>
        tpu.wait_indirect_dma semaphore(%arg40 : memref<!tpu.dma_semaphore, #tpu.memory_space<semaphore_mem>>) src(%dma_wait3A_333 : memref<10240x128xf32, #tpu.memory_space<hbm>>) dst(%dma_wait3A_328 : memref<40x128xf32, #tpu.memory_space<vmem>>)
        %dma_start3A_334 = arith.constant 0 : i32
        %dma_start3A_335 = arith.constant 0 : i32
        %dma_start3A_336 = tpu.memref_slice %arg46[%dma_start3A_334, %dma_start3A_335] : memref<10240x128xf32, #tpu.memory_space<vmem_shared>> -> memref<10240x128xf32, #tpu.memory_space<vmem_shared>>
        tpu.enqueue_indirect_dma source(%arg28 : memref<80x128xf32, #tpu.memory_space<vmem>>) target(%dma_start3A_336 : memref<10240x128xf32, #tpu.memory_space<vmem_shared>>) offsets(%arg24 : memref<80xi32, #tpu.memory_space<vmem>>) semaphore(%arg44 : memref<!tpu.dma_semaphore, #tpu.memory_space<semaphore_mem>>) {add = true}
        %lt3A_337 = arith.constant 248 : i32
        %lt3A_338 = arith.cmpi slt, %add3A_317, %lt3A_337 : i32
        %convert_element_type3A_339 = arith.extui %lt3A_338 : i1 to i32
        %cond3A_340 = arith.constant 0 : i32
        %cond3A_341 = arith.cmpi ne, %convert_element_type3A_339, %cond3A_340 : i32
        scf.if %cond3A_341 {
          %add3A_380 = arith.constant 0 : i32
          %add3A_381 = arith.addi %mul3A_9, %add3A_380 : i32
          %multiple_of3A_382 = tpu.assume_multiple %add3A_381, 8 : i32
          %dma_wait3A_383 = tpu.memref_slice %arg6[%multiple_of3A_382] : memref<320000xi32, #tpu.memory_space<hbm>> -> memref<80xi32, #tpu.memory_space<hbm>>
          %dma_wait3A_384 = tpu.memref_slice %arg6[%multiple_of3A_382] : memref<320000xi32, #tpu.memory_space<hbm>> -> memref<80xi32, #tpu.memory_space<hbm>>
          tpu.wait_dma2 semaphore(%arg30 : memref<!tpu.dma_semaphore, #tpu.memory_space<semaphore_mem>>) src(%dma_wait3A_384 : memref<80xi32, #tpu.memory_space<hbm>>) dst(%arg10 : memref<80xi32, #tpu.memory_space<vmem>>)
          %add3A_385 = arith.constant 0 : i32
          %add3A_386 = arith.addi %mul3A_9, %add3A_385 : i32
          %multiple_of3A_387 = tpu.assume_multiple %add3A_386, 8 : i32
          %dma_wait3A_388 = tpu.memref_slice %arg7[%multiple_of3A_387] : memref<320000xi32, #tpu.memory_space<hbm>> -> memref<80xi32, #tpu.memory_space<hbm>>
          %dma_wait3A_389 = tpu.memref_slice %arg7[%multiple_of3A_387] : memref<320000xi32, #tpu.memory_space<hbm>> -> memref<80xi32, #tpu.memory_space<hbm>>
          tpu.wait_dma2 semaphore(%arg30 : memref<!tpu.dma_semaphore, #tpu.memory_space<semaphore_mem>>) src(%dma_wait3A_389 : memref<80xi32, #tpu.memory_space<hbm>>) dst(%arg18 : memref<80xi32, #tpu.memory_space<vmem>>)
          %ge3A = arith.constant 2 : i32
          %ge3A_390 = arith.cmpi sge, %add3A_317, %ge3A : i32
          %convert_element_type3A_391 = arith.extui %ge3A_390 : i1 to i32
          %cond3A_392 = arith.constant 0 : i32
          %cond3A_393 = arith.cmpi ne, %convert_element_type3A_391, %cond3A_392 : i32
          scf.if %cond3A_393 {
            %dma_wait3A_410 = arith.constant 0 : i32
            %dma_wait3A_411 = arith.constant 0 : i32
            %dma_wait3A_412 = tpu.memref_slice %arg46[%dma_wait3A_410, %dma_wait3A_411] : memref<10240x128xf32, #tpu.memory_space<vmem_shared>> -> memref<10240x128xf32, #tpu.memory_space<vmem_shared>>
            tpu.wait_indirect_dma semaphore(%arg42 : memref<!tpu.dma_semaphore, #tpu.memory_space<semaphore_mem>>) src(%arg26 : memref<80x128xf32, #tpu.memory_space<vmem>>) dst(%dma_wait3A_412 : memref<10240x128xf32, #tpu.memory_space<vmem_shared>>)
          } else {
          }
          %dma_start3A_394 = arith.constant 0 : i32
          %dma_start3A_395 = arith.constant 0 : i32
          %dma_start3A_396 = tpu.memref_slice %arg26[%dma_start3A_394, %dma_start3A_395] : memref<80x128xf32, #tpu.memory_space<vmem>> -> memref<40x128xf32, #tpu.memory_space<vmem>>
          %dma_start3A_397 = arith.constant 0 : i32
          %dma_start3A_398 = tpu.memref_slice %arg10[%dma_start3A_397] : memref<80xi32, #tpu.memory_space<vmem>> -> memref<40xi32, #tpu.memory_space<vmem>>
          %dma_start3A_399 = arith.constant 0 : i32
          %dma_start3A_400 = arith.constant 0 : i32
          %dma_start3A_401 = tpu.memref_slice %arg3[%dma_start3A_399, %dma_start3A_400] : memref<10240x128xf32, #tpu.memory_space<hbm>> -> memref<10240x128xf32, #tpu.memory_space<hbm>>
          tpu.enqueue_indirect_dma source(%dma_start3A_401 : memref<10240x128xf32, #tpu.memory_space<hbm>>) target(%dma_start3A_396 : memref<40x128xf32, #tpu.memory_space<vmem>>) offsets(%dma_start3A_398 : memref<40xi32, #tpu.memory_space<vmem>>) semaphore(%arg38 : memref<!tpu.dma_semaphore, #tpu.memory_space<semaphore_mem>>)
          %dma_start3A_402 = arith.constant 40 : i32
          %dma_start3A_403 = arith.constant 0 : i32
          %dma_start3A_404 = tpu.memref_slice %arg26[%dma_start3A_402, %dma_start3A_403] : memref<80x128xf32, #tpu.memory_space<vmem>> -> memref<40x128xf32, #tpu.memory_space<vmem>>
          %dma_start3A_405 = arith.constant 40 : i32
          %dma_start3A_406 = tpu.memref_slice %arg10[%dma_start3A_405] : memref<80xi32, #tpu.memory_space<vmem>> -> memref<40xi32, #tpu.memory_space<vmem>>
          %dma_start3A_407 = arith.constant 0 : i32
          %dma_start3A_408 = arith.constant 0 : i32
          %dma_start3A_409 = tpu.memref_slice %arg3[%dma_start3A_407, %dma_start3A_408] : memref<10240x128xf32, #tpu.memory_space<hbm>> -> memref<10240x128xf32, #tpu.memory_space<hbm>>
          tpu.enqueue_indirect_dma source(%dma_start3A_409 : memref<10240x128xf32, #tpu.memory_space<hbm>>) target(%dma_start3A_404 : memref<40x128xf32, #tpu.memory_space<vmem>>) offsets(%dma_start3A_406 : memref<40xi32, #tpu.memory_space<vmem>>) semaphore(%arg38 : memref<!tpu.dma_semaphore, #tpu.memory_space<semaphore_mem>>)
        } else {
        }
        %lt3A_342 = arith.constant 247 : i32
        %lt3A_343 = arith.cmpi slt, %add3A_317, %lt3A_342 : i32
        %convert_element_type3A_344 = arith.extui %lt3A_343 : i1 to i32
        %cond3A_345 = arith.constant 0 : i32
        %cond3A_346 = arith.cmpi ne, %convert_element_type3A_344, %cond3A_345 : i32
        scf.if %cond3A_346 {
          %add3A_380 = arith.constant 3 : i32
          %add3A_381 = arith.addi %add3A_317, %add3A_380 : i32
          %mul3A_382 = arith.constant 80 : i32
          %mul3A_383 = arith.muli %add3A_381, %mul3A_382 : i32
          %add3A_384 = arith.addi %mul3A_9, %mul3A_383 : i32
          %multiple_of3A_385 = tpu.assume_multiple %add3A_384, 8 : i32
          %dma_start3A_386 = tpu.memref_slice %arg6[%multiple_of3A_385] : memref<320000xi32, #tpu.memory_space<hbm>> -> memref<80xi32, #tpu.memory_space<hbm>>
          %dma_start3A_387 = tpu.memref_slice %arg6[%multiple_of3A_385] : memref<320000xi32, #tpu.memory_space<hbm>> -> memref<80xi32, #tpu.memory_space<hbm>>
          tpu.enqueue_dma source(%dma_start3A_387 : memref<80xi32, #tpu.memory_space<hbm>>) target(%arg11 : memref<80xi32, #tpu.memory_space<vmem>>) target_semaphore(%arg31 : memref<!tpu.dma_semaphore, #tpu.memory_space<semaphore_mem>>)
          %add3A_388 = arith.constant 3 : i32
          %add3A_389 = arith.addi %add3A_317, %add3A_388 : i32
          %mul3A_390 = arith.constant 80 : i32
          %mul3A_391 = arith.muli %add3A_389, %mul3A_390 : i32
          %add3A_392 = arith.addi %mul3A_9, %mul3A_391 : i32
          %multiple_of3A_393 = tpu.assume_multiple %add3A_392, 8 : i32
          %dma_start3A_394 = tpu.memref_slice %arg7[%multiple_of3A_393] : memref<320000xi32, #tpu.memory_space<hbm>> -> memref<80xi32, #tpu.memory_space<hbm>>
          %dma_start3A_395 = tpu.memref_slice %arg7[%multiple_of3A_393] : memref<320000xi32, #tpu.memory_space<hbm>> -> memref<80xi32, #tpu.memory_space<hbm>>
          tpu.enqueue_dma source(%dma_start3A_395 : memref<80xi32, #tpu.memory_space<hbm>>) target(%arg19 : memref<80xi32, #tpu.memory_space<vmem>>) target_semaphore(%arg31 : memref<!tpu.dma_semaphore, #tpu.memory_space<semaphore_mem>>)
        } else {
        }
        %mul3A_347 = arith.constant 8 : i32
        %mul3A_348 = arith.muli %scan3A_116, %mul3A_347 : i32
        %add3A_349 = arith.constant 7 : i32
        %add3A_350 = arith.addi %mul3A_348, %add3A_349 : i32
        %dma_wait3A_351 = arith.constant 0 : i32
        %dma_wait3A_352 = arith.constant 0 : i32
        %dma_wait3A_353 = tpu.memref_slice %arg29[%dma_wait3A_351, %dma_wait3A_352] : memref<80x128xf32, #tpu.memory_space<vmem>> -> memref<40x128xf32, #tpu.memory_space<vmem>>
        %dma_wait3A_354 = arith.constant 0 : i32
        %dma_wait3A_355 = tpu.memref_slice %arg13[%dma_wait3A_354] : memref<80xi32, #tpu.memory_space<vmem>> -> memref<40xi32, #tpu.memory_space<vmem>>
        %dma_wait3A_356 = arith.constant 0 : i32
        %dma_wait3A_357 = arith.constant 0 : i32
        %dma_wait3A_358 = tpu.memref_slice %arg3[%dma_wait3A_356, %dma_wait3A_357] : memref<10240x128xf32, #tpu.memory_space<hbm>> -> memref<10240x128xf32, #tpu.memory_space<hbm>>
        tpu.wait_indirect_dma semaphore(%arg41 : memref<!tpu.dma_semaphore, #tpu.memory_space<semaphore_mem>>) src(%dma_wait3A_358 : memref<10240x128xf32, #tpu.memory_space<hbm>>) dst(%dma_wait3A_353 : memref<40x128xf32, #tpu.memory_space<vmem>>)
        %dma_wait3A_359 = arith.constant 0 : i32
        %dma_wait3A_360 = arith.constant 0 : i32
        %dma_wait3A_361 = tpu.memref_slice %arg29[%dma_wait3A_359, %dma_wait3A_360] : memref<80x128xf32, #tpu.memory_space<vmem>> -> memref<40x128xf32, #tpu.memory_space<vmem>>
        %dma_wait3A_362 = arith.constant 0 : i32
        %dma_wait3A_363 = tpu.memref_slice %arg13[%dma_wait3A_362] : memref<80xi32, #tpu.memory_space<vmem>> -> memref<40xi32, #tpu.memory_space<vmem>>
        %dma_wait3A_364 = arith.constant 0 : i32
        %dma_wait3A_365 = arith.constant 0 : i32
        %dma_wait3A_366 = tpu.memref_slice %arg3[%dma_wait3A_364, %dma_wait3A_365] : memref<10240x128xf32, #tpu.memory_space<hbm>> -> memref<10240x128xf32, #tpu.memory_space<hbm>>
        tpu.wait_indirect_dma semaphore(%arg41 : memref<!tpu.dma_semaphore, #tpu.memory_space<semaphore_mem>>) src(%dma_wait3A_366 : memref<10240x128xf32, #tpu.memory_space<hbm>>) dst(%dma_wait3A_361 : memref<40x128xf32, #tpu.memory_space<vmem>>)
        %dma_start3A_367 = arith.constant 0 : i32
        %dma_start3A_368 = arith.constant 0 : i32
        %dma_start3A_369 = tpu.memref_slice %arg46[%dma_start3A_367, %dma_start3A_368] : memref<10240x128xf32, #tpu.memory_space<vmem_shared>> -> memref<10240x128xf32, #tpu.memory_space<vmem_shared>>
        tpu.enqueue_indirect_dma source(%arg29 : memref<80x128xf32, #tpu.memory_space<vmem>>) target(%dma_start3A_369 : memref<10240x128xf32, #tpu.memory_space<vmem_shared>>) offsets(%arg25 : memref<80xi32, #tpu.memory_space<vmem>>) semaphore(%arg45 : memref<!tpu.dma_semaphore, #tpu.memory_space<semaphore_mem>>) {add = true}
        %lt3A_370 = arith.constant 248 : i32
        %lt3A_371 = arith.cmpi slt, %add3A_350, %lt3A_370 : i32
        %convert_element_type3A_372 = arith.extui %lt3A_371 : i1 to i32
        %cond3A_373 = arith.constant 0 : i32
        %cond3A_374 = arith.cmpi ne, %convert_element_type3A_372, %cond3A_373 : i32
        scf.if %cond3A_374 {
          %add3A_380 = arith.constant 0 : i32
          %add3A_381 = arith.addi %mul3A_9, %add3A_380 : i32
          %multiple_of3A_382 = tpu.assume_multiple %add3A_381, 8 : i32
          %dma_wait3A_383 = tpu.memref_slice %arg6[%multiple_of3A_382] : memref<320000xi32, #tpu.memory_space<hbm>> -> memref<80xi32, #tpu.memory_space<hbm>>
          %dma_wait3A_384 = tpu.memref_slice %arg6[%multiple_of3A_382] : memref<320000xi32, #tpu.memory_space<hbm>> -> memref<80xi32, #tpu.memory_space<hbm>>
          tpu.wait_dma2 semaphore(%arg31 : memref<!tpu.dma_semaphore, #tpu.memory_space<semaphore_mem>>) src(%dma_wait3A_384 : memref<80xi32, #tpu.memory_space<hbm>>) dst(%arg11 : memref<80xi32, #tpu.memory_space<vmem>>)
          %add3A_385 = arith.constant 0 : i32
          %add3A_386 = arith.addi %mul3A_9, %add3A_385 : i32
          %multiple_of3A_387 = tpu.assume_multiple %add3A_386, 8 : i32
          %dma_wait3A_388 = tpu.memref_slice %arg7[%multiple_of3A_387] : memref<320000xi32, #tpu.memory_space<hbm>> -> memref<80xi32, #tpu.memory_space<hbm>>
          %dma_wait3A_389 = tpu.memref_slice %arg7[%multiple_of3A_387] : memref<320000xi32, #tpu.memory_space<hbm>> -> memref<80xi32, #tpu.memory_space<hbm>>
          tpu.wait_dma2 semaphore(%arg31 : memref<!tpu.dma_semaphore, #tpu.memory_space<semaphore_mem>>) src(%dma_wait3A_389 : memref<80xi32, #tpu.memory_space<hbm>>) dst(%arg19 : memref<80xi32, #tpu.memory_space<vmem>>)
          %ge3A = arith.constant 2 : i32
          %ge3A_390 = arith.cmpi sge, %add3A_350, %ge3A : i32
          %convert_element_type3A_391 = arith.extui %ge3A_390 : i1 to i32
          %cond3A_392 = arith.constant 0 : i32
          %cond3A_393 = arith.cmpi ne, %convert_element_type3A_391, %cond3A_392 : i32
          scf.if %cond3A_393 {
            %dma_wait3A_410 = arith.constant 0 : i32
            %dma_wait3A_411 = arith.constant 0 : i32
            %dma_wait3A_412 = tpu.memref_slice %arg46[%dma_wait3A_410, %dma_wait3A_411] : memref<10240x128xf32, #tpu.memory_space<vmem_shared>> -> memref<10240x128xf32, #tpu.memory_space<vmem_shared>>
            tpu.wait_indirect_dma semaphore(%arg43 : memref<!tpu.dma_semaphore, #tpu.memory_space<semaphore_mem>>) src(%arg27 : memref<80x128xf32, #tpu.memory_space<vmem>>) dst(%dma_wait3A_412 : memref<10240x128xf32, #tpu.memory_space<vmem_shared>>)
          } else {
          }
          %dma_start3A_394 = arith.constant 0 : i32
          %dma_start3A_395 = arith.constant 0 : i32
          %dma_start3A_396 = tpu.memref_slice %arg27[%dma_start3A_394, %dma_start3A_395] : memref<80x128xf32, #tpu.memory_space<vmem>> -> memref<40x128xf32, #tpu.memory_space<vmem>>
          %dma_start3A_397 = arith.constant 0 : i32
          %dma_start3A_398 = tpu.memref_slice %arg11[%dma_start3A_397] : memref<80xi32, #tpu.memory_space<vmem>> -> memref<40xi32, #tpu.memory_space<vmem>>
          %dma_start3A_399 = arith.constant 0 : i32
          %dma_start3A_400 = arith.constant 0 : i32
          %dma_start3A_401 = tpu.memref_slice %arg3[%dma_start3A_399, %dma_start3A_400] : memref<10240x128xf32, #tpu.memory_space<hbm>> -> memref<10240x128xf32, #tpu.memory_space<hbm>>
          tpu.enqueue_indirect_dma source(%dma_start3A_401 : memref<10240x128xf32, #tpu.memory_space<hbm>>) target(%dma_start3A_396 : memref<40x128xf32, #tpu.memory_space<vmem>>) offsets(%dma_start3A_398 : memref<40xi32, #tpu.memory_space<vmem>>) semaphore(%arg39 : memref<!tpu.dma_semaphore, #tpu.memory_space<semaphore_mem>>)
          %dma_start3A_402 = arith.constant 40 : i32
          %dma_start3A_403 = arith.constant 0 : i32
          %dma_start3A_404 = tpu.memref_slice %arg27[%dma_start3A_402, %dma_start3A_403] : memref<80x128xf32, #tpu.memory_space<vmem>> -> memref<40x128xf32, #tpu.memory_space<vmem>>
          %dma_start3A_405 = arith.constant 40 : i32
          %dma_start3A_406 = tpu.memref_slice %arg11[%dma_start3A_405] : memref<80xi32, #tpu.memory_space<vmem>> -> memref<40xi32, #tpu.memory_space<vmem>>
          %dma_start3A_407 = arith.constant 0 : i32
          %dma_start3A_408 = arith.constant 0 : i32
          %dma_start3A_409 = tpu.memref_slice %arg3[%dma_start3A_407, %dma_start3A_408] : memref<10240x128xf32, #tpu.memory_space<hbm>> -> memref<10240x128xf32, #tpu.memory_space<hbm>>
          tpu.enqueue_indirect_dma source(%dma_start3A_409 : memref<10240x128xf32, #tpu.memory_space<hbm>>) target(%dma_start3A_404 : memref<40x128xf32, #tpu.memory_space<vmem>>) offsets(%dma_start3A_406 : memref<40xi32, #tpu.memory_space<vmem>>) semaphore(%arg39 : memref<!tpu.dma_semaphore, #tpu.memory_space<semaphore_mem>>)
        } else {
        }
        %lt3A_375 = arith.constant 247 : i32
        %lt3A_376 = arith.cmpi slt, %add3A_350, %lt3A_375 : i32
        %convert_element_type3A_377 = arith.extui %lt3A_376 : i1 to i32
        %cond3A_378 = arith.constant 0 : i32
        %cond3A_379 = arith.cmpi ne, %convert_element_type3A_377, %cond3A_378 : i32
        scf.if %cond3A_379 {
          %add3A_380 = arith.constant 3 : i32
          %add3A_381 = arith.addi %add3A_350, %add3A_380 : i32
          %mul3A_382 = arith.constant 80 : i32
          %mul3A_383 = arith.muli %add3A_381, %mul3A_382 : i32
          %add3A_384 = arith.addi %mul3A_9, %mul3A_383 : i32
          %multiple_of3A_385 = tpu.assume_multiple %add3A_384, 8 : i32
          %dma_start3A_386 = tpu.memref_slice %arg6[%multiple_of3A_385] : memref<320000xi32, #tpu.memory_space<hbm>> -> memref<80xi32, #tpu.memory_space<hbm>>
          %dma_start3A_387 = tpu.memref_slice %arg6[%multiple_of3A_385] : memref<320000xi32, #tpu.memory_space<hbm>> -> memref<80xi32, #tpu.memory_space<hbm>>
          tpu.enqueue_dma source(%dma_start3A_387 : memref<80xi32, #tpu.memory_space<hbm>>) target(%arg12 : memref<80xi32, #tpu.memory_space<vmem>>) target_semaphore(%arg32 : memref<!tpu.dma_semaphore, #tpu.memory_space<semaphore_mem>>)
          %add3A_388 = arith.constant 3 : i32
          %add3A_389 = arith.addi %add3A_350, %add3A_388 : i32
          %mul3A_390 = arith.constant 80 : i32
          %mul3A_391 = arith.muli %add3A_389, %mul3A_390 : i32
          %add3A_392 = arith.addi %mul3A_9, %mul3A_391 : i32
          %multiple_of3A_393 = tpu.assume_multiple %add3A_392, 8 : i32
          %dma_start3A_394 = tpu.memref_slice %arg7[%multiple_of3A_393] : memref<320000xi32, #tpu.memory_space<hbm>> -> memref<80xi32, #tpu.memory_space<hbm>>
          %dma_start3A_395 = tpu.memref_slice %arg7[%multiple_of3A_393] : memref<320000xi32, #tpu.memory_space<hbm>> -> memref<80xi32, #tpu.memory_space<hbm>>
          tpu.enqueue_dma source(%dma_start3A_395 : memref<80xi32, #tpu.memory_space<hbm>>) target(%arg20 : memref<80xi32, #tpu.memory_space<vmem>>) target_semaphore(%arg32 : memref<!tpu.dma_semaphore, #tpu.memory_space<semaphore_mem>>)
        } else {
        }
      }
      %scan3A_65 = arith.constant 31 : i32
      %dma_wait3A = arith.constant 0 : i32
      %dma_wait3A_66 = arith.constant 0 : i32
      %dma_wait3A_67 = tpu.memref_slice %arg26[%dma_wait3A, %dma_wait3A_66] : memref<80x128xf32, #tpu.memory_space<vmem>> -> memref<40x128xf32, #tpu.memory_space<vmem>>
      %dma_wait3A_68 = arith.constant 0 : i32
      %dma_wait3A_69 = tpu.memref_slice %arg10[%dma_wait3A_68] : memref<80xi32, #tpu.memory_space<vmem>> -> memref<40xi32, #tpu.memory_space<vmem>>
      %dma_wait3A_70 = arith.constant 0 : i32
      %dma_wait3A_71 = arith.constant 0 : i32
      %dma_wait3A_72 = tpu.memref_slice %arg3[%dma_wait3A_70, %dma_wait3A_71] : memref<10240x128xf32, #tpu.memory_space<hbm>> -> memref<10240x128xf32, #tpu.memory_space<hbm>>
      tpu.wait_indirect_dma semaphore(%arg38 : memref<!tpu.dma_semaphore, #tpu.memory_space<semaphore_mem>>) src(%dma_wait3A_72 : memref<10240x128xf32, #tpu.memory_space<hbm>>) dst(%dma_wait3A_67 : memref<40x128xf32, #tpu.memory_space<vmem>>)
      %dma_wait3A_73 = arith.constant 0 : i32
      %dma_wait3A_74 = arith.constant 0 : i32
      %dma_wait3A_75 = tpu.memref_slice %arg26[%dma_wait3A_73, %dma_wait3A_74] : memref<80x128xf32, #tpu.memory_space<vmem>> -> memref<40x128xf32, #tpu.memory_space<vmem>>
      %dma_wait3A_76 = arith.constant 0 : i32
      %dma_wait3A_77 = tpu.memref_slice %arg10[%dma_wait3A_76] : memref<80xi32, #tpu.memory_space<vmem>> -> memref<40xi32, #tpu.memory_space<vmem>>
      %dma_wait3A_78 = arith.constant 0 : i32
      %dma_wait3A_79 = arith.constant 0 : i32
      %dma_wait3A_80 = tpu.memref_slice %arg3[%dma_wait3A_78, %dma_wait3A_79] : memref<10240x128xf32, #tpu.memory_space<hbm>> -> memref<10240x128xf32, #tpu.memory_space<hbm>>
      tpu.wait_indirect_dma semaphore(%arg38 : memref<!tpu.dma_semaphore, #tpu.memory_space<semaphore_mem>>) src(%dma_wait3A_80 : memref<10240x128xf32, #tpu.memory_space<hbm>>) dst(%dma_wait3A_75 : memref<40x128xf32, #tpu.memory_space<vmem>>)
      %dma_start3A_81 = arith.constant 0 : i32
      %dma_start3A_82 = arith.constant 0 : i32
      %dma_start3A_83 = tpu.memref_slice %arg46[%dma_start3A_81, %dma_start3A_82] : memref<10240x128xf32, #tpu.memory_space<vmem_shared>> -> memref<10240x128xf32, #tpu.memory_space<vmem_shared>>
      tpu.enqueue_indirect_dma source(%arg26 : memref<80x128xf32, #tpu.memory_space<vmem>>) target(%dma_start3A_83 : memref<10240x128xf32, #tpu.memory_space<vmem_shared>>) offsets(%arg18 : memref<80xi32, #tpu.memory_space<vmem>>) semaphore(%arg42 : memref<!tpu.dma_semaphore, #tpu.memory_space<semaphore_mem>>) {add = true}
      %dma_wait3A_84 = arith.constant 0 : i32
      %dma_wait3A_85 = arith.constant 0 : i32
      %dma_wait3A_86 = tpu.memref_slice %arg27[%dma_wait3A_84, %dma_wait3A_85] : memref<80x128xf32, #tpu.memory_space<vmem>> -> memref<40x128xf32, #tpu.memory_space<vmem>>
      %dma_wait3A_87 = arith.constant 0 : i32
      %dma_wait3A_88 = tpu.memref_slice %arg11[%dma_wait3A_87] : memref<80xi32, #tpu.memory_space<vmem>> -> memref<40xi32, #tpu.memory_space<vmem>>
      %dma_wait3A_89 = arith.constant 0 : i32
      %dma_wait3A_90 = arith.constant 0 : i32
      %dma_wait3A_91 = tpu.memref_slice %arg3[%dma_wait3A_89, %dma_wait3A_90] : memref<10240x128xf32, #tpu.memory_space<hbm>> -> memref<10240x128xf32, #tpu.memory_space<hbm>>
      tpu.wait_indirect_dma semaphore(%arg39 : memref<!tpu.dma_semaphore, #tpu.memory_space<semaphore_mem>>) src(%dma_wait3A_91 : memref<10240x128xf32, #tpu.memory_space<hbm>>) dst(%dma_wait3A_86 : memref<40x128xf32, #tpu.memory_space<vmem>>)
      %dma_wait3A_92 = arith.constant 0 : i32
      %dma_wait3A_93 = arith.constant 0 : i32
      %dma_wait3A_94 = tpu.memref_slice %arg27[%dma_wait3A_92, %dma_wait3A_93] : memref<80x128xf32, #tpu.memory_space<vmem>> -> memref<40x128xf32, #tpu.memory_space<vmem>>
      %dma_wait3A_95 = arith.constant 0 : i32
      %dma_wait3A_96 = tpu.memref_slice %arg11[%dma_wait3A_95] : memref<80xi32, #tpu.memory_space<vmem>> -> memref<40xi32, #tpu.memory_space<vmem>>
      %dma_wait3A_97 = arith.constant 0 : i32
      %dma_wait3A_98 = arith.constant 0 : i32
      %dma_wait3A_99 = tpu.memref_slice %arg3[%dma_wait3A_97, %dma_wait3A_98] : memref<10240x128xf32, #tpu.memory_space<hbm>> -> memref<10240x128xf32, #tpu.memory_space<hbm>>
      tpu.wait_indirect_dma semaphore(%arg39 : memref<!tpu.dma_semaphore, #tpu.memory_space<semaphore_mem>>) src(%dma_wait3A_99 : memref<10240x128xf32, #tpu.memory_space<hbm>>) dst(%dma_wait3A_94 : memref<40x128xf32, #tpu.memory_space<vmem>>)
      %dma_start3A_100 = arith.constant 0 : i32
      %dma_start3A_101 = arith.constant 0 : i32
      %dma_start3A_102 = tpu.memref_slice %arg46[%dma_start3A_100, %dma_start3A_101] : memref<10240x128xf32, #tpu.memory_space<vmem_shared>> -> memref<10240x128xf32, #tpu.memory_space<vmem_shared>>
      tpu.enqueue_indirect_dma source(%arg27 : memref<80x128xf32, #tpu.memory_space<vmem>>) target(%dma_start3A_102 : memref<10240x128xf32, #tpu.memory_space<vmem_shared>>) offsets(%arg19 : memref<80xi32, #tpu.memory_space<vmem>>) semaphore(%arg43 : memref<!tpu.dma_semaphore, #tpu.memory_space<semaphore_mem>>) {add = true}
      %dma_wait3A_103 = arith.constant 0 : i32
      %dma_wait3A_104 = arith.constant 0 : i32
      %dma_wait3A_105 = tpu.memref_slice %arg46[%dma_wait3A_103, %dma_wait3A_104] : memref<10240x128xf32, #tpu.memory_space<vmem_shared>> -> memref<10240x128xf32, #tpu.memory_space<vmem_shared>>
      tpu.wait_indirect_dma semaphore(%arg44 : memref<!tpu.dma_semaphore, #tpu.memory_space<semaphore_mem>>) src(%arg28 : memref<80x128xf32, #tpu.memory_space<vmem>>) dst(%dma_wait3A_105 : memref<10240x128xf32, #tpu.memory_space<vmem_shared>>)
      %dma_wait3A_106 = arith.constant 0 : i32
      %dma_wait3A_107 = arith.constant 0 : i32
      %dma_wait3A_108 = tpu.memref_slice %arg46[%dma_wait3A_106, %dma_wait3A_107] : memref<10240x128xf32, #tpu.memory_space<vmem_shared>> -> memref<10240x128xf32, #tpu.memory_space<vmem_shared>>
      tpu.wait_indirect_dma semaphore(%arg45 : memref<!tpu.dma_semaphore, #tpu.memory_space<semaphore_mem>>) src(%arg29 : memref<80x128xf32, #tpu.memory_space<vmem>>) dst(%dma_wait3A_108 : memref<10240x128xf32, #tpu.memory_space<vmem_shared>>)
      %dma_wait3A_109 = arith.constant 0 : i32
      %dma_wait3A_110 = arith.constant 0 : i32
      %dma_wait3A_111 = tpu.memref_slice %arg46[%dma_wait3A_109, %dma_wait3A_110] : memref<10240x128xf32, #tpu.memory_space<vmem_shared>> -> memref<10240x128xf32, #tpu.memory_space<vmem_shared>>
      tpu.wait_indirect_dma semaphore(%arg42 : memref<!tpu.dma_semaphore, #tpu.memory_space<semaphore_mem>>) src(%arg26 : memref<80x128xf32, #tpu.memory_space<vmem>>) dst(%dma_wait3A_111 : memref<10240x128xf32, #tpu.memory_space<vmem_shared>>)
      %dma_wait3A_112 = arith.constant 0 : i32
      %dma_wait3A_113 = arith.constant 0 : i32
      %dma_wait3A_114 = tpu.memref_slice %arg46[%dma_wait3A_112, %dma_wait3A_113] : memref<10240x128xf32, #tpu.memory_space<vmem_shared>> -> memref<10240x128xf32, #tpu.memory_space<vmem_shared>>
      tpu.wait_indirect_dma semaphore(%arg43 : memref<!tpu.dma_semaphore, #tpu.memory_space<semaphore_mem>>) src(%arg27 : memref<80x128xf32, #tpu.memory_space<vmem>>) dst(%dma_wait3A_114 : memref<10240x128xf32, #tpu.memory_space<vmem_shared>>)
      %barrier3A_115 = arith.constant 0 : index
      tpu.barrier barrier_id(%barrier3A_115)
      "tpu.region"() ({
        %run_scoped3A = tpu.sem_alloc : memref<!tpu.dma_semaphore, #tpu.memory_space<semaphore_mem>>
        %dma_start3A_116 = arith.constant 0 : i32
        %dma_start3A_117 = tpu.memref_slice %arg9[%mul3A_0, %dma_start3A_116] : memref<10240x128xf32, #tpu.memory_space<hbm>> -> memref<640x128xf32, #tpu.memory_space<hbm>>
        %dma_start3A_118 = arith.constant 0 : i32
        %dma_start3A_119 = tpu.memref_slice %arg46[%mul3A_0, %dma_start3A_118] : memref<10240x128xf32, #tpu.memory_space<vmem_shared>> -> memref<640x128xf32, #tpu.memory_space<vmem_shared>>
        tpu.enqueue_dma source(%dma_start3A_119 : memref<640x128xf32, #tpu.memory_space<vmem_shared>>) target(%dma_start3A_117 : memref<640x128xf32, #tpu.memory_space<hbm>>) target_semaphore(%run_scoped3A : memref<!tpu.dma_semaphore, #tpu.memory_space<semaphore_mem>>)
        %dma_wait3A_120 = arith.constant 0 : i32
        %dma_wait3A_121 = tpu.memref_slice %arg9[%mul3A_0, %dma_wait3A_120] : memref<10240x128xf32, #tpu.memory_space<hbm>> -> memref<640x128xf32, #tpu.memory_space<hbm>>
        %dma_wait3A_122 = arith.constant 0 : i32
        %dma_wait3A_123 = tpu.memref_slice %arg46[%mul3A_0, %dma_wait3A_122] : memref<10240x128xf32, #tpu.memory_space<vmem_shared>> -> memref<640x128xf32, #tpu.memory_space<vmem_shared>>
        tpu.wait_dma2 semaphore(%run_scoped3A : memref<!tpu.dma_semaphore, #tpu.memory_space<semaphore_mem>>) src(%dma_wait3A_123 : memref<640x128xf32, #tpu.memory_space<vmem_shared>>) dst(%dma_wait3A_121 : memref<640x128xf32, #tpu.memory_space<hbm>>)
        tpu.yield
      }) : () -> ()
    } else {
    }
    return
  }
}

module attributes {stable_mosaic.version = 14 : i64} {
  func.func @_mm_body(%arg0: i32, %arg1: memref<1000x128xf32, #tpu.memory_space<vmem>>, %arg2: memref<128x128xf32, #tpu.memory_space<vmem>>, %arg3: memref<1x128xf32, #tpu.memory_space<vmem>>, %arg4: memref<128x128xf32, #tpu.memory_space<vmem>>, %arg5: memref<1x128xf32, #tpu.memory_space<vmem>>, %arg6: memref<1000x1xf32, #tpu.memory_space<vmem>>, %arg7: memref<1000x1xf32, #tpu.memory_space<vmem>>, %arg8: memref<1000x128xf32, #tpu.memory_space<vmem>>, %arg9: memref<1000x128xf32, #tpu.memory_space<vmem>>) attributes {dimension_semantics = [#tpu.dimension_semantics<arbitrary>], iteration_bounds = array<i64: 10>, scalar_prefetch = 0 : i64, scratch_operands = 0 : i64, tpu.core_type = #tpu.core_type<tc>, window_params = [{transform_indices = @transform_0, window_bounds = array<i64: 1000, 128>}, {pipeline_mode = #tpu.pipeline_mode<synchronous>, transform_indices = @transform_1, window_bounds = array<i64: 128, 128>}, {pipeline_mode = #tpu.pipeline_mode<synchronous>, transform_indices = @transform_2, window_bounds = array<i64: 1, 128>}, {pipeline_mode = #tpu.pipeline_mode<synchronous>, transform_indices = @transform_3, window_bounds = array<i64: 128, 128>}, {pipeline_mode = #tpu.pipeline_mode<synchronous>, transform_indices = @transform_4, window_bounds = array<i64: 1, 128>}, {transform_indices = @transform_5, window_bounds = array<i64: 1000, 1>}, {transform_indices = @transform_6, window_bounds = array<i64: 1000, 1>}, {transform_indices = @transform_7, window_bounds = array<i64: 1000, 128>}, {transform_indices = @transform_8, window_bounds = array<i64: 1000, 128>}]} {
    %get3A = arith.constant 0 : index
    %get3A_0 = arith.constant 0 : index
    %get3A_1 = vector.load %arg1[%get3A, %get3A_0] : memref<1000x128xf32, #tpu.memory_space<vmem>>, vector<1000x128xf32>
    %get3A_2 = arith.constant 0 : index
    %get3A_3 = arith.constant 0 : index
    %get3A_4 = vector.load %arg6[%get3A_2, %get3A_3] : memref<1000x1xf32, #tpu.memory_space<vmem>>, vector<1000x1xf32>
    %add3A = arith.constant 1.000000e+00 : f32
    %add3A_5 = vector.broadcast %add3A : f32 to vector<1000x1xf32>
    %add3A_6 = arith.addf %get3A_4, %add3A_5 : vector<1000x1xf32>
    %rsqrt3A = math.rsqrt %add3A_6 : vector<1000x1xf32>
    %get3A_7 = arith.constant 0 : index
    %get3A_8 = arith.constant 0 : index
    %get3A_9 = vector.load %arg7[%get3A_7, %get3A_8] : memref<1000x1xf32, #tpu.memory_space<vmem>>, vector<1000x1xf32>
    %add3A_10 = arith.constant 1.000000e+00 : f32
    %add3A_11 = vector.broadcast %add3A_10 : f32 to vector<1000x1xf32>
    %add3A_12 = arith.addf %get3A_9, %add3A_11 : vector<1000x1xf32>
    %rsqrt3A_13 = math.rsqrt %add3A_12 : vector<1000x1xf32>
    %get3A_14 = arith.constant 0 : index
    %get3A_15 = arith.constant 0 : index
    %get3A_16 = vector.load %arg2[%get3A_14, %get3A_15] : memref<128x128xf32, #tpu.memory_space<vmem>>, vector<128x128xf32>
    %dot_general3A = arith.constant dense<0.000000e+00> : vector<1000x128xf32>
    %dot_general3A_17 = tpu.matmul %get3A_1, %get3A_16, %dot_general3A {dimension_numbers = #tpu.dot_dimension_numbers<[1], [0], [0], [1], [0, 0, 1, 1], [], []>, transpose_lhs_hint = false} : vector<1000x128xf32>, vector<128x128xf32>, vector<1000x128xf32> -> vector<1000x128xf32>
    %get3A_18 = arith.constant 0 : index
    %get3A_19 = arith.constant 0 : index
    %get3A_20 = vector.load %arg3[%get3A_18, %get3A_19] : memref<1x128xf32, #tpu.memory_space<vmem>>, vector<1x128xf32>
    %add3A_21 = vector.broadcast %get3A_20 : vector<1x128xf32> to vector<1000x128xf32>
    %add3A_22 = arith.addf %dot_general3A_17, %add3A_21 : vector<1000x128xf32>
    %mul3A = vector.broadcast %rsqrt3A : vector<1000x1xf32> to vector<1000x128xf32>
    %mul3A_23 = arith.mulf %add3A_22, %mul3A : vector<1000x128xf32>
    %swap3A = arith.constant 0 : index
    %swap3A_24 = arith.constant 0 : index
    %swap3A_25 = vector.load %arg8[%swap3A, %swap3A_24] : memref<1000x128xf32, #tpu.memory_space<vmem>>, vector<1000x128xf32>
    tpu.vector_store %arg8[%swap3A, %swap3A_24], %mul3A_23 {strides = array<i32>} : memref<1000x128xf32, #tpu.memory_space<vmem>>, vector<1000x128xf32>,
    %get3A_26 = arith.constant 0 : index
    %get3A_27 = arith.constant 0 : index
    %get3A_28 = vector.load %arg4[%get3A_26, %get3A_27] : memref<128x128xf32, #tpu.memory_space<vmem>>, vector<128x128xf32>
    %dot_general3A_29 = arith.constant dense<0.000000e+00> : vector<1000x128xf32>
    %dot_general3A_30 = tpu.matmul %get3A_1, %get3A_28, %dot_general3A_29 {dimension_numbers = #tpu.dot_dimension_numbers<[1], [0], [0], [1], [0, 0, 1, 1], [], []>, transpose_lhs_hint = false} : vector<1000x128xf32>, vector<128x128xf32>, vector<1000x128xf32> -> vector<1000x128xf32>
    %get3A_31 = arith.constant 0 : index
    %get3A_32 = arith.constant 0 : index
    %get3A_33 = vector.load %arg5[%get3A_31, %get3A_32] : memref<1x128xf32, #tpu.memory_space<vmem>>, vector<1x128xf32>
    %add3A_34 = vector.broadcast %get3A_33 : vector<1x128xf32> to vector<1000x128xf32>
    %add3A_35 = arith.addf %dot_general3A_30, %add3A_34 : vector<1000x128xf32>
    %mul3A_36 = vector.broadcast %rsqrt3A_13 : vector<1000x1xf32> to vector<1000x128xf32>
    %mul3A_37 = arith.mulf %add3A_35, %mul3A_36 : vector<1000x128xf32>
    %swap3A_38 = arith.constant 0 : index
    %swap3A_39 = arith.constant 0 : index
    %swap3A_40 = vector.load %arg9[%swap3A_38, %swap3A_39] : memref<1000x128xf32, #tpu.memory_space<vmem>>, vector<1000x128xf32>
    tpu.vector_store %arg9[%swap3A_38, %swap3A_39], %mul3A_37 {strides = array<i32>} : memref<1000x128xf32, #tpu.memory_space<vmem>>, vector<1000x128xf32>,
    return
  }
  func.func @transform_0(%arg0: i32) -> (i32, i32) {
    %c0_i32 = arith.constant 0 : i32
    %c0_i32_0 = arith.constant 0 : i32
    return %arg0, %c0_i32 : i32, i32
  }
  func.func @transform_1(%arg0: i32) -> (i32, i32) {
    %c0_i32 = arith.constant 0 : i32
    %c0_i32_0 = arith.constant 0 : i32
    %c0_i32_1 = arith.constant 0 : i32
    return %c0_i32, %c0_i32_0 : i32, i32
  }
  func.func @transform_2(%arg0: i32) -> (i32, i32) {
    %c0_i32 = arith.constant 0 : i32
    %c0_i32_0 = arith.constant 0 : i32
    %c0_i32_1 = arith.constant 0 : i32
    return %c0_i32, %c0_i32_0 : i32, i32
  }
  func.func @transform_3(%arg0: i32) -> (i32, i32) {
    %c0_i32 = arith.constant 0 : i32
    %c0_i32_0 = arith.constant 0 : i32
    %c0_i32_1 = arith.constant 0 : i32
    return %c0_i32, %c0_i32_0 : i32, i32
  }
  func.func @transform_4(%arg0: i32) -> (i32, i32) {
    %c0_i32 = arith.constant 0 : i32
    %c0_i32_0 = arith.constant 0 : i32
    %c0_i32_1 = arith.constant 0 : i32
    return %c0_i32, %c0_i32_0 : i32, i32
  }
  func.func @transform_5(%arg0: i32) -> (i32, i32) {
    %c0_i32 = arith.constant 0 : i32
    %c0_i32_0 = arith.constant 0 : i32
    return %arg0, %c0_i32 : i32, i32
  }
  func.func @transform_6(%arg0: i32) -> (i32, i32) {
    %c0_i32 = arith.constant 0 : i32
    %c0_i32_0 = arith.constant 0 : i32
    return %arg0, %c0_i32 : i32, i32
  }
  func.func @transform_7(%arg0: i32) -> (i32, i32) {
    %c0_i32 = arith.constant 0 : i32
    %c0_i32_0 = arith.constant 0 : i32
    return %arg0, %c0_i32 : i32, i32
  }
  func.func @transform_8(%arg0: i32) -> (i32, i32) {
    %c0_i32 = arith.constant 0 : i32
    %c0_i32_0 = arith.constant 0 : i32
    return %arg0, %c0_i32 : i32, i32
  }
}

module attributes {stable_mosaic.version = 14 : i64} {
  func.func @_final_body(%arg0: i32, %arg1: memref<1000x128xf32, #tpu.memory_space<vmem>>, %arg2: memref<1000x128xf32, #tpu.memory_space<vmem>>, %arg3: memref<1000x1xf32, #tpu.memory_space<vmem>>, %arg4: memref<1000x1xf32, #tpu.memory_space<vmem>>, %arg5: memref<128x128xf32, #tpu.memory_space<vmem>>, %arg6: memref<128x128xf32, #tpu.memory_space<vmem>>, %arg7: memref<1x128xf32, #tpu.memory_space<vmem>>, %arg8: memref<1000x128xf32, #tpu.memory_space<vmem>>) attributes {dimension_semantics = [#tpu.dimension_semantics<arbitrary>], iteration_bounds = array<i64: 10>, scalar_prefetch = 0 : i64, scratch_operands = 0 : i64, tpu.core_type = #tpu.core_type<tc>, window_params = [{transform_indices = @transform_0, window_bounds = array<i64: 1000, 128>}, {transform_indices = @transform_1, window_bounds = array<i64: 1000, 128>}, {transform_indices = @transform_2, window_bounds = array<i64: 1000, 1>}, {transform_indices = @transform_3, window_bounds = array<i64: 1000, 1>}, {transform_indices = @transform_4, window_bounds = array<i64: 128, 128>}, {transform_indices = @transform_5, window_bounds = array<i64: 128, 128>}, {pipeline_mode = #tpu.pipeline_mode<synchronous>, transform_indices = @transform_6, window_bounds = array<i64: 1, 128>}, {transform_indices = @transform_7, window_bounds = array<i64: 1000, 128>}]} {
    %get3A = arith.constant 0 : index
    %get3A_0 = arith.constant 0 : index
    %get3A_1 = vector.load %arg3[%get3A, %get3A_0] : memref<1000x1xf32, #tpu.memory_space<vmem>>, vector<1000x1xf32>
    %add3A = arith.constant 1.000000e+00 : f32
    %add3A_2 = vector.broadcast %add3A : f32 to vector<1000x1xf32>
    %add3A_3 = arith.addf %get3A_1, %add3A_2 : vector<1000x1xf32>
    %rsqrt3A = math.rsqrt %add3A_3 : vector<1000x1xf32>
    %get3A_4 = arith.constant 0 : index
    %get3A_5 = arith.constant 0 : index
    %get3A_6 = vector.load %arg4[%get3A_4, %get3A_5] : memref<1000x1xf32, #tpu.memory_space<vmem>>, vector<1000x1xf32>
    %add3A_7 = arith.constant 1.000000e+00 : f32
    %add3A_8 = vector.broadcast %add3A_7 : f32 to vector<1000x1xf32>
    %add3A_9 = arith.addf %get3A_6, %add3A_8 : vector<1000x1xf32>
    %rsqrt3A_10 = math.rsqrt %add3A_9 : vector<1000x1xf32>
    %get3A_11 = arith.constant 0 : index
    %get3A_12 = arith.constant 0 : index
    %get3A_13 = vector.load %arg1[%get3A_11, %get3A_12] : memref<1000x128xf32, #tpu.memory_space<vmem>>, vector<1000x128xf32>
    %mul3A = vector.broadcast %rsqrt3A : vector<1000x1xf32> to vector<1000x128xf32>
    %mul3A_14 = arith.mulf %get3A_13, %mul3A : vector<1000x128xf32>
    %get3A_15 = arith.constant 0 : index
    %get3A_16 = arith.constant 0 : index
    %get3A_17 = vector.load %arg5[%get3A_15, %get3A_16] : memref<128x128xf32, #tpu.memory_space<vmem>>, vector<128x128xf32>
    %dot_general3A = arith.constant dense<0.000000e+00> : vector<1000x128xf32>
    %dot_general3A_18 = tpu.matmul %mul3A_14, %get3A_17, %dot_general3A {dimension_numbers = #tpu.dot_dimension_numbers<[1], [0], [0], [1], [0, 0, 1, 1], [], []>, transpose_lhs_hint = false} : vector<1000x128xf32>, vector<128x128xf32>, vector<1000x128xf32> -> vector<1000x128xf32>
    %get3A_19 = arith.constant 0 : index
    %get3A_20 = arith.constant 0 : index
    %get3A_21 = vector.load %arg2[%get3A_19, %get3A_20] : memref<1000x128xf32, #tpu.memory_space<vmem>>, vector<1000x128xf32>
    %mul3A_22 = vector.broadcast %rsqrt3A_10 : vector<1000x1xf32> to vector<1000x128xf32>
    %mul3A_23 = arith.mulf %get3A_21, %mul3A_22 : vector<1000x128xf32>
    %get3A_24 = arith.constant 0 : index
    %get3A_25 = arith.constant 0 : index
    %get3A_26 = vector.load %arg6[%get3A_24, %get3A_25] : memref<128x128xf32, #tpu.memory_space<vmem>>, vector<128x128xf32>
    %dot_general3A_27 = arith.constant dense<0.000000e+00> : vector<1000x128xf32>
    %dot_general3A_28 = tpu.matmul %mul3A_23, %get3A_26, %dot_general3A_27 {dimension_numbers = #tpu.dot_dimension_numbers<[1], [0], [0], [1], [0, 0, 1, 1], [], []>, transpose_lhs_hint = false} : vector<1000x128xf32>, vector<128x128xf32>, vector<1000x128xf32> -> vector<1000x128xf32>
    %add3A_29 = arith.addf %dot_general3A_18, %dot_general3A_28 : vector<1000x128xf32>
    %get3A_30 = arith.constant 0 : index
    %get3A_31 = arith.constant 0 : index
    %get3A_32 = vector.load %arg7[%get3A_30, %get3A_31] : memref<1x128xf32, #tpu.memory_space<vmem>>, vector<1x128xf32>
    %add3A_33 = vector.broadcast %get3A_32 : vector<1x128xf32> to vector<1000x128xf32>
    %add3A_34 = arith.addf %add3A_29, %add3A_33 : vector<1000x128xf32>
    %max3A = arith.constant 0.000000e+00 : f32
    %max3A_35 = vector.broadcast %max3A : f32 to vector<1000x128xf32>
    %max3A_36 = arith.maximumf %add3A_34, %max3A_35 : vector<1000x128xf32>
    %swap3A = arith.constant 0 : index
    %swap3A_37 = arith.constant 0 : index
    %swap3A_38 = vector.load %arg8[%swap3A, %swap3A_37] : memref<1000x128xf32, #tpu.memory_space<vmem>>, vector<1000x128xf32>
    tpu.vector_store %arg8[%swap3A, %swap3A_37], %max3A_36 {strides = array<i32>} : memref<1000x128xf32, #tpu.memory_space<vmem>>, vector<1000x128xf32>,
    return
  }
  func.func @transform_0(%arg0: i32) -> (i32, i32) {
    %c0_i32 = arith.constant 0 : i32
    %c0_i32_0 = arith.constant 0 : i32
    return %arg0, %c0_i32 : i32, i32
  }
  func.func @transform_1(%arg0: i32) -> (i32, i32) {
    %c0_i32 = arith.constant 0 : i32
    %c0_i32_0 = arith.constant 0 : i32
    return %arg0, %c0_i32 : i32, i32
  }
  func.func @transform_2(%arg0: i32) -> (i32, i32) {
    %c0_i32 = arith.constant 0 : i32
    %c0_i32_0 = arith.constant 0 : i32
    return %arg0, %c0_i32 : i32, i32
  }
  func.func @transform_3(%arg0: i32) -> (i32, i32) {
    %c0_i32 = arith.constant 0 : i32
    %c0_i32_0 = arith.constant 0 : i32
    return %arg0, %c0_i32 : i32, i32
  }
  func.func @transform_4(%arg0: i32) -> (i32, i32) {
    %c0_i32 = arith.constant 0 : i32
    %c0_i32_0 = arith.constant 0 : i32
    %c0_i32_1 = arith.constant 0 : i32
    return %c0_i32, %c0_i32_0 : i32, i32
  }
  func.func @transform_5(%arg0: i32) -> (i32, i32) {
    %c1_i32 = arith.constant 1 : i32
    %c0_i32 = arith.constant 0 : i32
    %c0_i32_0 = arith.constant 0 : i32
    return %c1_i32, %c0_i32 : i32, i32
  }
  func.func @transform_6(%arg0: i32) -> (i32, i32) {
    %c0_i32 = arith.constant 0 : i32
    %c0_i32_0 = arith.constant 0 : i32
    %c0_i32_1 = arith.constant 0 : i32
    return %c0_i32, %c0_i32_0 : i32, i32
  }
  func.func @transform_7(%arg0: i32) -> (i32, i32) {
    %c0_i32 = arith.constant 0 : i32
    %c0_i32_0 = arith.constant 0 : i32
    return %arg0, %c0_i32 : i32, i32
  }
}

</mosaic_0001>

<sc_bundles>
// kernel: kernel.6.cloned.1.call-start
scs
__scs_entry_jumppad:
0x0: {  	(pc) =	sbr.rel $0x88, $3  }
0x1: {  	(tag) =	ssettag $0x0;
	lr =	simm.s32 $0x1  }
0x2: {  	[smem:$0x3F96] =	sst lr;
	_ =	strace $0xD0000000  }
0x3: {  	_ = 	snop  }
0x4: {  	_ = 	snop  }
0x5: {  	_ = 	snop  }
0x6: {  	_ = 	snop  }
0x7: {  	_ = 	snop  }
__scs_overlays_trampoline_lowered:
0x8: {  	[smem:$0x3FA5] =	sst s0  }
0x9: {  	[smem:$0x3FA6] =	sst s1  }
0xa: {  	[smem:$0x3FA7] =	sst s2  }
0xb: {  	[smem:$0x3FA8] =	sst s3  }
0xc: {  	[smem:$0x3FA9] =	sst s4  }
0xd: {  	[smem:$0x3FAA] =	sst s5  }
0xe: {  	[smem:$0x3FAB] =	sst s6  }
0xf: {  	[smem:$0x3FAC] =	sst s7  }
0x10: {  	[smem:$0x3FAD] =	sst s8  }
0x11: {  	[smem:$0x3FAE] =	sst s9;
	s0 =	simm.s32 @!p0 $0x0  }
0x12: {  	s1 =	sld [smem:$0x3F94];
	s0 =	simm.s32 @p0 $0x1  }
0x13: {  	[smem:$0x3FAF] =	sst s0;
	s0 =	simm.s32 @!p1 $0x0  }
0x14: {  	s2 =	sld [smem:$0x3F93];
	s0 =	simm.s32 @p1 $0x1  }
0x15: {  	[smem:$0x3FB0] =	sst s0;
	s0 =	simm.s32 @!p2 $0x0  }
0x16: {  	s3 =	sld [smem:$0x3FDB];
	s0 =	simm.s32 @p2 $0x1  }
0x17: {  	s4 =	simm.s32 $0x1BF5;
	[smem:$0x3FB2] =	sst s0  }
0x18: {  	s0 =	sld [smem:$0x3F95];
	_ =	swait.ge [sflag:s4], $0x0  }
0x19: {  	s7 =	sld [smem:$0x3F96]  }
0x1a: {  	s8 =	sadd.s32 $0xFFFFE003, lr  }
0x1b: {  	s9 =	sadd.s32 $0xFFFFFEF7, lr;
	s5 =	simm.s32 $0xFFFFFFFF;
	p2 =	slt.u32 s8, $0xFFFFF086  }
0x1c: {  	p1 =	slt.u32 s9, $0xF7A;
	s5 =	simm.s32 @!p2 $0x0  }
0x1d: {  	s5 =	simm.s32 @p1 $0x1;
	p0 =	seq.s32 s7, s2  }
0x1e: {  	s7 =	smul.u32 @!p0 $0xF7A, s2;
	p2 =	seq.s32 @!p0 s5, $0x0  }
0x1f: {  	s9 =	smul.u32 $0xF7A, s1;
	s8 =	simm.s32 @!p0 $0x1BF5;
	p2 =	por !p2, p0  }
0x20: {  	[sflag:s8] =	ssyncset.s32 @!p0 $0xFFFFF086;
	s6 =	sadd.s32 @!p0 s3, s7;
	s7 =	simm.s32 @!p0 $0x108  }
0x21: {  	s3 =	sadd.s32 s3, s9;
	s6 =	sadd.s32 @!p0 $0x88, s6;
	s7 =	simm.s32 @p2 $0x1082  }
0x22: {  	[simem:s7], [sflag:s8] =	dma.local @!p0 [hbm:s6], $0xF7A  }
0x23: {  	s9 =	sor.u32 $0xD0000000, s2;
	s6 =	simm.s32 $0x108;
	_ =	swait.ge @!p0 [sflag:s8], $0x0  }
0x24: {  	s3 =	sadd.s32 $0x88, s3;
	s6 =	simm.s32 @!p1 $0x1082;
	[sflag:s4] =	ssyncset.s32 $0xFFFFF086  }
0x25: {  	[simem:s6], [sflag:s4] =	dma.local [hbm:s3], $0xF7A  }
0x26: {  	[smem:$0x3F96] =	sst s1;
	(tag) =	ssettag s2;
	_ =	strace s9  }
0x27: {  	s1 =	sld [smem:$0x3FA6]  }
0x28: {  	s2 =	sld [smem:$0x3FA7]  }
0x29: {  	s4 =	sld [smem:$0x3FA9]  }
0x2a: {  	p0 =	seq.s32 s5, $0x0;
	s5 =	sld [smem:$0x3FAA]  }
0x2b: {  	s6 =	sld [smem:$0x3FAB]  }
0x2c: {  	s7 =	sld [smem:$0x3FAC]  }
0x2d: {  	s3 =	simm.s32 $0x108;
	s8 =	sld [smem:$0x3FAD]  }
0x2e: {  	s3 =	simm.s32 @!p0 $0x1082;
	s9 =	sld [smem:$0x3FAE]  }
0x2f: {  	lr =	sadd.s32 s0, s3;
	s0 =	sld [smem:$0x3FA5]  }
0x30: {  	s3 =	sld [smem:$0x3FA8]  }
0x31: {  	[smem:$0x3FB1] =	sst s10  }
0x32: {  	s10 =	sld [smem:$0x3FAF];
	_ =	sdelay $0x3  }
0x33: {  	p0 =	seq.s32 s10, $0x1;
	s10 =	sld [smem:$0x3FB1];
	_ =	sdelay $0x3  }
0x34: {  	[smem:$0x3FB1] =	sst s10  }
0x35: {  	s10 =	sld [smem:$0x3FB0];
	_ =	sdelay $0x3  }
0x36: {  	p1 =	seq.s32 s10, $0x1;
	s10 =	sld [smem:$0x3FB1];
	_ =	sdelay $0x3  }
0x37: {  	[smem:$0x3FB1] =	sst s10  }
0x38: {  	s10 =	sld [smem:$0x3FB2]  }
0x39: {  	_ = 	snop;
	(pc) =	sbr.ind lr, $3  }
0x3a: {  	_ = 	snop  }
0x3b: {  	_ = 	snop  }
0x3c: {  	p2 =	seq.s32 s10, $0x1;
	s10 =	sld [smem:$0x3FB1]  }
0x3d: {  	_ =	shalt  }
0x3e: {  	_ =	shalt  }
0x3f: {  	_ =	shalt  }
0x40: {  	_ =	shalt  }
0x41: {  	_ =	shalt  }
0x42: {  	_ =	shalt  }
0x43: {  	_ =	shalt  }
0x44: {  	_ =	shalt  }
0x45: {  	_ =	shalt  }
0x46: {  	_ =	shalt  }
0x47: {  	_ =	shalt  }
0x48: {  	_ =	shalt  }
0x49: {  	_ =	shalt  }
0x4a: {  	_ =	shalt  }
0x4b: {  	_ =	shalt  }
0x4c: {  	_ =	shalt  }
0x4d: {  	_ =	shalt  }
0x4e: {  	_ =	shalt  }
0x4f: {  	_ =	shalt  }
0x50: {  	_ =	shalt  }
0x51: {  	_ =	shalt  }
0x52: {  	_ =	shalt  }
0x53: {  	_ =	shalt  }
0x54: {  	_ =	shalt  }
0x55: {  	_ =	shalt  }
0x56: {  	_ =	shalt  }
0x57: {  	_ =	shalt  }
0x58: {  	_ =	shalt  }
0x59: {  	_ =	shalt  }
0x5a: {  	_ =	shalt  }
0x5b: {  	_ =	shalt  }
0x5c: {  	_ =	shalt  }
0x5d: {  	_ =	shalt  }
0x5e: {  	_ =	shalt  }
0x5f: {  	_ =	shalt  }
0x60: {  	_ =	shalt  }
0x61: {  	_ =	shalt  }
0x62: {  	_ =	shalt  }
0x63: {  	_ =	shalt  }
0x64: {  	_ =	shalt  }
0x65: {  	_ =	shalt  }
0x66: {  	_ =	shalt  }
0x67: {  	_ =	shalt  }
0x68: {  	_ =	shalt  }
0x69: {  	_ =	shalt  }
0x6a: {  	_ =	shalt  }
0x6b: {  	_ =	shalt  }
0x6c: {  	_ =	shalt  }
0x6d: {  	_ =	shalt  }
0x6e: {  	_ =	shalt  }
0x6f: {  	_ =	shalt  }
0x70: {  	_ =	shalt  }
0x71: {  	_ =	shalt  }
0x72: {  	_ =	shalt  }
0x73: {  	_ =	shalt  }
0x74: {  	_ =	shalt  }
0x75: {  	_ =	shalt  }
0x76: {  	_ =	shalt  }
0x77: {  	_ =	shalt  }
0x78: {  	_ =	shalt  }
0x79: {  	_ =	shalt  }
0x7a: {  	_ =	shalt  }
0x7b: {  	_ =	shalt  }
0x7c: {  	_ =	shalt  }
0x7d: {  	_ =	shalt  }
0x7e: {  	_ =	shalt  }
0x7f: {  	_ =	shalt  }
0x80: {  	_ =	shalt  }
0x81: {  	_ =	shalt  }
0x82: {  	_ =	shalt  }
0x83: {  	_ =	shalt  }
0x84: {  	_ =	shalt  }
0x85: {  	_ =	shalt  }
0x86: {  	_ =	shalt  }
0x87: {  	_ =	shalt  }
.Lfunc_end0:
.L_simem_size_0:
called_computation_lowered:
.L_overlay_start_0:
0x88: {  	s2 =	sld [smem:$0x3FD9]  }
0x89: {  	s3 =	sld [smem:$0x3FFE];
	_ =	sdelay $0x1  }
0x8a: {  	s1 =	srdreg.scid  }
0x8b: {  	s0 =	sand.u32 $0x1, s1  }
0x8c: {  	s17 =	sshll.u32 s0, $0xA;
	s2 =	sadd.s32 s3, s2  }
0x8d: {  	s2 =	sadd.s32 s2, s17  }
0x8e: {  	[smem:$0x3FBD] =	sst s2  }
0x8f: {  	_ = 	snop  }
0x90: {  	s2 =	sld [smem:$0x3FD0];
	(tm) =	ssettm $0x1  }
0x91: {  	s18 =	sld [smem:$0x3FFB];
	_ =	sdelay $0x3  }
0x92: {  	_ =	strace s18  }
0x93: {  	s3 =	sld [smem:$0x3FFC];
	_ =	sdelay $0x3  }
0x94: {  	_ =	strace s3  }
0x95: {  	s3 =	sld [smem:$0x3FFD];
	_ =	sdelay $0x3  }
0x96: {  	_ =	strace s3  }
0x97: {  	_ =	strace $0x8FFFFFFF  }
0x98: {  	s19 =	sld [smem:$0x3FDB];
	_ =	sdelay $0x1  }
0x99: {  	s4 =	simm.s32 $_scs_section_size  }
0x9a: {  	s5 =	simm.s32 $_size__tile_overlayer_lowered;
	s6 =	simm.s32 $_tile_overlayer_lowered  }
0x9b: {  	s22 =	simm.s32 $0x1BFF;
	s21 =	sshll.u32 s6, $0x1;
	s3 =	sadd.s32 s4, s19  }
0x9c: {  	s7 =	simm.s32 $0x0;
	s20 =	sshll.u32 s5, $0x1;
	s5 =	sadd.s32 s21, s3  }
0x9d: {  	[timem:s7], [sflag:s22] =	dma.local [hbm:s5], s20  }
0x9e: {  	_ =	swait.ge [sflag:s22], s20  }
0x9f: {  	s4 =	ssub.s32 $0x0, s20;
	[sflag:s22] =	ssyncset.done $0x0  }
0xa0: {  	[sflag:s22] =	ssyncadd.s32 s4;
	_ =	sdelay $0x1  }
0xa1: {  	s23 =	simm.s32 $0x1B8B  }
0xa2: {  	_ =	swait.ge [sflag:s23], $0x1  }
0xa3: {  	[sflag:s23] =	ssyncset.done $0x0  }
0xa4: {  	s25 =	simm.s32 $0x1B8E;
	s24 =	sld [smem:$0x3FFE];
	[sflag:s23] =	ssyncadd.s32 $0xFFFFFFFF  }
0xa5: {  	s26 =	simm.s32 $execute0_lowered;
	[smem:$0x3FD2] =	sst s25  }
0xa6: {  	s5 =	sshll.u32 s26, $0x1;
	_ =	strace $0x80000046;
	[dreg:$0x1] =	wrdreg $0xFFFFFFFF  }
0xa7: {  	s28 =	simm.s32 $_size_execute0_lowered;
	s3 =	sadd.s32 s3, s5;
	[dreg:$0x0] =	wrdreg $0x0  }
0xa8: {  	s5 =	sshll.u32 s28, $0x1;
	[dreg:$0x2] =	wrdreg s3  }
0xa9: {  	[dreg:$0x3] =	wrdreg s5  }
0xaa: {  	[dreg:$0x4] =	wrdreg $0xC0  }
0xab: {  	_ =	task [dreg:s7], $0x5FFFF  }
0xac: {  	[dreg:$0x1] =	wrdreg $0xFFFFFFFF  }
0xad: {  	[dreg:$0x0] =	wrdreg $0x60  }
0xae: {  	[dreg:$0x2] =	wrdreg s2  }
0xaf: {  	[dreg:$0x3] =	wrdreg s24  }
0xb0: {  	[dreg:$0x4] =	wrdreg $0xB000  }
0xb1: {  	[dreg:$0x5] =	wrdreg $0xD800  }
0xb2: {  	[dreg:$0x6] =	wrdreg $0x9  }
0xb3: {  	_ =	task.clear_ibuf [dreg:s7], $0x7FFFF;
	_ =	strace $0x90000046  }
0xb4: {  	s29 =	simm.s32 $0x9;
	_ =	strace $0x80000048  }
0xb5: {  	_ =	swait.ge [sflag:s29], $0x1  }
0xb6: {  	[sflag:s29] =	ssyncadd.s32 $0xFFFFFFFF  }
0xb7: {  	_ =	strace $0x90000048  }
0xb8: {  	_ =	sfence  }
0xb9: {  	s30 =	sld [smem:$0x0];
	_ =	sdelay $0x2  }
0xba: {  	s31 =	sshll.u32 s1, $0xD;
	s1 =	sshrl.u32 s1, $0x2  }
0xbb: {  	s3 =	sand.u32 $0x4000, s31;
	s1 =	sadd.s32 s1, s30  }
0xbc: {  	s0 =	sor.u32 s3, s0;
	s1 =	sshll.u32 s1, $0x11  }
0xbd: {  	s0 =	sor.u32 s1, s0  }
0xbe: {  	s0 =	sadd.s32 $0x8F2B, s0  }
0xbf: {  	[sflag:s0] =	ssyncadd.remote.s32 $0x1  }
0xc0: {  	_ =	sfence.sel $0xFFFF  }
0xc1: {  	[dreg:$0x0] =	wrdreg $0xFFFFFFFF;
	(pc) =	sbr.abs _section_cstart, $3  }
0xc2: {  	[dreg:$0x1] =	wrdreg $0xFFFFFFFF  }
0xc3: {  	_ =	task.clear_ibuf [dreg:s7], $0x2FFFF;
	_ =	strace $0x9FFFFFFF  }
0xc4: {  	(tm) =	ssettm $0x7FFFFFFF  }
0xc5: {  	_ =	shalt  }
tec
execute0_lowered:
.L_overlay_start_1:
0x0: {  	(tag) =	ssettag $0x1  }
0x1: {  	s0 =	rddreg [dreg:$0x0]  }
0x2: {  	s4 =	rddreg [dreg:$0x1]  }
0x3: {  	s1 =	rddreg [dreg:$0x2]  }
0x4: {  	s2 =	rddreg [dreg:$0x3]  }
0x5: {  	s3 =	simm.s32 $0x0;
	s5 =	srdreg.scid;
	s13 =	stileid.u32  }
0x6: {  	[smem:$0x7FF] =	sst s3;
	s5 =	sand.u32 $0x1, s5;
	s10 =	smul.u32 $0x5000, s13  }
0x7: {  	s6 =	sadd.s32 $0x3A00, s4;
	s8 =	sadd.s32 $0xDA00, s4;
	s11 =	sadd.s32 $0x17A00, s4  }
0x8: {  	s12 =	sadd.s32 $0x21A00, s4;
	s17 =	smul.u32 $0xA00, s13;
	s20 =	sshrl.u32 s10, $0x3  }
0x9: {  	_ =	strace $0x80000047;
	[dreg:$0x5] =	wrdreg s12;
	s10 =	sadd.s32 s0, s20  }
0xa: {  	s7 =	ssub.s32 $0x2, s5;
	s21 =	sadd.s32 s6, s20;
	[dreg:$0x6] =	wrdreg s10  }
0xb: {  	p0 =	seq.s32 s5, $0x1;
	s15 =	sadd.s32 s8, s20;
	[dreg:$0x7] =	wrdreg s21  }
0xc: {  	s22 =	sor.u32 $0x10, s20;
	s5 =	sadd.s32 s11, s20;
	[dreg:$0xc] =	wrdreg s15  }
0xd: {  	s25 =	sor.u32 $0x20, s20;
	s20 =	sadd.s32 s17, s11;
	[dreg:$0xd] =	wrdreg s5  }
0xe: {  	s23 =	sadd.s32 s0, s22;
	[dreg:$0x14] =	wrdreg s20  }
0xf: {  	s24 =	sadd.s32 s6, s22;
	[dreg:$0x8] =	wrdreg s23  }
0x10: {  	s30 =	simm.s32 $0x5;
	s14 =	sadd.s32 s0, s25;
	[dreg:$0x9] =	wrdreg s24  }
0x11: {  	s29 =	simm.s32 $0xA;
	s26 =	sadd.s32 s6, s25;
	[dreg:$0xa] =	wrdreg s14  }
0x12: {  	s28 =	simm.s32 $0x6;
	s16 =	sadd.s32 s8, s22;
	[dreg:$0xb] =	wrdreg s26  }
0x13: {  	s31 =	simm.s32 $0xB;
	s10 =	sadd.s32 s11, s22;
	[dreg:$0xe] =	wrdreg s16  }
0x14: {  	s12 =	simm.s32 $0x2;
	s18 =	sadd.s32 s8, s25;
	[dreg:$0xf] =	wrdreg s10  }
0x15: {  	s9 =	sshrl.u32 s7, $0x1;
	s19 =	sadd.s32 s11, s25;
	[dreg:$0x10] =	wrdreg s18  }
0x16: {  	s7 =	ssub.s32 s7, s9;
	s6 =	sadd.s32 s17, s6;
	[dreg:$0x11] =	wrdreg s19  }
0x17: {  	s9 =	smul.u32 $0x280, s13;
	s0 =	sadd.s32 s17, s0;
	[dreg:$0x12] =	wrdreg s6  }
0x18: {  	s21 =	sadd.s32 s17, s8;
	s22 =	sadd.s32 $0x22600, s4;
	[dreg:$0x13] =	wrdreg s0  }
0x19: {  	s17 =	simm.s32 $0x100;
	s15 =	simm.s32 $0x3;
	[dreg:$0x15] =	wrdreg s21  }
0x1a: {  	s5 =	simm.s32 $0xC;
	[dreg:$0x16] =	wrdreg s22;
	s23 =	sadd.s32 $0x22000, s4  }
0x1b: {  	s24 =	sadd.s32 $0x22C00, s4;
	s16 =	sadd.s32 s9, s1;
	s14 =	sadd.s32 s9, s2  }
0x1c: {  	s25 =	sshrl.u32 s9, $0x3;
	s26 =	smax.u32 s7, $0x1;
	[dreg:$0x17] =	wrdreg s23  }
.Ltmp0:
0x1d: {  	s19 =	simm.s32 $0xD;
	[dreg:$0x18] =	wrdreg s24;
	(pc) =	sbr.rel .LBB2_1-.Ltmp0, $4  }
0x1e: {  	s6 =	simm.s32 $0x80;
	s9 =	simm.s32 $0x800;
	[dreg:$0x1b] =	wrdreg s25  }
0x1f: {  	s22 =	simm.s32 $0x4;
	s0 =	simm.s32 $0x7;
	[dreg:$0x1c] =	wrdreg s26  }
0x20: {  	s7 =	simm.s32 $0x8;
	s4 =	simm.s32 $0x0;
	[dreg:$0x19] =	wrdreg s16  }
0x21: {  	v0 =	vimm.f32 $1.000000000e+00;
	v1 =	vimm.f32 $0.0e+00;
	s24 =	simm.s32 $0x500;
	s23 =	simm.s32 $0x9;
	[dreg:$0x1a] =	wrdreg s14  }
.LBB2_15:
0x22: {  	s18 =	rddreg [dreg:$0x17]  }
0x23: {  	s10 =	rddreg [dreg:$0x18]  }
0x24: {  	s4 =	rddreg [dreg:$0x1d]  }
.LBB2_16:
0x25: {  	_ =	swait.ge [sflag:s29], $0x80  }
0x26: {  	[sflag:s29] =	ssyncset.done $0x0  }
0x27: {  	[sflag:s29] =	ssyncadd.s32 $0xFFFFFF80  }
0x28: {  	_ =	swait.ge [sflag:s29], $0x80  }
0x29: {  	[sflag:s29] =	ssyncset.done $0x0  }
0x2a: {  	[sflag:s29] =	ssyncadd.s32 $0xFFFFFF80  }
0x2b: {  	_ =	swait.ge [sflag:s31], $0x80  }
0x2c: {  	[sflag:s31] =	ssyncset.done $0x0  }
0x2d: {  	[sflag:s31] =	ssyncadd.s32 $0xFFFFFF80  }
0x2e: {  	_ =	swait.ge [sflag:s31], $0x80  }
0x2f: {  	[sflag:s31] =	ssyncset.done $0x0  }
0x30: {  	[sflag:s31] =	ssyncadd.s32 $0xFFFFFF80  }
0x31: {  	_ =	swait.ge [sflag:s5], $0x80  }
0x32: {  	[sflag:s5] =	ssyncset.done $0x0  }
0x33: {  	[sflag:s5] =	ssyncadd.s32 $0xFFFFFF80  }
0x34: {  	_ =	swait.ge [sflag:s5], $0x80  }
0x35: {  	[sflag:s5] =	ssyncset.done $0x0  }
0x36: {  	[sflag:s5] =	ssyncadd.s32 $0xFFFFFF80  }
0x37: {  	s13 =	stileid.u32;
	s17 =	rddreg [dreg:$0x1b];
	[bflag:$0x0] =	sbarrier.arrive $0xFFFF  }
0x38: {  	s19 =	simm.s32 $0xD;
	s13 =	sshll.u32 s13, $0x6;
	s16 =	rddreg [dreg:$0x19]  }
0x39: {  	s13 =	sor.u32 $0x1C0D, s13;
	s11 =	sadd.s32 s18, s17;
	s14 =	sshrl.u32 s16, $0x3  }
0x3a: {  	[hbm:s11], [sflag:s13] =	dma.local [spmem:s14], $0x50  }
0x3b: {  	_ =	swait.ge [sflag:s19], $0x50  }
0x3c: {  	[sflag:s19] =	ssyncset.done $0x0;
	s14 =	rddreg [dreg:$0x1a]  }
0x3d: {  	s10 =	sadd.s32 s10, s17;
	[sflag:s19] =	ssyncadd.s32 $0xFFFFFFB0;
	s25 =	sshrl.u32 s14, $0x3  }
0x3e: {  	[hbm:s10], [sflag:s13] =	dma.local [spmem:s25], $0x50  }
0x3f: {  	_ =	swait.ge [sflag:s19], $0x50  }
0x40: {  	s4 =	sadd.s32 $0x1, s4;
	s26 =	rddreg [dreg:$0x1c]  }
0x41: {  	p1 =	sne.s32 s4, s26  }
.Ltmp1:
0x42: {  	_ = 	snop;
	(pc) =	sbr.rel @!p1 .LBB2_17-.Ltmp1, $3  }
0x43: {  	_ =	sdelay $0x1  }
0x44: {  	[sflag:s19] =	ssyncset.done $0x0  }
0x45: {  	s17 =	simm.s32 $0x100;
	[sflag:s19] =	ssyncadd.s32 $0xFFFFFFB0  }
.LBB2_1:
0x46: {  	[tilespmem:$0x800] =	vst v0  }
0x47: {  	[tilespmem:$0x810] =	vst v0  }
0x48: {  	[tilespmem:$0x820] =	vst v0  }
0x49: {  	[tilespmem:$0x830] =	vst v0  }
0x4a: {  	[tilespmem:$0x840] =	vst v0  }
0x4b: {  	[tilespmem:$0x850] =	vst v0  }
0x4c: {  	[tilespmem:$0x860] =	vst v0  }
0x4d: {  	[tilespmem:$0x870] =	vst v0  }
0x4e: {  	[tilespmem:$0x880] =	vst v1  }
0x4f: {  	[tilespmem:$0x890] =	vst v1  }
0x50: {  	[tilespmem:$0x8A0] =	vst v1  }
0x51: {  	[tilespmem:$0x8B0] =	vst v1  }
0x52: {  	[tilespmem:$0x8C0] =	vst v1  }
0x53: {  	[tilespmem:$0x8D0] =	vst v1  }
0x54: {  	[tilespmem:$0x8E0] =	vst v1  }
0x55: {  	[tilespmem:$0x8F0] =	vst v1  }
0x56: {  	[tilespmem:$0x900] =	vst v1  }
0x57: {  	[tilespmem:$0x910] =	vst v1  }
0x58: {  	[tilespmem:$0x920] =	vst v1  }
0x59: {  	[tilespmem:$0x930] =	vst v1  }
0x5a: {  	[tilespmem:$0x940] =	vst v1  }
0x5b: {  	[tilespmem:$0x950] =	vst v1  }
0x5c: {  	[tilespmem:$0x960] =	vst v1  }
0x5d: {  	[tilespmem:$0x970] =	vst v1  }
0x5e: {  	[tilespmem:$0x980] =	vst v1  }
0x5f: {  	[tilespmem:$0x990] =	vst v1  }
0x60: {  	[tilespmem:$0x9A0] =	vst v1  }
0x61: {  	[tilespmem:$0x9B0] =	vst v1  }
0x62: {  	[tilespmem:$0x9C0] =	vst v1  }
0x63: {  	[tilespmem:$0x9D0] =	vst v1  }
0x64: {  	[tilespmem:$0x9E0] =	vst v1  }
0x65: {  	[tilespmem:$0x9F0] =	vst v1  }
0x66: {  	[tilespmem:$0xA00] =	vst v1  }
0x67: {  	[tilespmem:$0xA10] =	vst v1  }
0x68: {  	[tilespmem:$0xA20] =	vst v1  }
0x69: {  	[tilespmem:$0xA30] =	vst v1  }
0x6a: {  	[tilespmem:$0xA40] =	vst v1  }
0x6b: {  	[tilespmem:$0xA50] =	vst v1  }
0x6c: {  	[tilespmem:$0xA60] =	vst v1  }
0x6d: {  	[tilespmem:$0xA70] =	vst v1  }
0x6e: {  	[tilespmem:$0xA80] =	vst v1  }
0x6f: {  	[tilespmem:$0xA90] =	vst v1  }
0x70: {  	[tilespmem:$0xAA0] =	vst v1  }
0x71: {  	[tilespmem:$0xAB0] =	vst v1  }
0x72: {  	[tilespmem:$0xAC0] =	vst v1  }
0x73: {  	[tilespmem:$0xAD0] =	vst v1  }
0x74: {  	[tilespmem:$0xAE0] =	vst v1  }
0x75: {  	[dreg:$0x1d] =	wrdreg s4;
	[tilespmem:$0xAF0] =	vst v1;
	s10 =	simm.s32 $0x880  }
0x76: {  	[spmem:s16] =	stream.linear.scatter [tilespmem:s10], [sflag:$0xD], $0x280, $0x38;
	[tilespmem:$0x1000] =	vst v63  }
0x77: {  	_ =	swait.ge [sflag:s19], $0x280  }
0x78: {  	[sflag:s19] =	ssyncset.done $0x0  }
0x79: {  	[sflag:s19] =	ssyncadd.s32 $0xFFFFFD80  }
0x7a: {  	[spmem:s14] =	stream.linear.scatter [tilespmem:s10], [sflag:$0xD], $0x280, $0x38;
	[tilespmem:$0x1000] =	vst v63  }
.Ltmp2:
0x7b: {  	_ =	swait.ge [sflag:s19], $0x280;
	(pc) =	sbr.rel @!p0 .LBB2_2-.Ltmp2, $4  }
0x7c: {  	[sflag:s19] =	ssyncset.done $0x0  }
0x7d: {  	[sflag:s19] =	ssyncadd.s32 $0xFFFFFD80  }
0x7e: {  	[bflag:$0x0] =	sbarrier.arrive $0xFFFF  }
0x7f: {  	s18 =	simm.s32 $0x0  }
0x80: {  	s10 =	rddreg [dreg:$0xc]  }
0x81: {  	[tilespmem:s18], [sflag:$0xD] =	stream.linear.gather [hbm4b:s10+s18], $0x80, $0x38;
	[tilespmem:$0x1000] =	vst v63  }
0x82: {  	_ =	swait.ge [sflag:s19], $0x80  }
0x83: {  	[sflag:s19] =	ssyncset.done $0x0  }
0x84: {  	s11 =	simm.s32 $0x400;
	s16 =	rddreg [dreg:$0xd];
	[sflag:s19] =	ssyncadd.s32 $0xFFFFFF80  }
0x85: {  	[tilespmem:s11], [sflag:$0xD] =	stream.linear.gather [hbm4b:s16+s18], $0x80, $0x38;
	[tilespmem:$0x1000] =	vst v63  }
0x86: {  	_ =	swait.ge [sflag:s19], $0x80  }
0x87: {  	[sflag:s19] =	ssyncset.done $0x0  }
0x88: {  	[sflag:s19] =	ssyncadd.s32 $0xFFFFFF80;
	s19 =	rddreg [dreg:$0xe]  }
0x89: {  	[tilespmem:s6], [sflag:$0x2] =	stream.linear.gather [hbm4b:s19+s18], $0x80, $0x38;
	[tilespmem:$0x1000] =	vst v63  }
0x8a: {  	s21 =	simm.s32 $0x480;
	s20 =	rddreg [dreg:$0xf]  }
0x8b: {  	[tilespmem:s21], [sflag:$0x2] =	stream.linear.gather [hbm4b:s20+s18], $0x80, $0x38;
	[tilespmem:$0x1000] =	vst v63  }
.Ltmp3:
0x8c: {  	_ = 	snop;
	(pc) =	sbr.rel .LBB2_10-.Ltmp3, $4  }
0x8d: {  	s25 =	rddreg [dreg:$0x10]  }
0x8e: {  	[tilespmem:s17], [sflag:$0x3] =	stream.linear.gather [hbm4b:s25+s18], $0x80, $0x38;
	[tilespmem:$0x1000] =	vst v63  }
0x8f: {  	s26 =	rddreg [dreg:$0x11];
	s19 =	simm.s32 $0x7;
	s20 =	simm.s32 $0x0  }
0x90: {  	[tilespmem:s24], [sflag:$0x3] =	stream.linear.gather [hbm4b:s26+s18], $0x80, $0x38;
	[tilespmem:$0x1000] =	vst v63  }
.LBB2_11:
0x91: {  	s11 =	sadd.s32 $0xA0, s21;
	s10 =	sadd.s32 $0xA0, s10  }
0x92: {  	[tilespmem:s24], [sflag:$0x3] =	stream.linear.gather [hbm4b:s11+s3], $0x80, $0x38;
	[tilespmem:$0x1000] =	vst v63  }
0x93: {  	s4 =	simm.s32 $0x500;
	s17 =	simm.s32 $0x100;
	s24 =	simm.s32 $0x500  }
0x94: {  	[tilespmem:s4], [sflag:$0x3] =	stream.linear.gather [hbm4b:s10+s3], $0x80, $0x38;
	[tilespmem:$0x1000] =	vst v63  }
.LBB2_13:
0x95: {  	s4 =	simm.s32 $0x1  }
0x96: {  	_ =	swait.ge [sflag:s4], $0x80  }
0x97: {  	[sflag:s4] =	ssyncset.done $0x0  }
0x98: {  	[sflag:s4] =	ssyncadd.s32 $0xFFFFFF80  }
0x99: {  	_ =	swait.ge [sflag:s4], $0x80  }
0x9a: {  	[sflag:s4] =	ssyncset.done $0x0  }
0x9b: {  	[sflag:s4] =	ssyncadd.s32 $0xFFFFFF80  }
.LBB2_14:
0x9c: {  	s18 =	sadd.s32 $0x80, s18  }
0x9d: {  	p1 =	sne.s32 s18, $0xA00  }
.Ltmp4:
0x9e: {  	_ = 	snop;
	(pc) =	sbr.rel @!p1 .LBB2_15-.Ltmp4, $2  }
0x9f: {  	_ =	sdelay $0x2  }
0xa0: {  	s20 =	sadd.s32 $0x1, s20;
	s19 =	sadd.s32 $0x8, s19  }
.LBB2_10:
0xa1: {  	p1 =	seq.s32 s18, $0x0  }
0xa2: {  	s10 =	simm.s32 @!p1 $0xA  }
0xa3: {  	_ =	swait.ge @!p1 [sflag:s10], $0x80  }
0xa4: {  	[sflag:s10] =	ssyncset.done @!p1 $0x0  }
0xa5: {  	[sflag:s10] =	ssyncadd.s32 @!p1 $0xFFFFFF80  }
0xa6: {  	_ =	swait.ge @!p1 [sflag:s10], $0x80  }
0xa7: {  	[sflag:s10] =	ssyncset.done @!p1 $0x0  }
0xa8: {  	s13 =	rddreg [dreg:$0x15];
	[sflag:s10] =	ssyncadd.s32 @!p1 $0xFFFFFF80  }
0xa9: {  	[spmem:s1] =	stream.indirect.scatter.add.f32 [tilespmem:s9], [sflag:$0x9], $0x1, s3, s6, $0xb8;
	[tilespmem:$0x1000] =	vst v63  }
0xaa: {  	s14 =	simm.s32 $0x400;
	s21 =	sadd.s32 s18, s13  }
0xab: {  	[spmem:s2] =	stream.indirect.scatter.add.f32 [tilespmem:s9], [sflag:$0x9], $0x1, s14, s6, $0xb8;
	[tilespmem:$0x1000] =	vst v63  }
0xac: {  	s4 =	simm.s32 $0x180;
	s16 =	sadd.s32 $0x30, s21  }
0xad: {  	[tilespmem:s4], [sflag:$0x4] =	stream.linear.gather [hbm4b:s16+s3], $0x80, $0x38;
	[tilespmem:$0x1000] =	vst v63  }
0xae: {  	s16 =	rddreg [dreg:$0x14]  }
0xaf: {  	s10 =	sadd.s32 s18, s16  }
0xb0: {  	s14 =	simm.s32 $0x580;
	s11 =	sadd.s32 $0x30, s10  }
0xb1: {  	[tilespmem:s14], [sflag:$0x4] =	stream.linear.gather [hbm4b:s11+s3], $0x80, $0x38;
	[tilespmem:$0x1000] =	vst v63  }
0xb2: {  	_ =	swait.ge [sflag:s12], $0x80  }
0xb3: {  	[sflag:s12] =	ssyncset.done $0x0  }
0xb4: {  	[sflag:s12] =	ssyncadd.s32 $0xFFFFFF80  }
0xb5: {  	_ =	swait.ge [sflag:s12], $0x80  }
0xb6: {  	[sflag:s12] =	ssyncset.done $0x0  }
0xb7: {  	s11 =	simm.s32 @!p1 $0xB;
	[sflag:s12] =	ssyncadd.s32 $0xFFFFFF80  }
0xb8: {  	_ =	swait.ge @!p1 [sflag:s11], $0x80  }
0xb9: {  	[sflag:s11] =	ssyncset.done @!p1 $0x0  }
0xba: {  	[sflag:s11] =	ssyncadd.s32 @!p1 $0xFFFFFF80  }
0xbb: {  	_ =	swait.ge @!p1 [sflag:s11], $0x80  }
0xbc: {  	[sflag:s11] =	ssyncset.done @!p1 $0x0  }
0xbd: {  	[sflag:s11] =	ssyncadd.s32 @!p1 $0xFFFFFF80  }
0xbe: {  	[spmem:s1] =	stream.indirect.scatter.add.f32 [tilespmem:s9], [sflag:$0xA], $0x1, s6, s6, $0xb8;
	[tilespmem:$0x1000] =	vst v63  }
0xbf: {  	s25 =	simm.s32 $0x480  }
0xc0: {  	[spmem:s2] =	stream.indirect.scatter.add.f32 [tilespmem:s9], [sflag:$0xA], $0x1, s25, s6, $0xb8;
	[tilespmem:$0x1000] =	vst v63  }
0xc1: {  	s26 =	sadd.s32 $0x40, s21;
	s25 =	simm.s32 $0x200  }
0xc2: {  	[tilespmem:s25], [sflag:$0x5] =	stream.linear.gather [hbm4b:s26+s3], $0x80, $0x38;
	[tilespmem:$0x1000] =	vst v63  }
0xc3: {  	s8 =	sadd.s32 $0x40, s10;
	s26 =	simm.s32 $0x600  }
0xc4: {  	[tilespmem:s26], [sflag:$0x5] =	stream.linear.gather [hbm4b:s8+s3], $0x80, $0x38;
	[tilespmem:$0x1000] =	vst v63  }
0xc5: {  	_ =	swait.ge [sflag:s15], $0x80  }
0xc6: {  	[sflag:s15] =	ssyncset.done $0x0  }
0xc7: {  	[sflag:s15] =	ssyncadd.s32 $0xFFFFFF80  }
0xc8: {  	_ =	swait.ge [sflag:s15], $0x80  }
0xc9: {  	[sflag:s15] =	ssyncset.done $0x0  }
0xca: {  	s11 =	simm.s32 @!p1 $0xC;
	[sflag:s15] =	ssyncadd.s32 $0xFFFFFF80  }
0xcb: {  	_ =	swait.ge @!p1 [sflag:s11], $0x80  }
0xcc: {  	[sflag:s11] =	ssyncset.done @!p1 $0x0  }
0xcd: {  	[sflag:s11] =	ssyncadd.s32 @!p1 $0xFFFFFF80  }
0xce: {  	_ =	swait.ge @!p1 [sflag:s11], $0x80  }
0xcf: {  	[sflag:s11] =	ssyncset.done @!p1 $0x0  }
0xd0: {  	[sflag:s11] =	ssyncadd.s32 @!p1 $0xFFFFFF80  }
0xd1: {  	[spmem:s1] =	stream.indirect.scatter.add.f32 [tilespmem:s9], [sflag:$0xB], $0x1, s17, s6, $0xb8;
	[tilespmem:$0x1000] =	vst v63  }
0xd2: {  	_ = 	snop  }
0xd3: {  	[spmem:s2] =	stream.indirect.scatter.add.f32 [tilespmem:s9], [sflag:$0xB], $0x1, s24, s6, $0xb8;
	[tilespmem:$0x1000] =	vst v63  }
0xd4: {  	s17 =	simm.s32 $0x280;
	s24 =	sadd.s32 $0x50, s21  }
0xd5: {  	[tilespmem:s17], [sflag:$0x6] =	stream.linear.gather [hbm4b:s24+s3], $0x80, $0x38;
	[tilespmem:$0x1000] =	vst v63  }
0xd6: {  	s8 =	sadd.s32 $0x50, s10;
	s24 =	simm.s32 $0x680  }
0xd7: {  	[tilespmem:s24], [sflag:$0x6] =	stream.linear.gather [hbm4b:s8+s3], $0x80, $0x38;
	[tilespmem:$0x1000] =	vst v63  }
0xd8: {  	_ =	swait.ge [sflag:s22], $0x80  }
0xd9: {  	[sflag:s22] =	ssyncset.done $0x0  }
0xda: {  	[sflag:s22] =	ssyncadd.s32 $0xFFFFFF80  }
0xdb: {  	_ =	swait.ge [sflag:s22], $0x80  }
0xdc: {  	[sflag:s22] =	ssyncset.done $0x0  }
0xdd: {  	[sflag:s22] =	ssyncadd.s32 $0xFFFFFF80  }
0xde: {  	_ =	swait.ge [sflag:s23], $0x80  }
0xdf: {  	[sflag:s23] =	ssyncset.done $0x0  }
0xe0: {  	[sflag:s23] =	ssyncadd.s32 $0xFFFFFF80  }
0xe1: {  	_ =	swait.ge [sflag:s23], $0x80  }
0xe2: {  	[sflag:s23] =	ssyncset.done $0x0  }
0xe3: {  	[sflag:s23] =	ssyncadd.s32 $0xFFFFFF80  }
0xe4: {  	[spmem:s1] =	stream.indirect.scatter.add.f32 [tilespmem:s9], [sflag:$0xC], $0x1, s4, s6, $0xb8;
	[tilespmem:$0x1000] =	vst v63  }
0xe5: {  	_ = 	snop  }
0xe6: {  	[spmem:s2] =	stream.indirect.scatter.add.f32 [tilespmem:s9], [sflag:$0xC], $0x1, s14, s6, $0xb8;
	[tilespmem:$0x1000] =	vst v63  }
0xe7: {  	s8 =	simm.s32 $0x300;
	s4 =	sadd.s32 $0x60, s21  }
0xe8: {  	[tilespmem:s8], [sflag:$0x7] =	stream.linear.gather [hbm4b:s4+s3], $0x80, $0x38;
	[tilespmem:$0x1000] =	vst v63  }
0xe9: {  	s14 =	sadd.s32 $0x60, s10;
	s4 =	simm.s32 $0x700  }
0xea: {  	[tilespmem:s4], [sflag:$0x7] =	stream.linear.gather [hbm4b:s14+s3], $0x80, $0x38;
	[tilespmem:$0x1000] =	vst v63  }
0xeb: {  	_ =	swait.ge [sflag:s30], $0x80  }
0xec: {  	[sflag:s30] =	ssyncset.done $0x0  }
0xed: {  	[sflag:s30] =	ssyncadd.s32 $0xFFFFFF80  }
0xee: {  	_ =	swait.ge [sflag:s30], $0x80  }
0xef: {  	[sflag:s30] =	ssyncset.done $0x0  }
0xf0: {  	[sflag:s30] =	ssyncadd.s32 $0xFFFFFF80  }
0xf1: {  	_ =	swait.ge [sflag:s29], $0x80  }
0xf2: {  	[sflag:s29] =	ssyncset.done $0x0  }
0xf3: {  	[sflag:s29] =	ssyncadd.s32 $0xFFFFFF80  }
0xf4: {  	_ =	swait.ge [sflag:s29], $0x80  }
0xf5: {  	[sflag:s29] =	ssyncset.done $0x0  }
0xf6: {  	[sflag:s29] =	ssyncadd.s32 $0xFFFFFF80  }
0xf7: {  	[spmem:s1] =	stream.indirect.scatter.add.f32 [tilespmem:s9], [sflag:$0x9], $0x1, s25, s6, $0xb8;
	[tilespmem:$0x1000] =	vst v63  }
0xf8: {  	_ = 	snop  }
0xf9: {  	[spmem:s2] =	stream.indirect.scatter.add.f32 [tilespmem:s9], [sflag:$0x9], $0x1, s26, s6, $0xb8;
	[tilespmem:$0x1000] =	vst v63  }
0xfa: {  	s25 =	sadd.s32 $0x70, s21;
	s26 =	simm.s32 $0x380  }
0xfb: {  	[tilespmem:s26], [sflag:$0x8] =	stream.linear.gather [hbm4b:s25+s3], $0x80, $0x38;
	[tilespmem:$0x1000] =	vst v63  }
0xfc: {  	s14 =	sadd.s32 $0x70, s10;
	s25 =	simm.s32 $0x780  }
0xfd: {  	[tilespmem:s25], [sflag:$0x8] =	stream.linear.gather [hbm4b:s14+s3], $0x80, $0x38;
	[tilespmem:$0x1000] =	vst v63  }
0xfe: {  	_ =	swait.ge [sflag:s28], $0x80  }
0xff: {  	[sflag:s28] =	ssyncset.done $0x0  }
0x100: {  	[sflag:s28] =	ssyncadd.s32 $0xFFFFFF80  }
0x101: {  	_ =	swait.ge [sflag:s28], $0x80  }
0x102: {  	[sflag:s28] =	ssyncset.done $0x0  }
0x103: {  	[sflag:s28] =	ssyncadd.s32 $0xFFFFFF80  }
0x104: {  	_ =	swait.ge [sflag:s31], $0x80  }
0x105: {  	[sflag:s31] =	ssyncset.done $0x0  }
0x106: {  	[sflag:s31] =	ssyncadd.s32 $0xFFFFFF80  }
0x107: {  	_ =	swait.ge [sflag:s31], $0x80  }
0x108: {  	[sflag:s31] =	ssyncset.done $0x0  }
0x109: {  	p1 =	sgt.u32 s20, $0x12;
	[sflag:s31] =	ssyncadd.s32 $0xFFFFFF80  }
0x10a: {  	[spmem:s1] =	stream.indirect.scatter.add.f32 [tilespmem:s9], [sflag:$0xA], $0x1, s17, s6, $0xb8;
	[tilespmem:$0x1000] =	vst v63  }
0x10b: {  	s11 =	sadd.s32 @!p1 s18, s13  }
0x10c: {  	[spmem:s2] =	stream.indirect.scatter.add.f32 [tilespmem:s9], [sflag:$0xA], $0x1, s24, s6, $0xb8;
	[tilespmem:$0x1000] =	vst v63  }
0x10d: {  	s13 =	sadd.s32 @!p1 $0x80, s11;
	s14 =	simm.s32 @!p1 $0x0  }
0x10e: {  	[tilespmem:s14], [sflag:$0x1] =	stream.linear.gather @!p1 [hbm4b:s13+s14], $0x80, $0x38;
	[tilespmem:$0x1000] =	vst v63  }
0x10f: {  	s13 =	sadd.s32 @!p1 s18, s16  }
0x110: {  	s17 =	simm.s32 @!p1 $0x400;
	s16 =	sadd.s32 @!p1 $0x80, s13  }
0x111: {  	[tilespmem:s17], [sflag:$0x1] =	stream.linear.gather @!p1 [hbm4b:s16+s14], $0x80, $0x38;
	[tilespmem:$0x1000] =	vst v63  }
0x112: {  	_ =	swait.ge [sflag:s0], $0x80  }
0x113: {  	[sflag:s0] =	ssyncset.done $0x0  }
0x114: {  	[sflag:s0] =	ssyncadd.s32 $0xFFFFFF80  }
0x115: {  	_ =	swait.ge [sflag:s0], $0x80  }
0x116: {  	[sflag:s0] =	ssyncset.done $0x0  }
0x117: {  	[sflag:s0] =	ssyncadd.s32 $0xFFFFFF80  }
0x118: {  	_ =	swait.ge [sflag:s5], $0x80  }
0x119: {  	[sflag:s5] =	ssyncset.done $0x0  }
0x11a: {  	[sflag:s5] =	ssyncadd.s32 $0xFFFFFF80  }
0x11b: {  	_ =	swait.ge [sflag:s5], $0x80  }
0x11c: {  	[sflag:s5] =	ssyncset.done $0x0  }
0x11d: {  	[sflag:s5] =	ssyncadd.s32 $0xFFFFFF80  }
0x11e: {  	[spmem:s1] =	stream.indirect.scatter.add.f32 [tilespmem:s9], [sflag:$0xB], $0x1, s8, s6, $0xb8;
	[tilespmem:$0x1000] =	vst v63  }
0x11f: {  	_ = 	snop  }
0x120: {  	[spmem:s2] =	stream.indirect.scatter.add.f32 [tilespmem:s9], [sflag:$0xB], $0x1, s4, s6, $0xb8;
	[tilespmem:$0x1000] =	vst v63  }
0x121: {  	s11 =	sadd.s32 @!p1 $0x90, s11;
	s16 =	simm.s32 @!p1 $0x80  }
0x122: {  	[tilespmem:s16], [sflag:$0x2] =	stream.linear.gather @!p1 [hbm4b:s11+s14], $0x80, $0x38;
	[tilespmem:$0x1000] =	vst v63  }
0x123: {  	s11 =	sadd.s32 @!p1 $0x90, s13;
	s13 =	simm.s32 @!p1 $0x480  }
0x124: {  	[tilespmem:s13], [sflag:$0x2] =	stream.linear.gather @!p1 [hbm4b:s11+s14], $0x80, $0x38;
	[tilespmem:$0x1000] =	vst v63  }
0x125: {  	_ =	swait.ge [sflag:s7], $0x80  }
0x126: {  	[sflag:s7] =	ssyncset.done $0x0  }
0x127: {  	[sflag:s7] =	ssyncadd.s32 $0xFFFFFF80  }
0x128: {  	_ =	swait.ge [sflag:s7], $0x80  }
0x129: {  	[sflag:s7] =	ssyncset.done $0x0  }
0x12a: {  	[sflag:s7] =	ssyncadd.s32 $0xFFFFFF80  }
0x12b: {  	_ =	swait.ge [sflag:s23], $0x80  }
0x12c: {  	[sflag:s23] =	ssyncset.done $0x0  }
0x12d: {  	[sflag:s23] =	ssyncadd.s32 $0xFFFFFF80  }
0x12e: {  	p1 =	sgt.u32 s19, $0x9C;
	_ =	swait.ge [sflag:s23], $0x80  }
.Ltmp5:
0x12f: {  	[sflag:s23] =	ssyncset.done $0x0;
	(pc) =	sbr.rel @!p1 .LBB2_11-.Ltmp5, $4  }
0x130: {  	[sflag:s23] =	ssyncadd.s32 $0xFFFFFF80  }
0x131: {  	[spmem:s1] =	stream.indirect.scatter.add.f32 [tilespmem:s9], [sflag:$0xC], $0x1, s26, s6, $0xb8;
	[tilespmem:$0x1000] =	vst v63  }
0x132: {  	s24 =	simm.s32 $0x100  }
0x133: {  	[spmem:s2] =	stream.indirect.scatter.add.f32 [tilespmem:s9], [sflag:$0xC], $0x1, s25, s6, $0xb8;
	[tilespmem:$0x1000] =	vst v63  }
0x134: {  	p1 =	sgt.u32 s19, $0x9E  }
.Ltmp6:
0x135: {  	_ = 	snop;
	(pc) =	sbr.rel @p1 .LBB2_14-.Ltmp6, $4  }
.Ltmp7:
0x136: {  	_ = 	snop;
	(pc) =	sbr.rel @!p1 .LBB2_13-.Ltmp7, $4  }
0x137: {  	_ = 	snop  }
0x138: {  	_ = 	snop  }
0x139: {  	s17 =	simm.s32 $0x100;
	s24 =	simm.s32 $0x500  }
0x13a: {  	_ = 	snop  }
.LBB2_2:
0x13b: {  	s10 =	rddreg [dreg:$0x6]  }
0x13c: {  	[tilespmem:s18], [sflag:$0xD] =	stream.linear.gather [hbm4b:s10+s18], $0x80, $0x38;
	[tilespmem:$0x1000] =	vst v63  }
0x13d: {  	_ =	swait.ge [sflag:s19], $0x80  }
0x13e: {  	[sflag:s19] =	ssyncset.done $0x0  }
0x13f: {  	s11 =	simm.s32 $0x400;
	s16 =	rddreg [dreg:$0x7];
	[sflag:s19] =	ssyncadd.s32 $0xFFFFFF80  }
0x140: {  	[tilespmem:s11], [sflag:$0xD] =	stream.linear.gather [hbm4b:s16+s18], $0x80, $0x38;
	[tilespmem:$0x1000] =	vst v63  }
0x141: {  	_ =	swait.ge [sflag:s19], $0x80  }
0x142: {  	[sflag:s19] =	ssyncset.done $0x0  }
0x143: {  	[sflag:s19] =	ssyncadd.s32 $0xFFFFFF80;
	s19 =	rddreg [dreg:$0x8]  }
0x144: {  	[tilespmem:s6], [sflag:$0x2] =	stream.linear.gather [hbm4b:s19+s18], $0x80, $0x38;
	[tilespmem:$0x1000] =	vst v63  }
0x145: {  	s21 =	simm.s32 $0x480;
	s20 =	rddreg [dreg:$0x9]  }
0x146: {  	[tilespmem:s21], [sflag:$0x2] =	stream.linear.gather [hbm4b:s20+s18], $0x80, $0x38;
	[tilespmem:$0x1000] =	vst v63  }
.Ltmp8:
0x147: {  	_ = 	snop;
	(pc) =	sbr.rel .LBB2_3-.Ltmp8, $4  }
0x148: {  	s25 =	rddreg [dreg:$0xa]  }
0x149: {  	[tilespmem:s17], [sflag:$0x3] =	stream.linear.gather [hbm4b:s25+s18], $0x80, $0x38;
	[tilespmem:$0x1000] =	vst v63  }
0x14a: {  	s26 =	rddreg [dreg:$0xb];
	s19 =	simm.s32 $0x7;
	s20 =	simm.s32 $0x0  }
0x14b: {  	[tilespmem:s24], [sflag:$0x3] =	stream.linear.gather [hbm4b:s26+s18], $0x80, $0x38;
	[tilespmem:$0x1000] =	vst v63  }
.LBB2_4:
0x14c: {  	s11 =	sadd.s32 $0xA0, s21;
	s10 =	sadd.s32 $0xA0, s10  }
0x14d: {  	[tilespmem:s24], [sflag:$0x3] =	stream.linear.gather [hbm4b:s11+s3], $0x80, $0x38;
	[tilespmem:$0x1000] =	vst v63  }
0x14e: {  	s4 =	simm.s32 $0x500;
	s17 =	simm.s32 $0x100;
	s24 =	simm.s32 $0x500  }
0x14f: {  	[tilespmem:s4], [sflag:$0x3] =	stream.linear.gather [hbm4b:s10+s3], $0x80, $0x38;
	[tilespmem:$0x1000] =	vst v63  }
.LBB2_6:
0x150: {  	s4 =	simm.s32 $0x1  }
0x151: {  	_ =	swait.ge [sflag:s4], $0x80  }
0x152: {  	[sflag:s4] =	ssyncset.done $0x0  }
0x153: {  	[sflag:s4] =	ssyncadd.s32 $0xFFFFFF80  }
0x154: {  	_ =	swait.ge [sflag:s4], $0x80  }
0x155: {  	[sflag:s4] =	ssyncset.done $0x0  }
0x156: {  	[sflag:s4] =	ssyncadd.s32 $0xFFFFFF80  }
.LBB2_7:
0x157: {  	s18 =	sadd.s32 $0x80, s18  }
0x158: {  	p1 =	seq.s32 s18, $0xA00  }
.Ltmp9:
0x159: {  	_ = 	snop;
	(pc) =	sbr.rel @p1 .LBB2_8-.Ltmp9, $2  }
0x15a: {  	_ =	sdelay $0x2  }
0x15b: {  	s20 =	sadd.s32 $0x1, s20;
	s19 =	sadd.s32 $0x8, s19  }
.LBB2_3:
0x15c: {  	p1 =	seq.s32 s18, $0x0  }
0x15d: {  	s10 =	simm.s32 @!p1 $0xA  }
0x15e: {  	_ =	swait.ge @!p1 [sflag:s10], $0x80  }
0x15f: {  	[sflag:s10] =	ssyncset.done @!p1 $0x0  }
0x160: {  	[sflag:s10] =	ssyncadd.s32 @!p1 $0xFFFFFF80  }
0x161: {  	_ =	swait.ge @!p1 [sflag:s10], $0x80  }
0x162: {  	[sflag:s10] =	ssyncset.done @!p1 $0x0  }
0x163: {  	s13 =	rddreg [dreg:$0x13];
	[sflag:s10] =	ssyncadd.s32 @!p1 $0xFFFFFF80  }
0x164: {  	[spmem:s1] =	stream.indirect.scatter.add.f32 [tilespmem:s9], [sflag:$0x9], $0x1, s3, s6, $0xb8;
	[tilespmem:$0x1000] =	vst v63  }
0x165: {  	s14 =	simm.s32 $0x400;
	s21 =	sadd.s32 s18, s13  }
0x166: {  	[spmem:s2] =	stream.indirect.scatter.add.f32 [tilespmem:s9], [sflag:$0x9], $0x1, s14, s6, $0xb8;
	[tilespmem:$0x1000] =	vst v63  }
0x167: {  	s4 =	simm.s32 $0x180;
	s16 =	sadd.s32 $0x30, s21  }
0x168: {  	[tilespmem:s4], [sflag:$0x4] =	stream.linear.gather [hbm4b:s16+s3], $0x80, $0x38;
	[tilespmem:$0x1000] =	vst v63  }
0x169: {  	s16 =	rddreg [dreg:$0x12]  }
0x16a: {  	s10 =	sadd.s32 s18, s16  }
0x16b: {  	s14 =	simm.s32 $0x580;
	s11 =	sadd.s32 $0x30, s10  }
0x16c: {  	[tilespmem:s14], [sflag:$0x4] =	stream.linear.gather [hbm4b:s11+s3], $0x80, $0x38;
	[tilespmem:$0x1000] =	vst v63  }
0x16d: {  	_ =	swait.ge [sflag:s12], $0x80  }
0x16e: {  	[sflag:s12] =	ssyncset.done $0x0  }
0x16f: {  	[sflag:s12] =	ssyncadd.s32 $0xFFFFFF80  }
0x170: {  	_ =	swait.ge [sflag:s12], $0x80  }
0x171: {  	[sflag:s12] =	ssyncset.done $0x0  }
0x172: {  	s11 =	simm.s32 @!p1 $0xB;
	[sflag:s12] =	ssyncadd.s32 $0xFFFFFF80  }
0x173: {  	_ =	swait.ge @!p1 [sflag:s11], $0x80  }
0x174: {  	[sflag:s11] =	ssyncset.done @!p1 $0x0  }
0x175: {  	[sflag:s11] =	ssyncadd.s32 @!p1 $0xFFFFFF80  }
0x176: {  	_ =	swait.ge @!p1 [sflag:s11], $0x80  }
0x177: {  	[sflag:s11] =	ssyncset.done @!p1 $0x0  }
0x178: {  	[sflag:s11] =	ssyncadd.s32 @!p1 $0xFFFFFF80  }
0x179: {  	[spmem:s1] =	stream.indirect.scatter.add.f32 [tilespmem:s9], [sflag:$0xA], $0x1, s6, s6, $0xb8;
	[tilespmem:$0x1000] =	vst v63  }
0x17a: {  	s25 =	simm.s32 $0x480  }
0x17b: {  	[spmem:s2] =	stream.indirect.scatter.add.f32 [tilespmem:s9], [sflag:$0xA], $0x1, s25, s6, $0xb8;
	[tilespmem:$0x1000] =	vst v63  }
0x17c: {  	s26 =	sadd.s32 $0x40, s21;
	s25 =	simm.s32 $0x200  }
0x17d: {  	[tilespmem:s25], [sflag:$0x5] =	stream.linear.gather [hbm4b:s26+s3], $0x80, $0x38;
	[tilespmem:$0x1000] =	vst v63  }
0x17e: {  	s8 =	sadd.s32 $0x40, s10;
	s26 =	simm.s32 $0x600  }
0x17f: {  	[tilespmem:s26], [sflag:$0x5] =	stream.linear.gather [hbm4b:s8+s3], $0x80, $0x38;
	[tilespmem:$0x1000] =	vst v63  }
0x180: {  	_ =	swait.ge [sflag:s15], $0x80  }
0x181: {  	[sflag:s15] =	ssyncset.done $0x0  }
0x182: {  	[sflag:s15] =	ssyncadd.s32 $0xFFFFFF80  }
0x183: {  	_ =	swait.ge [sflag:s15], $0x80  }
0x184: {  	[sflag:s15] =	ssyncset.done $0x0  }
0x185: {  	s11 =	simm.s32 @!p1 $0xC;
	[sflag:s15] =	ssyncadd.s32 $0xFFFFFF80  }
0x186: {  	_ =	swait.ge @!p1 [sflag:s11], $0x80  }
0x187: {  	[sflag:s11] =	ssyncset.done @!p1 $0x0  }
0x188: {  	[sflag:s11] =	ssyncadd.s32 @!p1 $0xFFFFFF80  }
0x189: {  	_ =	swait.ge @!p1 [sflag:s11], $0x80  }
0x18a: {  	[sflag:s11] =	ssyncset.done @!p1 $0x0  }
0x18b: {  	[sflag:s11] =	ssyncadd.s32 @!p1 $0xFFFFFF80  }
0x18c: {  	[spmem:s1] =	stream.indirect.scatter.add.f32 [tilespmem:s9], [sflag:$0xB], $0x1, s17, s6, $0xb8;
	[tilespmem:$0x1000] =	vst v63  }
0x18d: {  	_ = 	snop  }
0x18e: {  	[spmem:s2] =	stream.indirect.scatter.add.f32 [tilespmem:s9], [sflag:$0xB], $0x1, s24, s6, $0xb8;
	[tilespmem:$0x1000] =	vst v63  }
0x18f: {  	s17 =	simm.s32 $0x280;
	s24 =	sadd.s32 $0x50, s21  }
0x190: {  	[tilespmem:s17], [sflag:$0x6] =	stream.linear.gather [hbm4b:s24+s3], $0x80, $0x38;
	[tilespmem:$0x1000] =	vst v63  }
0x191: {  	s8 =	sadd.s32 $0x50, s10;
	s24 =	simm.s32 $0x680  }
0x192: {  	[tilespmem:s24], [sflag:$0x6] =	stream.linear.gather [hbm4b:s8+s3], $0x80, $0x38;
	[tilespmem:$0x1000] =	vst v63  }
0x193: {  	_ =	swait.ge [sflag:s22], $0x80  }
0x194: {  	[sflag:s22] =	ssyncset.done $0x0  }
0x195: {  	[sflag:s22] =	ssyncadd.s32 $0xFFFFFF80  }
0x196: {  	_ =	swait.ge [sflag:s22], $0x80  }
0x197: {  	[sflag:s22] =	ssyncset.done $0x0  }
0x198: {  	[sflag:s22] =	ssyncadd.s32 $0xFFFFFF80  }
0x199: {  	_ =	swait.ge [sflag:s23], $0x80  }
0x19a: {  	[sflag:s23] =	ssyncset.done $0x0  }
0x19b: {  	[sflag:s23] =	ssyncadd.s32 $0xFFFFFF80  }
0x19c: {  	_ =	swait.ge [sflag:s23], $0x80  }
0x19d: {  	[sflag:s23] =	ssyncset.done $0x0  }
0x19e: {  	[sflag:s23] =	ssyncadd.s32 $0xFFFFFF80  }
0x19f: {  	[spmem:s1] =	stream.indirect.scatter.add.f32 [tilespmem:s9], [sflag:$0xC], $0x1, s4, s6, $0xb8;
	[tilespmem:$0x1000] =	vst v63  }
0x1a0: {  	_ = 	snop  }
0x1a1: {  	[spmem:s2] =	stream.indirect.scatter.add.f32 [tilespmem:s9], [sflag:$0xC], $0x1, s14, s6, $0xb8;
	[tilespmem:$0x1000] =	vst v63  }
0x1a2: {  	s8 =	simm.s32 $0x300;
	s4 =	sadd.s32 $0x60, s21  }
0x1a3: {  	[tilespmem:s8], [sflag:$0x7] =	stream.linear.gather [hbm4b:s4+s3], $0x80, $0x38;
	[tilespmem:$0x1000] =	vst v63  }
0x1a4: {  	s14 =	sadd.s32 $0x60, s10;
	s4 =	simm.s32 $0x700  }
0x1a5: {  	[tilespmem:s4], [sflag:$0x7] =	stream.linear.gather [hbm4b:s14+s3], $0x80, $0x38;
	[tilespmem:$0x1000] =	vst v63  }
0x1a6: {  	_ =	swait.ge [sflag:s30], $0x80  }
0x1a7: {  	[sflag:s30] =	ssyncset.done $0x0  }
0x1a8: {  	[sflag:s30] =	ssyncadd.s32 $0xFFFFFF80  }
0x1a9: {  	_ =	swait.ge [sflag:s30], $0x80  }
0x1aa: {  	[sflag:s30] =	ssyncset.done $0x0  }
0x1ab: {  	[sflag:s30] =	ssyncadd.s32 $0xFFFFFF80  }
0x1ac: {  	_ =	swait.ge [sflag:s29], $0x80  }
0x1ad: {  	[sflag:s29] =	ssyncset.done $0x0  }
0x1ae: {  	[sflag:s29] =	ssyncadd.s32 $0xFFFFFF80  }
0x1af: {  	_ =	swait.ge [sflag:s29], $0x80  }
0x1b0: {  	[sflag:s29] =	ssyncset.done $0x0  }
0x1b1: {  	[sflag:s29] =	ssyncadd.s32 $0xFFFFFF80  }
0x1b2: {  	[spmem:s1] =	stream.indirect.scatter.add.f32 [tilespmem:s9], [sflag:$0x9], $0x1, s25, s6, $0xb8;
	[tilespmem:$0x1000] =	vst v63  }
0x1b3: {  	_ = 	snop  }
0x1b4: {  	[spmem:s2] =	stream.indirect.scatter.add.f32 [tilespmem:s9], [sflag:$0x9], $0x1, s26, s6, $0xb8;
	[tilespmem:$0x1000] =	vst v63  }
0x1b5: {  	s25 =	sadd.s32 $0x70, s21;
	s26 =	simm.s32 $0x380  }
0x1b6: {  	[tilespmem:s26], [sflag:$0x8] =	stream.linear.gather [hbm4b:s25+s3], $0x80, $0x38;
	[tilespmem:$0x1000] =	vst v63  }
0x1b7: {  	s14 =	sadd.s32 $0x70, s10;
	s25 =	simm.s32 $0x780  }
0x1b8: {  	[tilespmem:s25], [sflag:$0x8] =	stream.linear.gather [hbm4b:s14+s3], $0x80, $0x38;
	[tilespmem:$0x1000] =	vst v63  }
0x1b9: {  	_ =	swait.ge [sflag:s28], $0x80  }
0x1ba: {  	[sflag:s28] =	ssyncset.done $0x0  }
0x1bb: {  	[sflag:s28] =	ssyncadd.s32 $0xFFFFFF80  }
0x1bc: {  	_ =	swait.ge [sflag:s28], $0x80  }
0x1bd: {  	[sflag:s28] =	ssyncset.done $0x0  }
0x1be: {  	[sflag:s28] =	ssyncadd.s32 $0xFFFFFF80  }
0x1bf: {  	_ =	swait.ge [sflag:s31], $0x80  }
0x1c0: {  	[sflag:s31] =	ssyncset.done $0x0  }
0x1c1: {  	[sflag:s31] =	ssyncadd.s32 $0xFFFFFF80  }
0x1c2: {  	_ =	swait.ge [sflag:s31], $0x80  }
0x1c3: {  	[sflag:s31] =	ssyncset.done $0x0  }
0x1c4: {  	p1 =	sgt.u32 s20, $0x12;
	[sflag:s31] =	ssyncadd.s32 $0xFFFFFF80  }
0x1c5: {  	[spmem:s1] =	stream.indirect.scatter.add.f32 [tilespmem:s9], [sflag:$0xA], $0x1, s17, s6, $0xb8;
	[tilespmem:$0x1000] =	vst v63  }
0x1c6: {  	s11 =	sadd.s32 @!p1 s18, s13  }
0x1c7: {  	[spmem:s2] =	stream.indirect.scatter.add.f32 [tilespmem:s9], [sflag:$0xA], $0x1, s24, s6, $0xb8;
	[tilespmem:$0x1000] =	vst v63  }
0x1c8: {  	s13 =	sadd.s32 @!p1 $0x80, s11;
	s14 =	simm.s32 @!p1 $0x0  }
0x1c9: {  	[tilespmem:s14], [sflag:$0x1] =	stream.linear.gather @!p1 [hbm4b:s13+s14], $0x80, $0x38;
	[tilespmem:$0x1000] =	vst v63  }
0x1ca: {  	s13 =	sadd.s32 @!p1 s18, s16  }
0x1cb: {  	s17 =	simm.s32 @!p1 $0x400;
	s16 =	sadd.s32 @!p1 $0x80, s13  }
0x1cc: {  	[tilespmem:s17], [sflag:$0x1] =	stream.linear.gather @!p1 [hbm4b:s16+s14], $0x80, $0x38;
	[tilespmem:$0x1000] =	vst v63  }
0x1cd: {  	_ =	swait.ge [sflag:s0], $0x80  }
0x1ce: {  	[sflag:s0] =	ssyncset.done $0x0  }
0x1cf: {  	[sflag:s0] =	ssyncadd.s32 $0xFFFFFF80  }
0x1d0: {  	_ =	swait.ge [sflag:s0], $0x80  }
0x1d1: {  	[sflag:s0] =	ssyncset.done $0x0  }
0x1d2: {  	[sflag:s0] =	ssyncadd.s32 $0xFFFFFF80  }
0x1d3: {  	_ =	swait.ge [sflag:s5], $0x80  }
0x1d4: {  	[sflag:s5] =	ssyncset.done $0x0  }
0x1d5: {  	[sflag:s5] =	ssyncadd.s32 $0xFFFFFF80  }
0x1d6: {  	_ =	swait.ge [sflag:s5], $0x80  }
0x1d7: {  	[sflag:s5] =	ssyncset.done $0x0  }
0x1d8: {  	[sflag:s5] =	ssyncadd.s32 $0xFFFFFF80  }
0x1d9: {  	[spmem:s1] =	stream.indirect.scatter.add.f32 [tilespmem:s9], [sflag:$0xB], $0x1, s8, s6, $0xb8;
	[tilespmem:$0x1000] =	vst v63  }
0x1da: {  	_ = 	snop  }
0x1db: {  	[spmem:s2] =	stream.indirect.scatter.add.f32 [tilespmem:s9], [sflag:$0xB], $0x1, s4, s6, $0xb8;
	[tilespmem:$0x1000] =	vst v63  }
0x1dc: {  	s11 =	sadd.s32 @!p1 $0x90, s11;
	s16 =	simm.s32 @!p1 $0x80  }
0x1dd: {  	[tilespmem:s16], [sflag:$0x2] =	stream.linear.gather @!p1 [hbm4b:s11+s14], $0x80, $0x38;
	[tilespmem:$0x1000] =	vst v63  }
0x1de: {  	s11 =	sadd.s32 @!p1 $0x90, s13;
	s13 =	simm.s32 @!p1 $0x480  }
0x1df: {  	[tilespmem:s13], [sflag:$0x2] =	stream.linear.gather @!p1 [hbm4b:s11+s14], $0x80, $0x38;
	[tilespmem:$0x1000] =	vst v63  }
0x1e0: {  	_ =	swait.ge [sflag:s7], $0x80  }
0x1e1: {  	[sflag:s7] =	ssyncset.done $0x0  }
0x1e2: {  	[sflag:s7] =	ssyncadd.s32 $0xFFFFFF80  }
0x1e3: {  	_ =	swait.ge [sflag:s7], $0x80  }
0x1e4: {  	[sflag:s7] =	ssyncset.done $0x0  }
0x1e5: {  	[sflag:s7] =	ssyncadd.s32 $0xFFFFFF80  }
0x1e6: {  	_ =	swait.ge [sflag:s23], $0x80  }
0x1e7: {  	[sflag:s23] =	ssyncset.done $0x0  }
0x1e8: {  	[sflag:s23] =	ssyncadd.s32 $0xFFFFFF80  }
0x1e9: {  	p1 =	sgt.u32 s19, $0x9C;
	_ =	swait.ge [sflag:s23], $0x80  }
.Ltmp10:
0x1ea: {  	[sflag:s23] =	ssyncset.done $0x0;
	(pc) =	sbr.rel @!p1 .LBB2_4-.Ltmp10, $4  }
0x1eb: {  	[sflag:s23] =	ssyncadd.s32 $0xFFFFFF80  }
0x1ec: {  	[spmem:s1] =	stream.indirect.scatter.add.f32 [tilespmem:s9], [sflag:$0xC], $0x1, s26, s6, $0xb8;
	[tilespmem:$0x1000] =	vst v63  }
0x1ed: {  	s24 =	simm.s32 $0x100  }
0x1ee: {  	[spmem:s2] =	stream.indirect.scatter.add.f32 [tilespmem:s9], [sflag:$0xC], $0x1, s25, s6, $0xb8;
	[tilespmem:$0x1000] =	vst v63  }
0x1ef: {  	p1 =	sgt.u32 s19, $0x9E  }
.Ltmp11:
0x1f0: {  	_ = 	snop;
	(pc) =	sbr.rel @p1 .LBB2_7-.Ltmp11, $4  }
.Ltmp12:
0x1f1: {  	_ = 	snop;
	(pc) =	sbr.rel @!p1 .LBB2_6-.Ltmp12, $4  }
0x1f2: {  	_ = 	snop  }
0x1f3: {  	_ = 	snop  }
0x1f4: {  	s17 =	simm.s32 $0x100;
	s24 =	simm.s32 $0x500  }
0x1f5: {  	_ = 	snop  }
.LBB2_8:
.Ltmp13:
0x1f6: {  	(pc) =	sbr.rel .LBB2_16-.Ltmp13, $4  }
0x1f7: {  	_ = 	snop  }
0x1f8: {  	s18 =	rddreg [dreg:$0x5]  }
0x1f9: {  	s10 =	rddreg [dreg:$0x16]  }
0x1fa: {  	s4 =	rddreg [dreg:$0x1d]  }
.LBB2_17:
0x1fb: {  	_ =	sfence.sel $0x180000  }
0x1fc: {  	[bflag:$0x0] =	sbarrier.arrive $0xFFFF  }
0x1fd: {  	_ =	strace $0x90000047  }
0x1fe: {  	s0 =	stileid.u32;
	[bflag:$0x2] =	sbarrier.arrive $0xFFFF  }
0x1ff: {  	p0 =	sne.s32 s0, $0x0;
	s0 =	rddreg [dreg:$0x4]  }
0x200: {  	s0 =	sadd.s32 @!p0 $0x100000, s0  }
0x201: {  	[sflag:s0] =	ssyncadd.tile.s32 @!p0 $0x1;
	_ =	shalt  }
.Lfunc_end2:
_tile_overlayer_lowered:
.L_overlay_start_2:
0x202: {  	(tag) =	ssettag $0x2  }
0x203: {  	s0 =	rddreg [dreg:$0x0];
	s2 =	stileid.u32  }
0x204: {  	s1 =	rddreg [dreg:$0x1];
	p0 =	sne.s32 s2, $0x0  }
0x205: {  	s3 =	rddreg [dreg:$0x2];
	[bflag:$0x3] =	sbarrier.arrive $0xFFFF;
	s2 =	simm.s32 @!p0 $0x1C0D  }
0x206: {  	[timem:s3], [sflag:s2] =	dma.local @!p0 [hbm:s0], s1  }
0x207: {  	s0 =	simm.s32 @!p0 $0xD  }
0x208: {  	_ =	swait.ge @!p0 [sflag:s0], s1  }
0x209: {  	s1 =	ssub.s32 @!p0 $0x0, s1;
	[sflag:s0] =	ssyncset.done @!p0 $0x0  }
0x20a: {  	[sflag:s0] =	ssyncadd.s32 @!p0 s1  }
0x20b: {  	[bflag:$0x3] =	sbarrier.arrive $0xFFFF  }
0x20c: {  	_ =	shalt  }

// kernel: kernel.9.cloned.1.call-start
scs
__scs_entry_jumppad:
0x0: {  	(pc) =	sbr.rel $0x88, $3  }
0x1: {  	(tag) =	ssettag $0x0;
	lr =	simm.s32 $0x1  }
0x2: {  	[smem:$0x3F96] =	sst lr;
	_ =	strace $0xD0000000  }
0x3: {  	_ = 	snop  }
0x4: {  	_ = 	snop  }
0x5: {  	_ = 	snop  }
0x6: {  	_ = 	snop  }
0x7: {  	_ = 	snop  }
__scs_overlays_trampoline_lowered:
0x8: {  	[smem:$0x3FA5] =	sst s0  }
0x9: {  	[smem:$0x3FA6] =	sst s1  }
0xa: {  	[smem:$0x3FA7] =	sst s2  }
0xb: {  	[smem:$0x3FA8] =	sst s3  }
0xc: {  	[smem:$0x3FA9] =	sst s4  }
0xd: {  	[smem:$0x3FAA] =	sst s5  }
0xe: {  	[smem:$0x3FAB] =	sst s6  }
0xf: {  	[smem:$0x3FAC] =	sst s7  }
0x10: {  	[smem:$0x3FAD] =	sst s8  }
0x11: {  	[smem:$0x3FAE] =	sst s9;
	s0 =	simm.s32 @!p0 $0x0  }
0x12: {  	s1 =	sld [smem:$0x3F94];
	s0 =	simm.s32 @p0 $0x1  }
0x13: {  	[smem:$0x3FAF] =	sst s0;
	s0 =	simm.s32 @!p1 $0x0  }
0x14: {  	s2 =	sld [smem:$0x3F93];
	s0 =	simm.s32 @p1 $0x1  }
0x15: {  	[smem:$0x3FB0] =	sst s0;
	s0 =	simm.s32 @!p2 $0x0  }
0x16: {  	s3 =	sld [smem:$0x3FDB];
	s0 =	simm.s32 @p2 $0x1  }
0x17: {  	s4 =	simm.s32 $0x1BF5;
	[smem:$0x3FB2] =	sst s0  }
0x18: {  	s0 =	sld [smem:$0x3F95];
	_ =	swait.ge [sflag:s4], $0x0  }
0x19: {  	s7 =	sld [smem:$0x3F96]  }
0x1a: {  	s8 =	sadd.s32 $0xFFFFE003, lr  }
0x1b: {  	s9 =	sadd.s32 $0xFFFFFEF7, lr;
	s5 =	simm.s32 $0xFFFFFFFF;
	p2 =	slt.u32 s8, $0xFFFFF086  }
0x1c: {  	p1 =	slt.u32 s9, $0xF7A;
	s5 =	simm.s32 @!p2 $0x0  }
0x1d: {  	s5 =	simm.s32 @p1 $0x1;
	p0 =	seq.s32 s7, s2  }
0x1e: {  	s7 =	smul.u32 @!p0 $0xF7A, s2;
	p2 =	seq.s32 @!p0 s5, $0x0  }
0x1f: {  	s9 =	smul.u32 $0xF7A, s1;
	s8 =	simm.s32 @!p0 $0x1BF5;
	p2 =	por !p2, p0  }
0x20: {  	[sflag:s8] =	ssyncset.s32 @!p0 $0xFFFFF086;
	s6 =	sadd.s32 @!p0 s3, s7;
	s7 =	simm.s32 @!p0 $0x108  }
0x21: {  	s3 =	sadd.s32 s3, s9;
	s6 =	sadd.s32 @!p0 $0x88, s6;
	s7 =	simm.s32 @p2 $0x1082  }
0x22: {  	[simem:s7], [sflag:s8] =	dma.local @!p0 [hbm:s6], $0xF7A  }
0x23: {  	s9 =	sor.u32 $0xD0000000, s2;
	s6 =	simm.s32 $0x108;
	_ =	swait.ge @!p0 [sflag:s8], $0x0  }
0x24: {  	s3 =	sadd.s32 $0x88, s3;
	s6 =	simm.s32 @!p1 $0x1082;
	[sflag:s4] =	ssyncset.s32 $0xFFFFF086  }
0x25: {  	[simem:s6], [sflag:s4] =	dma.local [hbm:s3], $0xF7A  }
0x26: {  	[smem:$0x3F96] =	sst s1;
	(tag) =	ssettag s2;
	_ =	strace s9  }
0x27: {  	s1 =	sld [smem:$0x3FA6]  }
0x28: {  	s2 =	sld [smem:$0x3FA7]  }
0x29: {  	s4 =	sld [smem:$0x3FA9]  }
0x2a: {  	p0 =	seq.s32 s5, $0x0;
	s5 =	sld [smem:$0x3FAA]  }
0x2b: {  	s6 =	sld [smem:$0x3FAB]  }
0x2c: {  	s7 =	sld [smem:$0x3FAC]  }
0x2d: {  	s3 =	simm.s32 $0x108;
	s8 =	sld [smem:$0x3FAD]  }
0x2e: {  	s3 =	simm.s32 @!p0 $0x1082;
	s9 =	sld [smem:$0x3FAE]  }
0x2f: {  	lr =	sadd.s32 s0, s3;
	s0 =	sld [smem:$0x3FA5]  }
0x30: {  	s3 =	sld [smem:$0x3FA8]  }
0x31: {  	[smem:$0x3FB1] =	sst s10  }
0x32: {  	s10 =	sld [smem:$0x3FAF];
	_ =	sdelay $0x3  }
0x33: {  	p0 =	seq.s32 s10, $0x1;
	s10 =	sld [smem:$0x3FB1];
	_ =	sdelay $0x3  }
0x34: {  	[smem:$0x3FB1] =	sst s10  }
0x35: {  	s10 =	sld [smem:$0x3FB0];
	_ =	sdelay $0x3  }
0x36: {  	p1 =	seq.s32 s10, $0x1;
	s10 =	sld [smem:$0x3FB1];
	_ =	sdelay $0x3  }
0x37: {  	[smem:$0x3FB1] =	sst s10  }
0x38: {  	s10 =	sld [smem:$0x3FB2]  }
0x39: {  	_ = 	snop;
	(pc) =	sbr.ind lr, $3  }
0x3a: {  	_ = 	snop  }
0x3b: {  	_ = 	snop  }
0x3c: {  	p2 =	seq.s32 s10, $0x1;
	s10 =	sld [smem:$0x3FB1]  }
0x3d: {  	_ =	shalt  }
0x3e: {  	_ =	shalt  }
0x3f: {  	_ =	shalt  }
0x40: {  	_ =	shalt  }
0x41: {  	_ =	shalt  }
0x42: {  	_ =	shalt  }
0x43: {  	_ =	shalt  }
0x44: {  	_ =	shalt  }
0x45: {  	_ =	shalt  }
0x46: {  	_ =	shalt  }
0x47: {  	_ =	shalt  }
0x48: {  	_ =	shalt  }
0x49: {  	_ =	shalt  }
0x4a: {  	_ =	shalt  }
0x4b: {  	_ =	shalt  }
0x4c: {  	_ =	shalt  }
0x4d: {  	_ =	shalt  }
0x4e: {  	_ =	shalt  }
0x4f: {  	_ =	shalt  }
0x50: {  	_ =	shalt  }
0x51: {  	_ =	shalt  }
0x52: {  	_ =	shalt  }
0x53: {  	_ =	shalt  }
0x54: {  	_ =	shalt  }
0x55: {  	_ =	shalt  }
0x56: {  	_ =	shalt  }
0x57: {  	_ =	shalt  }
0x58: {  	_ =	shalt  }
0x59: {  	_ =	shalt  }
0x5a: {  	_ =	shalt  }
0x5b: {  	_ =	shalt  }
0x5c: {  	_ =	shalt  }
0x5d: {  	_ =	shalt  }
0x5e: {  	_ =	shalt  }
0x5f: {  	_ =	shalt  }
0x60: {  	_ =	shalt  }
0x61: {  	_ =	shalt  }
0x62: {  	_ =	shalt  }
0x63: {  	_ =	shalt  }
0x64: {  	_ =	shalt  }
0x65: {  	_ =	shalt  }
0x66: {  	_ =	shalt  }
0x67: {  	_ =	shalt  }
0x68: {  	_ =	shalt  }
0x69: {  	_ =	shalt  }
0x6a: {  	_ =	shalt  }
0x6b: {  	_ =	shalt  }
0x6c: {  	_ =	shalt  }
0x6d: {  	_ =	shalt  }
0x6e: {  	_ =	shalt  }
0x6f: {  	_ =	shalt  }
0x70: {  	_ =	shalt  }
0x71: {  	_ =	shalt  }
0x72: {  	_ =	shalt  }
0x73: {  	_ =	shalt  }
0x74: {  	_ =	shalt  }
0x75: {  	_ =	shalt  }
0x76: {  	_ =	shalt  }
0x77: {  	_ =	shalt  }
0x78: {  	_ =	shalt  }
0x79: {  	_ =	shalt  }
0x7a: {  	_ =	shalt  }
0x7b: {  	_ =	shalt  }
0x7c: {  	_ =	shalt  }
0x7d: {  	_ =	shalt  }
0x7e: {  	_ =	shalt  }
0x7f: {  	_ =	shalt  }
0x80: {  	_ =	shalt  }
0x81: {  	_ =	shalt  }
0x82: {  	_ =	shalt  }
0x83: {  	_ =	shalt  }
0x84: {  	_ =	shalt  }
0x85: {  	_ =	shalt  }
0x86: {  	_ =	shalt  }
0x87: {  	_ =	shalt  }
.Lfunc_end0:
.L_simem_size_0:
called_computation.1_lowered:
.L_overlay_start_0:
0x88: {  	s2 =	sld [smem:$0x3FD9]  }
0x89: {  	s3 =	sld [smem:$0x3FFE];
	_ =	sdelay $0x1  }
0x8a: {  	s1 =	srdreg.scid  }
0x8b: {  	s0 =	sand.u32 $0x1, s1  }
0x8c: {  	s17 =	sshll.u32 s0, $0xA;
	s2 =	sadd.s32 s3, s2  }
0x8d: {  	s2 =	sadd.s32 s2, s17  }
0x8e: {  	[smem:$0x3FBD] =	sst s2  }
0x8f: {  	_ = 	snop  }
0x90: {  	s2 =	sld [smem:$0x3FC8]  }
0x91: {  	s18 =	sld [smem:$0x3FC7]  }
0x92: {  	s4 =	sld [smem:$0x3FC6]  }
0x93: {  	s5 =	sld [smem:$0x3FC5];
	(tm) =	ssettm $0x1  }
0x94: {  	s6 =	sld [smem:$0x3FFB];
	_ =	sdelay $0x3  }
0x95: {  	_ =	strace s6  }
0x96: {  	s6 =	sld [smem:$0x3FFC];
	_ =	sdelay $0x3  }
0x97: {  	_ =	strace s6  }
0x98: {  	s6 =	sld [smem:$0x3FFD];
	_ =	sdelay $0x3  }
0x99: {  	_ =	strace s6  }
0x9a: {  	_ =	strace $0x8FFFFFFF  }
0x9b: {  	s19 =	sld [smem:$0x3FDB];
	_ =	sdelay $0x1  }
0x9c: {  	s7 =	simm.s32 $_scs_section_size  }
0x9d: {  	s8 =	simm.s32 $_size__tile_overlayer_lowered;
	s9 =	simm.s32 $_tile_overlayer_lowered  }
0x9e: {  	s22 =	simm.s32 $0x1BFF;
	s21 =	sshll.u32 s9, $0x1;
	s6 =	sadd.s32 s7, s19  }
0x9f: {  	s10 =	simm.s32 $0x0;
	s20 =	sshll.u32 s8, $0x1;
	s8 =	sadd.s32 s21, s6  }
0xa0: {  	[timem:s10], [sflag:s22] =	dma.local [hbm:s8], s20  }
0xa1: {  	_ =	swait.ge [sflag:s22], s20  }
0xa2: {  	s7 =	ssub.s32 $0x0, s20;
	[sflag:s22] =	ssyncset.done $0x0  }
0xa3: {  	[sflag:s22] =	ssyncadd.s32 s7;
	_ =	sdelay $0x1  }
0xa4: {  	s23 =	simm.s32 $0x1B8B  }
0xa5: {  	_ =	swait.ge [sflag:s23], $0x1  }
0xa6: {  	[sflag:s23] =	ssyncset.done $0x0  }
0xa7: {  	s25 =	simm.s32 $0x1B8E;
	s24 =	sld [smem:$0x3FFE];
	[sflag:s23] =	ssyncadd.s32 $0xFFFFFFFF  }
0xa8: {  	s26 =	simm.s32 $execute0_lowered;
	[smem:$0x3FD2] =	sst s25  }
0xa9: {  	s8 =	sshll.u32 s26, $0x1;
	_ =	strace $0x80000049;
	[dreg:$0x1] =	wrdreg $0xFFFFFFFF  }
0xaa: {  	s28 =	simm.s32 $_size_execute0_lowered;
	s6 =	sadd.s32 s6, s8;
	[dreg:$0x0] =	wrdreg $0x0  }
0xab: {  	s8 =	sshll.u32 s28, $0x1;
	[dreg:$0x2] =	wrdreg s6  }
0xac: {  	[dreg:$0x3] =	wrdreg s8  }
0xad: {  	[dreg:$0x4] =	wrdreg $0xC0  }
0xae: {  	_ =	task [dreg:s10], $0x5FFFF  }
0xaf: {  	[dreg:$0x1] =	wrdreg $0xFFFFFFFF  }
0xb0: {  	[dreg:$0x0] =	wrdreg $0x60  }
0xb1: {  	[dreg:$0x2] =	wrdreg s24  }
0xb2: {  	[dreg:$0x3] =	wrdreg s2  }
0xb3: {  	[dreg:$0x4] =	wrdreg s18  }
0xb4: {  	[dreg:$0x5] =	wrdreg s4  }
0xb5: {  	[dreg:$0x6] =	wrdreg s5  }
0xb6: {  	[dreg:$0x7] =	wrdreg $0xA8000  }
0xb7: {  	[dreg:$0x8] =	wrdreg $0x9  }
0xb8: {  	_ =	task.clear_ibuf [dreg:s10], $0x9FFFF;
	_ =	strace $0x90000049  }
0xb9: {  	s29 =	simm.s32 $0x9;
	_ =	strace $0x8000004B  }
0xba: {  	_ =	swait.ge [sflag:s29], $0x1  }
0xbb: {  	[sflag:s29] =	ssyncadd.s32 $0xFFFFFFFF  }
0xbc: {  	_ =	strace $0x9000004B  }
0xbd: {  	_ =	sfence  }
0xbe: {  	s30 =	sld [smem:$0x0];
	_ =	sdelay $0x2  }
0xbf: {  	s31 =	sshll.u32 s1, $0xD;
	s1 =	sshrl.u32 s1, $0x2  }
0xc0: {  	s3 =	sand.u32 $0x4000, s31;
	s1 =	sadd.s32 s1, s30  }
0xc1: {  	s0 =	sor.u32 s3, s0;
	s1 =	sshll.u32 s1, $0x11  }
0xc2: {  	s0 =	sor.u32 s1, s0  }
0xc3: {  	s0 =	sadd.s32 $0x8F2B, s0  }
0xc4: {  	[sflag:s0] =	ssyncadd.remote.s32 $0x1  }
0xc5: {  	_ =	sfence.sel $0xFFFF  }
0xc6: {  	[dreg:$0x0] =	wrdreg $0xFFFFFFFF;
	(pc) =	sbr.abs _section_cstart, $3  }
0xc7: {  	[dreg:$0x1] =	wrdreg $0xFFFFFFFF  }
0xc8: {  	_ =	task.clear_ibuf [dreg:s10], $0x2FFFF;
	_ =	strace $0x9FFFFFFF  }
0xc9: {  	(tm) =	ssettm $0x7FFFFFFF  }
tec
execute0_lowered:
.L_overlay_start_1:
0x0: {  	(tag) =	ssettag $0x1  }
0x1: {  	s0 =	rddreg [dreg:$0x0]  }
0x2: {  	s2 =	rddreg [dreg:$0x1]  }
0x3: {  	s6 =	rddreg [dreg:$0x2]  }
0x4: {  	s7 =	rddreg [dreg:$0x3]  }
0x5: {  	s8 =	rddreg [dreg:$0x4]  }
0x6: {  	s1 =	rddreg [dreg:$0x5];
	s14 =	stileid.u32  }
0x7: {  	s3 =	simm.s32 $0x0;
	s4 =	srdreg.scid;
	s11 =	smul.u32 $0x4E20, s14  }
0x8: {  	s28 =	simm.s32 $0x9;
	s29 =	simm.s32 $0xB;
	s30 =	simm.s32 $0x5  }
0x9: {  	s31 =	simm.s32 $0x6;
	[smem:$0x7FF] =	sst s3;
	s18 =	sshrl.u32 s11, $0x3  }
0xa: {  	s9 =	sand.u32 $0x1, s4;
	_ =	strace $0x8000004A;
	s19 =	sadd.s32 s2, s18  }
0xb: {  	s10 =	ssub.s32 $0x2, s9;
	s13 =	sadd.s32 s6, s18;
	[dreg:$0xb] =	wrdreg s19  }
0xc: {  	p0 =	seq.s32 s9, $0x1;
	s25 =	sadd.s32 s7, s18;
	[dreg:$0xc] =	wrdreg s13  }
0xd: {  	s20 =	sadd.s32 $0xA, s18;
	s9 =	sadd.s32 s8, s18;
	[dreg:$0x11] =	wrdreg s25  }
0xe: {  	s4 =	sadd.s32 $0x23200, s0;
	s21 =	sadd.s32 s2, s20;
	[dreg:$0x12] =	wrdreg s9  }
0xf: {  	s22 =	sadd.s32 $0x14, s18;
	s15 =	sadd.s32 s6, s20;
	[dreg:$0xd] =	wrdreg s21  }
0x10: {  	s5 =	sadd.s32 $0x4B200, s0;
	s23 =	sadd.s32 s2, s22;
	[dreg:$0xe] =	wrdreg s15  }
0x11: {  	s26 =	smul.u32 $0x9C4, s14;
	s24 =	sadd.s32 s6, s22;
	[dreg:$0xf] =	wrdreg s23  }
0x12: {  	s12 =	sshrl.u32 s10, $0x1;
	s16 =	sadd.s32 s7, s20;
	[dreg:$0x10] =	wrdreg s24  }
0x13: {  	s10 =	ssub.s32 s10, s12;
	s12 =	sadd.s32 s8, s20;
	[dreg:$0x13] =	wrdreg s16  }
0x14: {  	s11 =	smul.u32 $0x50000, s14;
	s17 =	sadd.s32 s7, s22;
	[dreg:$0x14] =	wrdreg s12  }
0x15: {  	s18 =	sadd.s32 s8, s22;
	s19 =	sadd.s32 s26, s8;
	[dreg:$0x15] =	wrdreg s17  }
0x16: {  	s20 =	sadd.s32 s26, s7;
	s22 =	sadd.s32 $0x73200, s0;
	[dreg:$0x16] =	wrdreg s18  }
0x17: {  	s0 =	sadd.s32 $0x9B200, s0;
	s8 =	simm.s32 $0x11;
	[dreg:$0x9] =	wrdreg s19  }
0x18: {  	s9 =	simm.s32 $0x28;
	s7 =	simm.s32 $0x1C00;
	[dreg:$0xa] =	wrdreg s20  }
0x19: {  	s13 =	simm.s32 $0x1;
	s17 =	sadd.s32 s26, s6;
	[dreg:$0x18] =	wrdreg s22  }
0x1a: {  	s12 =	sadd.s32 s26, s2;
	s21 =	smul.u32 $0x2800, s14;
	[dreg:$0x19] =	wrdreg s0  }
0x1b: {  	s23 =	sshrl.u32 s11, $0x2;
	s24 =	smax.u32 s10, $0x1;
	s22 =	simm.s32 $0x80  }
0x1c: {  	s11 =	simm.s32 $0x480;
	s16 =	simm.s32 $0x50;
	[dreg:$0x1b] =	wrdreg s24  }
0x1d: {  	s15 =	simm.s32 $0x8;
	s19 =	simm.s32 $0x2;
	[dreg:$0x7] =	wrdreg s17  }
.Ltmp0:
0x1e: {  	s0 =	sadd.s32 s23, s1;
	[dreg:$0x8] =	wrdreg s12;
	(pc) =	sbr.rel .LBB2_1-.Ltmp0, $4  }
0x1f: {  	s20 =	simm.s32 $0x0;
	s24 =	simm.s32 $0x400;
	[dreg:$0x1a] =	wrdreg s0  }
0x20: {  	s25 =	sadd.s32 s4, s21;
	[dreg:$0x17] =	wrdreg s21;
	s26 =	sadd.s32 s5, s21  }
0x21: {  	s0 =	simm.s32 $0x3;
	s21 =	simm.s32 $0xC;
	[dreg:$0x1c] =	wrdreg s25  }
0x22: {  	[dreg:$0x1d] =	wrdreg s26;
	s25 =	simm.s32 $0xA;
	s26 =	simm.s32 $0x4  }
.LBB2_7:
0x23: {  	s6 =	sadd.s32 @!p2 $0x64, s11;
	s8 =	simm.s32 $0x11  }
0x24: {  	s20 =	rddreg [dreg:$0x1e];
	s7 =	simm.s32 $0x1C00;
	s16 =	simm.s32 $0x50  }
0x25: {  	s0 =	simm.s32 $0x3;
	s26 =	simm.s32 $0x4;
	s30 =	simm.s32 $0x5  }
0x26: {  	[tilespmem:s24], [sflag:$0x3] =	stream.linear.gather @!p2 [hbm4b:s6+s2], $0x50, $0x38;
	[tilespmem:$0x1E800] =	vst v63  }
0x27: {  	s10 =	simm.s32 $0xD;
	s31 =	simm.s32 $0x6;
	s2 =	rddreg [dreg:$0x19]  }
.LBB2_8:
0x28: {  	_ =	swait.ge [sflag:s28], $0x1400  }
0x29: {  	[sflag:s28] =	ssyncset.done $0x0  }
0x2a: {  	[sflag:s28] =	ssyncadd.s32 $0xFFFFEC00  }
0x2b: {  	_ =	swait.ge [sflag:s28], $0x1400  }
0x2c: {  	[sflag:s28] =	ssyncset.done $0x0  }
0x2d: {  	s24 =	simm.s32 $0x400;
	[sflag:s28] =	ssyncadd.s32 $0xFFFFEC00  }
0x2e: {  	[spmem:s1] =	stream.indirect.scatter.add.f32 [tilespmem:s23], [sflag:$0xD], $0x80, s24, s16, $0xb8;
	[tilespmem:$0x1E800] =	vst v63  }
0x2f: {  	_ =	swait.ge [sflag:s25], $0x1400  }
0x30: {  	[sflag:s25] =	ssyncset.done $0x0  }
0x31: {  	[sflag:s25] =	ssyncadd.s32 $0xFFFFEC00  }
0x32: {  	_ =	swait.ge [sflag:s25], $0x1400  }
0x33: {  	s11 =	simm.s32 $0x480;
	[sflag:s25] =	ssyncset.done $0x0  }
0x34: {  	s6 =	simm.s32 $0x3000;
	s23 =	simm.s32 $0xF;
	[sflag:s25] =	ssyncadd.s32 $0xFFFFEC00  }
0x35: {  	[spmem:s1] =	stream.indirect.scatter.add.f32 [tilespmem:s6], [sflag:$0xE], $0x80, s11, s16, $0xb8;
	[tilespmem:$0x1E800] =	vst v63  }
0x36: {  	_ =	swait.ge [sflag:s23], $0x2800  }
0x37: {  	[sflag:s23] =	ssyncset.done $0x0  }
0x38: {  	s12 =	simm.s32 $0x10;
	[sflag:s23] =	ssyncadd.s32 $0xFFFFD800  }
0x39: {  	_ =	swait.ge [sflag:s12], $0x2800  }
0x3a: {  	[sflag:s12] =	ssyncset.done $0x0  }
0x3b: {  	[sflag:s12] =	ssyncadd.s32 $0xFFFFD800  }
0x3c: {  	_ =	swait.ge [sflag:s10], $0x2800  }
0x3d: {  	[sflag:s10] =	ssyncset.done $0x0  }
0x3e: {  	[sflag:s10] =	ssyncadd.s32 $0xFFFFD800  }
0x3f: {  	_ =	swait.ge [sflag:s14], $0x2800  }
0x40: {  	[sflag:s14] =	ssyncset.done $0x0  }
0x41: {  	[sflag:s14] =	ssyncadd.s32 $0xFFFFD800  }
0x42: {  	s17 =	rddreg [dreg:$0x17];
	[bflag:$0x0] =	sbarrier.arrive $0xFFFF  }
0x43: {  	s22 =	sld [smem:$0x7FD];
	_ =	sdelay $0x1  }
0x44: {  	s2 =	sadd.s32 s2, s17;
	s18 =	rddreg [dreg:$0x1f]  }
0x45: {  	[hbm:s2], [sflag:s22] =	dma.local [spmem:s18], $0x2800  }
0x46: {  	_ =	swait.ge [sflag:s8], $0x2800  }
0x47: {  	s20 =	sadd.s32 $0x1, s20;
	s23 =	rddreg [dreg:$0x1b]  }
0x48: {  	p1 =	sne.s32 s20, s23  }
.Ltmp1:
0x49: {  	_ = 	snop;
	(pc) =	sbr.rel @!p1 .LBB2_9-.Ltmp1, $3  }
0x4a: {  	_ =	sdelay $0x1  }
0x4b: {  	[sflag:s8] =	ssyncset.done $0x0;
	s17 =	rddreg [dreg:$0x7]  }
0x4c: {  	s22 =	simm.s32 $0x80;
	s12 =	rddreg [dreg:$0x8];
	[sflag:s8] =	ssyncadd.s32 $0xFFFFD800  }
.LBB2_1:
.Ltmp2:
0x4d: {  	(pc) =	sbr.rel @!p0 .LBB2_2-.Ltmp2, $4  }
0x4e: {  	_ = 	snop  }
0x4f: {  	s2 =	stileid.u32;
	s6 =	rddreg [dreg:$0x1a]  }
0x50: {  	[dreg:$0x1e] =	wrdreg s20;
	s2 =	sshll.u32 s2, $0x6;
	s6 =	sshrl.u32 s6, $0x3  }
0x51: {  	s20 =	sor.u32 $0x1C11, s2;
	[dreg:$0x1f] =	wrdreg s6  }
0x52: {  	s12 =	sor.u32 $0x1C11, s2;
	s23 =	rddreg [dreg:$0x1d]  }
0x53: {  	[smem:$0x7FD] =	sst s12  }
0x54: {  	[spmem:s6], [sflag:s12] =	dma.local [hbm:s23], $0x2800  }
0x55: {  	_ =	swait.ge [sflag:s8], $0x2800  }
0x56: {  	[sflag:s8] =	ssyncset.done $0x0  }
0x57: {  	[sflag:s8] =	ssyncadd.s32 $0xFFFFD800  }
0x58: {  	[bflag:$0x0] =	sbarrier.arrive $0xFFFF  }
0x59: {  	s20 =	simm.s32 $0x0;
	s6 =	rddreg [dreg:$0x11]  }
0x5a: {  	[tilespmem:s20], [sflag:$0x11] =	stream.linear.gather [hbm4b:s6+s20], $0x50, $0x38;
	[tilespmem:$0x1E800] =	vst v63  }
0x5b: {  	_ =	swait.ge [sflag:s8], $0x50  }
0x5c: {  	[sflag:s8] =	ssyncset.done $0x0  }
0x5d: {  	s10 =	rddreg [dreg:$0x12];
	[sflag:s8] =	ssyncadd.s32 $0xFFFFFFB0  }
0x5e: {  	[tilespmem:s24], [sflag:$0x11] =	stream.linear.gather [hbm4b:s10+s20], $0x50, $0x38;
	[tilespmem:$0x1E800] =	vst v63  }
0x5f: {  	_ =	swait.ge [sflag:s8], $0x50  }
0x60: {  	[sflag:s8] =	ssyncset.done $0x0  }
0x61: {  	s12 =	rddreg [dreg:$0x13];
	[sflag:s8] =	ssyncadd.s32 $0xFFFFFFB0  }
0x62: {  	[tilespmem:s22], [sflag:$0x11] =	stream.linear.gather [hbm4b:s12+s20], $0x50, $0x38;
	[tilespmem:$0x1E800] =	vst v63  }
0x63: {  	_ =	swait.ge [sflag:s8], $0x50  }
0x64: {  	[sflag:s8] =	ssyncset.done $0x0  }
0x65: {  	s14 =	rddreg [dreg:$0x14];
	[sflag:s8] =	ssyncadd.s32 $0xFFFFFFB0  }
0x66: {  	[tilespmem:s11], [sflag:$0x11] =	stream.linear.gather [hbm4b:s14+s20], $0x50, $0x38;
	[tilespmem:$0x1E800] =	vst v63  }
0x67: {  	_ =	swait.ge [sflag:s8], $0x50  }
0x68: {  	[sflag:s8] =	ssyncset.done $0x0  }
0x69: {  	s6 =	simm.s32 $0x100;
	s17 =	rddreg [dreg:$0x15];
	[sflag:s8] =	ssyncadd.s32 $0xFFFFFFB0  }
0x6a: {  	[tilespmem:s6], [sflag:$0x3] =	stream.linear.gather [hbm4b:s17+s20], $0x50, $0x38;
	[tilespmem:$0x1E800] =	vst v63  }
0x6b: {  	s23 =	simm.s32 $0x500;
	s18 =	rddreg [dreg:$0x16]  }
0x6c: {  	[tilespmem:s23], [sflag:$0x3] =	stream.linear.gather [hbm4b:s18+s20], $0x50, $0x38;
	[tilespmem:$0x1E800] =	vst v63  }
0x6d: {  	s23 =	simm.s32 $0x800  }
0x6e: {  	[tilespmem:s23], [sflag:$0x9] =	stream.indirect.gather [hbm4b:s5+s9], $0x80, s20, s9, $0xb8;
	[tilespmem:$0x1E800] =	vst v63  }
0x6f: {  	_ = 	snop  }
0x70: {  	[tilespmem:s7], [sflag:$0x9] =	stream.indirect.gather [hbm4b:s5+s9], $0x80, s9, s9, $0xb8;
	[tilespmem:$0x1E800] =	vst v63  }
0x71: {  	s7 =	simm.s32 $0x3000  }
0x72: {  	[tilespmem:s7], [sflag:$0xA] =	stream.indirect.gather [hbm4b:s5+s9], $0x80, s22, s9, $0xb8;
	[tilespmem:$0x1E800] =	vst v63  }
0x73: {  	s10 =	simm.s32 $0x4400;
	s8 =	simm.s32 $0xA8  }
0x74: {  	[tilespmem:s10], [sflag:$0xA] =	stream.indirect.gather [hbm4b:s5+s9], $0x80, s8, s9, $0xb8;
	[tilespmem:$0x1E800] =	vst v63  }
0x75: {  	_ =	swait.ge [sflag:s28], $0x1400  }
0x76: {  	[sflag:s28] =	ssyncset.done $0x0  }
0x77: {  	[sflag:s28] =	ssyncadd.s32 $0xFFFFEC00  }
0x78: {  	_ =	swait.ge [sflag:s28], $0x1400  }
0x79: {  	[sflag:s28] =	ssyncset.done $0x0  }
0x7a: {  	[sflag:s28] =	ssyncadd.s32 $0xFFFFEC00  }
0x7b: {  	[spmem:s1] =	stream.indirect.scatter.add.f32 [tilespmem:s23], [sflag:$0xD], $0x80, s24, s16, $0xb8;
	[tilespmem:$0x1E800] =	vst v63  }
0x7c: {  	_ =	swait.ge [sflag:s0], $0x50  }
0x7d: {  	[sflag:s0] =	ssyncset.done $0x0  }
0x7e: {  	[sflag:s0] =	ssyncadd.s32 $0xFFFFFFB0  }
0x7f: {  	_ =	swait.ge [sflag:s0], $0x50  }
0x80: {  	p1 =	por $0x1, $0x1;
	[sflag:s0] =	ssyncset.done $0x0  }
0x81: {  	s2 =	simm.s32 @!p1 $0xF;
	[sflag:s0] =	ssyncadd.s32 $0xFFFFFFB0  }
0x82: {  	_ =	swait.ge @!p1 [sflag:s2], $0x2800  }
0x83: {  	[sflag:s2] =	ssyncset.done @!p1 $0x0  }
0x84: {  	s17 =	simm.s32 $0x5800;
	[sflag:s2] =	ssyncadd.s32 @!p1 $0xFFFFD800  }
0x85: {  	[tilespmem:s17], [sflag:$0xB] =	stream.indirect.gather [hbm4b:s5+s9], $0x80, s6, s9, $0xb8;
	[tilespmem:$0x1E800] =	vst v63  }
0x86: {  	s18 =	simm.s32 $0x128;
	s22 =	simm.s32 $0x6C00;
	s16 =	rddreg [dreg:$0xa]  }
0x87: {  	[tilespmem:s22], [sflag:$0xB] =	stream.indirect.gather [hbm4b:s5+s9], $0x80, s18, s9, $0xb8;
	[tilespmem:$0x1E800] =	vst v63  }
0x88: {  	s2 =	sadd.s32 $0x0, s16;
	s18 =	rddreg [dreg:$0x9]  }
0x89: {  	s10 =	simm.s32 $0x180;
	s7 =	sadd.s32 $0x1E, s2;
	s6 =	sadd.s32 $0x0, s18  }
0x8a: {  	[tilespmem:s10], [sflag:$0x4] =	stream.linear.gather [hbm4b:s7+s3], $0x50, $0x38;
	[tilespmem:$0x1E800] =	vst v63  }
0x8b: {  	s22 =	sadd.s32 $0x1E, s6;
	s7 =	simm.s32 $0x580  }
0x8c: {  	[tilespmem:s7], [sflag:$0x4] =	stream.linear.gather [hbm4b:s22+s3], $0x50, $0x38;
	[tilespmem:$0x1E800] =	vst v63  }
0x8d: {  	_ =	swait.ge [sflag:s25], $0x1400  }
0x8e: {  	[sflag:s25] =	ssyncset.done $0x0  }
0x8f: {  	[sflag:s25] =	ssyncadd.s32 $0xFFFFEC00  }
0x90: {  	_ =	swait.ge [sflag:s25], $0x1400  }
0x91: {  	[sflag:s25] =	ssyncset.done $0x0  }
0x92: {  	s12 =	simm.s32 $0x3000;
	s17 =	simm.s32 $0x50;
	[sflag:s25] =	ssyncadd.s32 $0xFFFFEC00  }
0x93: {  	[spmem:s1] =	stream.indirect.scatter.add.f32 [tilespmem:s12], [sflag:$0xE], $0x80, s11, s17, $0xb8;
	[tilespmem:$0x1E800] =	vst v63  }
0x94: {  	_ =	swait.ge [sflag:s26], $0x50  }
0x95: {  	[sflag:s26] =	ssyncset.done $0x0  }
0x96: {  	[sflag:s26] =	ssyncadd.s32 $0xFFFFFFB0  }
0x97: {  	_ =	swait.ge [sflag:s26], $0x50  }
0x98: {  	[sflag:s26] =	ssyncset.done $0x0  }
0x99: {  	s8 =	simm.s32 @!p1 $0x10;
	[sflag:s26] =	ssyncadd.s32 $0xFFFFFFB0  }
0x9a: {  	_ =	swait.ge @!p1 [sflag:s8], $0x2800  }
0x9b: {  	[sflag:s8] =	ssyncset.done @!p1 $0x0  }
0x9c: {  	s26 =	simm.s32 $0x8000;
	[sflag:s8] =	ssyncadd.s32 @!p1 $0xFFFFD800  }
0x9d: {  	[tilespmem:s26], [sflag:$0xC] =	stream.indirect.gather [hbm4b:s5+s9], $0x80, s10, s9, $0xb8;
	[tilespmem:$0x1E800] =	vst v63  }
0x9e: {  	s12 =	simm.s32 $0x9400;
	s10 =	simm.s32 $0x1A8  }
0x9f: {  	[tilespmem:s12], [sflag:$0xC] =	stream.indirect.gather [hbm4b:s5+s9], $0x80, s10, s9, $0xb8;
	[tilespmem:$0x1E800] =	vst v63  }
0xa0: {  	s12 =	sadd.s32 $0x28, s2;
	s10 =	simm.s32 $0x200  }
0xa1: {  	[tilespmem:s10], [sflag:$0x5] =	stream.linear.gather [hbm4b:s12+s3], $0x50, $0x38;
	[tilespmem:$0x1E800] =	vst v63  }
0xa2: {  	s8 =	sadd.s32 $0x28, s6;
	s12 =	simm.s32 $0x600  }
0xa3: {  	[tilespmem:s12], [sflag:$0x5] =	stream.linear.gather [hbm4b:s8+s3], $0x50, $0x38;
	[tilespmem:$0x1E800] =	vst v63  }
0xa4: {  	_ =	swait.ge [sflag:s29], $0x1400  }
0xa5: {  	[sflag:s29] =	ssyncset.done $0x0  }
0xa6: {  	[sflag:s29] =	ssyncadd.s32 $0xFFFFEC00  }
0xa7: {  	_ =	swait.ge [sflag:s29], $0x1400  }
0xa8: {  	[sflag:s29] =	ssyncset.done $0x0  }
0xa9: {  	s0 =	simm.s32 $0x5800;
	s8 =	simm.s32 $0x500;
	[sflag:s29] =	ssyncadd.s32 $0xFFFFEC00  }
0xaa: {  	[spmem:s1] =	stream.indirect.scatter.add.f32 [tilespmem:s0], [sflag:$0xF], $0x80, s8, s17, $0xb8;
	[tilespmem:$0x1E800] =	vst v63  }
0xab: {  	_ =	swait.ge [sflag:s30], $0x50  }
0xac: {  	[sflag:s30] =	ssyncset.done $0x0  }
0xad: {  	[sflag:s30] =	ssyncadd.s32 $0xFFFFFFB0  }
0xae: {  	_ =	swait.ge [sflag:s30], $0x50  }
0xaf: {  	[sflag:s30] =	ssyncset.done $0x0  }
0xb0: {  	[sflag:s30] =	ssyncadd.s32 $0xFFFFFFB0;
	s30 =	simm.s32 $0xD  }
0xb1: {  	_ =	swait.ge [sflag:s30], $0x2800  }
0xb2: {  	[sflag:s30] =	ssyncset.done $0x0  }
0xb3: {  	[sflag:s30] =	ssyncadd.s32 $0xFFFFD800  }
0xb4: {  	[tilespmem:s23], [sflag:$0x9] =	stream.indirect.gather [hbm4b:s5+s9], $0x80, s10, s9, $0xb8;
	[tilespmem:$0x1E800] =	vst v63  }
0xb5: {  	s22 =	simm.s32 $0x1C00;
	s10 =	simm.s32 $0x228  }
0xb6: {  	[tilespmem:s22], [sflag:$0x9] =	stream.indirect.gather [hbm4b:s5+s9], $0x80, s10, s9, $0xb8;
	[tilespmem:$0x1E800] =	vst v63  }
0xb7: {  	s22 =	sadd.s32 $0x32, s2;
	s10 =	simm.s32 $0x280  }
0xb8: {  	[tilespmem:s10], [sflag:$0x6] =	stream.linear.gather [hbm4b:s22+s3], $0x50, $0x38;
	[tilespmem:$0x1E800] =	vst v63  }
0xb9: {  	s0 =	sadd.s32 $0x32, s6;
	s22 =	simm.s32 $0x680  }
0xba: {  	[tilespmem:s22], [sflag:$0x6] =	stream.linear.gather [hbm4b:s0+s3], $0x50, $0x38;
	[tilespmem:$0x1E800] =	vst v63  }
0xbb: {  	_ =	swait.ge [sflag:s21], $0x1400  }
0xbc: {  	[sflag:s21] =	ssyncset.done $0x0  }
0xbd: {  	[sflag:s21] =	ssyncadd.s32 $0xFFFFEC00  }
0xbe: {  	_ =	swait.ge [sflag:s21], $0x1400  }
0xbf: {  	[sflag:s21] =	ssyncset.done $0x0  }
0xc0: {  	s26 =	simm.s32 $0x8000;
	[sflag:s21] =	ssyncadd.s32 $0xFFFFEC00  }
0xc1: {  	[spmem:s1] =	stream.indirect.scatter.add.f32 [tilespmem:s26], [sflag:$0x10], $0x80, s7, s17, $0xb8;
	[tilespmem:$0x1E800] =	vst v63  }
0xc2: {  	_ =	swait.ge [sflag:s31], $0x50  }
0xc3: {  	[sflag:s31] =	ssyncset.done $0x0  }
0xc4: {  	[sflag:s31] =	ssyncadd.s32 $0xFFFFFFB0  }
0xc5: {  	_ =	swait.ge [sflag:s31], $0x50  }
0xc6: {  	[sflag:s31] =	ssyncset.done $0x0  }
0xc7: {  	s14 =	simm.s32 $0xE;
	[sflag:s31] =	ssyncadd.s32 $0xFFFFFFB0  }
0xc8: {  	_ =	swait.ge [sflag:s14], $0x2800  }
0xc9: {  	[sflag:s14] =	ssyncset.done $0x0  }
0xca: {  	s0 =	simm.s32 $0x3000;
	[sflag:s14] =	ssyncadd.s32 $0xFFFFD800  }
0xcb: {  	[tilespmem:s0], [sflag:$0xA] =	stream.indirect.gather [hbm4b:s5+s9], $0x80, s10, s9, $0xb8;
	[tilespmem:$0x1E800] =	vst v63  }
0xcc: {  	s26 =	simm.s32 $0x4400;
	s10 =	simm.s32 $0x2A8  }
0xcd: {  	[tilespmem:s26], [sflag:$0xA] =	stream.indirect.gather [hbm4b:s5+s9], $0x80, s10, s9, $0xb8;
	[tilespmem:$0x1E800] =	vst v63  }
0xce: {  	s31 =	sadd.s32 $0x3C, s2;
	s10 =	simm.s32 $0x300  }
0xcf: {  	[tilespmem:s10], [sflag:$0x7] =	stream.linear.gather [hbm4b:s31+s3], $0x50, $0x38;
	[tilespmem:$0x1E800] =	vst v63  }
0xd0: {  	s7 =	sadd.s32 $0x3C, s6;
	s26 =	simm.s32 $0x700  }
0xd1: {  	[tilespmem:s26], [sflag:$0x7] =	stream.linear.gather [hbm4b:s7+s3], $0x50, $0x38;
	[tilespmem:$0x1E800] =	vst v63  }
0xd2: {  	_ =	swait.ge [sflag:s28], $0x1400  }
0xd3: {  	[sflag:s28] =	ssyncset.done $0x0  }
0xd4: {  	[sflag:s28] =	ssyncadd.s32 $0xFFFFEC00  }
0xd5: {  	_ =	swait.ge [sflag:s28], $0x1400  }
0xd6: {  	[sflag:s28] =	ssyncset.done $0x0  }
0xd7: {  	s31 =	simm.s32 $0x7;
	[sflag:s28] =	ssyncadd.s32 $0xFFFFEC00  }
0xd8: {  	[spmem:s1] =	stream.indirect.scatter.add.f32 [tilespmem:s23], [sflag:$0xD], $0x80, s12, s17, $0xb8;
	[tilespmem:$0x1E800] =	vst v63  }
0xd9: {  	_ =	swait.ge [sflag:s31], $0x50  }
0xda: {  	[sflag:s31] =	ssyncset.done $0x0  }
0xdb: {  	[sflag:s31] =	ssyncadd.s32 $0xFFFFFFB0  }
0xdc: {  	_ =	swait.ge [sflag:s31], $0x50  }
0xdd: {  	[sflag:s31] =	ssyncset.done $0x0  }
0xde: {  	s7 =	simm.s32 $0xF;
	[sflag:s31] =	ssyncadd.s32 $0xFFFFFFB0  }
0xdf: {  	_ =	swait.ge [sflag:s7], $0x2800  }
0xe0: {  	[sflag:s7] =	ssyncset.done $0x0  }
0xe1: {  	[sflag:s7] =	ssyncadd.s32 $0xFFFFD800;
	s7 =	simm.s32 $0x5800  }
0xe2: {  	[tilespmem:s7], [sflag:$0xB] =	stream.indirect.gather [hbm4b:s5+s9], $0x80, s10, s9, $0xb8;
	[tilespmem:$0x1E800] =	vst v63  }
0xe3: {  	s12 =	simm.s32 $0x6C00;
	s10 =	simm.s32 $0x328  }
0xe4: {  	[tilespmem:s12], [sflag:$0xB] =	stream.indirect.gather [hbm4b:s5+s9], $0x80, s10, s9, $0xb8;
	[tilespmem:$0x1E800] =	vst v63  }
0xe5: {  	s31 =	sadd.s32 $0x46, s2;
	s10 =	simm.s32 $0x380  }
0xe6: {  	[tilespmem:s10], [sflag:$0x8] =	stream.linear.gather [hbm4b:s31+s3], $0x50, $0x38;
	[tilespmem:$0x1E800] =	vst v63  }
0xe7: {  	s12 =	sadd.s32 $0x46, s6;
	s31 =	simm.s32 $0x780  }
0xe8: {  	[tilespmem:s31], [sflag:$0x8] =	stream.linear.gather [hbm4b:s12+s3], $0x50, $0x38;
	[tilespmem:$0x1E800] =	vst v63  }
0xe9: {  	_ =	swait.ge [sflag:s25], $0x1400  }
0xea: {  	[sflag:s25] =	ssyncset.done $0x0  }
0xeb: {  	[sflag:s25] =	ssyncadd.s32 $0xFFFFEC00  }
0xec: {  	_ =	swait.ge [sflag:s25], $0x1400  }
0xed: {  	[sflag:s25] =	ssyncset.done $0x0  }
0xee: {  	[sflag:s25] =	ssyncadd.s32 $0xFFFFEC00  }
0xef: {  	[spmem:s1] =	stream.indirect.scatter.add.f32 [tilespmem:s0], [sflag:$0xE], $0x80, s22, s17, $0xb8;
	[tilespmem:$0x1E800] =	vst v63  }
0xf0: {  	_ =	swait.ge [sflag:s15], $0x50  }
0xf1: {  	[sflag:s15] =	ssyncset.done $0x0  }
0xf2: {  	[sflag:s15] =	ssyncadd.s32 $0xFFFFFFB0  }
0xf3: {  	_ =	swait.ge [sflag:s15], $0x50  }
0xf4: {  	[sflag:s15] =	ssyncset.done $0x0  }
0xf5: {  	s12 =	simm.s32 $0x10;
	[sflag:s15] =	ssyncadd.s32 $0xFFFFFFB0  }
0xf6: {  	_ =	swait.ge [sflag:s12], $0x2800  }
0xf7: {  	[sflag:s12] =	ssyncset.done $0x0  }
0xf8: {  	[sflag:s12] =	ssyncadd.s32 $0xFFFFD800;
	s12 =	simm.s32 $0x8000  }
0xf9: {  	[tilespmem:s12], [sflag:$0xC] =	stream.indirect.gather [hbm4b:s5+s9], $0x80, s10, s9, $0xb8;
	[tilespmem:$0x1E800] =	vst v63  }
0xfa: {  	s8 =	simm.s32 $0x3A8;
	s10 =	simm.s32 $0x9400  }
0xfb: {  	[tilespmem:s10], [sflag:$0xC] =	stream.indirect.gather [hbm4b:s5+s9], $0x80, s8, s9, $0xb8;
	[tilespmem:$0x1E800] =	vst v63  }
0xfc: {  	s10 =	sadd.s32 $0x50, s2  }
0xfd: {  	[tilespmem:s3], [sflag:$0x1] =	stream.linear.gather [hbm4b:s10+s3], $0x50, $0x38;
	[tilespmem:$0x1E800] =	vst v63  }
0xfe: {  	s0 =	sadd.s32 $0x50, s6  }
0xff: {  	[tilespmem:s24], [sflag:$0x1] =	stream.linear.gather [hbm4b:s0+s3], $0x50, $0x38;
	[tilespmem:$0x1E800] =	vst v63  }
0x100: {  	_ =	swait.ge [sflag:s29], $0x1400  }
0x101: {  	[sflag:s29] =	ssyncset.done $0x0  }
0x102: {  	[sflag:s29] =	ssyncadd.s32 $0xFFFFEC00  }
0x103: {  	_ =	swait.ge [sflag:s29], $0x1400  }
0x104: {  	[sflag:s29] =	ssyncset.done $0x0  }
0x105: {  	[sflag:s29] =	ssyncadd.s32 $0xFFFFEC00  }
0x106: {  	[spmem:s1] =	stream.indirect.scatter.add.f32 [tilespmem:s7], [sflag:$0xF], $0x80, s26, s17, $0xb8;
	[tilespmem:$0x1E800] =	vst v63  }
0x107: {  	_ =	swait.ge [sflag:s13], $0x50  }
0x108: {  	[sflag:s13] =	ssyncset.done $0x0  }
0x109: {  	[sflag:s13] =	ssyncadd.s32 $0xFFFFFFB0  }
0x10a: {  	_ =	swait.ge [sflag:s13], $0x50  }
0x10b: {  	[sflag:s13] =	ssyncset.done $0x0  }
0x10c: {  	[sflag:s13] =	ssyncadd.s32 $0xFFFFFFB0  }
0x10d: {  	_ =	swait.ge [sflag:s30], $0x2800  }
0x10e: {  	[sflag:s30] =	ssyncset.done $0x0  }
0x10f: {  	[sflag:s30] =	ssyncadd.s32 $0xFFFFD800  }
0x110: {  	[tilespmem:s23], [sflag:$0x9] =	stream.indirect.gather [hbm4b:s5+s9], $0x80, s3, s9, $0xb8;
	[tilespmem:$0x1E800] =	vst v63  }
0x111: {  	s10 =	simm.s32 $0x1C00  }
0x112: {  	[tilespmem:s10], [sflag:$0x9] =	stream.indirect.gather [hbm4b:s5+s9], $0x80, s9, s9, $0xb8;
	[tilespmem:$0x1E800] =	vst v63  }
0x113: {  	s2 =	sadd.s32 $0x5A, s2;
	s24 =	simm.s32 $0x80  }
0x114: {  	[tilespmem:s24], [sflag:$0x2] =	stream.linear.gather [hbm4b:s2+s3], $0x50, $0x38;
	[tilespmem:$0x1E800] =	vst v63  }
0x115: {  	s26 =	sadd.s32 $0x5A, s6  }
0x116: {  	[tilespmem:s11], [sflag:$0x2] =	stream.linear.gather [hbm4b:s26+s3], $0x50, $0x38;
	[tilespmem:$0x1E800] =	vst v63  }
0x117: {  	_ =	swait.ge [sflag:s21], $0x1400  }
0x118: {  	[sflag:s21] =	ssyncset.done $0x0  }
0x119: {  	[sflag:s21] =	ssyncadd.s32 $0xFFFFEC00  }
0x11a: {  	_ =	swait.ge [sflag:s21], $0x1400  }
0x11b: {  	[sflag:s21] =	ssyncset.done $0x0  }
0x11c: {  	[sflag:s21] =	ssyncadd.s32 $0xFFFFEC00  }
0x11d: {  	[spmem:s1] =	stream.indirect.scatter.add.f32 [tilespmem:s12], [sflag:$0x10], $0x80, s31, s17, $0xb8;
	[tilespmem:$0x1E800] =	vst v63  }
0x11e: {  	_ =	swait.ge [sflag:s19], $0x50  }
0x11f: {  	[sflag:s19] =	ssyncset.done $0x0  }
0x120: {  	[sflag:s19] =	ssyncadd.s32 $0xFFFFFFB0  }
0x121: {  	_ =	swait.ge [sflag:s19], $0x50  }
0x122: {  	[sflag:s19] =	ssyncset.done $0x0  }
0x123: {  	[sflag:s19] =	ssyncadd.s32 $0xFFFFFFB0  }
0x124: {  	_ =	swait.ge [sflag:s14], $0x2800  }
0x125: {  	[sflag:s14] =	ssyncset.done $0x0  }
0x126: {  	p2 =	por $0x0, $0x0;
	s22 =	simm.s32 $0x3000;
	[sflag:s14] =	ssyncadd.s32 $0xFFFFD800  }
0x127: {  	[tilespmem:s22], [sflag:$0xA] =	stream.indirect.gather [hbm4b:s5+s9], $0x80, s24, s9, $0xb8;
	[tilespmem:$0x1E800] =	vst v63  }
0x128: {  	s6 =	sadd.s32 @!p2 $0x0, s16;
	s30 =	simm.s32 $0xA8;
	s31 =	simm.s32 $0x4400  }
0x129: {  	[tilespmem:s31], [sflag:$0xA] =	stream.indirect.gather [hbm4b:s5+s9], $0x80, s30, s9, $0xb8;
	[tilespmem:$0x1E800] =	vst v63  }
0x12a: {  	s8 =	simm.s32 @!p2 $0x100;
	s6 =	sadd.s32 @!p2 $0x64, s6;
	s2 =	simm.s32 @!p2 $0x0  }
0x12b: {  	[tilespmem:s8], [sflag:$0x3] =	stream.linear.gather @!p2 [hbm4b:s6+s2], $0x50, $0x38;
	[tilespmem:$0x1E800] =	vst v63  }
0x12c: {  	s11 =	sadd.s32 @!p2 $0x0, s18;
	s24 =	simm.s32 @!p2 $0x500;
	s6 =	simm.s32 $0x50  }
.LBB2_6:
0x12d: {  	s8 =	sadd.s32 @!p2 $0x64, s11  }
0x12e: {  	[tilespmem:s24], [sflag:$0x3] =	stream.linear.gather @!p2 [hbm4b:s8+s2], $0x50, $0x38;
	[tilespmem:$0x1E800] =	vst v63  }
0x12f: {  	_ =	swait.ge [sflag:s28], $0x1400  }
0x130: {  	[sflag:s28] =	ssyncset.done $0x0  }
0x131: {  	[sflag:s28] =	ssyncadd.s32 $0xFFFFEC00  }
0x132: {  	_ =	swait.ge [sflag:s28], $0x1400  }
0x133: {  	s17 =	simm.s32 $0x50;
	[sflag:s28] =	ssyncset.done $0x0  }
0x134: {  	s0 =	simm.s32 $0x400;
	s7 =	simm.s32 $0x3;
	[sflag:s28] =	ssyncadd.s32 $0xFFFFEC00  }
0x135: {  	[spmem:s1] =	stream.indirect.scatter.add.f32 [tilespmem:s23], [sflag:$0xD], $0x80, s0, s17, $0xb8;
	[tilespmem:$0x1E800] =	vst v63  }
0x136: {  	_ =	swait.ge [sflag:s7], $0x50  }
0x137: {  	[sflag:s7] =	ssyncset.done $0x0  }
0x138: {  	[sflag:s7] =	ssyncadd.s32 $0xFFFFFFB0  }
0x139: {  	s11 =	smov.u32 s6;
	_ =	swait.ge [sflag:s7], $0x50  }
0x13a: {  	p2 =	seq.s32 s11, $0x0;
	[sflag:s7] =	ssyncset.done $0x0  }
0x13b: {  	s2 =	simm.s32 @!p2 $0xF;
	[sflag:s7] =	ssyncadd.s32 $0xFFFFFFB0  }
0x13c: {  	_ =	swait.ge @!p2 [sflag:s2], $0x2800  }
0x13d: {  	s10 =	simm.s32 $0x5800;
	s12 =	simm.s32 $0x128;
	[sflag:s2] =	ssyncset.done @!p2 $0x0  }
0x13e: {  	s8 =	simm.s32 $0x100;
	s16 =	rddreg [dreg:$0xa];
	[sflag:s2] =	ssyncadd.s32 @!p2 $0xFFFFD800  }
0x13f: {  	[tilespmem:s10], [sflag:$0xB] =	stream.indirect.gather [hbm4b:s5+s9], $0x80, s8, s9, $0xb8;
	[tilespmem:$0x1E800] =	vst v63  }
0x140: {  	s18 =	simm.s32 $0x6C00;
	s26 =	rddreg [dreg:$0x9];
	s24 =	sadd.s32 s11, s16  }
0x141: {  	[tilespmem:s18], [sflag:$0xB] =	stream.indirect.gather [hbm4b:s5+s9], $0x80, s12, s9, $0xb8;
	[tilespmem:$0x1E800] =	vst v63  }
0x142: {  	s2 =	sadd.s32 s11, s26;
	s22 =	sadd.s32 $0x1E, s24;
	s12 =	simm.s32 $0x180  }
0x143: {  	[tilespmem:s12], [sflag:$0x4] =	stream.linear.gather [hbm4b:s22+s3], $0x50, $0x38;
	[tilespmem:$0x1E800] =	vst v63  }
0x144: {  	s30 =	sadd.s32 $0x1E, s2;
	s22 =	simm.s32 $0x580  }
0x145: {  	[tilespmem:s22], [sflag:$0x4] =	stream.linear.gather [hbm4b:s30+s3], $0x50, $0x38;
	[tilespmem:$0x1E800] =	vst v63  }
0x146: {  	_ =	swait.ge [sflag:s25], $0x1400  }
0x147: {  	[sflag:s25] =	ssyncset.done $0x0  }
0x148: {  	[sflag:s25] =	ssyncadd.s32 $0xFFFFEC00  }
0x149: {  	_ =	swait.ge [sflag:s25], $0x1400  }
0x14a: {  	[sflag:s25] =	ssyncset.done $0x0  }
0x14b: {  	s31 =	simm.s32 $0x3000;
	s7 =	simm.s32 $0x480;
	[sflag:s25] =	ssyncadd.s32 $0xFFFFEC00  }
0x14c: {  	[spmem:s1] =	stream.indirect.scatter.add.f32 [tilespmem:s31], [sflag:$0xE], $0x80, s7, s17, $0xb8;
	[tilespmem:$0x1E800] =	vst v63  }
0x14d: {  	s7 =	simm.s32 $0x4  }
0x14e: {  	_ =	swait.ge [sflag:s7], $0x50  }
0x14f: {  	[sflag:s7] =	ssyncset.done $0x0  }
0x150: {  	[sflag:s7] =	ssyncadd.s32 $0xFFFFFFB0  }
0x151: {  	_ =	swait.ge [sflag:s7], $0x50  }
0x152: {  	[sflag:s7] =	ssyncset.done $0x0  }
0x153: {  	s8 =	simm.s32 @!p2 $0x10;
	[sflag:s7] =	ssyncadd.s32 $0xFFFFFFB0  }
0x154: {  	_ =	swait.ge @!p2 [sflag:s8], $0x2800  }
0x155: {  	[sflag:s8] =	ssyncset.done @!p2 $0x0  }
0x156: {  	s26 =	simm.s32 $0x8000;
	[sflag:s8] =	ssyncadd.s32 @!p2 $0xFFFFD800  }
0x157: {  	[tilespmem:s26], [sflag:$0xC] =	stream.indirect.gather [hbm4b:s5+s9], $0x80, s12, s9, $0xb8;
	[tilespmem:$0x1E800] =	vst v63  }
0x158: {  	s18 =	simm.s32 $0x1A8;
	s30 =	simm.s32 $0x9400  }
0x159: {  	[tilespmem:s30], [sflag:$0xC] =	stream.indirect.gather [hbm4b:s5+s9], $0x80, s18, s9, $0xb8;
	[tilespmem:$0x1E800] =	vst v63  }
0x15a: {  	s31 =	sadd.s32 $0x28, s24;
	s30 =	simm.s32 $0x200  }
0x15b: {  	[tilespmem:s30], [sflag:$0x5] =	stream.linear.gather [hbm4b:s31+s3], $0x50, $0x38;
	[tilespmem:$0x1E800] =	vst v63  }
0x15c: {  	s0 =	sadd.s32 $0x28, s2;
	s18 =	simm.s32 $0x600  }
0x15d: {  	[tilespmem:s18], [sflag:$0x5] =	stream.linear.gather [hbm4b:s0+s3], $0x50, $0x38;
	[tilespmem:$0x1E800] =	vst v63  }
0x15e: {  	_ =	swait.ge [sflag:s29], $0x1400  }
0x15f: {  	[sflag:s29] =	ssyncset.done $0x0  }
0x160: {  	[sflag:s29] =	ssyncadd.s32 $0xFFFFEC00  }
0x161: {  	_ =	swait.ge [sflag:s29], $0x1400  }
0x162: {  	[sflag:s29] =	ssyncset.done $0x0  }
0x163: {  	s7 =	simm.s32 $0x500;
	s8 =	simm.s32 $0x5;
	[sflag:s29] =	ssyncadd.s32 $0xFFFFEC00  }
0x164: {  	[spmem:s1] =	stream.indirect.scatter.add.f32 [tilespmem:s10], [sflag:$0xF], $0x80, s7, s17, $0xb8;
	[tilespmem:$0x1E800] =	vst v63  }
0x165: {  	_ =	swait.ge [sflag:s8], $0x50  }
0x166: {  	[sflag:s8] =	ssyncset.done $0x0  }
0x167: {  	[sflag:s8] =	ssyncadd.s32 $0xFFFFFFB0  }
0x168: {  	_ =	swait.ge [sflag:s8], $0x50  }
0x169: {  	[sflag:s8] =	ssyncset.done $0x0  }
0x16a: {  	s31 =	simm.s32 $0xD;
	[sflag:s8] =	ssyncadd.s32 $0xFFFFFFB0  }
0x16b: {  	_ =	swait.ge [sflag:s31], $0x2800  }
0x16c: {  	[sflag:s31] =	ssyncset.done $0x0  }
0x16d: {  	[sflag:s31] =	ssyncadd.s32 $0xFFFFD800  }
0x16e: {  	[tilespmem:s23], [sflag:$0x9] =	stream.indirect.gather [hbm4b:s5+s9], $0x80, s30, s9, $0xb8;
	[tilespmem:$0x1E800] =	vst v63  }
0x16f: {  	s12 =	simm.s32 $0x1C00;
	s30 =	simm.s32 $0x228  }
0x170: {  	[tilespmem:s12], [sflag:$0x9] =	stream.indirect.gather [hbm4b:s5+s9], $0x80, s30, s9, $0xb8;
	[tilespmem:$0x1E800] =	vst v63  }
0x171: {  	s7 =	sadd.s32 $0x32, s24;
	s30 =	simm.s32 $0x280  }
0x172: {  	[tilespmem:s30], [sflag:$0x6] =	stream.linear.gather [hbm4b:s7+s3], $0x50, $0x38;
	[tilespmem:$0x1E800] =	vst v63  }
0x173: {  	s0 =	simm.s32 $0x680;
	s12 =	sadd.s32 $0x32, s2  }
0x174: {  	[tilespmem:s0], [sflag:$0x6] =	stream.linear.gather [hbm4b:s12+s3], $0x50, $0x38;
	[tilespmem:$0x1E800] =	vst v63  }
0x175: {  	_ =	swait.ge [sflag:s21], $0x1400  }
0x176: {  	[sflag:s21] =	ssyncset.done $0x0  }
0x177: {  	[sflag:s21] =	ssyncadd.s32 $0xFFFFEC00  }
0x178: {  	_ =	swait.ge [sflag:s21], $0x1400  }
0x179: {  	[sflag:s21] =	ssyncset.done $0x0  }
0x17a: {  	[sflag:s21] =	ssyncadd.s32 $0xFFFFEC00  }
0x17b: {  	[spmem:s1] =	stream.indirect.scatter.add.f32 [tilespmem:s26], [sflag:$0x10], $0x80, s22, s17, $0xb8;
	[tilespmem:$0x1E800] =	vst v63  }
0x17c: {  	s22 =	simm.s32 $0x6  }
0x17d: {  	_ =	swait.ge [sflag:s22], $0x50  }
0x17e: {  	[sflag:s22] =	ssyncset.done $0x0  }
0x17f: {  	[sflag:s22] =	ssyncadd.s32 $0xFFFFFFB0  }
0x180: {  	_ =	swait.ge [sflag:s22], $0x50  }
0x181: {  	[sflag:s22] =	ssyncset.done $0x0  }
0x182: {  	[sflag:s22] =	ssyncadd.s32 $0xFFFFFFB0  }
0x183: {  	_ =	swait.ge [sflag:s14], $0x2800  }
0x184: {  	[sflag:s14] =	ssyncset.done $0x0  }
0x185: {  	s12 =	simm.s32 $0x3000;
	[sflag:s14] =	ssyncadd.s32 $0xFFFFD800  }
0x186: {  	[tilespmem:s12], [sflag:$0xA] =	stream.indirect.gather [hbm4b:s5+s9], $0x80, s30, s9, $0xb8;
	[tilespmem:$0x1E800] =	vst v63  }
0x187: {  	s22 =	simm.s32 $0x4400;
	s30 =	simm.s32 $0x2A8  }
0x188: {  	[tilespmem:s22], [sflag:$0xA] =	stream.indirect.gather [hbm4b:s5+s9], $0x80, s30, s9, $0xb8;
	[tilespmem:$0x1E800] =	vst v63  }
0x189: {  	s7 =	sadd.s32 $0x3C, s24;
	s30 =	simm.s32 $0x300  }
0x18a: {  	[tilespmem:s30], [sflag:$0x7] =	stream.linear.gather [hbm4b:s7+s3], $0x50, $0x38;
	[tilespmem:$0x1E800] =	vst v63  }
0x18b: {  	s8 =	sadd.s32 $0x3C, s2;
	s7 =	simm.s32 $0x700  }
0x18c: {  	[tilespmem:s7], [sflag:$0x7] =	stream.linear.gather [hbm4b:s8+s3], $0x50, $0x38;
	[tilespmem:$0x1E800] =	vst v63  }
0x18d: {  	_ =	swait.ge [sflag:s28], $0x1400  }
0x18e: {  	[sflag:s28] =	ssyncset.done $0x0  }
0x18f: {  	[sflag:s28] =	ssyncadd.s32 $0xFFFFEC00  }
0x190: {  	_ =	swait.ge [sflag:s28], $0x1400  }
0x191: {  	[sflag:s28] =	ssyncset.done $0x0  }
0x192: {  	[sflag:s28] =	ssyncadd.s32 $0xFFFFEC00  }
0x193: {  	[spmem:s1] =	stream.indirect.scatter.add.f32 [tilespmem:s23], [sflag:$0xD], $0x80, s18, s17, $0xb8;
	[tilespmem:$0x1E800] =	vst v63  }
0x194: {  	s18 =	simm.s32 $0x7  }
0x195: {  	_ =	swait.ge [sflag:s18], $0x50  }
0x196: {  	[sflag:s18] =	ssyncset.done $0x0  }
0x197: {  	[sflag:s18] =	ssyncadd.s32 $0xFFFFFFB0  }
0x198: {  	_ =	swait.ge [sflag:s18], $0x50  }
0x199: {  	[sflag:s18] =	ssyncset.done $0x0  }
0x19a: {  	[sflag:s18] =	ssyncadd.s32 $0xFFFFFFB0;
	s18 =	simm.s32 $0xF  }
0x19b: {  	_ =	swait.ge [sflag:s18], $0x2800  }
0x19c: {  	[sflag:s18] =	ssyncset.done $0x0  }
0x19d: {  	[sflag:s18] =	ssyncadd.s32 $0xFFFFD800  }
0x19e: {  	[tilespmem:s10], [sflag:$0xB] =	stream.indirect.gather [hbm4b:s5+s9], $0x80, s30, s9, $0xb8;
	[tilespmem:$0x1E800] =	vst v63  }
0x19f: {  	s18 =	simm.s32 $0x328;
	s30 =	simm.s32 $0x6C00  }
0x1a0: {  	[tilespmem:s30], [sflag:$0xB] =	stream.indirect.gather [hbm4b:s5+s9], $0x80, s18, s9, $0xb8;
	[tilespmem:$0x1E800] =	vst v63  }
0x1a1: {  	s30 =	sadd.s32 $0x46, s24;
	s18 =	simm.s32 $0x380  }
0x1a2: {  	[tilespmem:s18], [sflag:$0x8] =	stream.linear.gather [hbm4b:s30+s3], $0x50, $0x38;
	[tilespmem:$0x1E800] =	vst v63  }
0x1a3: {  	s8 =	sadd.s32 $0x46, s2;
	s30 =	simm.s32 $0x780  }
0x1a4: {  	[tilespmem:s30], [sflag:$0x8] =	stream.linear.gather [hbm4b:s8+s3], $0x50, $0x38;
	[tilespmem:$0x1E800] =	vst v63  }
0x1a5: {  	_ =	swait.ge [sflag:s25], $0x1400  }
0x1a6: {  	[sflag:s25] =	ssyncset.done $0x0  }
0x1a7: {  	[sflag:s25] =	ssyncadd.s32 $0xFFFFEC00  }
0x1a8: {  	_ =	swait.ge [sflag:s25], $0x1400  }
0x1a9: {  	[sflag:s25] =	ssyncset.done $0x0  }
0x1aa: {  	[sflag:s25] =	ssyncadd.s32 $0xFFFFEC00  }
0x1ab: {  	[spmem:s1] =	stream.indirect.scatter.add.f32 [tilespmem:s12], [sflag:$0xE], $0x80, s0, s17, $0xb8;
	[tilespmem:$0x1E800] =	vst v63  }
0x1ac: {  	_ =	swait.ge [sflag:s15], $0x50  }
0x1ad: {  	[sflag:s15] =	ssyncset.done $0x0  }
0x1ae: {  	[sflag:s15] =	ssyncadd.s32 $0xFFFFFFB0  }
0x1af: {  	_ =	swait.ge [sflag:s15], $0x50  }
0x1b0: {  	[sflag:s15] =	ssyncset.done $0x0  }
0x1b1: {  	s8 =	simm.s32 $0x10;
	[sflag:s15] =	ssyncadd.s32 $0xFFFFFFB0  }
0x1b2: {  	_ =	swait.ge [sflag:s8], $0x2800  }
0x1b3: {  	[sflag:s8] =	ssyncset.done $0x0  }
0x1b4: {  	[sflag:s8] =	ssyncadd.s32 $0xFFFFD800  }
0x1b5: {  	[tilespmem:s26], [sflag:$0xC] =	stream.indirect.gather [hbm4b:s5+s9], $0x80, s18, s9, $0xb8;
	[tilespmem:$0x1E800] =	vst v63  }
0x1b6: {  	s8 =	simm.s32 $0x3A8;
	s18 =	simm.s32 $0x9400  }
0x1b7: {  	[tilespmem:s18], [sflag:$0xC] =	stream.indirect.gather [hbm4b:s5+s9], $0x80, s8, s9, $0xb8;
	[tilespmem:$0x1E800] =	vst v63  }
0x1b8: {  	s18 =	sadd.s32 $0x50, s24  }
0x1b9: {  	[tilespmem:s3], [sflag:$0x1] =	stream.linear.gather [hbm4b:s18+s3], $0x50, $0x38;
	[tilespmem:$0x1E800] =	vst v63  }
0x1ba: {  	s0 =	sadd.s32 $0x50, s2;
	s18 =	simm.s32 $0x400  }
0x1bb: {  	[tilespmem:s18], [sflag:$0x1] =	stream.linear.gather [hbm4b:s0+s3], $0x50, $0x38;
	[tilespmem:$0x1E800] =	vst v63  }
0x1bc: {  	_ =	swait.ge [sflag:s29], $0x1400  }
0x1bd: {  	[sflag:s29] =	ssyncset.done $0x0  }
0x1be: {  	[sflag:s29] =	ssyncadd.s32 $0xFFFFEC00  }
0x1bf: {  	_ =	swait.ge [sflag:s29], $0x1400  }
0x1c0: {  	[sflag:s29] =	ssyncset.done $0x0  }
0x1c1: {  	[sflag:s29] =	ssyncadd.s32 $0xFFFFEC00  }
0x1c2: {  	[spmem:s1] =	stream.indirect.scatter.add.f32 [tilespmem:s10], [sflag:$0xF], $0x80, s7, s17, $0xb8;
	[tilespmem:$0x1E800] =	vst v63  }
0x1c3: {  	_ =	swait.ge [sflag:s13], $0x50  }
0x1c4: {  	[sflag:s13] =	ssyncset.done $0x0  }
0x1c5: {  	[sflag:s13] =	ssyncadd.s32 $0xFFFFFFB0  }
0x1c6: {  	_ =	swait.ge [sflag:s13], $0x50  }
0x1c7: {  	[sflag:s13] =	ssyncset.done $0x0  }
0x1c8: {  	[sflag:s13] =	ssyncadd.s32 $0xFFFFFFB0  }
0x1c9: {  	_ =	swait.ge [sflag:s31], $0x2800  }
0x1ca: {  	[sflag:s31] =	ssyncset.done $0x0  }
0x1cb: {  	[sflag:s31] =	ssyncadd.s32 $0xFFFFD800  }
0x1cc: {  	[tilespmem:s23], [sflag:$0x9] =	stream.indirect.gather [hbm4b:s5+s9], $0x80, s3, s9, $0xb8;
	[tilespmem:$0x1E800] =	vst v63  }
0x1cd: {  	s10 =	simm.s32 $0x1C00  }
0x1ce: {  	[tilespmem:s10], [sflag:$0x9] =	stream.indirect.gather [hbm4b:s5+s9], $0x80, s9, s9, $0xb8;
	[tilespmem:$0x1E800] =	vst v63  }
0x1cf: {  	s18 =	sadd.s32 $0x5A, s24;
	s23 =	simm.s32 $0x80  }
0x1d0: {  	[tilespmem:s23], [sflag:$0x2] =	stream.linear.gather [hbm4b:s18+s3], $0x50, $0x38;
	[tilespmem:$0x1E800] =	vst v63  }
0x1d1: {  	s2 =	sadd.s32 $0x5A, s2;
	s24 =	simm.s32 $0x480  }
0x1d2: {  	[tilespmem:s24], [sflag:$0x2] =	stream.linear.gather [hbm4b:s2+s3], $0x50, $0x38;
	[tilespmem:$0x1E800] =	vst v63  }
0x1d3: {  	_ =	swait.ge [sflag:s21], $0x1400  }
0x1d4: {  	[sflag:s21] =	ssyncset.done $0x0  }
0x1d5: {  	[sflag:s21] =	ssyncadd.s32 $0xFFFFEC00  }
0x1d6: {  	_ =	swait.ge [sflag:s21], $0x1400  }
0x1d7: {  	[sflag:s21] =	ssyncset.done $0x0  }
0x1d8: {  	[sflag:s21] =	ssyncadd.s32 $0xFFFFEC00  }
0x1d9: {  	[spmem:s1] =	stream.indirect.scatter.add.f32 [tilespmem:s26], [sflag:$0x10], $0x80, s30, s17, $0xb8;
	[tilespmem:$0x1E800] =	vst v63  }
0x1da: {  	_ =	swait.ge [sflag:s19], $0x50  }
0x1db: {  	[sflag:s19] =	ssyncset.done $0x0  }
0x1dc: {  	[sflag:s19] =	ssyncadd.s32 $0xFFFFFFB0  }
0x1dd: {  	_ =	swait.ge [sflag:s19], $0x50  }
0x1de: {  	[sflag:s19] =	ssyncset.done $0x0  }
0x1df: {  	[sflag:s19] =	ssyncadd.s32 $0xFFFFFFB0  }
0x1e0: {  	s20 =	sadd.s32 $0x1, s20;
	s6 =	sadd.s32 $0x50, s6;
	_ =	swait.ge [sflag:s14], $0x2800  }
0x1e1: {  	p1 =	sne.s32 s6, $0x9B0;
	p2 =	sgt.u32 s20, $0x1D;
	[sflag:s14] =	ssyncset.done $0x0  }
0x1e2: {  	s12 =	simm.s32 $0x3000;
	s8 =	sadd.s32 @!p2 s11, s16;
	[sflag:s14] =	ssyncadd.s32 $0xFFFFD800  }
0x1e3: {  	[tilespmem:s12], [sflag:$0xA] =	stream.indirect.gather [hbm4b:s5+s9], $0x80, s23, s9, $0xb8;
	[tilespmem:$0x1E800] =	vst v63  }
.Ltmp3:
0x1e4: {  	s8 =	sadd.s32 @!p2 $0x64, s8;
	s31 =	simm.s32 $0xA8;
	(pc) =	sbr.rel @p1 .LBB2_6-.Ltmp3, $4  }
0x1e5: {  	[tilespmem:s22], [sflag:$0xA] =	stream.indirect.gather [hbm4b:s5+s9], $0x80, s31, s9, $0xb8;
	[tilespmem:$0x1E800] =	vst v63  }
0x1e6: {  	s2 =	simm.s32 @!p2 $0x0;
	s0 =	rddreg [dreg:$0x9];
	s23 =	simm.s32 @!p2 $0x100  }
0x1e7: {  	[tilespmem:s23], [sflag:$0x3] =	stream.linear.gather @!p2 [hbm4b:s8+s2], $0x50, $0x38;
	[tilespmem:$0x1E800] =	vst v63  }
0x1e8: {  	s24 =	simm.s32 @!p2 $0x500;
	s11 =	sadd.s32 @!p2 s11, s0;
	s23 =	simm.s32 $0x800  }
.Ltmp4:
0x1e9: {  	_ = 	snop;
	(pc) =	sbr.rel .LBB2_7-.Ltmp4, $1  }
0x1ea: {  	_ =	sdelay $0x3  }
.LBB2_2:
0x1eb: {  	s2 =	rddreg [dreg:$0x1c]  }
0x1ec: {  	[smem:$0x7FD] =	sst s20  }
0x1ed: {  	[spmem:s6], [sflag:s20] =	dma.local [hbm:s2], $0x2800  }
0x1ee: {  	_ =	swait.ge [sflag:s8], $0x2800  }
0x1ef: {  	[sflag:s8] =	ssyncset.done $0x0  }
0x1f0: {  	[sflag:s8] =	ssyncadd.s32 $0xFFFFD800  }
0x1f1: {  	[bflag:$0x0] =	sbarrier.arrive $0xFFFF  }
0x1f2: {  	s20 =	simm.s32 $0x0;
	s7 =	rddreg [dreg:$0xb]  }
0x1f3: {  	[tilespmem:s20], [sflag:$0x11] =	stream.linear.gather [hbm4b:s7+s20], $0x50, $0x38;
	[tilespmem:$0x1E800] =	vst v63  }
0x1f4: {  	_ =	swait.ge [sflag:s8], $0x50  }
0x1f5: {  	[sflag:s8] =	ssyncset.done $0x0  }
0x1f6: {  	s10 =	rddreg [dreg:$0xc];
	[sflag:s8] =	ssyncadd.s32 $0xFFFFFFB0  }
0x1f7: {  	[tilespmem:s24], [sflag:$0x11] =	stream.linear.gather [hbm4b:s10+s20], $0x50, $0x38;
	[tilespmem:$0x1E800] =	vst v63  }
0x1f8: {  	_ =	swait.ge [sflag:s8], $0x50  }
0x1f9: {  	[sflag:s8] =	ssyncset.done $0x0  }
0x1fa: {  	s13 =	rddreg [dreg:$0xd];
	[sflag:s8] =	ssyncadd.s32 $0xFFFFFFB0  }
0x1fb: {  	[tilespmem:s22], [sflag:$0x11] =	stream.linear.gather [hbm4b:s13+s20], $0x50, $0x38;
	[tilespmem:$0x1E800] =	vst v63  }
0x1fc: {  	_ =	swait.ge [sflag:s8], $0x50  }
0x1fd: {  	[sflag:s8] =	ssyncset.done $0x0  }
0x1fe: {  	s14 =	rddreg [dreg:$0xe];
	[sflag:s8] =	ssyncadd.s32 $0xFFFFFFB0  }
0x1ff: {  	[tilespmem:s11], [sflag:$0x11] =	stream.linear.gather [hbm4b:s14+s20], $0x50, $0x38;
	[tilespmem:$0x1E800] =	vst v63  }
0x200: {  	_ =	swait.ge [sflag:s8], $0x50  }
0x201: {  	[sflag:s8] =	ssyncset.done $0x0  }
0x202: {  	s6 =	simm.s32 $0x100;
	s15 =	rddreg [dreg:$0xf];
	[sflag:s8] =	ssyncadd.s32 $0xFFFFFFB0  }
0x203: {  	[tilespmem:s6], [sflag:$0x3] =	stream.linear.gather [hbm4b:s15+s20], $0x50, $0x38;
	[tilespmem:$0x1E800] =	vst v63  }
0x204: {  	s14 =	simm.s32 $0x500;
	s18 =	rddreg [dreg:$0x10]  }
0x205: {  	[tilespmem:s14], [sflag:$0x3] =	stream.linear.gather [hbm4b:s18+s20], $0x50, $0x38;
	[tilespmem:$0x1E800] =	vst v63  }
0x206: {  	s19 =	simm.s32 $0x800  }
0x207: {  	[tilespmem:s19], [sflag:$0x9] =	stream.indirect.gather [hbm4b:s4+s9], $0x80, s20, s9, $0xb8;
	[tilespmem:$0x1E800] =	vst v63  }
0x208: {  	s0 =	simm.s32 $0x1C00  }
0x209: {  	[tilespmem:s0], [sflag:$0x9] =	stream.indirect.gather [hbm4b:s4+s9], $0x80, s9, s9, $0xb8;
	[tilespmem:$0x1E800] =	vst v63  }
0x20a: {  	s23 =	simm.s32 $0x3000  }
0x20b: {  	[tilespmem:s23], [sflag:$0xA] =	stream.indirect.gather [hbm4b:s4+s9], $0x80, s22, s9, $0xb8;
	[tilespmem:$0x1E800] =	vst v63  }
0x20c: {  	s26 =	simm.s32 $0x4400;
	s7 =	simm.s32 $0xA8  }
0x20d: {  	[tilespmem:s26], [sflag:$0xA] =	stream.indirect.gather [hbm4b:s4+s9], $0x80, s7, s9, $0xb8;
	[tilespmem:$0x1E800] =	vst v63  }
0x20e: {  	_ =	swait.ge [sflag:s28], $0x1400  }
0x20f: {  	[sflag:s28] =	ssyncset.done $0x0  }
0x210: {  	[sflag:s28] =	ssyncadd.s32 $0xFFFFEC00  }
0x211: {  	_ =	swait.ge [sflag:s28], $0x1400  }
0x212: {  	[sflag:s28] =	ssyncset.done $0x0  }
0x213: {  	s2 =	simm.s32 $0x3;
	s19 =	simm.s32 $0x800;
	[sflag:s28] =	ssyncadd.s32 $0xFFFFEC00  }
0x214: {  	[spmem:s1] =	stream.indirect.scatter.add.f32 [tilespmem:s19], [sflag:$0xD], $0x80, s24, s16, $0xb8;
	[tilespmem:$0x1E800] =	vst v63  }
0x215: {  	_ =	swait.ge [sflag:s2], $0x50  }
0x216: {  	[sflag:s2] =	ssyncset.done $0x0  }
0x217: {  	[sflag:s2] =	ssyncadd.s32 $0xFFFFFFB0  }
0x218: {  	_ =	swait.ge [sflag:s2], $0x50  }
0x219: {  	p1 =	por $0x1, $0x1;
	[sflag:s2] =	ssyncset.done $0x0  }
0x21a: {  	[sflag:s2] =	ssyncadd.s32 $0xFFFFFFB0;
	s2 =	simm.s32 @!p1 $0xF  }
0x21b: {  	_ =	swait.ge @!p1 [sflag:s2], $0x2800  }
0x21c: {  	[sflag:s2] =	ssyncset.done @!p1 $0x0  }
0x21d: {  	s26 =	simm.s32 $0x5800;
	[sflag:s2] =	ssyncadd.s32 @!p1 $0xFFFFD800  }
0x21e: {  	[tilespmem:s26], [sflag:$0xB] =	stream.indirect.gather [hbm4b:s4+s9], $0x80, s6, s9, $0xb8;
	[tilespmem:$0x1E800] =	vst v63  }
0x21f: {  	s11 =	simm.s32 $0x6C00;
	s7 =	simm.s32 $0x128;
	s2 =	sadd.s32 $0x0, s12  }
0x220: {  	[tilespmem:s11], [sflag:$0xB] =	stream.indirect.gather [hbm4b:s4+s9], $0x80, s7, s9, $0xb8;
	[tilespmem:$0x1E800] =	vst v63  }
0x221: {  	s19 =	sadd.s32 $0x1E, s2;
	s6 =	sadd.s32 $0x0, s17;
	s7 =	simm.s32 $0x180  }
0x222: {  	[tilespmem:s7], [sflag:$0x4] =	stream.linear.gather [hbm4b:s19+s3], $0x50, $0x38;
	[tilespmem:$0x1E800] =	vst v63  }
0x223: {  	s11 =	sadd.s32 $0x1E, s6;
	s19 =	simm.s32 $0x580  }
0x224: {  	[tilespmem:s19], [sflag:$0x4] =	stream.linear.gather [hbm4b:s11+s3], $0x50, $0x38;
	[tilespmem:$0x1E800] =	vst v63  }
0x225: {  	_ =	swait.ge [sflag:s25], $0x1400  }
0x226: {  	[sflag:s25] =	ssyncset.done $0x0  }
0x227: {  	[sflag:s25] =	ssyncadd.s32 $0xFFFFEC00  }
0x228: {  	_ =	swait.ge [sflag:s25], $0x1400  }
0x229: {  	s10 =	simm.s32 $0x4;
	[sflag:s25] =	ssyncset.done $0x0  }
0x22a: {  	s13 =	simm.s32 $0x3000;
	s26 =	simm.s32 $0x480;
	[sflag:s25] =	ssyncadd.s32 $0xFFFFEC00  }
0x22b: {  	[spmem:s1] =	stream.indirect.scatter.add.f32 [tilespmem:s13], [sflag:$0xE], $0x80, s26, s16, $0xb8;
	[tilespmem:$0x1E800] =	vst v63  }
0x22c: {  	_ =	swait.ge [sflag:s10], $0x50  }
0x22d: {  	[sflag:s10] =	ssyncset.done $0x0  }
0x22e: {  	[sflag:s10] =	ssyncadd.s32 $0xFFFFFFB0  }
0x22f: {  	_ =	swait.ge [sflag:s10], $0x50  }
0x230: {  	[sflag:s10] =	ssyncset.done $0x0  }
0x231: {  	s11 =	simm.s32 @!p1 $0x10;
	[sflag:s10] =	ssyncadd.s32 $0xFFFFFFB0  }
0x232: {  	_ =	swait.ge @!p1 [sflag:s11], $0x2800  }
0x233: {  	[sflag:s11] =	ssyncset.done @!p1 $0x0  }
0x234: {  	s26 =	simm.s32 $0x8000;
	[sflag:s11] =	ssyncadd.s32 @!p1 $0xFFFFD800  }
0x235: {  	[tilespmem:s26], [sflag:$0xC] =	stream.indirect.gather [hbm4b:s4+s9], $0x80, s7, s9, $0xb8;
	[tilespmem:$0x1E800] =	vst v63  }
0x236: {  	s13 =	simm.s32 $0x9400;
	s11 =	simm.s32 $0x1A8  }
0x237: {  	[tilespmem:s13], [sflag:$0xC] =	stream.indirect.gather [hbm4b:s4+s9], $0x80, s11, s9, $0xb8;
	[tilespmem:$0x1E800] =	vst v63  }
0x238: {  	s26 =	sadd.s32 $0x28, s2;
	s7 =	simm.s32 $0x200  }
0x239: {  	[tilespmem:s7], [sflag:$0x5] =	stream.linear.gather [hbm4b:s26+s3], $0x50, $0x38;
	[tilespmem:$0x1E800] =	vst v63  }
0x23a: {  	s10 =	sadd.s32 $0x28, s6;
	s26 =	simm.s32 $0x600  }
0x23b: {  	[tilespmem:s26], [sflag:$0x5] =	stream.linear.gather [hbm4b:s10+s3], $0x50, $0x38;
	[tilespmem:$0x1E800] =	vst v63  }
0x23c: {  	_ =	swait.ge [sflag:s29], $0x1400  }
0x23d: {  	[sflag:s29] =	ssyncset.done $0x0  }
0x23e: {  	[sflag:s29] =	ssyncadd.s32 $0xFFFFEC00  }
0x23f: {  	_ =	swait.ge [sflag:s29], $0x1400  }
0x240: {  	[sflag:s29] =	ssyncset.done $0x0  }
0x241: {  	s23 =	simm.s32 $0x5;
	s13 =	simm.s32 $0x5800;
	[sflag:s29] =	ssyncadd.s32 $0xFFFFEC00  }
0x242: {  	[spmem:s1] =	stream.indirect.scatter.add.f32 [tilespmem:s13], [sflag:$0xF], $0x80, s14, s16, $0xb8;
	[tilespmem:$0x1E800] =	vst v63  }
0x243: {  	_ =	swait.ge [sflag:s23], $0x50  }
0x244: {  	[sflag:s23] =	ssyncset.done $0x0  }
0x245: {  	[sflag:s23] =	ssyncadd.s32 $0xFFFFFFB0  }
0x246: {  	_ =	swait.ge [sflag:s23], $0x50  }
0x247: {  	[sflag:s23] =	ssyncset.done $0x0  }
0x248: {  	s15 =	simm.s32 $0xD;
	[sflag:s23] =	ssyncadd.s32 $0xFFFFFFB0  }
0x249: {  	_ =	swait.ge [sflag:s15], $0x2800  }
0x24a: {  	[sflag:s15] =	ssyncset.done $0x0  }
0x24b: {  	s10 =	simm.s32 $0x800;
	[sflag:s15] =	ssyncadd.s32 $0xFFFFD800  }
0x24c: {  	[tilespmem:s10], [sflag:$0x9] =	stream.indirect.gather [hbm4b:s4+s9], $0x80, s7, s9, $0xb8;
	[tilespmem:$0x1E800] =	vst v63  }
0x24d: {  	s11 =	simm.s32 $0x228;
	s13 =	simm.s32 $0x1C00  }
0x24e: {  	[tilespmem:s13], [sflag:$0x9] =	stream.indirect.gather [hbm4b:s4+s9], $0x80, s11, s9, $0xb8;
	[tilespmem:$0x1E800] =	vst v63  }
0x24f: {  	s14 =	sadd.s32 $0x32, s2;
	s7 =	simm.s32 $0x280  }
0x250: {  	[tilespmem:s7], [sflag:$0x6] =	stream.linear.gather [hbm4b:s14+s3], $0x50, $0x38;
	[tilespmem:$0x1E800] =	vst v63  }
0x251: {  	s23 =	sadd.s32 $0x32, s6;
	s13 =	simm.s32 $0x680  }
0x252: {  	[tilespmem:s13], [sflag:$0x6] =	stream.linear.gather [hbm4b:s23+s3], $0x50, $0x38;
	[tilespmem:$0x1E800] =	vst v63  }
0x253: {  	_ =	swait.ge [sflag:s21], $0x1400  }
0x254: {  	[sflag:s21] =	ssyncset.done $0x0  }
0x255: {  	[sflag:s21] =	ssyncadd.s32 $0xFFFFEC00  }
0x256: {  	_ =	swait.ge [sflag:s21], $0x1400  }
0x257: {  	[sflag:s21] =	ssyncset.done $0x0  }
0x258: {  	s0 =	simm.s32 $0x6;
	s14 =	simm.s32 $0x8000;
	[sflag:s21] =	ssyncadd.s32 $0xFFFFEC00  }
0x259: {  	[spmem:s1] =	stream.indirect.scatter.add.f32 [tilespmem:s14], [sflag:$0x10], $0x80, s19, s16, $0xb8;
	[tilespmem:$0x1E800] =	vst v63  }
0x25a: {  	_ =	swait.ge [sflag:s0], $0x50  }
0x25b: {  	[sflag:s0] =	ssyncset.done $0x0  }
0x25c: {  	[sflag:s0] =	ssyncadd.s32 $0xFFFFFFB0  }
0x25d: {  	_ =	swait.ge [sflag:s0], $0x50  }
0x25e: {  	[sflag:s0] =	ssyncset.done $0x0  }
0x25f: {  	s23 =	simm.s32 $0xE;
	[sflag:s0] =	ssyncadd.s32 $0xFFFFFFB0  }
0x260: {  	_ =	swait.ge [sflag:s23], $0x2800  }
0x261: {  	[sflag:s23] =	ssyncset.done $0x0  }
0x262: {  	s14 =	simm.s32 $0x3000;
	[sflag:s23] =	ssyncadd.s32 $0xFFFFD800  }
0x263: {  	[tilespmem:s14], [sflag:$0xA] =	stream.indirect.gather [hbm4b:s4+s9], $0x80, s7, s9, $0xb8;
	[tilespmem:$0x1E800] =	vst v63  }
0x264: {  	s11 =	simm.s32 $0x4400;
	s7 =	simm.s32 $0x2A8  }
0x265: {  	[tilespmem:s11], [sflag:$0xA] =	stream.indirect.gather [hbm4b:s4+s9], $0x80, s7, s9, $0xb8;
	[tilespmem:$0x1E800] =	vst v63  }
0x266: {  	s19 =	sadd.s32 $0x3C, s2;
	s0 =	simm.s32 $0x300  }
0x267: {  	[tilespmem:s0], [sflag:$0x7] =	stream.linear.gather [hbm4b:s19+s3], $0x50, $0x38;
	[tilespmem:$0x1E800] =	vst v63  }
0x268: {  	s7 =	sadd.s32 $0x3C, s6;
	s19 =	simm.s32 $0x700  }
0x269: {  	[tilespmem:s19], [sflag:$0x7] =	stream.linear.gather [hbm4b:s7+s3], $0x50, $0x38;
	[tilespmem:$0x1E800] =	vst v63  }
0x26a: {  	_ =	swait.ge [sflag:s28], $0x1400  }
0x26b: {  	[sflag:s28] =	ssyncset.done $0x0  }
0x26c: {  	[sflag:s28] =	ssyncadd.s32 $0xFFFFEC00  }
0x26d: {  	_ =	swait.ge [sflag:s28], $0x1400  }
0x26e: {  	[sflag:s28] =	ssyncset.done $0x0  }
0x26f: {  	s8 =	simm.s32 $0x7;
	[sflag:s28] =	ssyncadd.s32 $0xFFFFEC00  }
0x270: {  	[spmem:s1] =	stream.indirect.scatter.add.f32 [tilespmem:s10], [sflag:$0xD], $0x80, s26, s16, $0xb8;
	[tilespmem:$0x1E800] =	vst v63  }
0x271: {  	_ =	swait.ge [sflag:s8], $0x50  }
0x272: {  	[sflag:s8] =	ssyncset.done $0x0  }
0x273: {  	[sflag:s8] =	ssyncadd.s32 $0xFFFFFFB0  }
0x274: {  	_ =	swait.ge [sflag:s8], $0x50  }
0x275: {  	[sflag:s8] =	ssyncset.done $0x0  }
0x276: {  	s7 =	simm.s32 $0xF;
	[sflag:s8] =	ssyncadd.s32 $0xFFFFFFB0  }
0x277: {  	_ =	swait.ge [sflag:s7], $0x2800  }
0x278: {  	[sflag:s7] =	ssyncset.done $0x0  }
0x279: {  	[sflag:s7] =	ssyncadd.s32 $0xFFFFD800;
	s7 =	simm.s32 $0x5800  }
0x27a: {  	[tilespmem:s7], [sflag:$0xB] =	stream.indirect.gather [hbm4b:s4+s9], $0x80, s0, s9, $0xb8;
	[tilespmem:$0x1E800] =	vst v63  }
0x27b: {  	s11 =	simm.s32 $0x6C00;
	s10 =	simm.s32 $0x328  }
0x27c: {  	[tilespmem:s11], [sflag:$0xB] =	stream.indirect.gather [hbm4b:s4+s9], $0x80, s10, s9, $0xb8;
	[tilespmem:$0x1E800] =	vst v63  }
0x27d: {  	s8 =	sadd.s32 $0x46, s2;
	s0 =	simm.s32 $0x380  }
0x27e: {  	[tilespmem:s0], [sflag:$0x8] =	stream.linear.gather [hbm4b:s8+s3], $0x50, $0x38;
	[tilespmem:$0x1E800] =	vst v63  }
0x27f: {  	s10 =	sadd.s32 $0x46, s6;
	s8 =	simm.s32 $0x780  }
0x280: {  	[tilespmem:s8], [sflag:$0x8] =	stream.linear.gather [hbm4b:s10+s3], $0x50, $0x38;
	[tilespmem:$0x1E800] =	vst v63  }
0x281: {  	_ =	swait.ge [sflag:s25], $0x1400  }
0x282: {  	[sflag:s25] =	ssyncset.done $0x0  }
0x283: {  	[sflag:s25] =	ssyncadd.s32 $0xFFFFEC00  }
0x284: {  	_ =	swait.ge [sflag:s25], $0x1400  }
0x285: {  	[sflag:s25] =	ssyncset.done $0x0  }
0x286: {  	s30 =	simm.s32 $0x8;
	[sflag:s25] =	ssyncadd.s32 $0xFFFFEC00  }
0x287: {  	[spmem:s1] =	stream.indirect.scatter.add.f32 [tilespmem:s14], [sflag:$0xE], $0x80, s13, s16, $0xb8;
	[tilespmem:$0x1E800] =	vst v63  }
0x288: {  	_ =	swait.ge [sflag:s30], $0x50  }
0x289: {  	[sflag:s30] =	ssyncset.done $0x0  }
0x28a: {  	[sflag:s30] =	ssyncadd.s32 $0xFFFFFFB0  }
0x28b: {  	_ =	swait.ge [sflag:s30], $0x50  }
0x28c: {  	[sflag:s30] =	ssyncset.done $0x0  }
0x28d: {  	s11 =	simm.s32 $0x10;
	[sflag:s30] =	ssyncadd.s32 $0xFFFFFFB0  }
0x28e: {  	_ =	swait.ge [sflag:s11], $0x2800  }
0x28f: {  	[sflag:s11] =	ssyncset.done $0x0  }
0x290: {  	s10 =	simm.s32 $0x8000;
	[sflag:s11] =	ssyncadd.s32 $0xFFFFD800  }
0x291: {  	[tilespmem:s10], [sflag:$0xC] =	stream.indirect.gather [hbm4b:s4+s9], $0x80, s0, s9, $0xb8;
	[tilespmem:$0x1E800] =	vst v63  }
0x292: {  	s14 =	simm.s32 $0x3A8;
	s30 =	simm.s32 $0x9400  }
0x293: {  	[tilespmem:s30], [sflag:$0xC] =	stream.indirect.gather [hbm4b:s4+s9], $0x80, s14, s9, $0xb8;
	[tilespmem:$0x1E800] =	vst v63  }
0x294: {  	s0 =	sadd.s32 $0x50, s2  }
0x295: {  	[tilespmem:s3], [sflag:$0x1] =	stream.linear.gather [hbm4b:s0+s3], $0x50, $0x38;
	[tilespmem:$0x1E800] =	vst v63  }
0x296: {  	s14 =	sadd.s32 $0x50, s6  }
0x297: {  	[tilespmem:s24], [sflag:$0x1] =	stream.linear.gather [hbm4b:s14+s3], $0x50, $0x38;
	[tilespmem:$0x1E800] =	vst v63  }
0x298: {  	_ =	swait.ge [sflag:s29], $0x1400  }
0x299: {  	[sflag:s29] =	ssyncset.done $0x0  }
0x29a: {  	[sflag:s29] =	ssyncadd.s32 $0xFFFFEC00  }
0x29b: {  	_ =	swait.ge [sflag:s29], $0x1400  }
0x29c: {  	[sflag:s29] =	ssyncset.done $0x0  }
0x29d: {  	s18 =	simm.s32 $0x1;
	[sflag:s29] =	ssyncadd.s32 $0xFFFFEC00  }
0x29e: {  	[spmem:s1] =	stream.indirect.scatter.add.f32 [tilespmem:s7], [sflag:$0xF], $0x80, s19, s16, $0xb8;
	[tilespmem:$0x1E800] =	vst v63  }
0x29f: {  	_ =	swait.ge [sflag:s18], $0x50  }
0x2a0: {  	[sflag:s18] =	ssyncset.done $0x0  }
0x2a1: {  	[sflag:s18] =	ssyncadd.s32 $0xFFFFFFB0  }
0x2a2: {  	_ =	swait.ge [sflag:s18], $0x50  }
0x2a3: {  	[sflag:s18] =	ssyncset.done $0x0  }
0x2a4: {  	[sflag:s18] =	ssyncadd.s32 $0xFFFFFFB0  }
0x2a5: {  	_ =	swait.ge [sflag:s15], $0x2800  }
0x2a6: {  	[sflag:s15] =	ssyncset.done $0x0  }
0x2a7: {  	s26 =	simm.s32 $0x800;
	[sflag:s15] =	ssyncadd.s32 $0xFFFFD800  }
0x2a8: {  	[tilespmem:s26], [sflag:$0x9] =	stream.indirect.gather [hbm4b:s4+s9], $0x80, s3, s9, $0xb8;
	[tilespmem:$0x1E800] =	vst v63  }
0x2a9: {  	s19 =	simm.s32 $0x1C00  }
0x2aa: {  	[tilespmem:s19], [sflag:$0x9] =	stream.indirect.gather [hbm4b:s4+s9], $0x80, s9, s9, $0xb8;
	[tilespmem:$0x1E800] =	vst v63  }
0x2ab: {  	s2 =	sadd.s32 $0x5A, s2  }
0x2ac: {  	[tilespmem:s22], [sflag:$0x2] =	stream.linear.gather [hbm4b:s2+s3], $0x50, $0x38;
	[tilespmem:$0x1E800] =	vst v63  }
0x2ad: {  	s24 =	sadd.s32 $0x5A, s6;
	s26 =	simm.s32 $0x480  }
0x2ae: {  	[tilespmem:s26], [sflag:$0x2] =	stream.linear.gather [hbm4b:s24+s3], $0x50, $0x38;
	[tilespmem:$0x1E800] =	vst v63  }
0x2af: {  	_ =	swait.ge [sflag:s21], $0x1400  }
0x2b0: {  	[sflag:s21] =	ssyncset.done $0x0  }
0x2b1: {  	[sflag:s21] =	ssyncadd.s32 $0xFFFFEC00  }
0x2b2: {  	_ =	swait.ge [sflag:s21], $0x1400  }
0x2b3: {  	[sflag:s21] =	ssyncset.done $0x0  }
0x2b4: {  	s31 =	simm.s32 $0x2;
	[sflag:s21] =	ssyncadd.s32 $0xFFFFEC00  }
0x2b5: {  	[spmem:s1] =	stream.indirect.scatter.add.f32 [tilespmem:s10], [sflag:$0x10], $0x80, s8, s16, $0xb8;
	[tilespmem:$0x1E800] =	vst v63  }
0x2b6: {  	_ =	swait.ge [sflag:s31], $0x50  }
0x2b7: {  	[sflag:s31] =	ssyncset.done $0x0  }
0x2b8: {  	[sflag:s31] =	ssyncadd.s32 $0xFFFFFFB0  }
0x2b9: {  	_ =	swait.ge [sflag:s31], $0x50  }
0x2ba: {  	[sflag:s31] =	ssyncset.done $0x0  }
0x2bb: {  	s23 =	simm.s32 $0xE;
	[sflag:s31] =	ssyncadd.s32 $0xFFFFFFB0  }
0x2bc: {  	_ =	swait.ge [sflag:s23], $0x2800  }
0x2bd: {  	[sflag:s23] =	ssyncset.done $0x0  }
0x2be: {  	p2 =	por $0x0, $0x0;
	s13 =	simm.s32 $0x3000;
	[sflag:s23] =	ssyncadd.s32 $0xFFFFD800  }
0x2bf: {  	[tilespmem:s13], [sflag:$0xA] =	stream.indirect.gather [hbm4b:s4+s9], $0x80, s22, s9, $0xb8;
	[tilespmem:$0x1E800] =	vst v63  }
0x2c0: {  	s30 =	simm.s32 $0xA8;
	s6 =	sadd.s32 @!p2 $0x0, s12;
	s31 =	simm.s32 $0x4400  }
0x2c1: {  	[tilespmem:s31], [sflag:$0xA] =	stream.indirect.gather [hbm4b:s4+s9], $0x80, s30, s9, $0xb8;
	[tilespmem:$0x1E800] =	vst v63  }
0x2c2: {  	s11 =	simm.s32 @!p2 $0x100;
	s6 =	sadd.s32 @!p2 $0x64, s6;
	s2 =	simm.s32 @!p2 $0x0  }
0x2c3: {  	[tilespmem:s11], [sflag:$0x3] =	stream.linear.gather @!p2 [hbm4b:s6+s2], $0x50, $0x38;
	[tilespmem:$0x1E800] =	vst v63  }
0x2c4: {  	s24 =	simm.s32 @!p2 $0x500;
	s6 =	simm.s32 $0x50;
	s11 =	sadd.s32 @!p2 $0x0, s17  }
.LBB2_3:
0x2c5: {  	s23 =	sadd.s32 @!p2 $0x64, s11  }
0x2c6: {  	[tilespmem:s24], [sflag:$0x3] =	stream.linear.gather @!p2 [hbm4b:s23+s2], $0x50, $0x38;
	[tilespmem:$0x1E800] =	vst v63  }
0x2c7: {  	_ =	swait.ge [sflag:s28], $0x1400  }
0x2c8: {  	[sflag:s28] =	ssyncset.done $0x0  }
0x2c9: {  	[sflag:s28] =	ssyncadd.s32 $0xFFFFEC00  }
0x2ca: {  	_ =	swait.ge [sflag:s28], $0x1400  }
0x2cb: {  	s7 =	simm.s32 $0x800;
	[sflag:s28] =	ssyncset.done $0x0  }
0x2cc: {  	s0 =	simm.s32 $0x400;
	s14 =	simm.s32 $0x3;
	[sflag:s28] =	ssyncadd.s32 $0xFFFFEC00  }
0x2cd: {  	[spmem:s1] =	stream.indirect.scatter.add.f32 [tilespmem:s7], [sflag:$0xD], $0x80, s0, s16, $0xb8;
	[tilespmem:$0x1E800] =	vst v63  }
0x2ce: {  	_ =	swait.ge [sflag:s14], $0x50  }
0x2cf: {  	[sflag:s14] =	ssyncset.done $0x0  }
0x2d0: {  	[sflag:s14] =	ssyncadd.s32 $0xFFFFFFB0  }
0x2d1: {  	s11 =	smov.u32 s6;
	_ =	swait.ge [sflag:s14], $0x50  }
0x2d2: {  	p2 =	seq.s32 s11, $0x0;
	[sflag:s14] =	ssyncset.done $0x0  }
0x2d3: {  	s2 =	simm.s32 @!p2 $0xF;
	[sflag:s14] =	ssyncadd.s32 $0xFFFFFFB0  }
0x2d4: {  	_ =	swait.ge @!p2 [sflag:s2], $0x2800  }
0x2d5: {  	s15 =	simm.s32 $0x100;
	s12 =	simm.s32 $0x5800;
	[sflag:s2] =	ssyncset.done @!p2 $0x0  }
0x2d6: {  	s17 =	simm.s32 $0x128;
	s31 =	rddreg [dreg:$0x8];
	[sflag:s2] =	ssyncadd.s32 @!p2 $0xFFFFD800  }
0x2d7: {  	[tilespmem:s12], [sflag:$0xB] =	stream.indirect.gather [hbm4b:s4+s9], $0x80, s15, s9, $0xb8;
	[tilespmem:$0x1E800] =	vst v63  }
0x2d8: {  	s0 =	simm.s32 $0x6C00;
	s19 =	rddreg [dreg:$0x7];
	s24 =	sadd.s32 s11, s31  }
0x2d9: {  	[tilespmem:s0], [sflag:$0xB] =	stream.indirect.gather [hbm4b:s4+s9], $0x80, s17, s9, $0xb8;
	[tilespmem:$0x1E800] =	vst v63  }
0x2da: {  	s8 =	simm.s32 $0x180;
	s2 =	sadd.s32 s11, s19;
	s18 =	sadd.s32 $0x1E, s24  }
0x2db: {  	[tilespmem:s8], [sflag:$0x4] =	stream.linear.gather [hbm4b:s18+s3], $0x50, $0x38;
	[tilespmem:$0x1E800] =	vst v63  }
0x2dc: {  	s22 =	sadd.s32 $0x1E, s2;
	s17 =	simm.s32 $0x580  }
0x2dd: {  	[tilespmem:s17], [sflag:$0x4] =	stream.linear.gather [hbm4b:s22+s3], $0x50, $0x38;
	[tilespmem:$0x1E800] =	vst v63  }
0x2de: {  	_ =	swait.ge [sflag:s25], $0x1400  }
0x2df: {  	[sflag:s25] =	ssyncset.done $0x0  }
0x2e0: {  	[sflag:s25] =	ssyncadd.s32 $0xFFFFEC00  }
0x2e1: {  	_ =	swait.ge [sflag:s25], $0x1400  }
0x2e2: {  	s10 =	simm.s32 $0x480;
	[sflag:s25] =	ssyncset.done $0x0  }
0x2e3: {  	s23 =	simm.s32 $0x4;
	s22 =	simm.s32 $0x3000;
	[sflag:s25] =	ssyncadd.s32 $0xFFFFEC00  }
0x2e4: {  	[spmem:s1] =	stream.indirect.scatter.add.f32 [tilespmem:s22], [sflag:$0xE], $0x80, s10, s16, $0xb8;
	[tilespmem:$0x1E800] =	vst v63  }
0x2e5: {  	_ =	swait.ge [sflag:s23], $0x50  }
0x2e6: {  	[sflag:s23] =	ssyncset.done $0x0  }
0x2e7: {  	[sflag:s23] =	ssyncadd.s32 $0xFFFFFFB0  }
0x2e8: {  	_ =	swait.ge [sflag:s23], $0x50  }
0x2e9: {  	[sflag:s23] =	ssyncset.done $0x0  }
0x2ea: {  	[sflag:s23] =	ssyncadd.s32 $0xFFFFFFB0;
	s23 =	simm.s32 @!p2 $0x10  }
0x2eb: {  	_ =	swait.ge @!p2 [sflag:s23], $0x2800  }
0x2ec: {  	[sflag:s23] =	ssyncset.done @!p2 $0x0  }
0x2ed: {  	s18 =	simm.s32 $0x8000;
	[sflag:s23] =	ssyncadd.s32 @!p2 $0xFFFFD800  }
0x2ee: {  	[tilespmem:s18], [sflag:$0xC] =	stream.indirect.gather [hbm4b:s4+s9], $0x80, s8, s9, $0xb8;
	[tilespmem:$0x1E800] =	vst v63  }
0x2ef: {  	s26 =	simm.s32 $0x1A8;
	s30 =	simm.s32 $0x9400  }
0x2f0: {  	[tilespmem:s30], [sflag:$0xC] =	stream.indirect.gather [hbm4b:s4+s9], $0x80, s26, s9, $0xb8;
	[tilespmem:$0x1E800] =	vst v63  }
0x2f1: {  	s13 =	sadd.s32 $0x28, s24;
	s26 =	simm.s32 $0x200  }
0x2f2: {  	[tilespmem:s26], [sflag:$0x5] =	stream.linear.gather [hbm4b:s13+s3], $0x50, $0x38;
	[tilespmem:$0x1E800] =	vst v63  }
0x2f3: {  	s14 =	sadd.s32 $0x28, s2;
	s10 =	simm.s32 $0x600  }
0x2f4: {  	[tilespmem:s10], [sflag:$0x5] =	stream.linear.gather [hbm4b:s14+s3], $0x50, $0x38;
	[tilespmem:$0x1E800] =	vst v63  }
0x2f5: {  	_ =	swait.ge [sflag:s29], $0x1400  }
0x2f6: {  	[sflag:s29] =	ssyncset.done $0x0  }
0x2f7: {  	[sflag:s29] =	ssyncadd.s32 $0xFFFFEC00  }
0x2f8: {  	_ =	swait.ge [sflag:s29], $0x1400  }
0x2f9: {  	[sflag:s29] =	ssyncset.done $0x0  }
0x2fa: {  	s15 =	simm.s32 $0x500;
	s23 =	simm.s32 $0x5;
	[sflag:s29] =	ssyncadd.s32 $0xFFFFEC00  }
0x2fb: {  	[spmem:s1] =	stream.indirect.scatter.add.f32 [tilespmem:s12], [sflag:$0xF], $0x80, s15, s16, $0xb8;
	[tilespmem:$0x1E800] =	vst v63  }
0x2fc: {  	_ =	swait.ge [sflag:s23], $0x50  }
0x2fd: {  	[sflag:s23] =	ssyncset.done $0x0  }
0x2fe: {  	[sflag:s23] =	ssyncadd.s32 $0xFFFFFFB0  }
0x2ff: {  	_ =	swait.ge [sflag:s23], $0x50  }
0x300: {  	[sflag:s23] =	ssyncset.done $0x0  }
0x301: {  	s15 =	simm.s32 $0xD;
	[sflag:s23] =	ssyncadd.s32 $0xFFFFFFB0  }
0x302: {  	_ =	swait.ge [sflag:s15], $0x2800  }
0x303: {  	[sflag:s15] =	ssyncset.done $0x0  }
0x304: {  	[sflag:s15] =	ssyncadd.s32 $0xFFFFD800  }
0x305: {  	[tilespmem:s7], [sflag:$0x9] =	stream.indirect.gather [hbm4b:s4+s9], $0x80, s26, s9, $0xb8;
	[tilespmem:$0x1E800] =	vst v63  }
0x306: {  	s8 =	simm.s32 $0x1C00;
	s30 =	simm.s32 $0x228  }
0x307: {  	[tilespmem:s8], [sflag:$0x9] =	stream.indirect.gather [hbm4b:s4+s9], $0x80, s30, s9, $0xb8;
	[tilespmem:$0x1E800] =	vst v63  }
0x308: {  	s13 =	sadd.s32 $0x32, s24;
	s26 =	simm.s32 $0x280  }
0x309: {  	[tilespmem:s26], [sflag:$0x6] =	stream.linear.gather [hbm4b:s13+s3], $0x50, $0x38;
	[tilespmem:$0x1E800] =	vst v63  }
0x30a: {  	s14 =	sadd.s32 $0x32, s2;
	s13 =	simm.s32 $0x680  }
0x30b: {  	[tilespmem:s13], [sflag:$0x6] =	stream.linear.gather [hbm4b:s14+s3], $0x50, $0x38;
	[tilespmem:$0x1E800] =	vst v63  }
0x30c: {  	_ =	swait.ge [sflag:s21], $0x1400  }
0x30d: {  	[sflag:s21] =	ssyncset.done $0x0  }
0x30e: {  	[sflag:s21] =	ssyncadd.s32 $0xFFFFEC00  }
0x30f: {  	_ =	swait.ge [sflag:s21], $0x1400  }
0x310: {  	[sflag:s21] =	ssyncset.done $0x0  }
0x311: {  	s23 =	simm.s32 $0x6;
	[sflag:s21] =	ssyncadd.s32 $0xFFFFEC00  }
0x312: {  	[spmem:s1] =	stream.indirect.scatter.add.f32 [tilespmem:s18], [sflag:$0x10], $0x80, s17, s16, $0xb8;
	[tilespmem:$0x1E800] =	vst v63  }
0x313: {  	_ =	swait.ge [sflag:s23], $0x50  }
0x314: {  	[sflag:s23] =	ssyncset.done $0x0  }
0x315: {  	[sflag:s23] =	ssyncadd.s32 $0xFFFFFFB0  }
0x316: {  	_ =	swait.ge [sflag:s23], $0x50  }
0x317: {  	[sflag:s23] =	ssyncset.done $0x0  }
0x318: {  	s30 =	simm.s32 $0xE;
	[sflag:s23] =	ssyncadd.s32 $0xFFFFFFB0  }
0x319: {  	_ =	swait.ge [sflag:s30], $0x2800  }
0x31a: {  	[sflag:s30] =	ssyncset.done $0x0  }
0x31b: {  	[sflag:s30] =	ssyncadd.s32 $0xFFFFD800  }
0x31c: {  	[tilespmem:s22], [sflag:$0xA] =	stream.indirect.gather [hbm4b:s4+s9], $0x80, s26, s9, $0xb8;
	[tilespmem:$0x1E800] =	vst v63  }
0x31d: {  	s17 =	simm.s32 $0x4400;
	s26 =	simm.s32 $0x2A8  }
0x31e: {  	[tilespmem:s17], [sflag:$0xA] =	stream.indirect.gather [hbm4b:s4+s9], $0x80, s26, s9, $0xb8;
	[tilespmem:$0x1E800] =	vst v63  }
0x31f: {  	s14 =	sadd.s32 $0x3C, s24;
	s26 =	simm.s32 $0x300  }
0x320: {  	[tilespmem:s26], [sflag:$0x7] =	stream.linear.gather [hbm4b:s14+s3], $0x50, $0x38;
	[tilespmem:$0x1E800] =	vst v63  }
0x321: {  	s23 =	sadd.s32 $0x3C, s2;
	s14 =	simm.s32 $0x700  }
0x322: {  	[tilespmem:s14], [sflag:$0x7] =	stream.linear.gather [hbm4b:s23+s3], $0x50, $0x38;
	[tilespmem:$0x1E800] =	vst v63  }
0x323: {  	_ =	swait.ge [sflag:s28], $0x1400  }
0x324: {  	[sflag:s28] =	ssyncset.done $0x0  }
0x325: {  	[sflag:s28] =	ssyncadd.s32 $0xFFFFEC00  }
0x326: {  	_ =	swait.ge [sflag:s28], $0x1400  }
0x327: {  	[sflag:s28] =	ssyncset.done $0x0  }
0x328: {  	[sflag:s28] =	ssyncadd.s32 $0xFFFFEC00  }
0x329: {  	[spmem:s1] =	stream.indirect.scatter.add.f32 [tilespmem:s7], [sflag:$0xD], $0x80, s10, s16, $0xb8;
	[tilespmem:$0x1E800] =	vst v63  }
0x32a: {  	s10 =	simm.s32 $0x7  }
0x32b: {  	_ =	swait.ge [sflag:s10], $0x50  }
0x32c: {  	[sflag:s10] =	ssyncset.done $0x0  }
0x32d: {  	[sflag:s10] =	ssyncadd.s32 $0xFFFFFFB0  }
0x32e: {  	_ =	swait.ge [sflag:s10], $0x50  }
0x32f: {  	[sflag:s10] =	ssyncset.done $0x0  }
0x330: {  	s23 =	simm.s32 $0xF;
	[sflag:s10] =	ssyncadd.s32 $0xFFFFFFB0  }
0x331: {  	_ =	swait.ge [sflag:s23], $0x2800  }
0x332: {  	[sflag:s23] =	ssyncset.done $0x0  }
0x333: {  	[sflag:s23] =	ssyncadd.s32 $0xFFFFD800  }
0x334: {  	[tilespmem:s12], [sflag:$0xB] =	stream.indirect.gather [hbm4b:s4+s9], $0x80, s26, s9, $0xb8;
	[tilespmem:$0x1E800] =	vst v63  }
0x335: {  	s23 =	simm.s32 $0x328  }
0x336: {  	[tilespmem:s0], [sflag:$0xB] =	stream.indirect.gather [hbm4b:s4+s9], $0x80, s23, s9, $0xb8;
	[tilespmem:$0x1E800] =	vst v63  }
0x337: {  	s10 =	simm.s32 $0x380;
	s26 =	sadd.s32 $0x46, s24  }
0x338: {  	[tilespmem:s10], [sflag:$0x8] =	stream.linear.gather [hbm4b:s26+s3], $0x50, $0x38;
	[tilespmem:$0x1E800] =	vst v63  }
0x339: {  	s0 =	sadd.s32 $0x46, s2;
	s26 =	simm.s32 $0x780  }
0x33a: {  	[tilespmem:s26], [sflag:$0x8] =	stream.linear.gather [hbm4b:s0+s3], $0x50, $0x38;
	[tilespmem:$0x1E800] =	vst v63  }
0x33b: {  	_ =	swait.ge [sflag:s25], $0x1400  }
0x33c: {  	[sflag:s25] =	ssyncset.done $0x0  }
0x33d: {  	[sflag:s25] =	ssyncadd.s32 $0xFFFFEC00  }
0x33e: {  	_ =	swait.ge [sflag:s25], $0x1400  }
0x33f: {  	[sflag:s25] =	ssyncset.done $0x0  }
0x340: {  	[sflag:s25] =	ssyncadd.s32 $0xFFFFEC00  }
0x341: {  	[spmem:s1] =	stream.indirect.scatter.add.f32 [tilespmem:s22], [sflag:$0xE], $0x80, s13, s16, $0xb8;
	[tilespmem:$0x1E800] =	vst v63  }
0x342: {  	s13 =	simm.s32 $0x8  }
0x343: {  	_ =	swait.ge [sflag:s13], $0x50  }
0x344: {  	[sflag:s13] =	ssyncset.done $0x0  }
0x345: {  	[sflag:s13] =	ssyncadd.s32 $0xFFFFFFB0  }
0x346: {  	_ =	swait.ge [sflag:s13], $0x50  }
0x347: {  	[sflag:s13] =	ssyncset.done $0x0  }
0x348: {  	s23 =	simm.s32 $0x10;
	[sflag:s13] =	ssyncadd.s32 $0xFFFFFFB0  }
0x349: {  	_ =	swait.ge [sflag:s23], $0x2800  }
0x34a: {  	[sflag:s23] =	ssyncset.done $0x0  }
0x34b: {  	[sflag:s23] =	ssyncadd.s32 $0xFFFFD800  }
0x34c: {  	[tilespmem:s18], [sflag:$0xC] =	stream.indirect.gather [hbm4b:s4+s9], $0x80, s10, s9, $0xb8;
	[tilespmem:$0x1E800] =	vst v63  }
0x34d: {  	s13 =	simm.s32 $0x3A8;
	s23 =	simm.s32 $0x9400  }
0x34e: {  	[tilespmem:s23], [sflag:$0xC] =	stream.indirect.gather [hbm4b:s4+s9], $0x80, s13, s9, $0xb8;
	[tilespmem:$0x1E800] =	vst v63  }
0x34f: {  	s13 =	sadd.s32 $0x50, s24  }
0x350: {  	[tilespmem:s3], [sflag:$0x1] =	stream.linear.gather [hbm4b:s13+s3], $0x50, $0x38;
	[tilespmem:$0x1E800] =	vst v63  }
0x351: {  	s0 =	sadd.s32 $0x50, s2;
	s10 =	simm.s32 $0x400  }
0x352: {  	[tilespmem:s10], [sflag:$0x1] =	stream.linear.gather [hbm4b:s0+s3], $0x50, $0x38;
	[tilespmem:$0x1E800] =	vst v63  }
0x353: {  	_ =	swait.ge [sflag:s29], $0x1400  }
0x354: {  	[sflag:s29] =	ssyncset.done $0x0  }
0x355: {  	[sflag:s29] =	ssyncadd.s32 $0xFFFFEC00  }
0x356: {  	_ =	swait.ge [sflag:s29], $0x1400  }
0x357: {  	[sflag:s29] =	ssyncset.done $0x0  }
0x358: {  	s13 =	simm.s32 $0x1;
	[sflag:s29] =	ssyncadd.s32 $0xFFFFEC00  }
0x359: {  	[spmem:s1] =	stream.indirect.scatter.add.f32 [tilespmem:s12], [sflag:$0xF], $0x80, s14, s16, $0xb8;
	[tilespmem:$0x1E800] =	vst v63  }
0x35a: {  	_ =	swait.ge [sflag:s13], $0x50  }
0x35b: {  	[sflag:s13] =	ssyncset.done $0x0  }
0x35c: {  	[sflag:s13] =	ssyncadd.s32 $0xFFFFFFB0  }
0x35d: {  	_ =	swait.ge [sflag:s13], $0x50  }
0x35e: {  	[sflag:s13] =	ssyncset.done $0x0  }
0x35f: {  	[sflag:s13] =	ssyncadd.s32 $0xFFFFFFB0  }
0x360: {  	_ =	swait.ge [sflag:s15], $0x2800  }
0x361: {  	[sflag:s15] =	ssyncset.done $0x0  }
0x362: {  	[sflag:s15] =	ssyncadd.s32 $0xFFFFD800  }
0x363: {  	[tilespmem:s7], [sflag:$0x9] =	stream.indirect.gather [hbm4b:s4+s9], $0x80, s3, s9, $0xb8;
	[tilespmem:$0x1E800] =	vst v63  }
0x364: {  	_ = 	snop  }
0x365: {  	[tilespmem:s8], [sflag:$0x9] =	stream.indirect.gather [hbm4b:s4+s9], $0x80, s9, s9, $0xb8;
	[tilespmem:$0x1E800] =	vst v63  }
0x366: {  	s14 =	sadd.s32 $0x5A, s24;
	s15 =	simm.s32 $0x80  }
0x367: {  	[tilespmem:s15], [sflag:$0x2] =	stream.linear.gather [hbm4b:s14+s3], $0x50, $0x38;
	[tilespmem:$0x1E800] =	vst v63  }
0x368: {  	s2 =	sadd.s32 $0x5A, s2;
	s24 =	simm.s32 $0x480  }
0x369: {  	[tilespmem:s24], [sflag:$0x2] =	stream.linear.gather [hbm4b:s2+s3], $0x50, $0x38;
	[tilespmem:$0x1E800] =	vst v63  }
0x36a: {  	_ =	swait.ge [sflag:s21], $0x1400  }
0x36b: {  	[sflag:s21] =	ssyncset.done $0x0  }
0x36c: {  	[sflag:s21] =	ssyncadd.s32 $0xFFFFEC00  }
0x36d: {  	_ =	swait.ge [sflag:s21], $0x1400  }
0x36e: {  	[sflag:s21] =	ssyncset.done $0x0  }
0x36f: {  	[sflag:s21] =	ssyncadd.s32 $0xFFFFEC00  }
0x370: {  	[spmem:s1] =	stream.indirect.scatter.add.f32 [tilespmem:s18], [sflag:$0x10], $0x80, s26, s16, $0xb8;
	[tilespmem:$0x1E800] =	vst v63  }
0x371: {  	s26 =	simm.s32 $0x2  }
0x372: {  	_ =	swait.ge [sflag:s26], $0x50  }
0x373: {  	[sflag:s26] =	ssyncset.done $0x0  }
0x374: {  	[sflag:s26] =	ssyncadd.s32 $0xFFFFFFB0  }
0x375: {  	_ =	swait.ge [sflag:s26], $0x50  }
0x376: {  	[sflag:s26] =	ssyncset.done $0x0  }
0x377: {  	[sflag:s26] =	ssyncadd.s32 $0xFFFFFFB0  }
0x378: {  	_ =	swait.ge [sflag:s30], $0x2800  }
0x379: {  	s20 =	sadd.s32 $0x1, s20;
	s6 =	sadd.s32 $0x50, s6;
	[sflag:s30] =	ssyncset.done $0x0  }
0x37a: {  	p1 =	seq.s32 s6, $0x9B0;
	p2 =	sgt.u32 s20, $0x1D;
	[sflag:s30] =	ssyncadd.s32 $0xFFFFD800  }
0x37b: {  	[tilespmem:s22], [sflag:$0xA] =	stream.indirect.gather [hbm4b:s4+s9], $0x80, s15, s9, $0xb8;
	[tilespmem:$0x1E800] =	vst v63  }
.Ltmp5:
0x37c: {  	s23 =	sadd.s32 @!p2 s11, s31;
	(pc) =	sbr.rel @!p1 .LBB2_3-.Ltmp5, $4  }
0x37d: {  	s11 =	sadd.s32 @!p2 s11, s19;
	s23 =	sadd.s32 @!p2 $0x64, s23;
	s30 =	simm.s32 $0xA8  }
0x37e: {  	[tilespmem:s17], [sflag:$0xA] =	stream.indirect.gather [hbm4b:s4+s9], $0x80, s30, s9, $0xb8;
	[tilespmem:$0x1E800] =	vst v63  }
0x37f: {  	s8 =	simm.s32 @!p2 $0x100;
	s2 =	simm.s32 @!p2 $0x0;
	s24 =	simm.s32 @!p2 $0x500  }
0x380: {  	[tilespmem:s8], [sflag:$0x3] =	stream.linear.gather @!p2 [hbm4b:s23+s2], $0x50, $0x38;
	[tilespmem:$0x1E800] =	vst v63  }
0x381: {  	s6 =	sadd.s32 @!p2 $0x64, s11  }
0x382: {  	s8 =	simm.s32 $0x11;
	s23 =	simm.s32 $0x800;
	s7 =	simm.s32 $0x1C00  }
.Ltmp6:
0x383: {  	s20 =	rddreg [dreg:$0x1e];
	s0 =	simm.s32 $0x3;
	(pc) =	sbr.rel .LBB2_8-.Ltmp6, $4  }
0x384: {  	s26 =	simm.s32 $0x4;
	s30 =	simm.s32 $0x5;
	s10 =	simm.s32 $0xD  }
0x385: {  	s31 =	simm.s32 $0x6;
	s14 =	simm.s32 $0xE;
	s15 =	simm.s32 $0x8  }
0x386: {  	[tilespmem:s24], [sflag:$0x3] =	stream.linear.gather @!p2 [hbm4b:s6+s2], $0x50, $0x38;
	[tilespmem:$0x1E800] =	vst v63  }
0x387: {  	s13 =	simm.s32 $0x1;
	s19 =	simm.s32 $0x2;
	s2 =	rddreg [dreg:$0x18]  }
.LBB2_9:
0x388: {  	_ =	sfence.sel $0x180000  }
0x389: {  	[bflag:$0x0] =	sbarrier.arrive $0xFFFF  }
0x38a: {  	_ =	strace $0x9000004A  }
0x38b: {  	s0 =	stileid.u32;
	[bflag:$0x2] =	sbarrier.arrive $0xFFFF  }
0x38c: {  	p0 =	sne.s32 s0, $0x0;
	s0 =	rddreg [dreg:$0x6]  }
0x38d: {  	s0 =	sadd.s32 @!p0 $0x100000, s0  }
0x38e: {  	[sflag:s0] =	ssyncadd.tile.s32 @!p0 $0x1;
	_ =	shalt  }
.Lfunc_end2:
_tile_overlayer_lowered:
.L_overlay_start_2:
0x38f: {  	(tag) =	ssettag $0x2  }
0x390: {  	s0 =	rddreg [dreg:$0x0];
	s2 =	stileid.u32  }
0x391: {  	s1 =	rddreg [dreg:$0x1];
	p0 =	sne.s32 s2, $0x0  }
0x392: {  	s3 =	rddreg [dreg:$0x2];
	[bflag:$0x3] =	sbarrier.arrive $0xFFFF;
	s2 =	simm.s32 @!p0 $0x1C11  }
0x393: {  	[timem:s3], [sflag:s2] =	dma.local @!p0 [hbm:s0], s1  }
0x394: {  	s0 =	simm.s32 @!p0 $0x11  }
0x395: {  	_ =	swait.ge @!p0 [sflag:s0], s1  }
0x396: {  	s1 =	ssub.s32 @!p0 $0x0, s1;
	[sflag:s0] =	ssyncset.done @!p0 $0x0  }
0x397: {  	[sflag:s0] =	ssyncadd.s32 @!p0 s1  }
0x398: {  	[bflag:$0x3] =	sbarrier.arrive $0xFFFF  }
0x399: {  	_ =	shalt  }

</sc_bundles>
